<compile_context>
chip_gen: v7x
topology: tpu7x:2x2x1
jax: 0.10.2.dev20260603
libtpu: 0.0.44.dev20260713+nightly
codegen_flags: <defaults>
</compile_context>

<pallas_src>
import functools

import jax
import jax.numpy as jnp
from jax import lax
from jax.experimental import pallas as pl
from jax.experimental.pallas import tpu as pltpu
from jax.experimental.pallas import tpu_sc as plsc

HIDDEN = 128
MAX_SEQ = 512
LANES = 16


def _tables_body(pe_ref, w_ref, b_ref, t1_ref, t2_ref):
    pe = pe_ref[...]
    w = w_ref[...]
    t1_ref[...] = jnp.dot(pe, w[:HIDDEN, :], preferred_element_type=jnp.float32)
    t2_ref[...] = (
        jnp.dot(pe, w[HIDDEN:, :], preferred_element_type=jnp.float32) + b_ref[...]
    )


def _precompute_tables(pe_padded, W, b):
    n = pe_padded.shape[0]
    return pl.pallas_call(
        _tables_body,
        out_shape=(
            jax.ShapeDtypeStruct((n, HIDDEN), jnp.float32),
            jax.ShapeDtypeStruct((n, HIDDEN), jnp.float32),
        ),
    )(pe_padded, W, b.reshape(1, HIDDEN))


def _idx_body(ps_ref, pv_ref, iss_ref, iee_ref):
    s = ps_ref[0, 0, :]
    e = pv_ref[0, 0, :]
    iss_ref[0] = s[:, None] - s[None, :] + MAX_SEQ
    iee_ref[0] = e[:, None] - e[None, :] + MAX_SEQ


def _precompute_indices(pos_s, pos_e):
    batch, seq = pos_s.shape
    iss, iee = pl.pallas_call(
        _idx_body,
        grid=(batch,),
        in_specs=[
            pl.BlockSpec((1, 1, seq), lambda b: (b, 0, 0)),
            pl.BlockSpec((1, 1, seq), lambda b: (b, 0, 0)),
        ],
        out_specs=[
            pl.BlockSpec((1, seq, seq), lambda b: (b, 0, 0)),
            pl.BlockSpec((1, seq, seq), lambda b: (b, 0, 0)),
        ],
        out_shape=(
            jax.ShapeDtypeStruct((batch, seq, seq), jnp.int32),
            jax.ShapeDtypeStruct((batch, seq, seq), jnp.int32),
        ),
    )(pos_s.reshape(batch, 1, seq), pos_e.reshape(batch, 1, seq))
    return iss.reshape(batch * seq, seq), iee.reshape(batch * seq, seq)


def _fuse_body(iss_hbm, iee_hbm, t1_hbm, t2_hbm, out_hbm,
               idxs, idxe,
               a1_0, a2_0, a1_1, a2_1, a1_2, a2_2, a1_3, a2_3,
               sem_g0, sem_g1, sem_g2, sem_g3,
               sem_w0, sem_w1, sem_w2, sem_w3):
    cid = lax.axis_index("c")
    sid = lax.axis_index("s")
    wid = sid * 2 + cid

    npairs = iss_hbm.shape[0]
    seq = iss_hbm.shape[1]
    per_w = npairs // 32
    nq = 4
    q = seq // nq
    kblocks = HIDDEN // LANES

    a1 = (a1_0, a1_1, a1_2, a1_3)
    a2 = (a2_0, a2_1, a2_2, a2_3)
    sem_g = (sem_g0, sem_g1, sem_g2, sem_g3)
    sem_w = (sem_w0, sem_w1, sem_w2, sem_w3)

    base = wid * per_w
    pltpu.sync_copy(iss_hbm.at[pl.ds(base, per_w)], idxs)
    pltpu.sync_copy(iee_hbm.at[pl.ds(base, per_w)], idxe)

    def start_gather(g, s):
        pltpu.async_copy(t1_hbm.at[idxs.at[g, pl.ds(s * q, q)]],
                         a1[s], sem_g[s])
        pltpu.async_copy(t2_hbm.at[idxe.at[g, pl.ds(s * q, q)]],
                         a2[s], sem_g[s])

    def wait_gather(s):
        pltpu.make_async_copy(t1_hbm.at[idxs.at[0, pl.ds(0, q)]],
                              a1[s], sem_g[s]).wait()
        pltpu.make_async_copy(t2_hbm.at[idxe.at[0, pl.ds(0, q)]],
                              a2[s], sem_g[s]).wait()

    def compute(s):
        buf1 = a1[s]
        buf2 = a2[s]
        dst = a1[s]
        slope = jnp.float32(0.01)

        def row_body(r, c2):
            for u in range(4):
                row = 4 * r + u
                for k in range(kblocks):
                    sl = pl.ds(k * LANES, LANES)
                    x = buf1[row, sl] + buf2[row, sl]
                    dst[row, sl] = jnp.maximum(x, x * slope)
            return c2

        lax.fori_loop(0, q // 4, row_body, 0)

    def start_writeout(g, s):
        pltpu.async_copy(a1[s], out_hbm.at[base + g, pl.ds(s * q, q)],
                         sem_w[s])

    def wait_writeout(s):
        pltpu.make_async_copy(a1[s], out_hbm.at[0, pl.ds(0, q)],
                              sem_w[s]).wait()

    start_gather(0, 0)
    start_gather(0, 1)

    def pair_body(g, carry):
        for h in range(nq):
            wait_gather(h)
            compute(h)
            start_writeout(g, h)

            if h < 2:
                @pl.when(g > 0)
                def _():
                    wait_writeout(h + 2)

                start_gather(g, h + 2)
            else:
                wait_writeout(h - 2)

                @pl.when(g < per_w - 1)
                def _():
                    start_gather(g + 1, h - 2)
        return carry

    lax.fori_loop(0, per_w, pair_body, 0)

    wait_writeout(nq - 2)
    wait_writeout(nq - 1)


def kernel(pos_s, pos_e, pe, W, b):
    batch, seq = pos_s.shape
    n_pad = ((pe.shape[0] + 7) // 8) * 8
    pe_padded = jnp.pad(pe, ((0, n_pad - pe.shape[0]), (0, 0)))
    t1, t2 = _precompute_tables(pe_padded, W, b)
    iss, iee = _precompute_indices(
        pos_s.astype(jnp.int32), pos_e.astype(jnp.int32)
    )

    mesh = plsc.VectorSubcoreMesh(core_axis_name="c", subcore_axis_name="s")
    fuse = functools.partial(
        pl.kernel,
        mesh=mesh,
        out_type=jax.ShapeDtypeStruct((batch * seq, seq, HIDDEN), jnp.float32),
        scratch_types=(
            [
                pltpu.VMEM((batch * seq // 32, seq), jnp.int32),
                pltpu.VMEM((batch * seq // 32, seq), jnp.int32),
            ]
            + [pltpu.VMEM((seq // 4, HIDDEN), jnp.float32) for _ in range(8)]
            + [pltpu.SemaphoreType.DMA for _ in range(8)]
        ),
    )(_fuse_body)
    out = fuse(iss, iee, t1, t2)
    return out.reshape(batch, seq, seq, HIDDEN)

# --- scband reference (transcript-rebuilt; emitter-appended) ---
"""Pipeline reference for scband-four-pos-fusion-embedding-2834678415818 (READ-ONLY COPY).

The authoritative reference and input builder live on the scoring server;
editing this copy changes nothing except your own understanding.
"""

import jax, jax.numpy as jnp
import numpy as np
import math

HIDDEN = 128
MAX_SEQ = 512
BATCH = 8
SEQ = 256


def get_embedding(max_seq_len, embedding_dim):
    # rel_pos_init=1 variant: positions from -max_seq_len to +max_seq_len
    num_embeddings = 2 * max_seq_len + 1
    half_dim = embedding_dim // 2
    emb_scale = math.log(10000) / (half_dim - 1)
    freqs = jnp.exp(jnp.arange(half_dim, dtype=jnp.float32) * -emb_scale)
    pos = jnp.arange(-max_seq_len, max_seq_len + 1, dtype=jnp.float32)
    ang = pos[:, None] * freqs[None, :]
    emb = jnp.concatenate([jnp.sin(ang), jnp.cos(ang)], axis=1).reshape(num_embeddings, -1)
    if embedding_dim % 2 == 1:
        emb = jnp.concatenate([emb, jnp.zeros((num_embeddings, 1), dtype=jnp.float32)], axis=1)
    return emb


def setup_inputs(seed: int = 0) -> dict:
    key = jax.random.key(seed)
    k1, k2, k3 = jax.random.split(key, 3)
    pos_s = jax.random.randint(k1, (BATCH, SEQ), 0, MAX_SEQ, dtype=jnp.int64 if jax.config.read('jax_enable_x64') else jnp.int32)
    pos_e = jax.random.randint(k2, (BATCH, SEQ), 0, MAX_SEQ, dtype=jnp.int64 if jax.config.read('jax_enable_x64') else jnp.int32)
    pe = get_embedding(MAX_SEQ, HIDDEN)  # [2*MAX_SEQ+1, HIDDEN], frozen sinusoidal table
    W = jax.random.normal(k3, (2 * HIDDEN, HIDDEN), dtype=jnp.float32) * (1.0 / math.sqrt(2 * HIDDEN))
    b = jnp.zeros((HIDDEN,), dtype=jnp.float32)
    return {"pos_s": pos_s, "pos_e": pos_e, "pe": pe, "W": W, "b": b}


def reference(pos_s, pos_e, pe, W, b):
    # mode == '2'
    batch = pos_s.shape[0]
    max_seq_len_dim = pos_s.shape[1]
    pos_ss = pos_s[:, :, None] - pos_s[:, None, :]
    pos_ee = pos_e[:, :, None] - pos_e[:, None, :]
    idx_ss = (pos_ss + MAX_SEQ).reshape(-1)
    idx_ee = (pos_ee + MAX_SEQ).reshape(-1)
    pe_ss = jnp.take(pe, idx_ss, axis=0).reshape(batch, max_seq_len_dim, max_seq_len_dim, -1)
    pe_ee = jnp.take(pe, idx_ee, axis=0).reshape(batch, max_seq_len_dim, max_seq_len_dim, -1)
    pe_2 = jnp.concatenate([pe_ss, pe_ee], axis=-1)
    h = jnp.dot(pe_2, W) + b
    rel_pos_embedding = jax.nn.leaky_relu(h, negative_slope=0.01)
    return rel_pos_embedding

if __name__ == "__main__":
    import jax
    _d = setup_inputs()
    print(jax.jit(kernel)(*tuple(_d.values())))

</pallas_src>

<mosaic_0001>
#map = affine_map<(d0, d1) -> (0, 0)>
#map1 = affine_map<(d0, d1) -> (0, 0, 0)>
module attributes {stable_mosaic.version = 14 : i64} {
  func.func @_fuse_body(%arg0: i32, %arg1: i32, %arg2: memref<2048x256xi32, #tpu.memory_space<hbm>>, %arg3: memref<2048x256xi32, #tpu.memory_space<hbm>>, %arg4: memref<1032x128xf32, #tpu.memory_space<hbm>>, %arg5: memref<1032x128xf32, #tpu.memory_space<hbm>>, %arg6: memref<2048x256x128xf32, #tpu.memory_space<hbm>>, %arg7: memref<64x256xi32, #tpu.memory_space<vmem>>, %arg8: memref<64x256xi32, #tpu.memory_space<vmem>>, %arg9: memref<64x128xf32, #tpu.memory_space<vmem>>, %arg10: memref<64x128xf32, #tpu.memory_space<vmem>>, %arg11: memref<64x128xf32, #tpu.memory_space<vmem>>, %arg12: memref<64x128xf32, #tpu.memory_space<vmem>>, %arg13: memref<64x128xf32, #tpu.memory_space<vmem>>, %arg14: memref<64x128xf32, #tpu.memory_space<vmem>>, %arg15: memref<64x128xf32, #tpu.memory_space<vmem>>, %arg16: memref<64x128xf32, #tpu.memory_space<vmem>>, %arg17: memref<!tpu.dma_semaphore, #tpu.memory_space<semaphore_mem>>, %arg18: memref<!tpu.dma_semaphore, #tpu.memory_space<semaphore_mem>>, %arg19: memref<!tpu.dma_semaphore, #tpu.memory_space<semaphore_mem>>, %arg20: memref<!tpu.dma_semaphore, #tpu.memory_space<semaphore_mem>>, %arg21: memref<!tpu.dma_semaphore, #tpu.memory_space<semaphore_mem>>, %arg22: memref<!tpu.dma_semaphore, #tpu.memory_space<semaphore_mem>>, %arg23: memref<!tpu.dma_semaphore, #tpu.memory_space<semaphore_mem>>, %arg24: memref<!tpu.dma_semaphore, #tpu.memory_space<semaphore_mem>>) attributes {dimension_semantics = [#tpu.dimension_semantics<core_parallel>, #tpu.dimension_semantics<subcore_parallel>], iteration_bounds = array<i64: 2, 16>, scalar_prefetch = 0 : i64, scratch_operands = 18 : i64, tpu.core_type = #tpu.core_type<sc_vector_subcore>, window_params = [{transform_indices = #map}, {transform_indices = #map}, {transform_indices = #map}, {transform_indices = #map}, {transform_indices = #map1}]} {
    %mul3A = arith.constant 2 : i32
    %mul3A_0 = arith.muli %arg1, %mul3A : i32
    %add3A = arith.addi %mul3A_0, %arg0 : i32
    %mul3A_1 = arith.constant 64 : i32
    %mul3A_2 = arith.muli %add3A, %mul3A_1 : i32
    "tpu.region"() ({
      %run_scoped3A = tpu.sem_alloc : memref<!tpu.dma_semaphore, #tpu.memory_space<semaphore_mem>>
      %dma_start3A_52 = arith.constant 0 : i32
      %dma_start3A_53 = tpu.memref_slice %arg2[%mul3A_2, %dma_start3A_52] : memref<2048x256xi32, #tpu.memory_space<hbm>> -> memref<64x256xi32, #tpu.memory_space<hbm>>
      %dma_start3A_54 = arith.constant 0 : i32
      %dma_start3A_55 = tpu.memref_slice %arg2[%mul3A_2, %dma_start3A_54] : memref<2048x256xi32, #tpu.memory_space<hbm>> -> memref<64x256xi32, #tpu.memory_space<hbm>>
      tpu.enqueue_dma source(%dma_start3A_55 : memref<64x256xi32, #tpu.memory_space<hbm>>) target(%arg7 : memref<64x256xi32, #tpu.memory_space<vmem>>) target_semaphore(%run_scoped3A : memref<!tpu.dma_semaphore, #tpu.memory_space<semaphore_mem>>)
      %dma_wait3A_56 = arith.constant 0 : i32
      %dma_wait3A_57 = tpu.memref_slice %arg2[%mul3A_2, %dma_wait3A_56] : memref<2048x256xi32, #tpu.memory_space<hbm>> -> memref<64x256xi32, #tpu.memory_space<hbm>>
      %dma_wait3A_58 = arith.constant 0 : i32
      %dma_wait3A_59 = tpu.memref_slice %arg2[%mul3A_2, %dma_wait3A_58] : memref<2048x256xi32, #tpu.memory_space<hbm>> -> memref<64x256xi32, #tpu.memory_space<hbm>>
      tpu.wait_dma2 semaphore(%run_scoped3A : memref<!tpu.dma_semaphore, #tpu.memory_space<semaphore_mem>>) src(%dma_wait3A_59 : memref<64x256xi32, #tpu.memory_space<hbm>>) dst(%arg7 : memref<64x256xi32, #tpu.memory_space<vmem>>)
      tpu.yield
    }) : () -> ()
    "tpu.region"() ({
      %run_scoped3A = tpu.sem_alloc : memref<!tpu.dma_semaphore, #tpu.memory_space<semaphore_mem>>
      %dma_start3A_52 = arith.constant 0 : i32
      %dma_start3A_53 = tpu.memref_slice %arg3[%mul3A_2, %dma_start3A_52] : memref<2048x256xi32, #tpu.memory_space<hbm>> -> memref<64x256xi32, #tpu.memory_space<hbm>>
      %dma_start3A_54 = arith.constant 0 : i32
      %dma_start3A_55 = tpu.memref_slice %arg3[%mul3A_2, %dma_start3A_54] : memref<2048x256xi32, #tpu.memory_space<hbm>> -> memref<64x256xi32, #tpu.memory_space<hbm>>
      tpu.enqueue_dma source(%dma_start3A_55 : memref<64x256xi32, #tpu.memory_space<hbm>>) target(%arg8 : memref<64x256xi32, #tpu.memory_space<vmem>>) target_semaphore(%run_scoped3A : memref<!tpu.dma_semaphore, #tpu.memory_space<semaphore_mem>>)
      %dma_wait3A_56 = arith.constant 0 : i32
      %dma_wait3A_57 = tpu.memref_slice %arg3[%mul3A_2, %dma_wait3A_56] : memref<2048x256xi32, #tpu.memory_space<hbm>> -> memref<64x256xi32, #tpu.memory_space<hbm>>
      %dma_wait3A_58 = arith.constant 0 : i32
      %dma_wait3A_59 = tpu.memref_slice %arg3[%mul3A_2, %dma_wait3A_58] : memref<2048x256xi32, #tpu.memory_space<hbm>> -> memref<64x256xi32, #tpu.memory_space<hbm>>
      tpu.wait_dma2 semaphore(%run_scoped3A : memref<!tpu.dma_semaphore, #tpu.memory_space<semaphore_mem>>) src(%dma_wait3A_59 : memref<64x256xi32, #tpu.memory_space<hbm>>) dst(%arg8 : memref<64x256xi32, #tpu.memory_space<vmem>>)
      tpu.yield
    }) : () -> ()
    %dma_start3A = arith.constant 0 : i32
    %dma_start3A_3 = arith.constant 0 : i32
    %dma_start3A_4 = tpu.memref_slice %arg7[%dma_start3A, %dma_start3A_3] : memref<64x256xi32, #tpu.memory_space<vmem>> -> memref<1x64xi32, #tpu.memory_space<vmem>>
    %dma_start3A_5 = tpu.memref_squeeze %dma_start3A_4 : memref<1x64xi32, #tpu.memory_space<vmem>> -> memref<64xi32, #tpu.memory_space<vmem>>
    %dma_start3A_6 = arith.constant 0 : i32
    %dma_start3A_7 = arith.constant 0 : i32
    %dma_start3A_8 = tpu.memref_slice %arg4[%dma_start3A_6, %dma_start3A_7] : memref<1032x128xf32, #tpu.memory_space<hbm>> -> memref<1032x128xf32, #tpu.memory_space<hbm>>
    tpu.enqueue_indirect_dma source(%dma_start3A_8 : memref<1032x128xf32, #tpu.memory_space<hbm>>) target(%arg9 : memref<64x128xf32, #tpu.memory_space<vmem>>) offsets(%dma_start3A_5 : memref<64xi32, #tpu.memory_space<vmem>>) semaphore(%arg17 : memref<!tpu.dma_semaphore, #tpu.memory_space<semaphore_mem>>)
    %dma_start3A_9 = arith.constant 0 : i32
    %dma_start3A_10 = arith.constant 0 : i32
    %dma_start3A_11 = tpu.memref_slice %arg8[%dma_start3A_9, %dma_start3A_10] : memref<64x256xi32, #tpu.memory_space<vmem>> -> memref<1x64xi32, #tpu.memory_space<vmem>>
    %dma_start3A_12 = tpu.memref_squeeze %dma_start3A_11 : memref<1x64xi32, #tpu.memory_space<vmem>> -> memref<64xi32, #tpu.memory_space<vmem>>
    %dma_start3A_13 = arith.constant 0 : i32
    %dma_start3A_14 = arith.constant 0 : i32
    %dma_start3A_15 = tpu.memref_slice %arg5[%dma_start3A_13, %dma_start3A_14] : memref<1032x128xf32, #tpu.memory_space<hbm>> -> memref<1032x128xf32, #tpu.memory_space<hbm>>
    tpu.enqueue_indirect_dma source(%dma_start3A_15 : memref<1032x128xf32, #tpu.memory_space<hbm>>) target(%arg10 : memref<64x128xf32, #tpu.memory_space<vmem>>) offsets(%dma_start3A_12 : memref<64xi32, #tpu.memory_space<vmem>>) semaphore(%arg17 : memref<!tpu.dma_semaphore, #tpu.memory_space<semaphore_mem>>)
    %dma_start3A_16 = arith.constant 0 : i32
    %dma_start3A_17 = arith.constant 64 : i32
    %dma_start3A_18 = tpu.memref_slice %arg7[%dma_start3A_16, %dma_start3A_17] : memref<64x256xi32, #tpu.memory_space<vmem>> -> memref<1x64xi32, #tpu.memory_space<vmem>>
    %dma_start3A_19 = tpu.memref_squeeze %dma_start3A_18 : memref<1x64xi32, #tpu.memory_space<vmem>> -> memref<64xi32, #tpu.memory_space<vmem>>
    %dma_start3A_20 = arith.constant 0 : i32
    %dma_start3A_21 = arith.constant 0 : i32
    %dma_start3A_22 = tpu.memref_slice %arg4[%dma_start3A_20, %dma_start3A_21] : memref<1032x128xf32, #tpu.memory_space<hbm>> -> memref<1032x128xf32, #tpu.memory_space<hbm>>
    tpu.enqueue_indirect_dma source(%dma_start3A_22 : memref<1032x128xf32, #tpu.memory_space<hbm>>) target(%arg11 : memref<64x128xf32, #tpu.memory_space<vmem>>) offsets(%dma_start3A_19 : memref<64xi32, #tpu.memory_space<vmem>>) semaphore(%arg18 : memref<!tpu.dma_semaphore, #tpu.memory_space<semaphore_mem>>)
    %dma_start3A_23 = arith.constant 0 : i32
    %dma_start3A_24 = arith.constant 64 : i32
    %dma_start3A_25 = tpu.memref_slice %arg8[%dma_start3A_23, %dma_start3A_24] : memref<64x256xi32, #tpu.memory_space<vmem>> -> memref<1x64xi32, #tpu.memory_space<vmem>>
    %dma_start3A_26 = tpu.memref_squeeze %dma_start3A_25 : memref<1x64xi32, #tpu.memory_space<vmem>> -> memref<64xi32, #tpu.memory_space<vmem>>
    %dma_start3A_27 = arith.constant 0 : i32
    %dma_start3A_28 = arith.constant 0 : i32
    %dma_start3A_29 = tpu.memref_slice %arg5[%dma_start3A_27, %dma_start3A_28] : memref<1032x128xf32, #tpu.memory_space<hbm>> -> memref<1032x128xf32, #tpu.memory_space<hbm>>
    tpu.enqueue_indirect_dma source(%dma_start3A_29 : memref<1032x128xf32, #tpu.memory_space<hbm>>) target(%arg12 : memref<64x128xf32, #tpu.memory_space<vmem>>) offsets(%dma_start3A_26 : memref<64xi32, #tpu.memory_space<vmem>>) semaphore(%arg18 : memref<!tpu.dma_semaphore, #tpu.memory_space<semaphore_mem>>)
    %scan3A = arith.constant 0 : i32
    %scan3A_30 = arith.constant 0 : i32
    %scan3A_31 = arith.constant 64 : i32
    %scan3A_32 = arith.addi %scan3A_30, %scan3A_31 : i32
    %scan3A_33 = arith.constant 1 : i32
    scf.for %scan3A_52 = %scan3A_30 to %scan3A_32 step %scan3A_33  : i32 {
      %dma_wait3A_53 = arith.constant 0 : i32
      %dma_wait3A_54 = arith.constant 0 : i32
      %dma_wait3A_55 = tpu.memref_slice %arg7[%dma_wait3A_53, %dma_wait3A_54] : memref<64x256xi32, #tpu.memory_space<vmem>> -> memref<1x64xi32, #tpu.memory_space<vmem>>
      %dma_wait3A_56 = tpu.memref_squeeze %dma_wait3A_55 : memref<1x64xi32, #tpu.memory_space<vmem>> -> memref<64xi32, #tpu.memory_space<vmem>>
      %dma_wait3A_57 = arith.constant 0 : i32
      %dma_wait3A_58 = arith.constant 0 : i32
      %dma_wait3A_59 = tpu.memref_slice %arg4[%dma_wait3A_57, %dma_wait3A_58] : memref<1032x128xf32, #tpu.memory_space<hbm>> -> memref<1032x128xf32, #tpu.memory_space<hbm>>
      tpu.wait_indirect_dma semaphore(%arg17 : memref<!tpu.dma_semaphore, #tpu.memory_space<semaphore_mem>>) src(%dma_wait3A_59 : memref<1032x128xf32, #tpu.memory_space<hbm>>) dst(%arg9 : memref<64x128xf32, #tpu.memory_space<vmem>>)
      %dma_wait3A_60 = arith.constant 0 : i32
      %dma_wait3A_61 = arith.constant 0 : i32
      %dma_wait3A_62 = tpu.memref_slice %arg8[%dma_wait3A_60, %dma_wait3A_61] : memref<64x256xi32, #tpu.memory_space<vmem>> -> memref<1x64xi32, #tpu.memory_space<vmem>>
      %dma_wait3A_63 = tpu.memref_squeeze %dma_wait3A_62 : memref<1x64xi32, #tpu.memory_space<vmem>> -> memref<64xi32, #tpu.memory_space<vmem>>
      %dma_wait3A_64 = arith.constant 0 : i32
      %dma_wait3A_65 = arith.constant 0 : i32
      %dma_wait3A_66 = tpu.memref_slice %arg5[%dma_wait3A_64, %dma_wait3A_65] : memref<1032x128xf32, #tpu.memory_space<hbm>> -> memref<1032x128xf32, #tpu.memory_space<hbm>>
      tpu.wait_indirect_dma semaphore(%arg17 : memref<!tpu.dma_semaphore, #tpu.memory_space<semaphore_mem>>) src(%dma_wait3A_66 : memref<1032x128xf32, #tpu.memory_space<hbm>>) dst(%arg10 : memref<64x128xf32, #tpu.memory_space<vmem>>)
      %scan3A_67 = arith.constant 0 : i32
      %scan3A_68 = arith.constant 0.00999999977 : f32
      %scan3A_69 = arith.constant 0 : i32
      %scan3A_70 = arith.constant 16 : i32
      %scan3A_71 = arith.addi %scan3A_69, %scan3A_70 : i32
      %scan3A_72 = arith.constant 1 : i32
      scf.for %scan3A_231 = %scan3A_69 to %scan3A_71 step %scan3A_72  : i32 {
        %mul3A_232 = arith.constant 4 : i32
        %mul3A_233 = arith.muli %mul3A_232, %scan3A_231 : i32
        %add3A_234 = arith.constant 0 : i32
        %add3A_235 = arith.addi %mul3A_233, %add3A_234 : i32
        %get3A = arith.index_cast %add3A_235 : i32 to index
        %get3A_236 = arith.constant 0 : index
        %get3A_237 = tpu.vector_load %arg9[%get3A, %get3A_236] {strides = array<i32>} : memref<64x128xf32, #tpu.memory_space<vmem>>, vector<1x16xf32>,
        %get3A_238 = vector.shape_cast %get3A_237 : vector<1x16xf32> to vector<16xf32>
        %get3A_239 = arith.index_cast %add3A_235 : i32 to index
        %get3A_240 = arith.constant 0 : index
        %get3A_241 = tpu.vector_load %arg10[%get3A_239, %get3A_240] {strides = array<i32>} : memref<64x128xf32, #tpu.memory_space<vmem>>, vector<1x16xf32>,
        %get3A_242 = vector.shape_cast %get3A_241 : vector<1x16xf32> to vector<16xf32>
        %add3A_243 = arith.addf %get3A_238, %get3A_242 : vector<16xf32>
        %mul3A_244 = vector.broadcast %scan3A_68 : f32 to vector<16xf32>
        %mul3A_245 = arith.mulf %add3A_243, %mul3A_244 : vector<16xf32>
        %max3A = arith.maximumf %add3A_243, %mul3A_245 : vector<16xf32>
        %swap3A = arith.index_cast %add3A_235 : i32 to index
        %swap3A_246 = arith.constant 0 : index
        %swap3A_247 = tpu.vector_load %arg9[%swap3A, %swap3A_246] {strides = array<i32>} : memref<64x128xf32, #tpu.memory_space<vmem>>, vector<1x16xf32>,
        %swap3A_248 = vector.shape_cast %swap3A_247 : vector<1x16xf32> to vector<16xf32>
        %swap3A_249 = vector.shape_cast %max3A : vector<16xf32> to vector<1x16xf32>
        tpu.vector_store %arg9[%swap3A, %swap3A_246], %swap3A_249 {strides = array<i32>} : memref<64x128xf32, #tpu.memory_space<vmem>>, vector<1x16xf32>,
        %get3A_250 = arith.index_cast %add3A_235 : i32 to index
        %get3A_251 = arith.constant 16 : index
        %get3A_252 = tpu.vector_load %arg9[%get3A_250, %get3A_251] {strides = array<i32>} : memref<64x128xf32, #tpu.memory_space<vmem>>, vector<1x16xf32>,
        %get3A_253 = vector.shape_cast %get3A_252 : vector<1x16xf32> to vector<16xf32>
        %get3A_254 = arith.index_cast %add3A_235 : i32 to index
        %get3A_255 = arith.constant 16 : index
        %get3A_256 = tpu.vector_load %arg10[%get3A_254, %get3A_255] {strides = array<i32>} : memref<64x128xf32, #tpu.memory_space<vmem>>, vector<1x16xf32>,
        %get3A_257 = vector.shape_cast %get3A_256 : vector<1x16xf32> to vector<16xf32>
        %add3A_258 = arith.addf %get3A_253, %get3A_257 : vector<16xf32>
        %mul3A_259 = vector.broadcast %scan3A_68 : f32 to vector<16xf32>
        %mul3A_260 = arith.mulf %add3A_258, %mul3A_259 : vector<16xf32>
        %max3A_261 = arith.maximumf %add3A_258, %mul3A_260 : vector<16xf32>
        %swap3A_262 = arith.index_cast %add3A_235 : i32 to index
        %swap3A_263 = arith.constant 16 : index
        %swap3A_264 = tpu.vector_load %arg9[%swap3A_262, %swap3A_263] {strides = array<i32>} : memref<64x128xf32, #tpu.memory_space<vmem>>, vector<1x16xf32>,
        %swap3A_265 = vector.shape_cast %swap3A_264 : vector<1x16xf32> to vector<16xf32>
        %swap3A_266 = vector.shape_cast %max3A_261 : vector<16xf32> to vector<1x16xf32>
        tpu.vector_store %arg9[%swap3A_262, %swap3A_263], %swap3A_266 {strides = array<i32>} : memref<64x128xf32, #tpu.memory_space<vmem>>, vector<1x16xf32>,
        %get3A_267 = arith.index_cast %add3A_235 : i32 to index
        %get3A_268 = arith.constant 32 : index
        %get3A_269 = tpu.vector_load %arg9[%get3A_267, %get3A_268] {strides = array<i32>} : memref<64x128xf32, #tpu.memory_space<vmem>>, vector<1x16xf32>,
        %get3A_270 = vector.shape_cast %get3A_269 : vector<1x16xf32> to vector<16xf32>
        %get3A_271 = arith.index_cast %add3A_235 : i32 to index
        %get3A_272 = arith.constant 32 : index
        %get3A_273 = tpu.vector_load %arg10[%get3A_271, %get3A_272] {strides = array<i32>} : memref<64x128xf32, #tpu.memory_space<vmem>>, vector<1x16xf32>,
        %get3A_274 = vector.shape_cast %get3A_273 : vector<1x16xf32> to vector<16xf32>
        %add3A_275 = arith.addf %get3A_270, %get3A_274 : vector<16xf32>
        %mul3A_276 = vector.broadcast %scan3A_68 : f32 to vector<16xf32>
        %mul3A_277 = arith.mulf %add3A_275, %mul3A_276 : vector<16xf32>
        %max3A_278 = arith.maximumf %add3A_275, %mul3A_277 : vector<16xf32>
        %swap3A_279 = arith.index_cast %add3A_235 : i32 to index
        %swap3A_280 = arith.constant 32 : index
        %swap3A_281 = tpu.vector_load %arg9[%swap3A_279, %swap3A_280] {strides = array<i32>} : memref<64x128xf32, #tpu.memory_space<vmem>>, vector<1x16xf32>,
        %swap3A_282 = vector.shape_cast %swap3A_281 : vector<1x16xf32> to vector<16xf32>
        %swap3A_283 = vector.shape_cast %max3A_278 : vector<16xf32> to vector<1x16xf32>
        tpu.vector_store %arg9[%swap3A_279, %swap3A_280], %swap3A_283 {strides = array<i32>} : memref<64x128xf32, #tpu.memory_space<vmem>>, vector<1x16xf32>,
        %get3A_284 = arith.index_cast %add3A_235 : i32 to index
        %get3A_285 = arith.constant 48 : index
        %get3A_286 = tpu.vector_load %arg9[%get3A_284, %get3A_285] {strides = array<i32>} : memref<64x128xf32, #tpu.memory_space<vmem>>, vector<1x16xf32>,
        %get3A_287 = vector.shape_cast %get3A_286 : vector<1x16xf32> to vector<16xf32>
        %get3A_288 = arith.index_cast %add3A_235 : i32 to index
        %get3A_289 = arith.constant 48 : index
        %get3A_290 = tpu.vector_load %arg10[%get3A_288, %get3A_289] {strides = array<i32>} : memref<64x128xf32, #tpu.memory_space<vmem>>, vector<1x16xf32>,
        %get3A_291 = vector.shape_cast %get3A_290 : vector<1x16xf32> to vector<16xf32>
        %add3A_292 = arith.addf %get3A_287, %get3A_291 : vector<16xf32>
        %mul3A_293 = vector.broadcast %scan3A_68 : f32 to vector<16xf32>
        %mul3A_294 = arith.mulf %add3A_292, %mul3A_293 : vector<16xf32>
        %max3A_295 = arith.maximumf %add3A_292, %mul3A_294 : vector<16xf32>
        %swap3A_296 = arith.index_cast %add3A_235 : i32 to index
        %swap3A_297 = arith.constant 48 : index
        %swap3A_298 = tpu.vector_load %arg9[%swap3A_296, %swap3A_297] {strides = array<i32>} : memref<64x128xf32, #tpu.memory_space<vmem>>, vector<1x16xf32>,
        %swap3A_299 = vector.shape_cast %swap3A_298 : vector<1x16xf32> to vector<16xf32>
        %swap3A_300 = vector.shape_cast %max3A_295 : vector<16xf32> to vector<1x16xf32>
        tpu.vector_store %arg9[%swap3A_296, %swap3A_297], %swap3A_300 {strides = array<i32>} : memref<64x128xf32, #tpu.memory_space<vmem>>, vector<1x16xf32>,
        %get3A_301 = arith.index_cast %add3A_235 : i32 to index
        %get3A_302 = arith.constant 64 : index
        %get3A_303 = tpu.vector_load %arg9[%get3A_301, %get3A_302] {strides = array<i32>} : memref<64x128xf32, #tpu.memory_space<vmem>>, vector<1x16xf32>,
        %get3A_304 = vector.shape_cast %get3A_303 : vector<1x16xf32> to vector<16xf32>
        %get3A_305 = arith.index_cast %add3A_235 : i32 to index
        %get3A_306 = arith.constant 64 : index
        %get3A_307 = tpu.vector_load %arg10[%get3A_305, %get3A_306] {strides = array<i32>} : memref<64x128xf32, #tpu.memory_space<vmem>>, vector<1x16xf32>,
        %get3A_308 = vector.shape_cast %get3A_307 : vector<1x16xf32> to vector<16xf32>
        %add3A_309 = arith.addf %get3A_304, %get3A_308 : vector<16xf32>
        %mul3A_310 = vector.broadcast %scan3A_68 : f32 to vector<16xf32>
        %mul3A_311 = arith.mulf %add3A_309, %mul3A_310 : vector<16xf32>
        %max3A_312 = arith.maximumf %add3A_309, %mul3A_311 : vector<16xf32>
        %swap3A_313 = arith.index_cast %add3A_235 : i32 to index
        %swap3A_314 = arith.constant 64 : index
        %swap3A_315 = tpu.vector_load %arg9[%swap3A_313, %swap3A_314] {strides = array<i32>} : memref<64x128xf32, #tpu.memory_space<vmem>>, vector<1x16xf32>,
        %swap3A_316 = vector.shape_cast %swap3A_315 : vector<1x16xf32> to vector<16xf32>
        %swap3A_317 = vector.shape_cast %max3A_312 : vector<16xf32> to vector<1x16xf32>
        tpu.vector_store %arg9[%swap3A_313, %swap3A_314], %swap3A_317 {strides = array<i32>} : memref<64x128xf32, #tpu.memory_space<vmem>>, vector<1x16xf32>,
        %get3A_318 = arith.index_cast %add3A_235 : i32 to index
        %get3A_319 = arith.constant 80 : index
        %get3A_320 = tpu.vector_load %arg9[%get3A_318, %get3A_319] {strides = array<i32>} : memref<64x128xf32, #tpu.memory_space<vmem>>, vector<1x16xf32>,
        %get3A_321 = vector.shape_cast %get3A_320 : vector<1x16xf32> to vector<16xf32>
        %get3A_322 = arith.index_cast %add3A_235 : i32 to index
        %get3A_323 = arith.constant 80 : index
        %get3A_324 = tpu.vector_load %arg10[%get3A_322, %get3A_323] {strides = array<i32>} : memref<64x128xf32, #tpu.memory_space<vmem>>, vector<1x16xf32>,
        %get3A_325 = vector.shape_cast %get3A_324 : vector<1x16xf32> to vector<16xf32>
        %add3A_326 = arith.addf %get3A_321, %get3A_325 : vector<16xf32>
        %mul3A_327 = vector.broadcast %scan3A_68 : f32 to vector<16xf32>
        %mul3A_328 = arith.mulf %add3A_326, %mul3A_327 : vector<16xf32>
        %max3A_329 = arith.maximumf %add3A_326, %mul3A_328 : vector<16xf32>
        %swap3A_330 = arith.index_cast %add3A_235 : i32 to index
        %swap3A_331 = arith.constant 80 : index
        %swap3A_332 = tpu.vector_load %arg9[%swap3A_330, %swap3A_331] {strides = array<i32>} : memref<64x128xf32, #tpu.memory_space<vmem>>, vector<1x16xf32>,
        %swap3A_333 = vector.shape_cast %swap3A_332 : vector<1x16xf32> to vector<16xf32>
        %swap3A_334 = vector.shape_cast %max3A_329 : vector<16xf32> to vector<1x16xf32>
        tpu.vector_store %arg9[%swap3A_330, %swap3A_331], %swap3A_334 {strides = array<i32>} : memref<64x128xf32, #tpu.memory_space<vmem>>, vector<1x16xf32>,
        %get3A_335 = arith.index_cast %add3A_235 : i32 to index
        %get3A_336 = arith.constant 96 : index
        %get3A_337 = tpu.vector_load %arg9[%get3A_335, %get3A_336] {strides = array<i32>} : memref<64x128xf32, #tpu.memory_space<vmem>>, vector<1x16xf32>,
        %get3A_338 = vector.shape_cast %get3A_337 : vector<1x16xf32> to vector<16xf32>
        %get3A_339 = arith.index_cast %add3A_235 : i32 to index
        %get3A_340 = arith.constant 96 : index
        %get3A_341 = tpu.vector_load %arg10[%get3A_339, %get3A_340] {strides = array<i32>} : memref<64x128xf32, #tpu.memory_space<vmem>>, vector<1x16xf32>,
        %get3A_342 = vector.shape_cast %get3A_341 : vector<1x16xf32> to vector<16xf32>
        %add3A_343 = arith.addf %get3A_338, %get3A_342 : vector<16xf32>
        %mul3A_344 = vector.broadcast %scan3A_68 : f32 to vector<16xf32>
        %mul3A_345 = arith.mulf %add3A_343, %mul3A_344 : vector<16xf32>
        %max3A_346 = arith.maximumf %add3A_343, %mul3A_345 : vector<16xf32>
        %swap3A_347 = arith.index_cast %add3A_235 : i32 to index
        %swap3A_348 = arith.constant 96 : index
        %swap3A_349 = tpu.vector_load %arg9[%swap3A_347, %swap3A_348] {strides = array<i32>} : memref<64x128xf32, #tpu.memory_space<vmem>>, vector<1x16xf32>,
        %swap3A_350 = vector.shape_cast %swap3A_349 : vector<1x16xf32> to vector<16xf32>
        %swap3A_351 = vector.shape_cast %max3A_346 : vector<16xf32> to vector<1x16xf32>
        tpu.vector_store %arg9[%swap3A_347, %swap3A_348], %swap3A_351 {strides = array<i32>} : memref<64x128xf32, #tpu.memory_space<vmem>>, vector<1x16xf32>,
        %get3A_352 = arith.index_cast %add3A_235 : i32 to index
        %get3A_353 = arith.constant 112 : index
        %get3A_354 = tpu.vector_load %arg9[%get3A_352, %get3A_353] {strides = array<i32>} : memref<64x128xf32, #tpu.memory_space<vmem>>, vector<1x16xf32>,
        %get3A_355 = vector.shape_cast %get3A_354 : vector<1x16xf32> to vector<16xf32>
        %get3A_356 = arith.index_cast %add3A_235 : i32 to index
        %get3A_357 = arith.constant 112 : index
        %get3A_358 = tpu.vector_load %arg10[%get3A_356, %get3A_357] {strides = array<i32>} : memref<64x128xf32, #tpu.memory_space<vmem>>, vector<1x16xf32>,
        %get3A_359 = vector.shape_cast %get3A_358 : vector<1x16xf32> to vector<16xf32>
        %add3A_360 = arith.addf %get3A_355, %get3A_359 : vector<16xf32>
        %mul3A_361 = vector.broadcast %scan3A_68 : f32 to vector<16xf32>
        %mul3A_362 = arith.mulf %add3A_360, %mul3A_361 : vector<16xf32>
        %max3A_363 = arith.maximumf %add3A_360, %mul3A_362 : vector<16xf32>
        %swap3A_364 = arith.index_cast %add3A_235 : i32 to index
        %swap3A_365 = arith.constant 112 : index
        %swap3A_366 = tpu.vector_load %arg9[%swap3A_364, %swap3A_365] {strides = array<i32>} : memref<64x128xf32, #tpu.memory_space<vmem>>, vector<1x16xf32>,
        %swap3A_367 = vector.shape_cast %swap3A_366 : vector<1x16xf32> to vector<16xf32>
        %swap3A_368 = vector.shape_cast %max3A_363 : vector<16xf32> to vector<1x16xf32>
        tpu.vector_store %arg9[%swap3A_364, %swap3A_365], %swap3A_368 {strides = array<i32>} : memref<64x128xf32, #tpu.memory_space<vmem>>, vector<1x16xf32>,
        %mul3A_369 = arith.constant 4 : i32
        %mul3A_370 = arith.muli %mul3A_369, %scan3A_231 : i32
        %add3A_371 = arith.constant 1 : i32
        %add3A_372 = arith.addi %mul3A_370, %add3A_371 : i32
        %get3A_373 = arith.index_cast %add3A_372 : i32 to index
        %get3A_374 = arith.constant 0 : index
        %get3A_375 = tpu.vector_load %arg9[%get3A_373, %get3A_374] {strides = array<i32>} : memref<64x128xf32, #tpu.memory_space<vmem>>, vector<1x16xf32>,
        %get3A_376 = vector.shape_cast %get3A_375 : vector<1x16xf32> to vector<16xf32>
        %get3A_377 = arith.index_cast %add3A_372 : i32 to index
        %get3A_378 = arith.constant 0 : index
        %get3A_379 = tpu.vector_load %arg10[%get3A_377, %get3A_378] {strides = array<i32>} : memref<64x128xf32, #tpu.memory_space<vmem>>, vector<1x16xf32>,
        %get3A_380 = vector.shape_cast %get3A_379 : vector<1x16xf32> to vector<16xf32>
        %add3A_381 = arith.addf %get3A_376, %get3A_380 : vector<16xf32>
        %mul3A_382 = vector.broadcast %scan3A_68 : f32 to vector<16xf32>
        %mul3A_383 = arith.mulf %add3A_381, %mul3A_382 : vector<16xf32>
        %max3A_384 = arith.maximumf %add3A_381, %mul3A_383 : vector<16xf32>
        %swap3A_385 = arith.index_cast %add3A_372 : i32 to index
        %swap3A_386 = arith.constant 0 : index
        %swap3A_387 = tpu.vector_load %arg9[%swap3A_385, %swap3A_386] {strides = array<i32>} : memref<64x128xf32, #tpu.memory_space<vmem>>, vector<1x16xf32>,
        %swap3A_388 = vector.shape_cast %swap3A_387 : vector<1x16xf32> to vector<16xf32>
        %swap3A_389 = vector.shape_cast %max3A_384 : vector<16xf32> to vector<1x16xf32>
        tpu.vector_store %arg9[%swap3A_385, %swap3A_386], %swap3A_389 {strides = array<i32>} : memref<64x128xf32, #tpu.memory_space<vmem>>, vector<1x16xf32>,
        %get3A_390 = arith.index_cast %add3A_372 : i32 to index
        %get3A_391 = arith.constant 16 : index
        %get3A_392 = tpu.vector_load %arg9[%get3A_390, %get3A_391] {strides = array<i32>} : memref<64x128xf32, #tpu.memory_space<vmem>>, vector<1x16xf32>,
        %get3A_393 = vector.shape_cast %get3A_392 : vector<1x16xf32> to vector<16xf32>
        %get3A_394 = arith.index_cast %add3A_372 : i32 to index
        %get3A_395 = arith.constant 16 : index
        %get3A_396 = tpu.vector_load %arg10[%get3A_394, %get3A_395] {strides = array<i32>} : memref<64x128xf32, #tpu.memory_space<vmem>>, vector<1x16xf32>,
        %get3A_397 = vector.shape_cast %get3A_396 : vector<1x16xf32> to vector<16xf32>
        %add3A_398 = arith.addf %get3A_393, %get3A_397 : vector<16xf32>
        %mul3A_399 = vector.broadcast %scan3A_68 : f32 to vector<16xf32>
        %mul3A_400 = arith.mulf %add3A_398, %mul3A_399 : vector<16xf32>
        %max3A_401 = arith.maximumf %add3A_398, %mul3A_400 : vector<16xf32>
        %swap3A_402 = arith.index_cast %add3A_372 : i32 to index
        %swap3A_403 = arith.constant 16 : index
        %swap3A_404 = tpu.vector_load %arg9[%swap3A_402, %swap3A_403] {strides = array<i32>} : memref<64x128xf32, #tpu.memory_space<vmem>>, vector<1x16xf32>,
        %swap3A_405 = vector.shape_cast %swap3A_404 : vector<1x16xf32> to vector<16xf32>
        %swap3A_406 = vector.shape_cast %max3A_401 : vector<16xf32> to vector<1x16xf32>
        tpu.vector_store %arg9[%swap3A_402, %swap3A_403], %swap3A_406 {strides = array<i32>} : memref<64x128xf32, #tpu.memory_space<vmem>>, vector<1x16xf32>,
        %get3A_407 = arith.index_cast %add3A_372 : i32 to index
        %get3A_408 = arith.constant 32 : index
        %get3A_409 = tpu.vector_load %arg9[%get3A_407, %get3A_408] {strides = array<i32>} : memref<64x128xf32, #tpu.memory_space<vmem>>, vector<1x16xf32>,
        %get3A_410 = vector.shape_cast %get3A_409 : vector<1x16xf32> to vector<16xf32>
        %get3A_411 = arith.index_cast %add3A_372 : i32 to index
        %get3A_412 = arith.constant 32 : index
        %get3A_413 = tpu.vector_load %arg10[%get3A_411, %get3A_412] {strides = array<i32>} : memref<64x128xf32, #tpu.memory_space<vmem>>, vector<1x16xf32>,
        %get3A_414 = vector.shape_cast %get3A_413 : vector<1x16xf32> to vector<16xf32>
        %add3A_415 = arith.addf %get3A_410, %get3A_414 : vector<16xf32>
        %mul3A_416 = vector.broadcast %scan3A_68 : f32 to vector<16xf32>
        %mul3A_417 = arith.mulf %add3A_415, %mul3A_416 : vector<16xf32>
        %max3A_418 = arith.maximumf %add3A_415, %mul3A_417 : vector<16xf32>
        %swap3A_419 = arith.index_cast %add3A_372 : i32 to index
        %swap3A_420 = arith.constant 32 : index
        %swap3A_421 = tpu.vector_load %arg9[%swap3A_419, %swap3A_420] {strides = array<i32>} : memref<64x128xf32, #tpu.memory_space<vmem>>, vector<1x16xf32>,
        %swap3A_422 = vector.shape_cast %swap3A_421 : vector<1x16xf32> to vector<16xf32>
        %swap3A_423 = vector.shape_cast %max3A_418 : vector<16xf32> to vector<1x16xf32>
        tpu.vector_store %arg9[%swap3A_419, %swap3A_420], %swap3A_423 {strides = array<i32>} : memref<64x128xf32, #tpu.memory_space<vmem>>, vector<1x16xf32>,
        %get3A_424 = arith.index_cast %add3A_372 : i32 to index
        %get3A_425 = arith.constant 48 : index
        %get3A_426 = tpu.vector_load %arg9[%get3A_424, %get3A_425] {strides = array<i32>} : memref<64x128xf32, #tpu.memory_space<vmem>>, vector<1x16xf32>,
        %get3A_427 = vector.shape_cast %get3A_426 : vector<1x16xf32> to vector<16xf32>
        %get3A_428 = arith.index_cast %add3A_372 : i32 to index
        %get3A_429 = arith.constant 48 : index
        %get3A_430 = tpu.vector_load %arg10[%get3A_428, %get3A_429] {strides = array<i32>} : memref<64x128xf32, #tpu.memory_space<vmem>>, vector<1x16xf32>,
        %get3A_431 = vector.shape_cast %get3A_430 : vector<1x16xf32> to vector<16xf32>
        %add3A_432 = arith.addf %get3A_427, %get3A_431 : vector<16xf32>
        %mul3A_433 = vector.broadcast %scan3A_68 : f32 to vector<16xf32>
        %mul3A_434 = arith.mulf %add3A_432, %mul3A_433 : vector<16xf32>
        %max3A_435 = arith.maximumf %add3A_432, %mul3A_434 : vector<16xf32>
        %swap3A_436 = arith.index_cast %add3A_372 : i32 to index
        %swap3A_437 = arith.constant 48 : index
        %swap3A_438 = tpu.vector_load %arg9[%swap3A_436, %swap3A_437] {strides = array<i32>} : memref<64x128xf32, #tpu.memory_space<vmem>>, vector<1x16xf32>,
        %swap3A_439 = vector.shape_cast %swap3A_438 : vector<1x16xf32> to vector<16xf32>
        %swap3A_440 = vector.shape_cast %max3A_435 : vector<16xf32> to vector<1x16xf32>
        tpu.vector_store %arg9[%swap3A_436, %swap3A_437], %swap3A_440 {strides = array<i32>} : memref<64x128xf32, #tpu.memory_space<vmem>>, vector<1x16xf32>,
        %get3A_441 = arith.index_cast %add3A_372 : i32 to index
        %get3A_442 = arith.constant 64 : index
        %get3A_443 = tpu.vector_load %arg9[%get3A_441, %get3A_442] {strides = array<i32>} : memref<64x128xf32, #tpu.memory_space<vmem>>, vector<1x16xf32>,
        %get3A_444 = vector.shape_cast %get3A_443 : vector<1x16xf32> to vector<16xf32>
        %get3A_445 = arith.index_cast %add3A_372 : i32 to index
        %get3A_446 = arith.constant 64 : index
        %get3A_447 = tpu.vector_load %arg10[%get3A_445, %get3A_446] {strides = array<i32>} : memref<64x128xf32, #tpu.memory_space<vmem>>, vector<1x16xf32>,
        %get3A_448 = vector.shape_cast %get3A_447 : vector<1x16xf32> to vector<16xf32>
        %add3A_449 = arith.addf %get3A_444, %get3A_448 : vector<16xf32>
        %mul3A_450 = vector.broadcast %scan3A_68 : f32 to vector<16xf32>
        %mul3A_451 = arith.mulf %add3A_449, %mul3A_450 : vector<16xf32>
        %max3A_452 = arith.maximumf %add3A_449, %mul3A_451 : vector<16xf32>
        %swap3A_453 = arith.index_cast %add3A_372 : i32 to index
        %swap3A_454 = arith.constant 64 : index
        %swap3A_455 = tpu.vector_load %arg9[%swap3A_453, %swap3A_454] {strides = array<i32>} : memref<64x128xf32, #tpu.memory_space<vmem>>, vector<1x16xf32>,
        %swap3A_456 = vector.shape_cast %swap3A_455 : vector<1x16xf32> to vector<16xf32>
        %swap3A_457 = vector.shape_cast %max3A_452 : vector<16xf32> to vector<1x16xf32>
        tpu.vector_store %arg9[%swap3A_453, %swap3A_454], %swap3A_457 {strides = array<i32>} : memref<64x128xf32, #tpu.memory_space<vmem>>, vector<1x16xf32>,
        %get3A_458 = arith.index_cast %add3A_372 : i32 to index
        %get3A_459 = arith.constant 80 : index
        %get3A_460 = tpu.vector_load %arg9[%get3A_458, %get3A_459] {strides = array<i32>} : memref<64x128xf32, #tpu.memory_space<vmem>>, vector<1x16xf32>,
        %get3A_461 = vector.shape_cast %get3A_460 : vector<1x16xf32> to vector<16xf32>
        %get3A_462 = arith.index_cast %add3A_372 : i32 to index
        %get3A_463 = arith.constant 80 : index
        %get3A_464 = tpu.vector_load %arg10[%get3A_462, %get3A_463] {strides = array<i32>} : memref<64x128xf32, #tpu.memory_space<vmem>>, vector<1x16xf32>,
        %get3A_465 = vector.shape_cast %get3A_464 : vector<1x16xf32> to vector<16xf32>
        %add3A_466 = arith.addf %get3A_461, %get3A_465 : vector<16xf32>
        %mul3A_467 = vector.broadcast %scan3A_68 : f32 to vector<16xf32>
        %mul3A_468 = arith.mulf %add3A_466, %mul3A_467 : vector<16xf32>
        %max3A_469 = arith.maximumf %add3A_466, %mul3A_468 : vector<16xf32>
        %swap3A_470 = arith.index_cast %add3A_372 : i32 to index
        %swap3A_471 = arith.constant 80 : index
        %swap3A_472 = tpu.vector_load %arg9[%swap3A_470, %swap3A_471] {strides = array<i32>} : memref<64x128xf32, #tpu.memory_space<vmem>>, vector<1x16xf32>,
        %swap3A_473 = vector.shape_cast %swap3A_472 : vector<1x16xf32> to vector<16xf32>
        %swap3A_474 = vector.shape_cast %max3A_469 : vector<16xf32> to vector<1x16xf32>
        tpu.vector_store %arg9[%swap3A_470, %swap3A_471], %swap3A_474 {strides = array<i32>} : memref<64x128xf32, #tpu.memory_space<vmem>>, vector<1x16xf32>,
        %get3A_475 = arith.index_cast %add3A_372 : i32 to index
        %get3A_476 = arith.constant 96 : index
        %get3A_477 = tpu.vector_load %arg9[%get3A_475, %get3A_476] {strides = array<i32>} : memref<64x128xf32, #tpu.memory_space<vmem>>, vector<1x16xf32>,
        %get3A_478 = vector.shape_cast %get3A_477 : vector<1x16xf32> to vector<16xf32>
        %get3A_479 = arith.index_cast %add3A_372 : i32 to index
        %get3A_480 = arith.constant 96 : index
        %get3A_481 = tpu.vector_load %arg10[%get3A_479, %get3A_480] {strides = array<i32>} : memref<64x128xf32, #tpu.memory_space<vmem>>, vector<1x16xf32>,
        %get3A_482 = vector.shape_cast %get3A_481 : vector<1x16xf32> to vector<16xf32>
        %add3A_483 = arith.addf %get3A_478, %get3A_482 : vector<16xf32>
        %mul3A_484 = vector.broadcast %scan3A_68 : f32 to vector<16xf32>
        %mul3A_485 = arith.mulf %add3A_483, %mul3A_484 : vector<16xf32>
        %max3A_486 = arith.maximumf %add3A_483, %mul3A_485 : vector<16xf32>
        %swap3A_487 = arith.index_cast %add3A_372 : i32 to index
        %swap3A_488 = arith.constant 96 : index
        %swap3A_489 = tpu.vector_load %arg9[%swap3A_487, %swap3A_488] {strides = array<i32>} : memref<64x128xf32, #tpu.memory_space<vmem>>, vector<1x16xf32>,
        %swap3A_490 = vector.shape_cast %swap3A_489 : vector<1x16xf32> to vector<16xf32>
        %swap3A_491 = vector.shape_cast %max3A_486 : vector<16xf32> to vector<1x16xf32>
        tpu.vector_store %arg9[%swap3A_487, %swap3A_488], %swap3A_491 {strides = array<i32>} : memref<64x128xf32, #tpu.memory_space<vmem>>, vector<1x16xf32>,
        %get3A_492 = arith.index_cast %add3A_372 : i32 to index
        %get3A_493 = arith.constant 112 : index
        %get3A_494 = tpu.vector_load %arg9[%get3A_492, %get3A_493] {strides = array<i32>} : memref<64x128xf32, #tpu.memory_space<vmem>>, vector<1x16xf32>,
        %get3A_495 = vector.shape_cast %get3A_494 : vector<1x16xf32> to vector<16xf32>
        %get3A_496 = arith.index_cast %add3A_372 : i32 to index
        %get3A_497 = arith.constant 112 : index
        %get3A_498 = tpu.vector_load %arg10[%get3A_496, %get3A_497] {strides = array<i32>} : memref<64x128xf32, #tpu.memory_space<vmem>>, vector<1x16xf32>,
        %get3A_499 = vector.shape_cast %get3A_498 : vector<1x16xf32> to vector<16xf32>
        %add3A_500 = arith.addf %get3A_495, %get3A_499 : vector<16xf32>
        %mul3A_501 = vector.broadcast %scan3A_68 : f32 to vector<16xf32>
        %mul3A_502 = arith.mulf %add3A_500, %mul3A_501 : vector<16xf32>
        %max3A_503 = arith.maximumf %add3A_500, %mul3A_502 : vector<16xf32>
        %swap3A_504 = arith.index_cast %add3A_372 : i32 to index
        %swap3A_505 = arith.constant 112 : index
        %swap3A_506 = tpu.vector_load %arg9[%swap3A_504, %swap3A_505] {strides = array<i32>} : memref<64x128xf32, #tpu.memory_space<vmem>>, vector<1x16xf32>,
        %swap3A_507 = vector.shape_cast %swap3A_506 : vector<1x16xf32> to vector<16xf32>
        %swap3A_508 = vector.shape_cast %max3A_503 : vector<16xf32> to vector<1x16xf32>
        tpu.vector_store %arg9[%swap3A_504, %swap3A_505], %swap3A_508 {strides = array<i32>} : memref<64x128xf32, #tpu.memory_space<vmem>>, vector<1x16xf32>,
        %mul3A_509 = arith.constant 4 : i32
        %mul3A_510 = arith.muli %mul3A_509, %scan3A_231 : i32
        %add3A_511 = arith.constant 2 : i32
        %add3A_512 = arith.addi %mul3A_510, %add3A_511 : i32
        %get3A_513 = arith.index_cast %add3A_512 : i32 to index
        %get3A_514 = arith.constant 0 : index
        %get3A_515 = tpu.vector_load %arg9[%get3A_513, %get3A_514] {strides = array<i32>} : memref<64x128xf32, #tpu.memory_space<vmem>>, vector<1x16xf32>,
        %get3A_516 = vector.shape_cast %get3A_515 : vector<1x16xf32> to vector<16xf32>
        %get3A_517 = arith.index_cast %add3A_512 : i32 to index
        %get3A_518 = arith.constant 0 : index
        %get3A_519 = tpu.vector_load %arg10[%get3A_517, %get3A_518] {strides = array<i32>} : memref<64x128xf32, #tpu.memory_space<vmem>>, vector<1x16xf32>,
        %get3A_520 = vector.shape_cast %get3A_519 : vector<1x16xf32> to vector<16xf32>
        %add3A_521 = arith.addf %get3A_516, %get3A_520 : vector<16xf32>
        %mul3A_522 = vector.broadcast %scan3A_68 : f32 to vector<16xf32>
        %mul3A_523 = arith.mulf %add3A_521, %mul3A_522 : vector<16xf32>
        %max3A_524 = arith.maximumf %add3A_521, %mul3A_523 : vector<16xf32>
        %swap3A_525 = arith.index_cast %add3A_512 : i32 to index
        %swap3A_526 = arith.constant 0 : index
        %swap3A_527 = tpu.vector_load %arg9[%swap3A_525, %swap3A_526] {strides = array<i32>} : memref<64x128xf32, #tpu.memory_space<vmem>>, vector<1x16xf32>,
        %swap3A_528 = vector.shape_cast %swap3A_527 : vector<1x16xf32> to vector<16xf32>
        %swap3A_529 = vector.shape_cast %max3A_524 : vector<16xf32> to vector<1x16xf32>
        tpu.vector_store %arg9[%swap3A_525, %swap3A_526], %swap3A_529 {strides = array<i32>} : memref<64x128xf32, #tpu.memory_space<vmem>>, vector<1x16xf32>,
        %get3A_530 = arith.index_cast %add3A_512 : i32 to index
        %get3A_531 = arith.constant 16 : index
        %get3A_532 = tpu.vector_load %arg9[%get3A_530, %get3A_531] {strides = array<i32>} : memref<64x128xf32, #tpu.memory_space<vmem>>, vector<1x16xf32>,
        %get3A_533 = vector.shape_cast %get3A_532 : vector<1x16xf32> to vector<16xf32>
        %get3A_534 = arith.index_cast %add3A_512 : i32 to index
        %get3A_535 = arith.constant 16 : index
        %get3A_536 = tpu.vector_load %arg10[%get3A_534, %get3A_535] {strides = array<i32>} : memref<64x128xf32, #tpu.memory_space<vmem>>, vector<1x16xf32>,
        %get3A_537 = vector.shape_cast %get3A_536 : vector<1x16xf32> to vector<16xf32>
        %add3A_538 = arith.addf %get3A_533, %get3A_537 : vector<16xf32>
        %mul3A_539 = vector.broadcast %scan3A_68 : f32 to vector<16xf32>
        %mul3A_540 = arith.mulf %add3A_538, %mul3A_539 : vector<16xf32>
        %max3A_541 = arith.maximumf %add3A_538, %mul3A_540 : vector<16xf32>
        %swap3A_542 = arith.index_cast %add3A_512 : i32 to index
        %swap3A_543 = arith.constant 16 : index
        %swap3A_544 = tpu.vector_load %arg9[%swap3A_542, %swap3A_543] {strides = array<i32>} : memref<64x128xf32, #tpu.memory_space<vmem>>, vector<1x16xf32>,
        %swap3A_545 = vector.shape_cast %swap3A_544 : vector<1x16xf32> to vector<16xf32>
        %swap3A_546 = vector.shape_cast %max3A_541 : vector<16xf32> to vector<1x16xf32>
        tpu.vector_store %arg9[%swap3A_542, %swap3A_543], %swap3A_546 {strides = array<i32>} : memref<64x128xf32, #tpu.memory_space<vmem>>, vector<1x16xf32>,
        %get3A_547 = arith.index_cast %add3A_512 : i32 to index
        %get3A_548 = arith.constant 32 : index
        %get3A_549 = tpu.vector_load %arg9[%get3A_547, %get3A_548] {strides = array<i32>} : memref<64x128xf32, #tpu.memory_space<vmem>>, vector<1x16xf32>,
        %get3A_550 = vector.shape_cast %get3A_549 : vector<1x16xf32> to vector<16xf32>
        %get3A_551 = arith.index_cast %add3A_512 : i32 to index
        %get3A_552 = arith.constant 32 : index
        %get3A_553 = tpu.vector_load %arg10[%get3A_551, %get3A_552] {strides = array<i32>} : memref<64x128xf32, #tpu.memory_space<vmem>>, vector<1x16xf32>,
        %get3A_554 = vector.shape_cast %get3A_553 : vector<1x16xf32> to vector<16xf32>
        %add3A_555 = arith.addf %get3A_550, %get3A_554 : vector<16xf32>
        %mul3A_556 = vector.broadcast %scan3A_68 : f32 to vector<16xf32>
        %mul3A_557 = arith.mulf %add3A_555, %mul3A_556 : vector<16xf32>
        %max3A_558 = arith.maximumf %add3A_555, %mul3A_557 : vector<16xf32>
        %swap3A_559 = arith.index_cast %add3A_512 : i32 to index
        %swap3A_560 = arith.constant 32 : index
        %swap3A_561 = tpu.vector_load %arg9[%swap3A_559, %swap3A_560] {strides = array<i32>} : memref<64x128xf32, #tpu.memory_space<vmem>>, vector<1x16xf32>,
        %swap3A_562 = vector.shape_cast %swap3A_561 : vector<1x16xf32> to vector<16xf32>
        %swap3A_563 = vector.shape_cast %max3A_558 : vector<16xf32> to vector<1x16xf32>
        tpu.vector_store %arg9[%swap3A_559, %swap3A_560], %swap3A_563 {strides = array<i32>} : memref<64x128xf32, #tpu.memory_space<vmem>>, vector<1x16xf32>,
        %get3A_564 = arith.index_cast %add3A_512 : i32 to index
        %get3A_565 = arith.constant 48 : index
        %get3A_566 = tpu.vector_load %arg9[%get3A_564, %get3A_565] {strides = array<i32>} : memref<64x128xf32, #tpu.memory_space<vmem>>, vector<1x16xf32>,
        %get3A_567 = vector.shape_cast %get3A_566 : vector<1x16xf32> to vector<16xf32>
        %get3A_568 = arith.index_cast %add3A_512 : i32 to index
        %get3A_569 = arith.constant 48 : index
        %get3A_570 = tpu.vector_load %arg10[%get3A_568, %get3A_569] {strides = array<i32>} : memref<64x128xf32, #tpu.memory_space<vmem>>, vector<1x16xf32>,
        %get3A_571 = vector.shape_cast %get3A_570 : vector<1x16xf32> to vector<16xf32>
        %add3A_572 = arith.addf %get3A_567, %get3A_571 : vector<16xf32>
        %mul3A_573 = vector.broadcast %scan3A_68 : f32 to vector<16xf32>
        %mul3A_574 = arith.mulf %add3A_572, %mul3A_573 : vector<16xf32>
        %max3A_575 = arith.maximumf %add3A_572, %mul3A_574 : vector<16xf32>
        %swap3A_576 = arith.index_cast %add3A_512 : i32 to index
        %swap3A_577 = arith.constant 48 : index
        %swap3A_578 = tpu.vector_load %arg9[%swap3A_576, %swap3A_577] {strides = array<i32>} : memref<64x128xf32, #tpu.memory_space<vmem>>, vector<1x16xf32>,
        %swap3A_579 = vector.shape_cast %swap3A_578 : vector<1x16xf32> to vector<16xf32>
        %swap3A_580 = vector.shape_cast %max3A_575 : vector<16xf32> to vector<1x16xf32>
        tpu.vector_store %arg9[%swap3A_576, %swap3A_577], %swap3A_580 {strides = array<i32>} : memref<64x128xf32, #tpu.memory_space<vmem>>, vector<1x16xf32>,
        %get3A_581 = arith.index_cast %add3A_512 : i32 to index
        %get3A_582 = arith.constant 64 : index
        %get3A_583 = tpu.vector_load %arg9[%get3A_581, %get3A_582] {strides = array<i32>} : memref<64x128xf32, #tpu.memory_space<vmem>>, vector<1x16xf32>,
        %get3A_584 = vector.shape_cast %get3A_583 : vector<1x16xf32> to vector<16xf32>
        %get3A_585 = arith.index_cast %add3A_512 : i32 to index
        %get3A_586 = arith.constant 64 : index
        %get3A_587 = tpu.vector_load %arg10[%get3A_585, %get3A_586] {strides = array<i32>} : memref<64x128xf32, #tpu.memory_space<vmem>>, vector<1x16xf32>,
        %get3A_588 = vector.shape_cast %get3A_587 : vector<1x16xf32> to vector<16xf32>
        %add3A_589 = arith.addf %get3A_584, %get3A_588 : vector<16xf32>
        %mul3A_590 = vector.broadcast %scan3A_68 : f32 to vector<16xf32>
        %mul3A_591 = arith.mulf %add3A_589, %mul3A_590 : vector<16xf32>
        %max3A_592 = arith.maximumf %add3A_589, %mul3A_591 : vector<16xf32>
        %swap3A_593 = arith.index_cast %add3A_512 : i32 to index
        %swap3A_594 = arith.constant 64 : index
        %swap3A_595 = tpu.vector_load %arg9[%swap3A_593, %swap3A_594] {strides = array<i32>} : memref<64x128xf32, #tpu.memory_space<vmem>>, vector<1x16xf32>,
        %swap3A_596 = vector.shape_cast %swap3A_595 : vector<1x16xf32> to vector<16xf32>
        %swap3A_597 = vector.shape_cast %max3A_592 : vector<16xf32> to vector<1x16xf32>
        tpu.vector_store %arg9[%swap3A_593, %swap3A_594], %swap3A_597 {strides = array<i32>} : memref<64x128xf32, #tpu.memory_space<vmem>>, vector<1x16xf32>,
        %get3A_598 = arith.index_cast %add3A_512 : i32 to index
        %get3A_599 = arith.constant 80 : index
        %get3A_600 = tpu.vector_load %arg9[%get3A_598, %get3A_599] {strides = array<i32>} : memref<64x128xf32, #tpu.memory_space<vmem>>, vector<1x16xf32>,
        %get3A_601 = vector.shape_cast %get3A_600 : vector<1x16xf32> to vector<16xf32>
        %get3A_602 = arith.index_cast %add3A_512 : i32 to index
        %get3A_603 = arith.constant 80 : index
        %get3A_604 = tpu.vector_load %arg10[%get3A_602, %get3A_603] {strides = array<i32>} : memref<64x128xf32, #tpu.memory_space<vmem>>, vector<1x16xf32>,
        %get3A_605 = vector.shape_cast %get3A_604 : vector<1x16xf32> to vector<16xf32>
        %add3A_606 = arith.addf %get3A_601, %get3A_605 : vector<16xf32>
        %mul3A_607 = vector.broadcast %scan3A_68 : f32 to vector<16xf32>
        %mul3A_608 = arith.mulf %add3A_606, %mul3A_607 : vector<16xf32>
        %max3A_609 = arith.maximumf %add3A_606, %mul3A_608 : vector<16xf32>
        %swap3A_610 = arith.index_cast %add3A_512 : i32 to index
        %swap3A_611 = arith.constant 80 : index
        %swap3A_612 = tpu.vector_load %arg9[%swap3A_610, %swap3A_611] {strides = array<i32>} : memref<64x128xf32, #tpu.memory_space<vmem>>, vector<1x16xf32>,
        %swap3A_613 = vector.shape_cast %swap3A_612 : vector<1x16xf32> to vector<16xf32>
        %swap3A_614 = vector.shape_cast %max3A_609 : vector<16xf32> to vector<1x16xf32>
        tpu.vector_store %arg9[%swap3A_610, %swap3A_611], %swap3A_614 {strides = array<i32>} : memref<64x128xf32, #tpu.memory_space<vmem>>, vector<1x16xf32>,
        %get3A_615 = arith.index_cast %add3A_512 : i32 to index
        %get3A_616 = arith.constant 96 : index
        %get3A_617 = tpu.vector_load %arg9[%get3A_615, %get3A_616] {strides = array<i32>} : memref<64x128xf32, #tpu.memory_space<vmem>>, vector<1x16xf32>,
        %get3A_618 = vector.shape_cast %get3A_617 : vector<1x16xf32> to vector<16xf32>
        %get3A_619 = arith.index_cast %add3A_512 : i32 to index
        %get3A_620 = arith.constant 96 : index
        %get3A_621 = tpu.vector_load %arg10[%get3A_619, %get3A_620] {strides = array<i32>} : memref<64x128xf32, #tpu.memory_space<vmem>>, vector<1x16xf32>,
        %get3A_622 = vector.shape_cast %get3A_621 : vector<1x16xf32> to vector<16xf32>
        %add3A_623 = arith.addf %get3A_618, %get3A_622 : vector<16xf32>
        %mul3A_624 = vector.broadcast %scan3A_68 : f32 to vector<16xf32>
        %mul3A_625 = arith.mulf %add3A_623, %mul3A_624 : vector<16xf32>
        %max3A_626 = arith.maximumf %add3A_623, %mul3A_625 : vector<16xf32>
        %swap3A_627 = arith.index_cast %add3A_512 : i32 to index
        %swap3A_628 = arith.constant 96 : index
        %swap3A_629 = tpu.vector_load %arg9[%swap3A_627, %swap3A_628] {strides = array<i32>} : memref<64x128xf32, #tpu.memory_space<vmem>>, vector<1x16xf32>,
        %swap3A_630 = vector.shape_cast %swap3A_629 : vector<1x16xf32> to vector<16xf32>
        %swap3A_631 = vector.shape_cast %max3A_626 : vector<16xf32> to vector<1x16xf32>
        tpu.vector_store %arg9[%swap3A_627, %swap3A_628], %swap3A_631 {strides = array<i32>} : memref<64x128xf32, #tpu.memory_space<vmem>>, vector<1x16xf32>,
        %get3A_632 = arith.index_cast %add3A_512 : i32 to index
        %get3A_633 = arith.constant 112 : index
        %get3A_634 = tpu.vector_load %arg9[%get3A_632, %get3A_633] {strides = array<i32>} : memref<64x128xf32, #tpu.memory_space<vmem>>, vector<1x16xf32>,
        %get3A_635 = vector.shape_cast %get3A_634 : vector<1x16xf32> to vector<16xf32>
        %get3A_636 = arith.index_cast %add3A_512 : i32 to index
        %get3A_637 = arith.constant 112 : index
        %get3A_638 = tpu.vector_load %arg10[%get3A_636, %get3A_637] {strides = array<i32>} : memref<64x128xf32, #tpu.memory_space<vmem>>, vector<1x16xf32>,
        %get3A_639 = vector.shape_cast %get3A_638 : vector<1x16xf32> to vector<16xf32>
        %add3A_640 = arith.addf %get3A_635, %get3A_639 : vector<16xf32>
        %mul3A_641 = vector.broadcast %scan3A_68 : f32 to vector<16xf32>
        %mul3A_642 = arith.mulf %add3A_640, %mul3A_641 : vector<16xf32>
        %max3A_643 = arith.maximumf %add3A_640, %mul3A_642 : vector<16xf32>
        %swap3A_644 = arith.index_cast %add3A_512 : i32 to index
        %swap3A_645 = arith.constant 112 : index
        %swap3A_646 = tpu.vector_load %arg9[%swap3A_644, %swap3A_645] {strides = array<i32>} : memref<64x128xf32, #tpu.memory_space<vmem>>, vector<1x16xf32>,
        %swap3A_647 = vector.shape_cast %swap3A_646 : vector<1x16xf32> to vector<16xf32>
        %swap3A_648 = vector.shape_cast %max3A_643 : vector<16xf32> to vector<1x16xf32>
        tpu.vector_store %arg9[%swap3A_644, %swap3A_645], %swap3A_648 {strides = array<i32>} : memref<64x128xf32, #tpu.memory_space<vmem>>, vector<1x16xf32>,
        %mul3A_649 = arith.constant 4 : i32
        %mul3A_650 = arith.muli %mul3A_649, %scan3A_231 : i32
        %add3A_651 = arith.constant 3 : i32
        %add3A_652 = arith.addi %mul3A_650, %add3A_651 : i32
        %get3A_653 = arith.index_cast %add3A_652 : i32 to index
        %get3A_654 = arith.constant 0 : index
        %get3A_655 = tpu.vector_load %arg9[%get3A_653, %get3A_654] {strides = array<i32>} : memref<64x128xf32, #tpu.memory_space<vmem>>, vector<1x16xf32>,
        %get3A_656 = vector.shape_cast %get3A_655 : vector<1x16xf32> to vector<16xf32>
        %get3A_657 = arith.index_cast %add3A_652 : i32 to index
        %get3A_658 = arith.constant 0 : index
        %get3A_659 = tpu.vector_load %arg10[%get3A_657, %get3A_658] {strides = array<i32>} : memref<64x128xf32, #tpu.memory_space<vmem>>, vector<1x16xf32>,
        %get3A_660 = vector.shape_cast %get3A_659 : vector<1x16xf32> to vector<16xf32>
        %add3A_661 = arith.addf %get3A_656, %get3A_660 : vector<16xf32>
        %mul3A_662 = vector.broadcast %scan3A_68 : f32 to vector<16xf32>
        %mul3A_663 = arith.mulf %add3A_661, %mul3A_662 : vector<16xf32>
        %max3A_664 = arith.maximumf %add3A_661, %mul3A_663 : vector<16xf32>
        %swap3A_665 = arith.index_cast %add3A_652 : i32 to index
        %swap3A_666 = arith.constant 0 : index
        %swap3A_667 = tpu.vector_load %arg9[%swap3A_665, %swap3A_666] {strides = array<i32>} : memref<64x128xf32, #tpu.memory_space<vmem>>, vector<1x16xf32>,
        %swap3A_668 = vector.shape_cast %swap3A_667 : vector<1x16xf32> to vector<16xf32>
        %swap3A_669 = vector.shape_cast %max3A_664 : vector<16xf32> to vector<1x16xf32>
        tpu.vector_store %arg9[%swap3A_665, %swap3A_666], %swap3A_669 {strides = array<i32>} : memref<64x128xf32, #tpu.memory_space<vmem>>, vector<1x16xf32>,
        %get3A_670 = arith.index_cast %add3A_652 : i32 to index
        %get3A_671 = arith.constant 16 : index
        %get3A_672 = tpu.vector_load %arg9[%get3A_670, %get3A_671] {strides = array<i32>} : memref<64x128xf32, #tpu.memory_space<vmem>>, vector<1x16xf32>,
        %get3A_673 = vector.shape_cast %get3A_672 : vector<1x16xf32> to vector<16xf32>
        %get3A_674 = arith.index_cast %add3A_652 : i32 to index
        %get3A_675 = arith.constant 16 : index
        %get3A_676 = tpu.vector_load %arg10[%get3A_674, %get3A_675] {strides = array<i32>} : memref<64x128xf32, #tpu.memory_space<vmem>>, vector<1x16xf32>,
        %get3A_677 = vector.shape_cast %get3A_676 : vector<1x16xf32> to vector<16xf32>
        %add3A_678 = arith.addf %get3A_673, %get3A_677 : vector<16xf32>
        %mul3A_679 = vector.broadcast %scan3A_68 : f32 to vector<16xf32>
        %mul3A_680 = arith.mulf %add3A_678, %mul3A_679 : vector<16xf32>
        %max3A_681 = arith.maximumf %add3A_678, %mul3A_680 : vector<16xf32>
        %swap3A_682 = arith.index_cast %add3A_652 : i32 to index
        %swap3A_683 = arith.constant 16 : index
        %swap3A_684 = tpu.vector_load %arg9[%swap3A_682, %swap3A_683] {strides = array<i32>} : memref<64x128xf32, #tpu.memory_space<vmem>>, vector<1x16xf32>,
        %swap3A_685 = vector.shape_cast %swap3A_684 : vector<1x16xf32> to vector<16xf32>
        %swap3A_686 = vector.shape_cast %max3A_681 : vector<16xf32> to vector<1x16xf32>
        tpu.vector_store %arg9[%swap3A_682, %swap3A_683], %swap3A_686 {strides = array<i32>} : memref<64x128xf32, #tpu.memory_space<vmem>>, vector<1x16xf32>,
        %get3A_687 = arith.index_cast %add3A_652 : i32 to index
        %get3A_688 = arith.constant 32 : index
        %get3A_689 = tpu.vector_load %arg9[%get3A_687, %get3A_688] {strides = array<i32>} : memref<64x128xf32, #tpu.memory_space<vmem>>, vector<1x16xf32>,
        %get3A_690 = vector.shape_cast %get3A_689 : vector<1x16xf32> to vector<16xf32>
        %get3A_691 = arith.index_cast %add3A_652 : i32 to index
        %get3A_692 = arith.constant 32 : index
        %get3A_693 = tpu.vector_load %arg10[%get3A_691, %get3A_692] {strides = array<i32>} : memref<64x128xf32, #tpu.memory_space<vmem>>, vector<1x16xf32>,
        %get3A_694 = vector.shape_cast %get3A_693 : vector<1x16xf32> to vector<16xf32>
        %add3A_695 = arith.addf %get3A_690, %get3A_694 : vector<16xf32>
        %mul3A_696 = vector.broadcast %scan3A_68 : f32 to vector<16xf32>
        %mul3A_697 = arith.mulf %add3A_695, %mul3A_696 : vector<16xf32>
        %max3A_698 = arith.maximumf %add3A_695, %mul3A_697 : vector<16xf32>
        %swap3A_699 = arith.index_cast %add3A_652 : i32 to index
        %swap3A_700 = arith.constant 32 : index
        %swap3A_701 = tpu.vector_load %arg9[%swap3A_699, %swap3A_700] {strides = array<i32>} : memref<64x128xf32, #tpu.memory_space<vmem>>, vector<1x16xf32>,
        %swap3A_702 = vector.shape_cast %swap3A_701 : vector<1x16xf32> to vector<16xf32>
        %swap3A_703 = vector.shape_cast %max3A_698 : vector<16xf32> to vector<1x16xf32>
        tpu.vector_store %arg9[%swap3A_699, %swap3A_700], %swap3A_703 {strides = array<i32>} : memref<64x128xf32, #tpu.memory_space<vmem>>, vector<1x16xf32>,
        %get3A_704 = arith.index_cast %add3A_652 : i32 to index
        %get3A_705 = arith.constant 48 : index
        %get3A_706 = tpu.vector_load %arg9[%get3A_704, %get3A_705] {strides = array<i32>} : memref<64x128xf32, #tpu.memory_space<vmem>>, vector<1x16xf32>,
        %get3A_707 = vector.shape_cast %get3A_706 : vector<1x16xf32> to vector<16xf32>
        %get3A_708 = arith.index_cast %add3A_652 : i32 to index
        %get3A_709 = arith.constant 48 : index
        %get3A_710 = tpu.vector_load %arg10[%get3A_708, %get3A_709] {strides = array<i32>} : memref<64x128xf32, #tpu.memory_space<vmem>>, vector<1x16xf32>,
        %get3A_711 = vector.shape_cast %get3A_710 : vector<1x16xf32> to vector<16xf32>
        %add3A_712 = arith.addf %get3A_707, %get3A_711 : vector<16xf32>
        %mul3A_713 = vector.broadcast %scan3A_68 : f32 to vector<16xf32>
        %mul3A_714 = arith.mulf %add3A_712, %mul3A_713 : vector<16xf32>
        %max3A_715 = arith.maximumf %add3A_712, %mul3A_714 : vector<16xf32>
        %swap3A_716 = arith.index_cast %add3A_652 : i32 to index
        %swap3A_717 = arith.constant 48 : index
        %swap3A_718 = tpu.vector_load %arg9[%swap3A_716, %swap3A_717] {strides = array<i32>} : memref<64x128xf32, #tpu.memory_space<vmem>>, vector<1x16xf32>,
        %swap3A_719 = vector.shape_cast %swap3A_718 : vector<1x16xf32> to vector<16xf32>
        %swap3A_720 = vector.shape_cast %max3A_715 : vector<16xf32> to vector<1x16xf32>
        tpu.vector_store %arg9[%swap3A_716, %swap3A_717], %swap3A_720 {strides = array<i32>} : memref<64x128xf32, #tpu.memory_space<vmem>>, vector<1x16xf32>,
        %get3A_721 = arith.index_cast %add3A_652 : i32 to index
        %get3A_722 = arith.constant 64 : index
        %get3A_723 = tpu.vector_load %arg9[%get3A_721, %get3A_722] {strides = array<i32>} : memref<64x128xf32, #tpu.memory_space<vmem>>, vector<1x16xf32>,
        %get3A_724 = vector.shape_cast %get3A_723 : vector<1x16xf32> to vector<16xf32>
        %get3A_725 = arith.index_cast %add3A_652 : i32 to index
        %get3A_726 = arith.constant 64 : index
        %get3A_727 = tpu.vector_load %arg10[%get3A_725, %get3A_726] {strides = array<i32>} : memref<64x128xf32, #tpu.memory_space<vmem>>, vector<1x16xf32>,
        %get3A_728 = vector.shape_cast %get3A_727 : vector<1x16xf32> to vector<16xf32>
        %add3A_729 = arith.addf %get3A_724, %get3A_728 : vector<16xf32>
        %mul3A_730 = vector.broadcast %scan3A_68 : f32 to vector<16xf32>
        %mul3A_731 = arith.mulf %add3A_729, %mul3A_730 : vector<16xf32>
        %max3A_732 = arith.maximumf %add3A_729, %mul3A_731 : vector<16xf32>
        %swap3A_733 = arith.index_cast %add3A_652 : i32 to index
        %swap3A_734 = arith.constant 64 : index
        %swap3A_735 = tpu.vector_load %arg9[%swap3A_733, %swap3A_734] {strides = array<i32>} : memref<64x128xf32, #tpu.memory_space<vmem>>, vector<1x16xf32>,
        %swap3A_736 = vector.shape_cast %swap3A_735 : vector<1x16xf32> to vector<16xf32>
        %swap3A_737 = vector.shape_cast %max3A_732 : vector<16xf32> to vector<1x16xf32>
        tpu.vector_store %arg9[%swap3A_733, %swap3A_734], %swap3A_737 {strides = array<i32>} : memref<64x128xf32, #tpu.memory_space<vmem>>, vector<1x16xf32>,
        %get3A_738 = arith.index_cast %add3A_652 : i32 to index
        %get3A_739 = arith.constant 80 : index
        %get3A_740 = tpu.vector_load %arg9[%get3A_738, %get3A_739] {strides = array<i32>} : memref<64x128xf32, #tpu.memory_space<vmem>>, vector<1x16xf32>,
        %get3A_741 = vector.shape_cast %get3A_740 : vector<1x16xf32> to vector<16xf32>
        %get3A_742 = arith.index_cast %add3A_652 : i32 to index
        %get3A_743 = arith.constant 80 : index
        %get3A_744 = tpu.vector_load %arg10[%get3A_742, %get3A_743] {strides = array<i32>} : memref<64x128xf32, #tpu.memory_space<vmem>>, vector<1x16xf32>,
        %get3A_745 = vector.shape_cast %get3A_744 : vector<1x16xf32> to vector<16xf32>
        %add3A_746 = arith.addf %get3A_741, %get3A_745 : vector<16xf32>
        %mul3A_747 = vector.broadcast %scan3A_68 : f32 to vector<16xf32>
        %mul3A_748 = arith.mulf %add3A_746, %mul3A_747 : vector<16xf32>
        %max3A_749 = arith.maximumf %add3A_746, %mul3A_748 : vector<16xf32>
        %swap3A_750 = arith.index_cast %add3A_652 : i32 to index
        %swap3A_751 = arith.constant 80 : index
        %swap3A_752 = tpu.vector_load %arg9[%swap3A_750, %swap3A_751] {strides = array<i32>} : memref<64x128xf32, #tpu.memory_space<vmem>>, vector<1x16xf32>,
        %swap3A_753 = vector.shape_cast %swap3A_752 : vector<1x16xf32> to vector<16xf32>
        %swap3A_754 = vector.shape_cast %max3A_749 : vector<16xf32> to vector<1x16xf32>
        tpu.vector_store %arg9[%swap3A_750, %swap3A_751], %swap3A_754 {strides = array<i32>} : memref<64x128xf32, #tpu.memory_space<vmem>>, vector<1x16xf32>,
        %get3A_755 = arith.index_cast %add3A_652 : i32 to index
        %get3A_756 = arith.constant 96 : index
        %get3A_757 = tpu.vector_load %arg9[%get3A_755, %get3A_756] {strides = array<i32>} : memref<64x128xf32, #tpu.memory_space<vmem>>, vector<1x16xf32>,
        %get3A_758 = vector.shape_cast %get3A_757 : vector<1x16xf32> to vector<16xf32>
        %get3A_759 = arith.index_cast %add3A_652 : i32 to index
        %get3A_760 = arith.constant 96 : index
        %get3A_761 = tpu.vector_load %arg10[%get3A_759, %get3A_760] {strides = array<i32>} : memref<64x128xf32, #tpu.memory_space<vmem>>, vector<1x16xf32>,
        %get3A_762 = vector.shape_cast %get3A_761 : vector<1x16xf32> to vector<16xf32>
        %add3A_763 = arith.addf %get3A_758, %get3A_762 : vector<16xf32>
        %mul3A_764 = vector.broadcast %scan3A_68 : f32 to vector<16xf32>
        %mul3A_765 = arith.mulf %add3A_763, %mul3A_764 : vector<16xf32>
        %max3A_766 = arith.maximumf %add3A_763, %mul3A_765 : vector<16xf32>
        %swap3A_767 = arith.index_cast %add3A_652 : i32 to index
        %swap3A_768 = arith.constant 96 : index
        %swap3A_769 = tpu.vector_load %arg9[%swap3A_767, %swap3A_768] {strides = array<i32>} : memref<64x128xf32, #tpu.memory_space<vmem>>, vector<1x16xf32>,
        %swap3A_770 = vector.shape_cast %swap3A_769 : vector<1x16xf32> to vector<16xf32>
        %swap3A_771 = vector.shape_cast %max3A_766 : vector<16xf32> to vector<1x16xf32>
        tpu.vector_store %arg9[%swap3A_767, %swap3A_768], %swap3A_771 {strides = array<i32>} : memref<64x128xf32, #tpu.memory_space<vmem>>, vector<1x16xf32>,
        %get3A_772 = arith.index_cast %add3A_652 : i32 to index
        %get3A_773 = arith.constant 112 : index
        %get3A_774 = tpu.vector_load %arg9[%get3A_772, %get3A_773] {strides = array<i32>} : memref<64x128xf32, #tpu.memory_space<vmem>>, vector<1x16xf32>,
        %get3A_775 = vector.shape_cast %get3A_774 : vector<1x16xf32> to vector<16xf32>
        %get3A_776 = arith.index_cast %add3A_652 : i32 to index
        %get3A_777 = arith.constant 112 : index
        %get3A_778 = tpu.vector_load %arg10[%get3A_776, %get3A_777] {strides = array<i32>} : memref<64x128xf32, #tpu.memory_space<vmem>>, vector<1x16xf32>,
        %get3A_779 = vector.shape_cast %get3A_778 : vector<1x16xf32> to vector<16xf32>
        %add3A_780 = arith.addf %get3A_775, %get3A_779 : vector<16xf32>
        %mul3A_781 = vector.broadcast %scan3A_68 : f32 to vector<16xf32>
        %mul3A_782 = arith.mulf %add3A_780, %mul3A_781 : vector<16xf32>
        %max3A_783 = arith.maximumf %add3A_780, %mul3A_782 : vector<16xf32>
        %swap3A_784 = arith.index_cast %add3A_652 : i32 to index
        %swap3A_785 = arith.constant 112 : index
        %swap3A_786 = tpu.vector_load %arg9[%swap3A_784, %swap3A_785] {strides = array<i32>} : memref<64x128xf32, #tpu.memory_space<vmem>>, vector<1x16xf32>,
        %swap3A_787 = vector.shape_cast %swap3A_786 : vector<1x16xf32> to vector<16xf32>
        %swap3A_788 = vector.shape_cast %max3A_783 : vector<16xf32> to vector<1x16xf32>
        tpu.vector_store %arg9[%swap3A_784, %swap3A_785], %swap3A_788 {strides = array<i32>} : memref<64x128xf32, #tpu.memory_space<vmem>>, vector<1x16xf32>,
      }
      %scan3A_73 = arith.constant 16 : i32
      %add3A_74 = arith.addi %mul3A_2, %scan3A_52 : i32
      %dma_start3A_75 = arith.constant 0 : i32
      %dma_start3A_76 = arith.constant 0 : i32
      %dma_start3A_77 = tpu.memref_slice %arg6[%add3A_74, %dma_start3A_75, %dma_start3A_76] : memref<2048x256x128xf32, #tpu.memory_space<hbm>> -> memref<1x64x128xf32, #tpu.memory_space<hbm>>
      %dma_start3A_78 = tpu.memref_squeeze %dma_start3A_77 : memref<1x64x128xf32, #tpu.memory_space<hbm>> -> memref<64x128xf32, #tpu.memory_space<hbm>>
      %dma_start3A_79 = arith.constant 0 : i32
      %dma_start3A_80 = arith.constant 0 : i32
      %dma_start3A_81 = tpu.memref_slice %arg6[%add3A_74, %dma_start3A_79, %dma_start3A_80] : memref<2048x256x128xf32, #tpu.memory_space<hbm>> -> memref<1x64x128xf32, #tpu.memory_space<hbm>>
      %dma_start3A_82 = tpu.memref_squeeze %dma_start3A_81 : memref<1x64x128xf32, #tpu.memory_space<hbm>> -> memref<64x128xf32, #tpu.memory_space<hbm>>
      tpu.enqueue_dma source(%arg9 : memref<64x128xf32, #tpu.memory_space<vmem>>) target(%dma_start3A_82 : memref<64x128xf32, #tpu.memory_space<hbm>>) target_semaphore(%arg21 : memref<!tpu.dma_semaphore, #tpu.memory_space<semaphore_mem>>)
      %gt3A = arith.constant 0 : i32
      %gt3A_83 = arith.cmpi sgt, %scan3A_52, %gt3A : i32
      %convert_element_type3A = arith.extui %gt3A_83 : i1 to i32
      %cond3A = arith.constant 0 : i32
      %cond3A_84 = arith.cmpi ne, %convert_element_type3A, %cond3A : i32
      scf.if %cond3A_84 {
        %dma_wait3A_231 = arith.constant 0 : i32
        %dma_wait3A_232 = arith.constant 0 : i32
        %dma_wait3A_233 = arith.constant 0 : i32
        %dma_wait3A_234 = tpu.memref_slice %arg6[%dma_wait3A_231, %dma_wait3A_232, %dma_wait3A_233] : memref<2048x256x128xf32, #tpu.memory_space<hbm>> -> memref<1x64x128xf32, #tpu.memory_space<hbm>>
        %dma_wait3A_235 = tpu.memref_squeeze %dma_wait3A_234 : memref<1x64x128xf32, #tpu.memory_space<hbm>> -> memref<64x128xf32, #tpu.memory_space<hbm>>
        %dma_wait3A_236 = arith.constant 0 : i32
        %dma_wait3A_237 = arith.constant 0 : i32
        %dma_wait3A_238 = tpu.memref_slice %arg6[%dma_wait3A_231, %dma_wait3A_236, %dma_wait3A_237] : memref<2048x256x128xf32, #tpu.memory_space<hbm>> -> memref<1x64x128xf32, #tpu.memory_space<hbm>>
        %dma_wait3A_239 = tpu.memref_squeeze %dma_wait3A_238 : memref<1x64x128xf32, #tpu.memory_space<hbm>> -> memref<64x128xf32, #tpu.memory_space<hbm>>
        tpu.wait_dma2 semaphore(%arg23 : memref<!tpu.dma_semaphore, #tpu.memory_space<semaphore_mem>>) src(%arg13 : memref<64x128xf32, #tpu.memory_space<vmem>>) dst(%dma_wait3A_239 : memref<64x128xf32, #tpu.memory_space<hbm>>)
      } else {
      }
      %dma_start3A_85 = arith.constant 128 : i32
      %dma_start3A_86 = tpu.memref_slice %arg7[%scan3A_52, %dma_start3A_85] : memref<64x256xi32, #tpu.memory_space<vmem>> -> memref<1x64xi32, #tpu.memory_space<vmem>>
      %dma_start3A_87 = tpu.memref_squeeze %dma_start3A_86 : memref<1x64xi32, #tpu.memory_space<vmem>> -> memref<64xi32, #tpu.memory_space<vmem>>
      %dma_start3A_88 = arith.constant 0 : i32
      %dma_start3A_89 = arith.constant 0 : i32
      %dma_start3A_90 = tpu.memref_slice %arg4[%dma_start3A_88, %dma_start3A_89] : memref<1032x128xf32, #tpu.memory_space<hbm>> -> memref<1032x128xf32, #tpu.memory_space<hbm>>
      tpu.enqueue_indirect_dma source(%dma_start3A_90 : memref<1032x128xf32, #tpu.memory_space<hbm>>) target(%arg13 : memref<64x128xf32, #tpu.memory_space<vmem>>) offsets(%dma_start3A_87 : memref<64xi32, #tpu.memory_space<vmem>>) semaphore(%arg19 : memref<!tpu.dma_semaphore, #tpu.memory_space<semaphore_mem>>)
      %dma_start3A_91 = arith.constant 128 : i32
      %dma_start3A_92 = tpu.memref_slice %arg8[%scan3A_52, %dma_start3A_91] : memref<64x256xi32, #tpu.memory_space<vmem>> -> memref<1x64xi32, #tpu.memory_space<vmem>>
      %dma_start3A_93 = tpu.memref_squeeze %dma_start3A_92 : memref<1x64xi32, #tpu.memory_space<vmem>> -> memref<64xi32, #tpu.memory_space<vmem>>
      %dma_start3A_94 = arith.constant 0 : i32
      %dma_start3A_95 = arith.constant 0 : i32
      %dma_start3A_96 = tpu.memref_slice %arg5[%dma_start3A_94, %dma_start3A_95] : memref<1032x128xf32, #tpu.memory_space<hbm>> -> memref<1032x128xf32, #tpu.memory_space<hbm>>
      tpu.enqueue_indirect_dma source(%dma_start3A_96 : memref<1032x128xf32, #tpu.memory_space<hbm>>) target(%arg14 : memref<64x128xf32, #tpu.memory_space<vmem>>) offsets(%dma_start3A_93 : memref<64xi32, #tpu.memory_space<vmem>>) semaphore(%arg19 : memref<!tpu.dma_semaphore, #tpu.memory_space<semaphore_mem>>)
      %dma_wait3A_97 = arith.constant 0 : i32
      %dma_wait3A_98 = arith.constant 0 : i32
      %dma_wait3A_99 = tpu.memref_slice %arg7[%dma_wait3A_97, %dma_wait3A_98] : memref<64x256xi32, #tpu.memory_space<vmem>> -> memref<1x64xi32, #tpu.memory_space<vmem>>
      %dma_wait3A_100 = tpu.memref_squeeze %dma_wait3A_99 : memref<1x64xi32, #tpu.memory_space<vmem>> -> memref<64xi32, #tpu.memory_space<vmem>>
      %dma_wait3A_101 = arith.constant 0 : i32
      %dma_wait3A_102 = arith.constant 0 : i32
      %dma_wait3A_103 = tpu.memref_slice %arg4[%dma_wait3A_101, %dma_wait3A_102] : memref<1032x128xf32, #tpu.memory_space<hbm>> -> memref<1032x128xf32, #tpu.memory_space<hbm>>
      tpu.wait_indirect_dma semaphore(%arg18 : memref<!tpu.dma_semaphore, #tpu.memory_space<semaphore_mem>>) src(%dma_wait3A_103 : memref<1032x128xf32, #tpu.memory_space<hbm>>) dst(%arg11 : memref<64x128xf32, #tpu.memory_space<vmem>>)
      %dma_wait3A_104 = arith.constant 0 : i32
      %dma_wait3A_105 = arith.constant 0 : i32
      %dma_wait3A_106 = tpu.memref_slice %arg8[%dma_wait3A_104, %dma_wait3A_105] : memref<64x256xi32, #tpu.memory_space<vmem>> -> memref<1x64xi32, #tpu.memory_space<vmem>>
      %dma_wait3A_107 = tpu.memref_squeeze %dma_wait3A_106 : memref<1x64xi32, #tpu.memory_space<vmem>> -> memref<64xi32, #tpu.memory_space<vmem>>
      %dma_wait3A_108 = arith.constant 0 : i32
      %dma_wait3A_109 = arith.constant 0 : i32
      %dma_wait3A_110 = tpu.memref_slice %arg5[%dma_wait3A_108, %dma_wait3A_109] : memref<1032x128xf32, #tpu.memory_space<hbm>> -> memref<1032x128xf32, #tpu.memory_space<hbm>>
      tpu.wait_indirect_dma semaphore(%arg18 : memref<!tpu.dma_semaphore, #tpu.memory_space<semaphore_mem>>) src(%dma_wait3A_110 : memref<1032x128xf32, #tpu.memory_space<hbm>>) dst(%arg12 : memref<64x128xf32, #tpu.memory_space<vmem>>)
      %scan3A_111 = arith.constant 0 : i32
      %scan3A_112 = arith.constant 0.00999999977 : f32
      %scan3A_113 = arith.constant 0 : i32
      %scan3A_114 = arith.constant 16 : i32
      %scan3A_115 = arith.addi %scan3A_113, %scan3A_114 : i32
      %scan3A_116 = arith.constant 1 : i32
      scf.for %scan3A_231 = %scan3A_113 to %scan3A_115 step %scan3A_116  : i32 {
        %mul3A_232 = arith.constant 4 : i32
        %mul3A_233 = arith.muli %mul3A_232, %scan3A_231 : i32
        %add3A_234 = arith.constant 0 : i32
        %add3A_235 = arith.addi %mul3A_233, %add3A_234 : i32
        %get3A = arith.index_cast %add3A_235 : i32 to index
        %get3A_236 = arith.constant 0 : index
        %get3A_237 = tpu.vector_load %arg11[%get3A, %get3A_236] {strides = array<i32>} : memref<64x128xf32, #tpu.memory_space<vmem>>, vector<1x16xf32>,
        %get3A_238 = vector.shape_cast %get3A_237 : vector<1x16xf32> to vector<16xf32>
        %get3A_239 = arith.index_cast %add3A_235 : i32 to index
        %get3A_240 = arith.constant 0 : index
        %get3A_241 = tpu.vector_load %arg12[%get3A_239, %get3A_240] {strides = array<i32>} : memref<64x128xf32, #tpu.memory_space<vmem>>, vector<1x16xf32>,
        %get3A_242 = vector.shape_cast %get3A_241 : vector<1x16xf32> to vector<16xf32>
        %add3A_243 = arith.addf %get3A_238, %get3A_242 : vector<16xf32>
        %mul3A_244 = vector.broadcast %scan3A_112 : f32 to vector<16xf32>
        %mul3A_245 = arith.mulf %add3A_243, %mul3A_244 : vector<16xf32>
        %max3A = arith.maximumf %add3A_243, %mul3A_245 : vector<16xf32>
        %swap3A = arith.index_cast %add3A_235 : i32 to index
        %swap3A_246 = arith.constant 0 : index
        %swap3A_247 = tpu.vector_load %arg11[%swap3A, %swap3A_246] {strides = array<i32>} : memref<64x128xf32, #tpu.memory_space<vmem>>, vector<1x16xf32>,
        %swap3A_248 = vector.shape_cast %swap3A_247 : vector<1x16xf32> to vector<16xf32>
        %swap3A_249 = vector.shape_cast %max3A : vector<16xf32> to vector<1x16xf32>
        tpu.vector_store %arg11[%swap3A, %swap3A_246], %swap3A_249 {strides = array<i32>} : memref<64x128xf32, #tpu.memory_space<vmem>>, vector<1x16xf32>,
        %get3A_250 = arith.index_cast %add3A_235 : i32 to index
        %get3A_251 = arith.constant 16 : index
        %get3A_252 = tpu.vector_load %arg11[%get3A_250, %get3A_251] {strides = array<i32>} : memref<64x128xf32, #tpu.memory_space<vmem>>, vector<1x16xf32>,
        %get3A_253 = vector.shape_cast %get3A_252 : vector<1x16xf32> to vector<16xf32>
        %get3A_254 = arith.index_cast %add3A_235 : i32 to index
        %get3A_255 = arith.constant 16 : index
        %get3A_256 = tpu.vector_load %arg12[%get3A_254, %get3A_255] {strides = array<i32>} : memref<64x128xf32, #tpu.memory_space<vmem>>, vector<1x16xf32>,
        %get3A_257 = vector.shape_cast %get3A_256 : vector<1x16xf32> to vector<16xf32>
        %add3A_258 = arith.addf %get3A_253, %get3A_257 : vector<16xf32>
        %mul3A_259 = vector.broadcast %scan3A_112 : f32 to vector<16xf32>
        %mul3A_260 = arith.mulf %add3A_258, %mul3A_259 : vector<16xf32>
        %max3A_261 = arith.maximumf %add3A_258, %mul3A_260 : vector<16xf32>
        %swap3A_262 = arith.index_cast %add3A_235 : i32 to index
        %swap3A_263 = arith.constant 16 : index
        %swap3A_264 = tpu.vector_load %arg11[%swap3A_262, %swap3A_263] {strides = array<i32>} : memref<64x128xf32, #tpu.memory_space<vmem>>, vector<1x16xf32>,
        %swap3A_265 = vector.shape_cast %swap3A_264 : vector<1x16xf32> to vector<16xf32>
        %swap3A_266 = vector.shape_cast %max3A_261 : vector<16xf32> to vector<1x16xf32>
        tpu.vector_store %arg11[%swap3A_262, %swap3A_263], %swap3A_266 {strides = array<i32>} : memref<64x128xf32, #tpu.memory_space<vmem>>, vector<1x16xf32>,
        %get3A_267 = arith.index_cast %add3A_235 : i32 to index
        %get3A_268 = arith.constant 32 : index
        %get3A_269 = tpu.vector_load %arg11[%get3A_267, %get3A_268] {strides = array<i32>} : memref<64x128xf32, #tpu.memory_space<vmem>>, vector<1x16xf32>,
        %get3A_270 = vector.shape_cast %get3A_269 : vector<1x16xf32> to vector<16xf32>
        %get3A_271 = arith.index_cast %add3A_235 : i32 to index
        %get3A_272 = arith.constant 32 : index
        %get3A_273 = tpu.vector_load %arg12[%get3A_271, %get3A_272] {strides = array<i32>} : memref<64x128xf32, #tpu.memory_space<vmem>>, vector<1x16xf32>,
        %get3A_274 = vector.shape_cast %get3A_273 : vector<1x16xf32> to vector<16xf32>
        %add3A_275 = arith.addf %get3A_270, %get3A_274 : vector<16xf32>
        %mul3A_276 = vector.broadcast %scan3A_112 : f32 to vector<16xf32>
        %mul3A_277 = arith.mulf %add3A_275, %mul3A_276 : vector<16xf32>
        %max3A_278 = arith.maximumf %add3A_275, %mul3A_277 : vector<16xf32>
        %swap3A_279 = arith.index_cast %add3A_235 : i32 to index
        %swap3A_280 = arith.constant 32 : index
        %swap3A_281 = tpu.vector_load %arg11[%swap3A_279, %swap3A_280] {strides = array<i32>} : memref<64x128xf32, #tpu.memory_space<vmem>>, vector<1x16xf32>,
        %swap3A_282 = vector.shape_cast %swap3A_281 : vector<1x16xf32> to vector<16xf32>
        %swap3A_283 = vector.shape_cast %max3A_278 : vector<16xf32> to vector<1x16xf32>
        tpu.vector_store %arg11[%swap3A_279, %swap3A_280], %swap3A_283 {strides = array<i32>} : memref<64x128xf32, #tpu.memory_space<vmem>>, vector<1x16xf32>,
        %get3A_284 = arith.index_cast %add3A_235 : i32 to index
        %get3A_285 = arith.constant 48 : index
        %get3A_286 = tpu.vector_load %arg11[%get3A_284, %get3A_285] {strides = array<i32>} : memref<64x128xf32, #tpu.memory_space<vmem>>, vector<1x16xf32>,
        %get3A_287 = vector.shape_cast %get3A_286 : vector<1x16xf32> to vector<16xf32>
        %get3A_288 = arith.index_cast %add3A_235 : i32 to index
        %get3A_289 = arith.constant 48 : index
        %get3A_290 = tpu.vector_load %arg12[%get3A_288, %get3A_289] {strides = array<i32>} : memref<64x128xf32, #tpu.memory_space<vmem>>, vector<1x16xf32>,
        %get3A_291 = vector.shape_cast %get3A_290 : vector<1x16xf32> to vector<16xf32>
        %add3A_292 = arith.addf %get3A_287, %get3A_291 : vector<16xf32>
        %mul3A_293 = vector.broadcast %scan3A_112 : f32 to vector<16xf32>
        %mul3A_294 = arith.mulf %add3A_292, %mul3A_293 : vector<16xf32>
        %max3A_295 = arith.maximumf %add3A_292, %mul3A_294 : vector<16xf32>
        %swap3A_296 = arith.index_cast %add3A_235 : i32 to index
        %swap3A_297 = arith.constant 48 : index
        %swap3A_298 = tpu.vector_load %arg11[%swap3A_296, %swap3A_297] {strides = array<i32>} : memref<64x128xf32, #tpu.memory_space<vmem>>, vector<1x16xf32>,
        %swap3A_299 = vector.shape_cast %swap3A_298 : vector<1x16xf32> to vector<16xf32>
        %swap3A_300 = vector.shape_cast %max3A_295 : vector<16xf32> to vector<1x16xf32>
        tpu.vector_store %arg11[%swap3A_296, %swap3A_297], %swap3A_300 {strides = array<i32>} : memref<64x128xf32, #tpu.memory_space<vmem>>, vector<1x16xf32>,
        %get3A_301 = arith.index_cast %add3A_235 : i32 to index
        %get3A_302 = arith.constant 64 : index
        %get3A_303 = tpu.vector_load %arg11[%get3A_301, %get3A_302] {strides = array<i32>} : memref<64x128xf32, #tpu.memory_space<vmem>>, vector<1x16xf32>,
        %get3A_304 = vector.shape_cast %get3A_303 : vector<1x16xf32> to vector<16xf32>
        %get3A_305 = arith.index_cast %add3A_235 : i32 to index
        %get3A_306 = arith.constant 64 : index
        %get3A_307 = tpu.vector_load %arg12[%get3A_305, %get3A_306] {strides = array<i32>} : memref<64x128xf32, #tpu.memory_space<vmem>>, vector<1x16xf32>,
        %get3A_308 = vector.shape_cast %get3A_307 : vector<1x16xf32> to vector<16xf32>
        %add3A_309 = arith.addf %get3A_304, %get3A_308 : vector<16xf32>
        %mul3A_310 = vector.broadcast %scan3A_112 : f32 to vector<16xf32>
        %mul3A_311 = arith.mulf %add3A_309, %mul3A_310 : vector<16xf32>
        %max3A_312 = arith.maximumf %add3A_309, %mul3A_311 : vector<16xf32>
        %swap3A_313 = arith.index_cast %add3A_235 : i32 to index
        %swap3A_314 = arith.constant 64 : index
        %swap3A_315 = tpu.vector_load %arg11[%swap3A_313, %swap3A_314] {strides = array<i32>} : memref<64x128xf32, #tpu.memory_space<vmem>>, vector<1x16xf32>,
        %swap3A_316 = vector.shape_cast %swap3A_315 : vector<1x16xf32> to vector<16xf32>
        %swap3A_317 = vector.shape_cast %max3A_312 : vector<16xf32> to vector<1x16xf32>
        tpu.vector_store %arg11[%swap3A_313, %swap3A_314], %swap3A_317 {strides = array<i32>} : memref<64x128xf32, #tpu.memory_space<vmem>>, vector<1x16xf32>,
        %get3A_318 = arith.index_cast %add3A_235 : i32 to index
        %get3A_319 = arith.constant 80 : index
        %get3A_320 = tpu.vector_load %arg11[%get3A_318, %get3A_319] {strides = array<i32>} : memref<64x128xf32, #tpu.memory_space<vmem>>, vector<1x16xf32>,
        %get3A_321 = vector.shape_cast %get3A_320 : vector<1x16xf32> to vector<16xf32>
        %get3A_322 = arith.index_cast %add3A_235 : i32 to index
        %get3A_323 = arith.constant 80 : index
        %get3A_324 = tpu.vector_load %arg12[%get3A_322, %get3A_323] {strides = array<i32>} : memref<64x128xf32, #tpu.memory_space<vmem>>, vector<1x16xf32>,
        %get3A_325 = vector.shape_cast %get3A_324 : vector<1x16xf32> to vector<16xf32>
        %add3A_326 = arith.addf %get3A_321, %get3A_325 : vector<16xf32>
        %mul3A_327 = vector.broadcast %scan3A_112 : f32 to vector<16xf32>
        %mul3A_328 = arith.mulf %add3A_326, %mul3A_327 : vector<16xf32>
        %max3A_329 = arith.maximumf %add3A_326, %mul3A_328 : vector<16xf32>
        %swap3A_330 = arith.index_cast %add3A_235 : i32 to index
        %swap3A_331 = arith.constant 80 : index
        %swap3A_332 = tpu.vector_load %arg11[%swap3A_330, %swap3A_331] {strides = array<i32>} : memref<64x128xf32, #tpu.memory_space<vmem>>, vector<1x16xf32>,
        %swap3A_333 = vector.shape_cast %swap3A_332 : vector<1x16xf32> to vector<16xf32>
        %swap3A_334 = vector.shape_cast %max3A_329 : vector<16xf32> to vector<1x16xf32>
        tpu.vector_store %arg11[%swap3A_330, %swap3A_331], %swap3A_334 {strides = array<i32>} : memref<64x128xf32, #tpu.memory_space<vmem>>, vector<1x16xf32>,
        %get3A_335 = arith.index_cast %add3A_235 : i32 to index
        %get3A_336 = arith.constant 96 : index
        %get3A_337 = tpu.vector_load %arg11[%get3A_335, %get3A_336] {strides = array<i32>} : memref<64x128xf32, #tpu.memory_space<vmem>>, vector<1x16xf32>,
        %get3A_338 = vector.shape_cast %get3A_337 : vector<1x16xf32> to vector<16xf32>
        %get3A_339 = arith.index_cast %add3A_235 : i32 to index
        %get3A_340 = arith.constant 96 : index
        %get3A_341 = tpu.vector_load %arg12[%get3A_339, %get3A_340] {strides = array<i32>} : memref<64x128xf32, #tpu.memory_space<vmem>>, vector<1x16xf32>,
        %get3A_342 = vector.shape_cast %get3A_341 : vector<1x16xf32> to vector<16xf32>
        %add3A_343 = arith.addf %get3A_338, %get3A_342 : vector<16xf32>
        %mul3A_344 = vector.broadcast %scan3A_112 : f32 to vector<16xf32>
        %mul3A_345 = arith.mulf %add3A_343, %mul3A_344 : vector<16xf32>
        %max3A_346 = arith.maximumf %add3A_343, %mul3A_345 : vector<16xf32>
        %swap3A_347 = arith.index_cast %add3A_235 : i32 to index
        %swap3A_348 = arith.constant 96 : index
        %swap3A_349 = tpu.vector_load %arg11[%swap3A_347, %swap3A_348] {strides = array<i32>} : memref<64x128xf32, #tpu.memory_space<vmem>>, vector<1x16xf32>,
        %swap3A_350 = vector.shape_cast %swap3A_349 : vector<1x16xf32> to vector<16xf32>
        %swap3A_351 = vector.shape_cast %max3A_346 : vector<16xf32> to vector<1x16xf32>
        tpu.vector_store %arg11[%swap3A_347, %swap3A_348], %swap3A_351 {strides = array<i32>} : memref<64x128xf32, #tpu.memory_space<vmem>>, vector<1x16xf32>,
        %get3A_352 = arith.index_cast %add3A_235 : i32 to index
        %get3A_353 = arith.constant 112 : index
        %get3A_354 = tpu.vector_load %arg11[%get3A_352, %get3A_353] {strides = array<i32>} : memref<64x128xf32, #tpu.memory_space<vmem>>, vector<1x16xf32>,
        %get3A_355 = vector.shape_cast %get3A_354 : vector<1x16xf32> to vector<16xf32>
        %get3A_356 = arith.index_cast %add3A_235 : i32 to index
        %get3A_357 = arith.constant 112 : index
        %get3A_358 = tpu.vector_load %arg12[%get3A_356, %get3A_357] {strides = array<i32>} : memref<64x128xf32, #tpu.memory_space<vmem>>, vector<1x16xf32>,
        %get3A_359 = vector.shape_cast %get3A_358 : vector<1x16xf32> to vector<16xf32>
        %add3A_360 = arith.addf %get3A_355, %get3A_359 : vector<16xf32>
        %mul3A_361 = vector.broadcast %scan3A_112 : f32 to vector<16xf32>
        %mul3A_362 = arith.mulf %add3A_360, %mul3A_361 : vector<16xf32>
        %max3A_363 = arith.maximumf %add3A_360, %mul3A_362 : vector<16xf32>
        %swap3A_364 = arith.index_cast %add3A_235 : i32 to index
        %swap3A_365 = arith.constant 112 : index
        %swap3A_366 = tpu.vector_load %arg11[%swap3A_364, %swap3A_365] {strides = array<i32>} : memref<64x128xf32, #tpu.memory_space<vmem>>, vector<1x16xf32>,
        %swap3A_367 = vector.shape_cast %swap3A_366 : vector<1x16xf32> to vector<16xf32>
        %swap3A_368 = vector.shape_cast %max3A_363 : vector<16xf32> to vector<1x16xf32>
        tpu.vector_store %arg11[%swap3A_364, %swap3A_365], %swap3A_368 {strides = array<i32>} : memref<64x128xf32, #tpu.memory_space<vmem>>, vector<1x16xf32>,
        %mul3A_369 = arith.constant 4 : i32
        %mul3A_370 = arith.muli %mul3A_369, %scan3A_231 : i32
        %add3A_371 = arith.constant 1 : i32
        %add3A_372 = arith.addi %mul3A_370, %add3A_371 : i32
        %get3A_373 = arith.index_cast %add3A_372 : i32 to index
        %get3A_374 = arith.constant 0 : index
        %get3A_375 = tpu.vector_load %arg11[%get3A_373, %get3A_374] {strides = array<i32>} : memref<64x128xf32, #tpu.memory_space<vmem>>, vector<1x16xf32>,
        %get3A_376 = vector.shape_cast %get3A_375 : vector<1x16xf32> to vector<16xf32>
        %get3A_377 = arith.index_cast %add3A_372 : i32 to index
        %get3A_378 = arith.constant 0 : index
        %get3A_379 = tpu.vector_load %arg12[%get3A_377, %get3A_378] {strides = array<i32>} : memref<64x128xf32, #tpu.memory_space<vmem>>, vector<1x16xf32>,
        %get3A_380 = vector.shape_cast %get3A_379 : vector<1x16xf32> to vector<16xf32>
        %add3A_381 = arith.addf %get3A_376, %get3A_380 : vector<16xf32>
        %mul3A_382 = vector.broadcast %scan3A_112 : f32 to vector<16xf32>
        %mul3A_383 = arith.mulf %add3A_381, %mul3A_382 : vector<16xf32>
        %max3A_384 = arith.maximumf %add3A_381, %mul3A_383 : vector<16xf32>
        %swap3A_385 = arith.index_cast %add3A_372 : i32 to index
        %swap3A_386 = arith.constant 0 : index
        %swap3A_387 = tpu.vector_load %arg11[%swap3A_385, %swap3A_386] {strides = array<i32>} : memref<64x128xf32, #tpu.memory_space<vmem>>, vector<1x16xf32>,
        %swap3A_388 = vector.shape_cast %swap3A_387 : vector<1x16xf32> to vector<16xf32>
        %swap3A_389 = vector.shape_cast %max3A_384 : vector<16xf32> to vector<1x16xf32>
        tpu.vector_store %arg11[%swap3A_385, %swap3A_386], %swap3A_389 {strides = array<i32>} : memref<64x128xf32, #tpu.memory_space<vmem>>, vector<1x16xf32>,
        %get3A_390 = arith.index_cast %add3A_372 : i32 to index
        %get3A_391 = arith.constant 16 : index
        %get3A_392 = tpu.vector_load %arg11[%get3A_390, %get3A_391] {strides = array<i32>} : memref<64x128xf32, #tpu.memory_space<vmem>>, vector<1x16xf32>,
        %get3A_393 = vector.shape_cast %get3A_392 : vector<1x16xf32> to vector<16xf32>
        %get3A_394 = arith.index_cast %add3A_372 : i32 to index
        %get3A_395 = arith.constant 16 : index
        %get3A_396 = tpu.vector_load %arg12[%get3A_394, %get3A_395] {strides = array<i32>} : memref<64x128xf32, #tpu.memory_space<vmem>>, vector<1x16xf32>,
        %get3A_397 = vector.shape_cast %get3A_396 : vector<1x16xf32> to vector<16xf32>
        %add3A_398 = arith.addf %get3A_393, %get3A_397 : vector<16xf32>
        %mul3A_399 = vector.broadcast %scan3A_112 : f32 to vector<16xf32>
        %mul3A_400 = arith.mulf %add3A_398, %mul3A_399 : vector<16xf32>
        %max3A_401 = arith.maximumf %add3A_398, %mul3A_400 : vector<16xf32>
        %swap3A_402 = arith.index_cast %add3A_372 : i32 to index
        %swap3A_403 = arith.constant 16 : index
        %swap3A_404 = tpu.vector_load %arg11[%swap3A_402, %swap3A_403] {strides = array<i32>} : memref<64x128xf32, #tpu.memory_space<vmem>>, vector<1x16xf32>,
        %swap3A_405 = vector.shape_cast %swap3A_404 : vector<1x16xf32> to vector<16xf32>
        %swap3A_406 = vector.shape_cast %max3A_401 : vector<16xf32> to vector<1x16xf32>
        tpu.vector_store %arg11[%swap3A_402, %swap3A_403], %swap3A_406 {strides = array<i32>} : memref<64x128xf32, #tpu.memory_space<vmem>>, vector<1x16xf32>,
        %get3A_407 = arith.index_cast %add3A_372 : i32 to index
        %get3A_408 = arith.constant 32 : index
        %get3A_409 = tpu.vector_load %arg11[%get3A_407, %get3A_408] {strides = array<i32>} : memref<64x128xf32, #tpu.memory_space<vmem>>, vector<1x16xf32>,
        %get3A_410 = vector.shape_cast %get3A_409 : vector<1x16xf32> to vector<16xf32>
        %get3A_411 = arith.index_cast %add3A_372 : i32 to index
        %get3A_412 = arith.constant 32 : index
        %get3A_413 = tpu.vector_load %arg12[%get3A_411, %get3A_412] {strides = array<i32>} : memref<64x128xf32, #tpu.memory_space<vmem>>, vector<1x16xf32>,
        %get3A_414 = vector.shape_cast %get3A_413 : vector<1x16xf32> to vector<16xf32>
        %add3A_415 = arith.addf %get3A_410, %get3A_414 : vector<16xf32>
        %mul3A_416 = vector.broadcast %scan3A_112 : f32 to vector<16xf32>
        %mul3A_417 = arith.mulf %add3A_415, %mul3A_416 : vector<16xf32>
        %max3A_418 = arith.maximumf %add3A_415, %mul3A_417 : vector<16xf32>
        %swap3A_419 = arith.index_cast %add3A_372 : i32 to index
        %swap3A_420 = arith.constant 32 : index
        %swap3A_421 = tpu.vector_load %arg11[%swap3A_419, %swap3A_420] {strides = array<i32>} : memref<64x128xf32, #tpu.memory_space<vmem>>, vector<1x16xf32>,
        %swap3A_422 = vector.shape_cast %swap3A_421 : vector<1x16xf32> to vector<16xf32>
        %swap3A_423 = vector.shape_cast %max3A_418 : vector<16xf32> to vector<1x16xf32>
        tpu.vector_store %arg11[%swap3A_419, %swap3A_420], %swap3A_423 {strides = array<i32>} : memref<64x128xf32, #tpu.memory_space<vmem>>, vector<1x16xf32>,
        %get3A_424 = arith.index_cast %add3A_372 : i32 to index
        %get3A_425 = arith.constant 48 : index
        %get3A_426 = tpu.vector_load %arg11[%get3A_424, %get3A_425] {strides = array<i32>} : memref<64x128xf32, #tpu.memory_space<vmem>>, vector<1x16xf32>,
        %get3A_427 = vector.shape_cast %get3A_426 : vector<1x16xf32> to vector<16xf32>
        %get3A_428 = arith.index_cast %add3A_372 : i32 to index
        %get3A_429 = arith.constant 48 : index
        %get3A_430 = tpu.vector_load %arg12[%get3A_428, %get3A_429] {strides = array<i32>} : memref<64x128xf32, #tpu.memory_space<vmem>>, vector<1x16xf32>,
        %get3A_431 = vector.shape_cast %get3A_430 : vector<1x16xf32> to vector<16xf32>
        %add3A_432 = arith.addf %get3A_427, %get3A_431 : vector<16xf32>
        %mul3A_433 = vector.broadcast %scan3A_112 : f32 to vector<16xf32>
        %mul3A_434 = arith.mulf %add3A_432, %mul3A_433 : vector<16xf32>
        %max3A_435 = arith.maximumf %add3A_432, %mul3A_434 : vector<16xf32>
        %swap3A_436 = arith.index_cast %add3A_372 : i32 to index
        %swap3A_437 = arith.constant 48 : index
        %swap3A_438 = tpu.vector_load %arg11[%swap3A_436, %swap3A_437] {strides = array<i32>} : memref<64x128xf32, #tpu.memory_space<vmem>>, vector<1x16xf32>,
        %swap3A_439 = vector.shape_cast %swap3A_438 : vector<1x16xf32> to vector<16xf32>
        %swap3A_440 = vector.shape_cast %max3A_435 : vector<16xf32> to vector<1x16xf32>
        tpu.vector_store %arg11[%swap3A_436, %swap3A_437], %swap3A_440 {strides = array<i32>} : memref<64x128xf32, #tpu.memory_space<vmem>>, vector<1x16xf32>,
        %get3A_441 = arith.index_cast %add3A_372 : i32 to index
        %get3A_442 = arith.constant 64 : index
        %get3A_443 = tpu.vector_load %arg11[%get3A_441, %get3A_442] {strides = array<i32>} : memref<64x128xf32, #tpu.memory_space<vmem>>, vector<1x16xf32>,
        %get3A_444 = vector.shape_cast %get3A_443 : vector<1x16xf32> to vector<16xf32>
        %get3A_445 = arith.index_cast %add3A_372 : i32 to index
        %get3A_446 = arith.constant 64 : index
        %get3A_447 = tpu.vector_load %arg12[%get3A_445, %get3A_446] {strides = array<i32>} : memref<64x128xf32, #tpu.memory_space<vmem>>, vector<1x16xf32>,
        %get3A_448 = vector.shape_cast %get3A_447 : vector<1x16xf32> to vector<16xf32>
        %add3A_449 = arith.addf %get3A_444, %get3A_448 : vector<16xf32>
        %mul3A_450 = vector.broadcast %scan3A_112 : f32 to vector<16xf32>
        %mul3A_451 = arith.mulf %add3A_449, %mul3A_450 : vector<16xf32>
        %max3A_452 = arith.maximumf %add3A_449, %mul3A_451 : vector<16xf32>
        %swap3A_453 = arith.index_cast %add3A_372 : i32 to index
        %swap3A_454 = arith.constant 64 : index
        %swap3A_455 = tpu.vector_load %arg11[%swap3A_453, %swap3A_454] {strides = array<i32>} : memref<64x128xf32, #tpu.memory_space<vmem>>, vector<1x16xf32>,
        %swap3A_456 = vector.shape_cast %swap3A_455 : vector<1x16xf32> to vector<16xf32>
        %swap3A_457 = vector.shape_cast %max3A_452 : vector<16xf32> to vector<1x16xf32>
        tpu.vector_store %arg11[%swap3A_453, %swap3A_454], %swap3A_457 {strides = array<i32>} : memref<64x128xf32, #tpu.memory_space<vmem>>, vector<1x16xf32>,
        %get3A_458 = arith.index_cast %add3A_372 : i32 to index
        %get3A_459 = arith.constant 80 : index
        %get3A_460 = tpu.vector_load %arg11[%get3A_458, %get3A_459] {strides = array<i32>} : memref<64x128xf32, #tpu.memory_space<vmem>>, vector<1x16xf32>,
        %get3A_461 = vector.shape_cast %get3A_460 : vector<1x16xf32> to vector<16xf32>
        %get3A_462 = arith.index_cast %add3A_372 : i32 to index
        %get3A_463 = arith.constant 80 : index
        %get3A_464 = tpu.vector_load %arg12[%get3A_462, %get3A_463] {strides = array<i32>} : memref<64x128xf32, #tpu.memory_space<vmem>>, vector<1x16xf32>,
        %get3A_465 = vector.shape_cast %get3A_464 : vector<1x16xf32> to vector<16xf32>
        %add3A_466 = arith.addf %get3A_461, %get3A_465 : vector<16xf32>
        %mul3A_467 = vector.broadcast %scan3A_112 : f32 to vector<16xf32>
        %mul3A_468 = arith.mulf %add3A_466, %mul3A_467 : vector<16xf32>
        %max3A_469 = arith.maximumf %add3A_466, %mul3A_468 : vector<16xf32>
        %swap3A_470 = arith.index_cast %add3A_372 : i32 to index
        %swap3A_471 = arith.constant 80 : index
        %swap3A_472 = tpu.vector_load %arg11[%swap3A_470, %swap3A_471] {strides = array<i32>} : memref<64x128xf32, #tpu.memory_space<vmem>>, vector<1x16xf32>,
        %swap3A_473 = vector.shape_cast %swap3A_472 : vector<1x16xf32> to vector<16xf32>
        %swap3A_474 = vector.shape_cast %max3A_469 : vector<16xf32> to vector<1x16xf32>
        tpu.vector_store %arg11[%swap3A_470, %swap3A_471], %swap3A_474 {strides = array<i32>} : memref<64x128xf32, #tpu.memory_space<vmem>>, vector<1x16xf32>,
        %get3A_475 = arith.index_cast %add3A_372 : i32 to index
        %get3A_476 = arith.constant 96 : index
        %get3A_477 = tpu.vector_load %arg11[%get3A_475, %get3A_476] {strides = array<i32>} : memref<64x128xf32, #tpu.memory_space<vmem>>, vector<1x16xf32>,
        %get3A_478 = vector.shape_cast %get3A_477 : vector<1x16xf32> to vector<16xf32>
        %get3A_479 = arith.index_cast %add3A_372 : i32 to index
        %get3A_480 = arith.constant 96 : index
        %get3A_481 = tpu.vector_load %arg12[%get3A_479, %get3A_480] {strides = array<i32>} : memref<64x128xf32, #tpu.memory_space<vmem>>, vector<1x16xf32>,
        %get3A_482 = vector.shape_cast %get3A_481 : vector<1x16xf32> to vector<16xf32>
        %add3A_483 = arith.addf %get3A_478, %get3A_482 : vector<16xf32>
        %mul3A_484 = vector.broadcast %scan3A_112 : f32 to vector<16xf32>
        %mul3A_485 = arith.mulf %add3A_483, %mul3A_484 : vector<16xf32>
        %max3A_486 = arith.maximumf %add3A_483, %mul3A_485 : vector<16xf32>
        %swap3A_487 = arith.index_cast %add3A_372 : i32 to index
        %swap3A_488 = arith.constant 96 : index
        %swap3A_489 = tpu.vector_load %arg11[%swap3A_487, %swap3A_488] {strides = array<i32>} : memref<64x128xf32, #tpu.memory_space<vmem>>, vector<1x16xf32>,
        %swap3A_490 = vector.shape_cast %swap3A_489 : vector<1x16xf32> to vector<16xf32>
        %swap3A_491 = vector.shape_cast %max3A_486 : vector<16xf32> to vector<1x16xf32>
        tpu.vector_store %arg11[%swap3A_487, %swap3A_488], %swap3A_491 {strides = array<i32>} : memref<64x128xf32, #tpu.memory_space<vmem>>, vector<1x16xf32>,
        %get3A_492 = arith.index_cast %add3A_372 : i32 to index
        %get3A_493 = arith.constant 112 : index
        %get3A_494 = tpu.vector_load %arg11[%get3A_492, %get3A_493] {strides = array<i32>} : memref<64x128xf32, #tpu.memory_space<vmem>>, vector<1x16xf32>,
        %get3A_495 = vector.shape_cast %get3A_494 : vector<1x16xf32> to vector<16xf32>
        %get3A_496 = arith.index_cast %add3A_372 : i32 to index
        %get3A_497 = arith.constant 112 : index
        %get3A_498 = tpu.vector_load %arg12[%get3A_496, %get3A_497] {strides = array<i32>} : memref<64x128xf32, #tpu.memory_space<vmem>>, vector<1x16xf32>,
        %get3A_499 = vector.shape_cast %get3A_498 : vector<1x16xf32> to vector<16xf32>
        %add3A_500 = arith.addf %get3A_495, %get3A_499 : vector<16xf32>
        %mul3A_501 = vector.broadcast %scan3A_112 : f32 to vector<16xf32>
        %mul3A_502 = arith.mulf %add3A_500, %mul3A_501 : vector<16xf32>
        %max3A_503 = arith.maximumf %add3A_500, %mul3A_502 : vector<16xf32>
        %swap3A_504 = arith.index_cast %add3A_372 : i32 to index
        %swap3A_505 = arith.constant 112 : index
        %swap3A_506 = tpu.vector_load %arg11[%swap3A_504, %swap3A_505] {strides = array<i32>} : memref<64x128xf32, #tpu.memory_space<vmem>>, vector<1x16xf32>,
        %swap3A_507 = vector.shape_cast %swap3A_506 : vector<1x16xf32> to vector<16xf32>
        %swap3A_508 = vector.shape_cast %max3A_503 : vector<16xf32> to vector<1x16xf32>
        tpu.vector_store %arg11[%swap3A_504, %swap3A_505], %swap3A_508 {strides = array<i32>} : memref<64x128xf32, #tpu.memory_space<vmem>>, vector<1x16xf32>,
        %mul3A_509 = arith.constant 4 : i32
        %mul3A_510 = arith.muli %mul3A_509, %scan3A_231 : i32
        %add3A_511 = arith.constant 2 : i32
        %add3A_512 = arith.addi %mul3A_510, %add3A_511 : i32
        %get3A_513 = arith.index_cast %add3A_512 : i32 to index
        %get3A_514 = arith.constant 0 : index
        %get3A_515 = tpu.vector_load %arg11[%get3A_513, %get3A_514] {strides = array<i32>} : memref<64x128xf32, #tpu.memory_space<vmem>>, vector<1x16xf32>,
        %get3A_516 = vector.shape_cast %get3A_515 : vector<1x16xf32> to vector<16xf32>
        %get3A_517 = arith.index_cast %add3A_512 : i32 to index
        %get3A_518 = arith.constant 0 : index
        %get3A_519 = tpu.vector_load %arg12[%get3A_517, %get3A_518] {strides = array<i32>} : memref<64x128xf32, #tpu.memory_space<vmem>>, vector<1x16xf32>,
        %get3A_520 = vector.shape_cast %get3A_519 : vector<1x16xf32> to vector<16xf32>
        %add3A_521 = arith.addf %get3A_516, %get3A_520 : vector<16xf32>
        %mul3A_522 = vector.broadcast %scan3A_112 : f32 to vector<16xf32>
        %mul3A_523 = arith.mulf %add3A_521, %mul3A_522 : vector<16xf32>
        %max3A_524 = arith.maximumf %add3A_521, %mul3A_523 : vector<16xf32>
        %swap3A_525 = arith.index_cast %add3A_512 : i32 to index
        %swap3A_526 = arith.constant 0 : index
        %swap3A_527 = tpu.vector_load %arg11[%swap3A_525, %swap3A_526] {strides = array<i32>} : memref<64x128xf32, #tpu.memory_space<vmem>>, vector<1x16xf32>,
        %swap3A_528 = vector.shape_cast %swap3A_527 : vector<1x16xf32> to vector<16xf32>
        %swap3A_529 = vector.shape_cast %max3A_524 : vector<16xf32> to vector<1x16xf32>
        tpu.vector_store %arg11[%swap3A_525, %swap3A_526], %swap3A_529 {strides = array<i32>} : memref<64x128xf32, #tpu.memory_space<vmem>>, vector<1x16xf32>,
        %get3A_530 = arith.index_cast %add3A_512 : i32 to index
        %get3A_531 = arith.constant 16 : index
        %get3A_532 = tpu.vector_load %arg11[%get3A_530, %get3A_531] {strides = array<i32>} : memref<64x128xf32, #tpu.memory_space<vmem>>, vector<1x16xf32>,
        %get3A_533 = vector.shape_cast %get3A_532 : vector<1x16xf32> to vector<16xf32>
        %get3A_534 = arith.index_cast %add3A_512 : i32 to index
        %get3A_535 = arith.constant 16 : index
        %get3A_536 = tpu.vector_load %arg12[%get3A_534, %get3A_535] {strides = array<i32>} : memref<64x128xf32, #tpu.memory_space<vmem>>, vector<1x16xf32>,
        %get3A_537 = vector.shape_cast %get3A_536 : vector<1x16xf32> to vector<16xf32>
        %add3A_538 = arith.addf %get3A_533, %get3A_537 : vector<16xf32>
        %mul3A_539 = vector.broadcast %scan3A_112 : f32 to vector<16xf32>
        %mul3A_540 = arith.mulf %add3A_538, %mul3A_539 : vector<16xf32>
        %max3A_541 = arith.maximumf %add3A_538, %mul3A_540 : vector<16xf32>
        %swap3A_542 = arith.index_cast %add3A_512 : i32 to index
        %swap3A_543 = arith.constant 16 : index
        %swap3A_544 = tpu.vector_load %arg11[%swap3A_542, %swap3A_543] {strides = array<i32>} : memref<64x128xf32, #tpu.memory_space<vmem>>, vector<1x16xf32>,
        %swap3A_545 = vector.shape_cast %swap3A_544 : vector<1x16xf32> to vector<16xf32>
        %swap3A_546 = vector.shape_cast %max3A_541 : vector<16xf32> to vector<1x16xf32>
        tpu.vector_store %arg11[%swap3A_542, %swap3A_543], %swap3A_546 {strides = array<i32>} : memref<64x128xf32, #tpu.memory_space<vmem>>, vector<1x16xf32>,
        %get3A_547 = arith.index_cast %add3A_512 : i32 to index
        %get3A_548 = arith.constant 32 : index
        %get3A_549 = tpu.vector_load %arg11[%get3A_547, %get3A_548] {strides = array<i32>} : memref<64x128xf32, #tpu.memory_space<vmem>>, vector<1x16xf32>,
        %get3A_550 = vector.shape_cast %get3A_549 : vector<1x16xf32> to vector<16xf32>
        %get3A_551 = arith.index_cast %add3A_512 : i32 to index
        %get3A_552 = arith.constant 32 : index
        %get3A_553 = tpu.vector_load %arg12[%get3A_551, %get3A_552] {strides = array<i32>} : memref<64x128xf32, #tpu.memory_space<vmem>>, vector<1x16xf32>,
        %get3A_554 = vector.shape_cast %get3A_553 : vector<1x16xf32> to vector<16xf32>
        %add3A_555 = arith.addf %get3A_550, %get3A_554 : vector<16xf32>
        %mul3A_556 = vector.broadcast %scan3A_112 : f32 to vector<16xf32>
        %mul3A_557 = arith.mulf %add3A_555, %mul3A_556 : vector<16xf32>
        %max3A_558 = arith.maximumf %add3A_555, %mul3A_557 : vector<16xf32>
        %swap3A_559 = arith.index_cast %add3A_512 : i32 to index
        %swap3A_560 = arith.constant 32 : index
        %swap3A_561 = tpu.vector_load %arg11[%swap3A_559, %swap3A_560] {strides = array<i32>} : memref<64x128xf32, #tpu.memory_space<vmem>>, vector<1x16xf32>,
        %swap3A_562 = vector.shape_cast %swap3A_561 : vector<1x16xf32> to vector<16xf32>
        %swap3A_563 = vector.shape_cast %max3A_558 : vector<16xf32> to vector<1x16xf32>
        tpu.vector_store %arg11[%swap3A_559, %swap3A_560], %swap3A_563 {strides = array<i32>} : memref<64x128xf32, #tpu.memory_space<vmem>>, vector<1x16xf32>,
        %get3A_564 = arith.index_cast %add3A_512 : i32 to index
        %get3A_565 = arith.constant 48 : index
        %get3A_566 = tpu.vector_load %arg11[%get3A_564, %get3A_565] {strides = array<i32>} : memref<64x128xf32, #tpu.memory_space<vmem>>, vector<1x16xf32>,
        %get3A_567 = vector.shape_cast %get3A_566 : vector<1x16xf32> to vector<16xf32>
        %get3A_568 = arith.index_cast %add3A_512 : i32 to index
        %get3A_569 = arith.constant 48 : index
        %get3A_570 = tpu.vector_load %arg12[%get3A_568, %get3A_569] {strides = array<i32>} : memref<64x128xf32, #tpu.memory_space<vmem>>, vector<1x16xf32>,
        %get3A_571 = vector.shape_cast %get3A_570 : vector<1x16xf32> to vector<16xf32>
        %add3A_572 = arith.addf %get3A_567, %get3A_571 : vector<16xf32>
        %mul3A_573 = vector.broadcast %scan3A_112 : f32 to vector<16xf32>
        %mul3A_574 = arith.mulf %add3A_572, %mul3A_573 : vector<16xf32>
        %max3A_575 = arith.maximumf %add3A_572, %mul3A_574 : vector<16xf32>
        %swap3A_576 = arith.index_cast %add3A_512 : i32 to index
        %swap3A_577 = arith.constant 48 : index
        %swap3A_578 = tpu.vector_load %arg11[%swap3A_576, %swap3A_577] {strides = array<i32>} : memref<64x128xf32, #tpu.memory_space<vmem>>, vector<1x16xf32>,
        %swap3A_579 = vector.shape_cast %swap3A_578 : vector<1x16xf32> to vector<16xf32>
        %swap3A_580 = vector.shape_cast %max3A_575 : vector<16xf32> to vector<1x16xf32>
        tpu.vector_store %arg11[%swap3A_576, %swap3A_577], %swap3A_580 {strides = array<i32>} : memref<64x128xf32, #tpu.memory_space<vmem>>, vector<1x16xf32>,
        %get3A_581 = arith.index_cast %add3A_512 : i32 to index
        %get3A_582 = arith.constant 64 : index
        %get3A_583 = tpu.vector_load %arg11[%get3A_581, %get3A_582] {strides = array<i32>} : memref<64x128xf32, #tpu.memory_space<vmem>>, vector<1x16xf32>,
        %get3A_584 = vector.shape_cast %get3A_583 : vector<1x16xf32> to vector<16xf32>
        %get3A_585 = arith.index_cast %add3A_512 : i32 to index
        %get3A_586 = arith.constant 64 : index
        %get3A_587 = tpu.vector_load %arg12[%get3A_585, %get3A_586] {strides = array<i32>} : memref<64x128xf32, #tpu.memory_space<vmem>>, vector<1x16xf32>,
        %get3A_588 = vector.shape_cast %get3A_587 : vector<1x16xf32> to vector<16xf32>
        %add3A_589 = arith.addf %get3A_584, %get3A_588 : vector<16xf32>
        %mul3A_590 = vector.broadcast %scan3A_112 : f32 to vector<16xf32>
        %mul3A_591 = arith.mulf %add3A_589, %mul3A_590 : vector<16xf32>
        %max3A_592 = arith.maximumf %add3A_589, %mul3A_591 : vector<16xf32>
        %swap3A_593 = arith.index_cast %add3A_512 : i32 to index
        %swap3A_594 = arith.constant 64 : index
        %swap3A_595 = tpu.vector_load %arg11[%swap3A_593, %swap3A_594] {strides = array<i32>} : memref<64x128xf32, #tpu.memory_space<vmem>>, vector<1x16xf32>,
        %swap3A_596 = vector.shape_cast %swap3A_595 : vector<1x16xf32> to vector<16xf32>
        %swap3A_597 = vector.shape_cast %max3A_592 : vector<16xf32> to vector<1x16xf32>
        tpu.vector_store %arg11[%swap3A_593, %swap3A_594], %swap3A_597 {strides = array<i32>} : memref<64x128xf32, #tpu.memory_space<vmem>>, vector<1x16xf32>,
        %get3A_598 = arith.index_cast %add3A_512 : i32 to index
        %get3A_599 = arith.constant 80 : index
        %get3A_600 = tpu.vector_load %arg11[%get3A_598, %get3A_599] {strides = array<i32>} : memref<64x128xf32, #tpu.memory_space<vmem>>, vector<1x16xf32>,
        %get3A_601 = vector.shape_cast %get3A_600 : vector<1x16xf32> to vector<16xf32>
        %get3A_602 = arith.index_cast %add3A_512 : i32 to index
        %get3A_603 = arith.constant 80 : index
        %get3A_604 = tpu.vector_load %arg12[%get3A_602, %get3A_603] {strides = array<i32>} : memref<64x128xf32, #tpu.memory_space<vmem>>, vector<1x16xf32>,
        %get3A_605 = vector.shape_cast %get3A_604 : vector<1x16xf32> to vector<16xf32>
        %add3A_606 = arith.addf %get3A_601, %get3A_605 : vector<16xf32>
        %mul3A_607 = vector.broadcast %scan3A_112 : f32 to vector<16xf32>
        %mul3A_608 = arith.mulf %add3A_606, %mul3A_607 : vector<16xf32>
        %max3A_609 = arith.maximumf %add3A_606, %mul3A_608 : vector<16xf32>
        %swap3A_610 = arith.index_cast %add3A_512 : i32 to index
        %swap3A_611 = arith.constant 80 : index
        %swap3A_612 = tpu.vector_load %arg11[%swap3A_610, %swap3A_611] {strides = array<i32>} : memref<64x128xf32, #tpu.memory_space<vmem>>, vector<1x16xf32>,
        %swap3A_613 = vector.shape_cast %swap3A_612 : vector<1x16xf32> to vector<16xf32>
        %swap3A_614 = vector.shape_cast %max3A_609 : vector<16xf32> to vector<1x16xf32>
        tpu.vector_store %arg11[%swap3A_610, %swap3A_611], %swap3A_614 {strides = array<i32>} : memref<64x128xf32, #tpu.memory_space<vmem>>, vector<1x16xf32>,
        %get3A_615 = arith.index_cast %add3A_512 : i32 to index
        %get3A_616 = arith.constant 96 : index
        %get3A_617 = tpu.vector_load %arg11[%get3A_615, %get3A_616] {strides = array<i32>} : memref<64x128xf32, #tpu.memory_space<vmem>>, vector<1x16xf32>,
        %get3A_618 = vector.shape_cast %get3A_617 : vector<1x16xf32> to vector<16xf32>
        %get3A_619 = arith.index_cast %add3A_512 : i32 to index
        %get3A_620 = arith.constant 96 : index
        %get3A_621 = tpu.vector_load %arg12[%get3A_619, %get3A_620] {strides = array<i32>} : memref<64x128xf32, #tpu.memory_space<vmem>>, vector<1x16xf32>,
        %get3A_622 = vector.shape_cast %get3A_621 : vector<1x16xf32> to vector<16xf32>
        %add3A_623 = arith.addf %get3A_618, %get3A_622 : vector<16xf32>
        %mul3A_624 = vector.broadcast %scan3A_112 : f32 to vector<16xf32>
        %mul3A_625 = arith.mulf %add3A_623, %mul3A_624 : vector<16xf32>
        %max3A_626 = arith.maximumf %add3A_623, %mul3A_625 : vector<16xf32>
        %swap3A_627 = arith.index_cast %add3A_512 : i32 to index
        %swap3A_628 = arith.constant 96 : index
        %swap3A_629 = tpu.vector_load %arg11[%swap3A_627, %swap3A_628] {strides = array<i32>} : memref<64x128xf32, #tpu.memory_space<vmem>>, vector<1x16xf32>,
        %swap3A_630 = vector.shape_cast %swap3A_629 : vector<1x16xf32> to vector<16xf32>
        %swap3A_631 = vector.shape_cast %max3A_626 : vector<16xf32> to vector<1x16xf32>
        tpu.vector_store %arg11[%swap3A_627, %swap3A_628], %swap3A_631 {strides = array<i32>} : memref<64x128xf32, #tpu.memory_space<vmem>>, vector<1x16xf32>,
        %get3A_632 = arith.index_cast %add3A_512 : i32 to index
        %get3A_633 = arith.constant 112 : index
        %get3A_634 = tpu.vector_load %arg11[%get3A_632, %get3A_633] {strides = array<i32>} : memref<64x128xf32, #tpu.memory_space<vmem>>, vector<1x16xf32>,
        %get3A_635 = vector.shape_cast %get3A_634 : vector<1x16xf32> to vector<16xf32>
        %get3A_636 = arith.index_cast %add3A_512 : i32 to index
        %get3A_637 = arith.constant 112 : index
        %get3A_638 = tpu.vector_load %arg12[%get3A_636, %get3A_637] {strides = array<i32>} : memref<64x128xf32, #tpu.memory_space<vmem>>, vector<1x16xf32>,
        %get3A_639 = vector.shape_cast %get3A_638 : vector<1x16xf32> to vector<16xf32>
        %add3A_640 = arith.addf %get3A_635, %get3A_639 : vector<16xf32>
        %mul3A_641 = vector.broadcast %scan3A_112 : f32 to vector<16xf32>
        %mul3A_642 = arith.mulf %add3A_640, %mul3A_641 : vector<16xf32>
        %max3A_643 = arith.maximumf %add3A_640, %mul3A_642 : vector<16xf32>
        %swap3A_644 = arith.index_cast %add3A_512 : i32 to index
        %swap3A_645 = arith.constant 112 : index
        %swap3A_646 = tpu.vector_load %arg11[%swap3A_644, %swap3A_645] {strides = array<i32>} : memref<64x128xf32, #tpu.memory_space<vmem>>, vector<1x16xf32>,
        %swap3A_647 = vector.shape_cast %swap3A_646 : vector<1x16xf32> to vector<16xf32>
        %swap3A_648 = vector.shape_cast %max3A_643 : vector<16xf32> to vector<1x16xf32>
        tpu.vector_store %arg11[%swap3A_644, %swap3A_645], %swap3A_648 {strides = array<i32>} : memref<64x128xf32, #tpu.memory_space<vmem>>, vector<1x16xf32>,
        %mul3A_649 = arith.constant 4 : i32
        %mul3A_650 = arith.muli %mul3A_649, %scan3A_231 : i32
        %add3A_651 = arith.constant 3 : i32
        %add3A_652 = arith.addi %mul3A_650, %add3A_651 : i32
        %get3A_653 = arith.index_cast %add3A_652 : i32 to index
        %get3A_654 = arith.constant 0 : index
        %get3A_655 = tpu.vector_load %arg11[%get3A_653, %get3A_654] {strides = array<i32>} : memref<64x128xf32, #tpu.memory_space<vmem>>, vector<1x16xf32>,
        %get3A_656 = vector.shape_cast %get3A_655 : vector<1x16xf32> to vector<16xf32>
        %get3A_657 = arith.index_cast %add3A_652 : i32 to index
        %get3A_658 = arith.constant 0 : index
        %get3A_659 = tpu.vector_load %arg12[%get3A_657, %get3A_658] {strides = array<i32>} : memref<64x128xf32, #tpu.memory_space<vmem>>, vector<1x16xf32>,
        %get3A_660 = vector.shape_cast %get3A_659 : vector<1x16xf32> to vector<16xf32>
        %add3A_661 = arith.addf %get3A_656, %get3A_660 : vector<16xf32>
        %mul3A_662 = vector.broadcast %scan3A_112 : f32 to vector<16xf32>
        %mul3A_663 = arith.mulf %add3A_661, %mul3A_662 : vector<16xf32>
        %max3A_664 = arith.maximumf %add3A_661, %mul3A_663 : vector<16xf32>
        %swap3A_665 = arith.index_cast %add3A_652 : i32 to index
        %swap3A_666 = arith.constant 0 : index
        %swap3A_667 = tpu.vector_load %arg11[%swap3A_665, %swap3A_666] {strides = array<i32>} : memref<64x128xf32, #tpu.memory_space<vmem>>, vector<1x16xf32>,
        %swap3A_668 = vector.shape_cast %swap3A_667 : vector<1x16xf32> to vector<16xf32>
        %swap3A_669 = vector.shape_cast %max3A_664 : vector<16xf32> to vector<1x16xf32>
        tpu.vector_store %arg11[%swap3A_665, %swap3A_666], %swap3A_669 {strides = array<i32>} : memref<64x128xf32, #tpu.memory_space<vmem>>, vector<1x16xf32>,
        %get3A_670 = arith.index_cast %add3A_652 : i32 to index
        %get3A_671 = arith.constant 16 : index
        %get3A_672 = tpu.vector_load %arg11[%get3A_670, %get3A_671] {strides = array<i32>} : memref<64x128xf32, #tpu.memory_space<vmem>>, vector<1x16xf32>,
        %get3A_673 = vector.shape_cast %get3A_672 : vector<1x16xf32> to vector<16xf32>
        %get3A_674 = arith.index_cast %add3A_652 : i32 to index
        %get3A_675 = arith.constant 16 : index
        %get3A_676 = tpu.vector_load %arg12[%get3A_674, %get3A_675] {strides = array<i32>} : memref<64x128xf32, #tpu.memory_space<vmem>>, vector<1x16xf32>,
        %get3A_677 = vector.shape_cast %get3A_676 : vector<1x16xf32> to vector<16xf32>
        %add3A_678 = arith.addf %get3A_673, %get3A_677 : vector<16xf32>
        %mul3A_679 = vector.broadcast %scan3A_112 : f32 to vector<16xf32>
        %mul3A_680 = arith.mulf %add3A_678, %mul3A_679 : vector<16xf32>
        %max3A_681 = arith.maximumf %add3A_678, %mul3A_680 : vector<16xf32>
        %swap3A_682 = arith.index_cast %add3A_652 : i32 to index
        %swap3A_683 = arith.constant 16 : index
        %swap3A_684 = tpu.vector_load %arg11[%swap3A_682, %swap3A_683] {strides = array<i32>} : memref<64x128xf32, #tpu.memory_space<vmem>>, vector<1x16xf32>,
        %swap3A_685 = vector.shape_cast %swap3A_684 : vector<1x16xf32> to vector<16xf32>
        %swap3A_686 = vector.shape_cast %max3A_681 : vector<16xf32> to vector<1x16xf32>
        tpu.vector_store %arg11[%swap3A_682, %swap3A_683], %swap3A_686 {strides = array<i32>} : memref<64x128xf32, #tpu.memory_space<vmem>>, vector<1x16xf32>,
        %get3A_687 = arith.index_cast %add3A_652 : i32 to index
        %get3A_688 = arith.constant 32 : index
        %get3A_689 = tpu.vector_load %arg11[%get3A_687, %get3A_688] {strides = array<i32>} : memref<64x128xf32, #tpu.memory_space<vmem>>, vector<1x16xf32>,
        %get3A_690 = vector.shape_cast %get3A_689 : vector<1x16xf32> to vector<16xf32>
        %get3A_691 = arith.index_cast %add3A_652 : i32 to index
        %get3A_692 = arith.constant 32 : index
        %get3A_693 = tpu.vector_load %arg12[%get3A_691, %get3A_692] {strides = array<i32>} : memref<64x128xf32, #tpu.memory_space<vmem>>, vector<1x16xf32>,
        %get3A_694 = vector.shape_cast %get3A_693 : vector<1x16xf32> to vector<16xf32>
        %add3A_695 = arith.addf %get3A_690, %get3A_694 : vector<16xf32>
        %mul3A_696 = vector.broadcast %scan3A_112 : f32 to vector<16xf32>
        %mul3A_697 = arith.mulf %add3A_695, %mul3A_696 : vector<16xf32>
        %max3A_698 = arith.maximumf %add3A_695, %mul3A_697 : vector<16xf32>
        %swap3A_699 = arith.index_cast %add3A_652 : i32 to index
        %swap3A_700 = arith.constant 32 : index
        %swap3A_701 = tpu.vector_load %arg11[%swap3A_699, %swap3A_700] {strides = array<i32>} : memref<64x128xf32, #tpu.memory_space<vmem>>, vector<1x16xf32>,
        %swap3A_702 = vector.shape_cast %swap3A_701 : vector<1x16xf32> to vector<16xf32>
        %swap3A_703 = vector.shape_cast %max3A_698 : vector<16xf32> to vector<1x16xf32>
        tpu.vector_store %arg11[%swap3A_699, %swap3A_700], %swap3A_703 {strides = array<i32>} : memref<64x128xf32, #tpu.memory_space<vmem>>, vector<1x16xf32>,
        %get3A_704 = arith.index_cast %add3A_652 : i32 to index
        %get3A_705 = arith.constant 48 : index
        %get3A_706 = tpu.vector_load %arg11[%get3A_704, %get3A_705] {strides = array<i32>} : memref<64x128xf32, #tpu.memory_space<vmem>>, vector<1x16xf32>,
        %get3A_707 = vector.shape_cast %get3A_706 : vector<1x16xf32> to vector<16xf32>
        %get3A_708 = arith.index_cast %add3A_652 : i32 to index
        %get3A_709 = arith.constant 48 : index
        %get3A_710 = tpu.vector_load %arg12[%get3A_708, %get3A_709] {strides = array<i32>} : memref<64x128xf32, #tpu.memory_space<vmem>>, vector<1x16xf32>,
        %get3A_711 = vector.shape_cast %get3A_710 : vector<1x16xf32> to vector<16xf32>
        %add3A_712 = arith.addf %get3A_707, %get3A_711 : vector<16xf32>
        %mul3A_713 = vector.broadcast %scan3A_112 : f32 to vector<16xf32>
        %mul3A_714 = arith.mulf %add3A_712, %mul3A_713 : vector<16xf32>
        %max3A_715 = arith.maximumf %add3A_712, %mul3A_714 : vector<16xf32>
        %swap3A_716 = arith.index_cast %add3A_652 : i32 to index
        %swap3A_717 = arith.constant 48 : index
        %swap3A_718 = tpu.vector_load %arg11[%swap3A_716, %swap3A_717] {strides = array<i32>} : memref<64x128xf32, #tpu.memory_space<vmem>>, vector<1x16xf32>,
        %swap3A_719 = vector.shape_cast %swap3A_718 : vector<1x16xf32> to vector<16xf32>
        %swap3A_720 = vector.shape_cast %max3A_715 : vector<16xf32> to vector<1x16xf32>
        tpu.vector_store %arg11[%swap3A_716, %swap3A_717], %swap3A_720 {strides = array<i32>} : memref<64x128xf32, #tpu.memory_space<vmem>>, vector<1x16xf32>,
        %get3A_721 = arith.index_cast %add3A_652 : i32 to index
        %get3A_722 = arith.constant 64 : index
        %get3A_723 = tpu.vector_load %arg11[%get3A_721, %get3A_722] {strides = array<i32>} : memref<64x128xf32, #tpu.memory_space<vmem>>, vector<1x16xf32>,
        %get3A_724 = vector.shape_cast %get3A_723 : vector<1x16xf32> to vector<16xf32>
        %get3A_725 = arith.index_cast %add3A_652 : i32 to index
        %get3A_726 = arith.constant 64 : index
        %get3A_727 = tpu.vector_load %arg12[%get3A_725, %get3A_726] {strides = array<i32>} : memref<64x128xf32, #tpu.memory_space<vmem>>, vector<1x16xf32>,
        %get3A_728 = vector.shape_cast %get3A_727 : vector<1x16xf32> to vector<16xf32>
        %add3A_729 = arith.addf %get3A_724, %get3A_728 : vector<16xf32>
        %mul3A_730 = vector.broadcast %scan3A_112 : f32 to vector<16xf32>
        %mul3A_731 = arith.mulf %add3A_729, %mul3A_730 : vector<16xf32>
        %max3A_732 = arith.maximumf %add3A_729, %mul3A_731 : vector<16xf32>
        %swap3A_733 = arith.index_cast %add3A_652 : i32 to index
        %swap3A_734 = arith.constant 64 : index
        %swap3A_735 = tpu.vector_load %arg11[%swap3A_733, %swap3A_734] {strides = array<i32>} : memref<64x128xf32, #tpu.memory_space<vmem>>, vector<1x16xf32>,
        %swap3A_736 = vector.shape_cast %swap3A_735 : vector<1x16xf32> to vector<16xf32>
        %swap3A_737 = vector.shape_cast %max3A_732 : vector<16xf32> to vector<1x16xf32>
        tpu.vector_store %arg11[%swap3A_733, %swap3A_734], %swap3A_737 {strides = array<i32>} : memref<64x128xf32, #tpu.memory_space<vmem>>, vector<1x16xf32>,
        %get3A_738 = arith.index_cast %add3A_652 : i32 to index
        %get3A_739 = arith.constant 80 : index
        %get3A_740 = tpu.vector_load %arg11[%get3A_738, %get3A_739] {strides = array<i32>} : memref<64x128xf32, #tpu.memory_space<vmem>>, vector<1x16xf32>,
        %get3A_741 = vector.shape_cast %get3A_740 : vector<1x16xf32> to vector<16xf32>
        %get3A_742 = arith.index_cast %add3A_652 : i32 to index
        %get3A_743 = arith.constant 80 : index
        %get3A_744 = tpu.vector_load %arg12[%get3A_742, %get3A_743] {strides = array<i32>} : memref<64x128xf32, #tpu.memory_space<vmem>>, vector<1x16xf32>,
        %get3A_745 = vector.shape_cast %get3A_744 : vector<1x16xf32> to vector<16xf32>
        %add3A_746 = arith.addf %get3A_741, %get3A_745 : vector<16xf32>
        %mul3A_747 = vector.broadcast %scan3A_112 : f32 to vector<16xf32>
        %mul3A_748 = arith.mulf %add3A_746, %mul3A_747 : vector<16xf32>
        %max3A_749 = arith.maximumf %add3A_746, %mul3A_748 : vector<16xf32>
        %swap3A_750 = arith.index_cast %add3A_652 : i32 to index
        %swap3A_751 = arith.constant 80 : index
        %swap3A_752 = tpu.vector_load %arg11[%swap3A_750, %swap3A_751] {strides = array<i32>} : memref<64x128xf32, #tpu.memory_space<vmem>>, vector<1x16xf32>,
        %swap3A_753 = vector.shape_cast %swap3A_752 : vector<1x16xf32> to vector<16xf32>
        %swap3A_754 = vector.shape_cast %max3A_749 : vector<16xf32> to vector<1x16xf32>
        tpu.vector_store %arg11[%swap3A_750, %swap3A_751], %swap3A_754 {strides = array<i32>} : memref<64x128xf32, #tpu.memory_space<vmem>>, vector<1x16xf32>,
        %get3A_755 = arith.index_cast %add3A_652 : i32 to index
        %get3A_756 = arith.constant 96 : index
        %get3A_757 = tpu.vector_load %arg11[%get3A_755, %get3A_756] {strides = array<i32>} : memref<64x128xf32, #tpu.memory_space<vmem>>, vector<1x16xf32>,
        %get3A_758 = vector.shape_cast %get3A_757 : vector<1x16xf32> to vector<16xf32>
        %get3A_759 = arith.index_cast %add3A_652 : i32 to index
        %get3A_760 = arith.constant 96 : index
        %get3A_761 = tpu.vector_load %arg12[%get3A_759, %get3A_760] {strides = array<i32>} : memref<64x128xf32, #tpu.memory_space<vmem>>, vector<1x16xf32>,
        %get3A_762 = vector.shape_cast %get3A_761 : vector<1x16xf32> to vector<16xf32>
        %add3A_763 = arith.addf %get3A_758, %get3A_762 : vector<16xf32>
        %mul3A_764 = vector.broadcast %scan3A_112 : f32 to vector<16xf32>
        %mul3A_765 = arith.mulf %add3A_763, %mul3A_764 : vector<16xf32>
        %max3A_766 = arith.maximumf %add3A_763, %mul3A_765 : vector<16xf32>
        %swap3A_767 = arith.index_cast %add3A_652 : i32 to index
        %swap3A_768 = arith.constant 96 : index
        %swap3A_769 = tpu.vector_load %arg11[%swap3A_767, %swap3A_768] {strides = array<i32>} : memref<64x128xf32, #tpu.memory_space<vmem>>, vector<1x16xf32>,
        %swap3A_770 = vector.shape_cast %swap3A_769 : vector<1x16xf32> to vector<16xf32>
        %swap3A_771 = vector.shape_cast %max3A_766 : vector<16xf32> to vector<1x16xf32>
        tpu.vector_store %arg11[%swap3A_767, %swap3A_768], %swap3A_771 {strides = array<i32>} : memref<64x128xf32, #tpu.memory_space<vmem>>, vector<1x16xf32>,
        %get3A_772 = arith.index_cast %add3A_652 : i32 to index
        %get3A_773 = arith.constant 112 : index
        %get3A_774 = tpu.vector_load %arg11[%get3A_772, %get3A_773] {strides = array<i32>} : memref<64x128xf32, #tpu.memory_space<vmem>>, vector<1x16xf32>,
        %get3A_775 = vector.shape_cast %get3A_774 : vector<1x16xf32> to vector<16xf32>
        %get3A_776 = arith.index_cast %add3A_652 : i32 to index
        %get3A_777 = arith.constant 112 : index
        %get3A_778 = tpu.vector_load %arg12[%get3A_776, %get3A_777] {strides = array<i32>} : memref<64x128xf32, #tpu.memory_space<vmem>>, vector<1x16xf32>,
        %get3A_779 = vector.shape_cast %get3A_778 : vector<1x16xf32> to vector<16xf32>
        %add3A_780 = arith.addf %get3A_775, %get3A_779 : vector<16xf32>
        %mul3A_781 = vector.broadcast %scan3A_112 : f32 to vector<16xf32>
        %mul3A_782 = arith.mulf %add3A_780, %mul3A_781 : vector<16xf32>
        %max3A_783 = arith.maximumf %add3A_780, %mul3A_782 : vector<16xf32>
        %swap3A_784 = arith.index_cast %add3A_652 : i32 to index
        %swap3A_785 = arith.constant 112 : index
        %swap3A_786 = tpu.vector_load %arg11[%swap3A_784, %swap3A_785] {strides = array<i32>} : memref<64x128xf32, #tpu.memory_space<vmem>>, vector<1x16xf32>,
        %swap3A_787 = vector.shape_cast %swap3A_786 : vector<1x16xf32> to vector<16xf32>
        %swap3A_788 = vector.shape_cast %max3A_783 : vector<16xf32> to vector<1x16xf32>
        tpu.vector_store %arg11[%swap3A_784, %swap3A_785], %swap3A_788 {strides = array<i32>} : memref<64x128xf32, #tpu.memory_space<vmem>>, vector<1x16xf32>,
      }
      %scan3A_117 = arith.constant 16 : i32
      %add3A_118 = arith.addi %mul3A_2, %scan3A_52 : i32
      %dma_start3A_119 = arith.constant 64 : i32
      %dma_start3A_120 = arith.constant 0 : i32
      %dma_start3A_121 = tpu.memref_slice %arg6[%add3A_118, %dma_start3A_119, %dma_start3A_120] : memref<2048x256x128xf32, #tpu.memory_space<hbm>> -> memref<1x64x128xf32, #tpu.memory_space<hbm>>
      %dma_start3A_122 = tpu.memref_squeeze %dma_start3A_121 : memref<1x64x128xf32, #tpu.memory_space<hbm>> -> memref<64x128xf32, #tpu.memory_space<hbm>>
      %dma_start3A_123 = arith.constant 64 : i32
      %dma_start3A_124 = arith.constant 0 : i32
      %dma_start3A_125 = tpu.memref_slice %arg6[%add3A_118, %dma_start3A_123, %dma_start3A_124] : memref<2048x256x128xf32, #tpu.memory_space<hbm>> -> memref<1x64x128xf32, #tpu.memory_space<hbm>>
      %dma_start3A_126 = tpu.memref_squeeze %dma_start3A_125 : memref<1x64x128xf32, #tpu.memory_space<hbm>> -> memref<64x128xf32, #tpu.memory_space<hbm>>
      tpu.enqueue_dma source(%arg11 : memref<64x128xf32, #tpu.memory_space<vmem>>) target(%dma_start3A_126 : memref<64x128xf32, #tpu.memory_space<hbm>>) target_semaphore(%arg22 : memref<!tpu.dma_semaphore, #tpu.memory_space<semaphore_mem>>)
      %gt3A_127 = arith.constant 0 : i32
      %gt3A_128 = arith.cmpi sgt, %scan3A_52, %gt3A_127 : i32
      %convert_element_type3A_129 = arith.extui %gt3A_128 : i1 to i32
      %cond3A_130 = arith.constant 0 : i32
      %cond3A_131 = arith.cmpi ne, %convert_element_type3A_129, %cond3A_130 : i32
      scf.if %cond3A_131 {
        %dma_wait3A_231 = arith.constant 0 : i32
        %dma_wait3A_232 = arith.constant 0 : i32
        %dma_wait3A_233 = arith.constant 0 : i32
        %dma_wait3A_234 = tpu.memref_slice %arg6[%dma_wait3A_231, %dma_wait3A_232, %dma_wait3A_233] : memref<2048x256x128xf32, #tpu.memory_space<hbm>> -> memref<1x64x128xf32, #tpu.memory_space<hbm>>
        %dma_wait3A_235 = tpu.memref_squeeze %dma_wait3A_234 : memref<1x64x128xf32, #tpu.memory_space<hbm>> -> memref<64x128xf32, #tpu.memory_space<hbm>>
        %dma_wait3A_236 = arith.constant 0 : i32
        %dma_wait3A_237 = arith.constant 0 : i32
        %dma_wait3A_238 = tpu.memref_slice %arg6[%dma_wait3A_231, %dma_wait3A_236, %dma_wait3A_237] : memref<2048x256x128xf32, #tpu.memory_space<hbm>> -> memref<1x64x128xf32, #tpu.memory_space<hbm>>
        %dma_wait3A_239 = tpu.memref_squeeze %dma_wait3A_238 : memref<1x64x128xf32, #tpu.memory_space<hbm>> -> memref<64x128xf32, #tpu.memory_space<hbm>>
        tpu.wait_dma2 semaphore(%arg24 : memref<!tpu.dma_semaphore, #tpu.memory_space<semaphore_mem>>) src(%arg15 : memref<64x128xf32, #tpu.memory_space<vmem>>) dst(%dma_wait3A_239 : memref<64x128xf32, #tpu.memory_space<hbm>>)
      } else {
      }
      %dma_start3A_132 = arith.constant 192 : i32
      %dma_start3A_133 = tpu.memref_slice %arg7[%scan3A_52, %dma_start3A_132] : memref<64x256xi32, #tpu.memory_space<vmem>> -> memref<1x64xi32, #tpu.memory_space<vmem>>
      %dma_start3A_134 = tpu.memref_squeeze %dma_start3A_133 : memref<1x64xi32, #tpu.memory_space<vmem>> -> memref<64xi32, #tpu.memory_space<vmem>>
      %dma_start3A_135 = arith.constant 0 : i32
      %dma_start3A_136 = arith.constant 0 : i32
      %dma_start3A_137 = tpu.memref_slice %arg4[%dma_start3A_135, %dma_start3A_136] : memref<1032x128xf32, #tpu.memory_space<hbm>> -> memref<1032x128xf32, #tpu.memory_space<hbm>>
      tpu.enqueue_indirect_dma source(%dma_start3A_137 : memref<1032x128xf32, #tpu.memory_space<hbm>>) target(%arg15 : memref<64x128xf32, #tpu.memory_space<vmem>>) offsets(%dma_start3A_134 : memref<64xi32, #tpu.memory_space<vmem>>) semaphore(%arg20 : memref<!tpu.dma_semaphore, #tpu.memory_space<semaphore_mem>>)
      %dma_start3A_138 = arith.constant 192 : i32
      %dma_start3A_139 = tpu.memref_slice %arg8[%scan3A_52, %dma_start3A_138] : memref<64x256xi32, #tpu.memory_space<vmem>> -> memref<1x64xi32, #tpu.memory_space<vmem>>
      %dma_start3A_140 = tpu.memref_squeeze %dma_start3A_139 : memref<1x64xi32, #tpu.memory_space<vmem>> -> memref<64xi32, #tpu.memory_space<vmem>>
      %dma_start3A_141 = arith.constant 0 : i32
      %dma_start3A_142 = arith.constant 0 : i32
      %dma_start3A_143 = tpu.memref_slice %arg5[%dma_start3A_141, %dma_start3A_142] : memref<1032x128xf32, #tpu.memory_space<hbm>> -> memref<1032x128xf32, #tpu.memory_space<hbm>>
      tpu.enqueue_indirect_dma source(%dma_start3A_143 : memref<1032x128xf32, #tpu.memory_space<hbm>>) target(%arg16 : memref<64x128xf32, #tpu.memory_space<vmem>>) offsets(%dma_start3A_140 : memref<64xi32, #tpu.memory_space<vmem>>) semaphore(%arg20 : memref<!tpu.dma_semaphore, #tpu.memory_space<semaphore_mem>>)
      %dma_wait3A_144 = arith.constant 0 : i32
      %dma_wait3A_145 = arith.constant 0 : i32
      %dma_wait3A_146 = tpu.memref_slice %arg7[%dma_wait3A_144, %dma_wait3A_145] : memref<64x256xi32, #tpu.memory_space<vmem>> -> memref<1x64xi32, #tpu.memory_space<vmem>>
      %dma_wait3A_147 = tpu.memref_squeeze %dma_wait3A_146 : memref<1x64xi32, #tpu.memory_space<vmem>> -> memref<64xi32, #tpu.memory_space<vmem>>
      %dma_wait3A_148 = arith.constant 0 : i32
      %dma_wait3A_149 = arith.constant 0 : i32
      %dma_wait3A_150 = tpu.memref_slice %arg4[%dma_wait3A_148, %dma_wait3A_149] : memref<1032x128xf32, #tpu.memory_space<hbm>> -> memref<1032x128xf32, #tpu.memory_space<hbm>>
      tpu.wait_indirect_dma semaphore(%arg19 : memref<!tpu.dma_semaphore, #tpu.memory_space<semaphore_mem>>) src(%dma_wait3A_150 : memref<1032x128xf32, #tpu.memory_space<hbm>>) dst(%arg13 : memref<64x128xf32, #tpu.memory_space<vmem>>)
      %dma_wait3A_151 = arith.constant 0 : i32
      %dma_wait3A_152 = arith.constant 0 : i32
      %dma_wait3A_153 = tpu.memref_slice %arg8[%dma_wait3A_151, %dma_wait3A_152] : memref<64x256xi32, #tpu.memory_space<vmem>> -> memref<1x64xi32, #tpu.memory_space<vmem>>
      %dma_wait3A_154 = tpu.memref_squeeze %dma_wait3A_153 : memref<1x64xi32, #tpu.memory_space<vmem>> -> memref<64xi32, #tpu.memory_space<vmem>>
      %dma_wait3A_155 = arith.constant 0 : i32
      %dma_wait3A_156 = arith.constant 0 : i32
      %dma_wait3A_157 = tpu.memref_slice %arg5[%dma_wait3A_155, %dma_wait3A_156] : memref<1032x128xf32, #tpu.memory_space<hbm>> -> memref<1032x128xf32, #tpu.memory_space<hbm>>
      tpu.wait_indirect_dma semaphore(%arg19 : memref<!tpu.dma_semaphore, #tpu.memory_space<semaphore_mem>>) src(%dma_wait3A_157 : memref<1032x128xf32, #tpu.memory_space<hbm>>) dst(%arg14 : memref<64x128xf32, #tpu.memory_space<vmem>>)
      %scan3A_158 = arith.constant 0 : i32
      %scan3A_159 = arith.constant 0.00999999977 : f32
      %scan3A_160 = arith.constant 0 : i32
      %scan3A_161 = arith.constant 16 : i32
      %scan3A_162 = arith.addi %scan3A_160, %scan3A_161 : i32
      %scan3A_163 = arith.constant 1 : i32
      scf.for %scan3A_231 = %scan3A_160 to %scan3A_162 step %scan3A_163  : i32 {
        %mul3A_232 = arith.constant 4 : i32
        %mul3A_233 = arith.muli %mul3A_232, %scan3A_231 : i32
        %add3A_234 = arith.constant 0 : i32
        %add3A_235 = arith.addi %mul3A_233, %add3A_234 : i32
        %get3A = arith.index_cast %add3A_235 : i32 to index
        %get3A_236 = arith.constant 0 : index
        %get3A_237 = tpu.vector_load %arg13[%get3A, %get3A_236] {strides = array<i32>} : memref<64x128xf32, #tpu.memory_space<vmem>>, vector<1x16xf32>,
        %get3A_238 = vector.shape_cast %get3A_237 : vector<1x16xf32> to vector<16xf32>
        %get3A_239 = arith.index_cast %add3A_235 : i32 to index
        %get3A_240 = arith.constant 0 : index
        %get3A_241 = tpu.vector_load %arg14[%get3A_239, %get3A_240] {strides = array<i32>} : memref<64x128xf32, #tpu.memory_space<vmem>>, vector<1x16xf32>,
        %get3A_242 = vector.shape_cast %get3A_241 : vector<1x16xf32> to vector<16xf32>
        %add3A_243 = arith.addf %get3A_238, %get3A_242 : vector<16xf32>
        %mul3A_244 = vector.broadcast %scan3A_159 : f32 to vector<16xf32>
        %mul3A_245 = arith.mulf %add3A_243, %mul3A_244 : vector<16xf32>
        %max3A = arith.maximumf %add3A_243, %mul3A_245 : vector<16xf32>
        %swap3A = arith.index_cast %add3A_235 : i32 to index
        %swap3A_246 = arith.constant 0 : index
        %swap3A_247 = tpu.vector_load %arg13[%swap3A, %swap3A_246] {strides = array<i32>} : memref<64x128xf32, #tpu.memory_space<vmem>>, vector<1x16xf32>,
        %swap3A_248 = vector.shape_cast %swap3A_247 : vector<1x16xf32> to vector<16xf32>
        %swap3A_249 = vector.shape_cast %max3A : vector<16xf32> to vector<1x16xf32>
        tpu.vector_store %arg13[%swap3A, %swap3A_246], %swap3A_249 {strides = array<i32>} : memref<64x128xf32, #tpu.memory_space<vmem>>, vector<1x16xf32>,
        %get3A_250 = arith.index_cast %add3A_235 : i32 to index
        %get3A_251 = arith.constant 16 : index
        %get3A_252 = tpu.vector_load %arg13[%get3A_250, %get3A_251] {strides = array<i32>} : memref<64x128xf32, #tpu.memory_space<vmem>>, vector<1x16xf32>,
        %get3A_253 = vector.shape_cast %get3A_252 : vector<1x16xf32> to vector<16xf32>
        %get3A_254 = arith.index_cast %add3A_235 : i32 to index
        %get3A_255 = arith.constant 16 : index
        %get3A_256 = tpu.vector_load %arg14[%get3A_254, %get3A_255] {strides = array<i32>} : memref<64x128xf32, #tpu.memory_space<vmem>>, vector<1x16xf32>,
        %get3A_257 = vector.shape_cast %get3A_256 : vector<1x16xf32> to vector<16xf32>
        %add3A_258 = arith.addf %get3A_253, %get3A_257 : vector<16xf32>
        %mul3A_259 = vector.broadcast %scan3A_159 : f32 to vector<16xf32>
        %mul3A_260 = arith.mulf %add3A_258, %mul3A_259 : vector<16xf32>
        %max3A_261 = arith.maximumf %add3A_258, %mul3A_260 : vector<16xf32>
        %swap3A_262 = arith.index_cast %add3A_235 : i32 to index
        %swap3A_263 = arith.constant 16 : index
        %swap3A_264 = tpu.vector_load %arg13[%swap3A_262, %swap3A_263] {strides = array<i32>} : memref<64x128xf32, #tpu.memory_space<vmem>>, vector<1x16xf32>,
        %swap3A_265 = vector.shape_cast %swap3A_264 : vector<1x16xf32> to vector<16xf32>
        %swap3A_266 = vector.shape_cast %max3A_261 : vector<16xf32> to vector<1x16xf32>
        tpu.vector_store %arg13[%swap3A_262, %swap3A_263], %swap3A_266 {strides = array<i32>} : memref<64x128xf32, #tpu.memory_space<vmem>>, vector<1x16xf32>,
        %get3A_267 = arith.index_cast %add3A_235 : i32 to index
        %get3A_268 = arith.constant 32 : index
        %get3A_269 = tpu.vector_load %arg13[%get3A_267, %get3A_268] {strides = array<i32>} : memref<64x128xf32, #tpu.memory_space<vmem>>, vector<1x16xf32>,
        %get3A_270 = vector.shape_cast %get3A_269 : vector<1x16xf32> to vector<16xf32>
        %get3A_271 = arith.index_cast %add3A_235 : i32 to index
        %get3A_272 = arith.constant 32 : index
        %get3A_273 = tpu.vector_load %arg14[%get3A_271, %get3A_272] {strides = array<i32>} : memref<64x128xf32, #tpu.memory_space<vmem>>, vector<1x16xf32>,
        %get3A_274 = vector.shape_cast %get3A_273 : vector<1x16xf32> to vector<16xf32>
        %add3A_275 = arith.addf %get3A_270, %get3A_274 : vector<16xf32>
        %mul3A_276 = vector.broadcast %scan3A_159 : f32 to vector<16xf32>
        %mul3A_277 = arith.mulf %add3A_275, %mul3A_276 : vector<16xf32>
        %max3A_278 = arith.maximumf %add3A_275, %mul3A_277 : vector<16xf32>
        %swap3A_279 = arith.index_cast %add3A_235 : i32 to index
        %swap3A_280 = arith.constant 32 : index
        %swap3A_281 = tpu.vector_load %arg13[%swap3A_279, %swap3A_280] {strides = array<i32>} : memref<64x128xf32, #tpu.memory_space<vmem>>, vector<1x16xf32>,
        %swap3A_282 = vector.shape_cast %swap3A_281 : vector<1x16xf32> to vector<16xf32>
        %swap3A_283 = vector.shape_cast %max3A_278 : vector<16xf32> to vector<1x16xf32>
        tpu.vector_store %arg13[%swap3A_279, %swap3A_280], %swap3A_283 {strides = array<i32>} : memref<64x128xf32, #tpu.memory_space<vmem>>, vector<1x16xf32>,
        %get3A_284 = arith.index_cast %add3A_235 : i32 to index
        %get3A_285 = arith.constant 48 : index
        %get3A_286 = tpu.vector_load %arg13[%get3A_284, %get3A_285] {strides = array<i32>} : memref<64x128xf32, #tpu.memory_space<vmem>>, vector<1x16xf32>,
        %get3A_287 = vector.shape_cast %get3A_286 : vector<1x16xf32> to vector<16xf32>
        %get3A_288 = arith.index_cast %add3A_235 : i32 to index
        %get3A_289 = arith.constant 48 : index
        %get3A_290 = tpu.vector_load %arg14[%get3A_288, %get3A_289] {strides = array<i32>} : memref<64x128xf32, #tpu.memory_space<vmem>>, vector<1x16xf32>,
        %get3A_291 = vector.shape_cast %get3A_290 : vector<1x16xf32> to vector<16xf32>
        %add3A_292 = arith.addf %get3A_287, %get3A_291 : vector<16xf32>
        %mul3A_293 = vector.broadcast %scan3A_159 : f32 to vector<16xf32>
        %mul3A_294 = arith.mulf %add3A_292, %mul3A_293 : vector<16xf32>
        %max3A_295 = arith.maximumf %add3A_292, %mul3A_294 : vector<16xf32>
        %swap3A_296 = arith.index_cast %add3A_235 : i32 to index
        %swap3A_297 = arith.constant 48 : index
        %swap3A_298 = tpu.vector_load %arg13[%swap3A_296, %swap3A_297] {strides = array<i32>} : memref<64x128xf32, #tpu.memory_space<vmem>>, vector<1x16xf32>,
        %swap3A_299 = vector.shape_cast %swap3A_298 : vector<1x16xf32> to vector<16xf32>
        %swap3A_300 = vector.shape_cast %max3A_295 : vector<16xf32> to vector<1x16xf32>
        tpu.vector_store %arg13[%swap3A_296, %swap3A_297], %swap3A_300 {strides = array<i32>} : memref<64x128xf32, #tpu.memory_space<vmem>>, vector<1x16xf32>,
        %get3A_301 = arith.index_cast %add3A_235 : i32 to index
        %get3A_302 = arith.constant 64 : index
        %get3A_303 = tpu.vector_load %arg13[%get3A_301, %get3A_302] {strides = array<i32>} : memref<64x128xf32, #tpu.memory_space<vmem>>, vector<1x16xf32>,
        %get3A_304 = vector.shape_cast %get3A_303 : vector<1x16xf32> to vector<16xf32>
        %get3A_305 = arith.index_cast %add3A_235 : i32 to index
        %get3A_306 = arith.constant 64 : index
        %get3A_307 = tpu.vector_load %arg14[%get3A_305, %get3A_306] {strides = array<i32>} : memref<64x128xf32, #tpu.memory_space<vmem>>, vector<1x16xf32>,
        %get3A_308 = vector.shape_cast %get3A_307 : vector<1x16xf32> to vector<16xf32>
        %add3A_309 = arith.addf %get3A_304, %get3A_308 : vector<16xf32>
        %mul3A_310 = vector.broadcast %scan3A_159 : f32 to vector<16xf32>
        %mul3A_311 = arith.mulf %add3A_309, %mul3A_310 : vector<16xf32>
        %max3A_312 = arith.maximumf %add3A_309, %mul3A_311 : vector<16xf32>
        %swap3A_313 = arith.index_cast %add3A_235 : i32 to index
        %swap3A_314 = arith.constant 64 : index
        %swap3A_315 = tpu.vector_load %arg13[%swap3A_313, %swap3A_314] {strides = array<i32>} : memref<64x128xf32, #tpu.memory_space<vmem>>, vector<1x16xf32>,
        %swap3A_316 = vector.shape_cast %swap3A_315 : vector<1x16xf32> to vector<16xf32>
        %swap3A_317 = vector.shape_cast %max3A_312 : vector<16xf32> to vector<1x16xf32>
        tpu.vector_store %arg13[%swap3A_313, %swap3A_314], %swap3A_317 {strides = array<i32>} : memref<64x128xf32, #tpu.memory_space<vmem>>, vector<1x16xf32>,
        %get3A_318 = arith.index_cast %add3A_235 : i32 to index
        %get3A_319 = arith.constant 80 : index
        %get3A_320 = tpu.vector_load %arg13[%get3A_318, %get3A_319] {strides = array<i32>} : memref<64x128xf32, #tpu.memory_space<vmem>>, vector<1x16xf32>,
        %get3A_321 = vector.shape_cast %get3A_320 : vector<1x16xf32> to vector<16xf32>
        %get3A_322 = arith.index_cast %add3A_235 : i32 to index
        %get3A_323 = arith.constant 80 : index
        %get3A_324 = tpu.vector_load %arg14[%get3A_322, %get3A_323] {strides = array<i32>} : memref<64x128xf32, #tpu.memory_space<vmem>>, vector<1x16xf32>,
        %get3A_325 = vector.shape_cast %get3A_324 : vector<1x16xf32> to vector<16xf32>
        %add3A_326 = arith.addf %get3A_321, %get3A_325 : vector<16xf32>
        %mul3A_327 = vector.broadcast %scan3A_159 : f32 to vector<16xf32>
        %mul3A_328 = arith.mulf %add3A_326, %mul3A_327 : vector<16xf32>
        %max3A_329 = arith.maximumf %add3A_326, %mul3A_328 : vector<16xf32>
        %swap3A_330 = arith.index_cast %add3A_235 : i32 to index
        %swap3A_331 = arith.constant 80 : index
        %swap3A_332 = tpu.vector_load %arg13[%swap3A_330, %swap3A_331] {strides = array<i32>} : memref<64x128xf32, #tpu.memory_space<vmem>>, vector<1x16xf32>,
        %swap3A_333 = vector.shape_cast %swap3A_332 : vector<1x16xf32> to vector<16xf32>
        %swap3A_334 = vector.shape_cast %max3A_329 : vector<16xf32> to vector<1x16xf32>
        tpu.vector_store %arg13[%swap3A_330, %swap3A_331], %swap3A_334 {strides = array<i32>} : memref<64x128xf32, #tpu.memory_space<vmem>>, vector<1x16xf32>,
        %get3A_335 = arith.index_cast %add3A_235 : i32 to index
        %get3A_336 = arith.constant 96 : index
        %get3A_337 = tpu.vector_load %arg13[%get3A_335, %get3A_336] {strides = array<i32>} : memref<64x128xf32, #tpu.memory_space<vmem>>, vector<1x16xf32>,
        %get3A_338 = vector.shape_cast %get3A_337 : vector<1x16xf32> to vector<16xf32>
        %get3A_339 = arith.index_cast %add3A_235 : i32 to index
        %get3A_340 = arith.constant 96 : index
        %get3A_341 = tpu.vector_load %arg14[%get3A_339, %get3A_340] {strides = array<i32>} : memref<64x128xf32, #tpu.memory_space<vmem>>, vector<1x16xf32>,
        %get3A_342 = vector.shape_cast %get3A_341 : vector<1x16xf32> to vector<16xf32>
        %add3A_343 = arith.addf %get3A_338, %get3A_342 : vector<16xf32>
        %mul3A_344 = vector.broadcast %scan3A_159 : f32 to vector<16xf32>
        %mul3A_345 = arith.mulf %add3A_343, %mul3A_344 : vector<16xf32>
        %max3A_346 = arith.maximumf %add3A_343, %mul3A_345 : vector<16xf32>
        %swap3A_347 = arith.index_cast %add3A_235 : i32 to index
        %swap3A_348 = arith.constant 96 : index
        %swap3A_349 = tpu.vector_load %arg13[%swap3A_347, %swap3A_348] {strides = array<i32>} : memref<64x128xf32, #tpu.memory_space<vmem>>, vector<1x16xf32>,
        %swap3A_350 = vector.shape_cast %swap3A_349 : vector<1x16xf32> to vector<16xf32>
        %swap3A_351 = vector.shape_cast %max3A_346 : vector<16xf32> to vector<1x16xf32>
        tpu.vector_store %arg13[%swap3A_347, %swap3A_348], %swap3A_351 {strides = array<i32>} : memref<64x128xf32, #tpu.memory_space<vmem>>, vector<1x16xf32>,
        %get3A_352 = arith.index_cast %add3A_235 : i32 to index
        %get3A_353 = arith.constant 112 : index
        %get3A_354 = tpu.vector_load %arg13[%get3A_352, %get3A_353] {strides = array<i32>} : memref<64x128xf32, #tpu.memory_space<vmem>>, vector<1x16xf32>,
        %get3A_355 = vector.shape_cast %get3A_354 : vector<1x16xf32> to vector<16xf32>
        %get3A_356 = arith.index_cast %add3A_235 : i32 to index
        %get3A_357 = arith.constant 112 : index
        %get3A_358 = tpu.vector_load %arg14[%get3A_356, %get3A_357] {strides = array<i32>} : memref<64x128xf32, #tpu.memory_space<vmem>>, vector<1x16xf32>,
        %get3A_359 = vector.shape_cast %get3A_358 : vector<1x16xf32> to vector<16xf32>
        %add3A_360 = arith.addf %get3A_355, %get3A_359 : vector<16xf32>
        %mul3A_361 = vector.broadcast %scan3A_159 : f32 to vector<16xf32>
        %mul3A_362 = arith.mulf %add3A_360, %mul3A_361 : vector<16xf32>
        %max3A_363 = arith.maximumf %add3A_360, %mul3A_362 : vector<16xf32>
        %swap3A_364 = arith.index_cast %add3A_235 : i32 to index
        %swap3A_365 = arith.constant 112 : index
        %swap3A_366 = tpu.vector_load %arg13[%swap3A_364, %swap3A_365] {strides = array<i32>} : memref<64x128xf32, #tpu.memory_space<vmem>>, vector<1x16xf32>,
        %swap3A_367 = vector.shape_cast %swap3A_366 : vector<1x16xf32> to vector<16xf32>
        %swap3A_368 = vector.shape_cast %max3A_363 : vector<16xf32> to vector<1x16xf32>
        tpu.vector_store %arg13[%swap3A_364, %swap3A_365], %swap3A_368 {strides = array<i32>} : memref<64x128xf32, #tpu.memory_space<vmem>>, vector<1x16xf32>,
        %mul3A_369 = arith.constant 4 : i32
        %mul3A_370 = arith.muli %mul3A_369, %scan3A_231 : i32
        %add3A_371 = arith.constant 1 : i32
        %add3A_372 = arith.addi %mul3A_370, %add3A_371 : i32
        %get3A_373 = arith.index_cast %add3A_372 : i32 to index
        %get3A_374 = arith.constant 0 : index
        %get3A_375 = tpu.vector_load %arg13[%get3A_373, %get3A_374] {strides = array<i32>} : memref<64x128xf32, #tpu.memory_space<vmem>>, vector<1x16xf32>,
        %get3A_376 = vector.shape_cast %get3A_375 : vector<1x16xf32> to vector<16xf32>
        %get3A_377 = arith.index_cast %add3A_372 : i32 to index
        %get3A_378 = arith.constant 0 : index
        %get3A_379 = tpu.vector_load %arg14[%get3A_377, %get3A_378] {strides = array<i32>} : memref<64x128xf32, #tpu.memory_space<vmem>>, vector<1x16xf32>,
        %get3A_380 = vector.shape_cast %get3A_379 : vector<1x16xf32> to vector<16xf32>
        %add3A_381 = arith.addf %get3A_376, %get3A_380 : vector<16xf32>
        %mul3A_382 = vector.broadcast %scan3A_159 : f32 to vector<16xf32>
        %mul3A_383 = arith.mulf %add3A_381, %mul3A_382 : vector<16xf32>
        %max3A_384 = arith.maximumf %add3A_381, %mul3A_383 : vector<16xf32>
        %swap3A_385 = arith.index_cast %add3A_372 : i32 to index
        %swap3A_386 = arith.constant 0 : index
        %swap3A_387 = tpu.vector_load %arg13[%swap3A_385, %swap3A_386] {strides = array<i32>} : memref<64x128xf32, #tpu.memory_space<vmem>>, vector<1x16xf32>,
        %swap3A_388 = vector.shape_cast %swap3A_387 : vector<1x16xf32> to vector<16xf32>
        %swap3A_389 = vector.shape_cast %max3A_384 : vector<16xf32> to vector<1x16xf32>
        tpu.vector_store %arg13[%swap3A_385, %swap3A_386], %swap3A_389 {strides = array<i32>} : memref<64x128xf32, #tpu.memory_space<vmem>>, vector<1x16xf32>,
        %get3A_390 = arith.index_cast %add3A_372 : i32 to index
        %get3A_391 = arith.constant 16 : index
        %get3A_392 = tpu.vector_load %arg13[%get3A_390, %get3A_391] {strides = array<i32>} : memref<64x128xf32, #tpu.memory_space<vmem>>, vector<1x16xf32>,
        %get3A_393 = vector.shape_cast %get3A_392 : vector<1x16xf32> to vector<16xf32>
        %get3A_394 = arith.index_cast %add3A_372 : i32 to index
        %get3A_395 = arith.constant 16 : index
        %get3A_396 = tpu.vector_load %arg14[%get3A_394, %get3A_395] {strides = array<i32>} : memref<64x128xf32, #tpu.memory_space<vmem>>, vector<1x16xf32>,
        %get3A_397 = vector.shape_cast %get3A_396 : vector<1x16xf32> to vector<16xf32>
        %add3A_398 = arith.addf %get3A_393, %get3A_397 : vector<16xf32>
        %mul3A_399 = vector.broadcast %scan3A_159 : f32 to vector<16xf32>
        %mul3A_400 = arith.mulf %add3A_398, %mul3A_399 : vector<16xf32>
        %max3A_401 = arith.maximumf %add3A_398, %mul3A_400 : vector<16xf32>
        %swap3A_402 = arith.index_cast %add3A_372 : i32 to index
        %swap3A_403 = arith.constant 16 : index
        %swap3A_404 = tpu.vector_load %arg13[%swap3A_402, %swap3A_403] {strides = array<i32>} : memref<64x128xf32, #tpu.memory_space<vmem>>, vector<1x16xf32>,
        %swap3A_405 = vector.shape_cast %swap3A_404 : vector<1x16xf32> to vector<16xf32>
        %swap3A_406 = vector.shape_cast %max3A_401 : vector<16xf32> to vector<1x16xf32>
        tpu.vector_store %arg13[%swap3A_402, %swap3A_403], %swap3A_406 {strides = array<i32>} : memref<64x128xf32, #tpu.memory_space<vmem>>, vector<1x16xf32>,
        %get3A_407 = arith.index_cast %add3A_372 : i32 to index
        %get3A_408 = arith.constant 32 : index
        %get3A_409 = tpu.vector_load %arg13[%get3A_407, %get3A_408] {strides = array<i32>} : memref<64x128xf32, #tpu.memory_space<vmem>>, vector<1x16xf32>,
        %get3A_410 = vector.shape_cast %get3A_409 : vector<1x16xf32> to vector<16xf32>
        %get3A_411 = arith.index_cast %add3A_372 : i32 to index
        %get3A_412 = arith.constant 32 : index
        %get3A_413 = tpu.vector_load %arg14[%get3A_411, %get3A_412] {strides = array<i32>} : memref<64x128xf32, #tpu.memory_space<vmem>>, vector<1x16xf32>,
        %get3A_414 = vector.shape_cast %get3A_413 : vector<1x16xf32> to vector<16xf32>
        %add3A_415 = arith.addf %get3A_410, %get3A_414 : vector<16xf32>
        %mul3A_416 = vector.broadcast %scan3A_159 : f32 to vector<16xf32>
        %mul3A_417 = arith.mulf %add3A_415, %mul3A_416 : vector<16xf32>
        %max3A_418 = arith.maximumf %add3A_415, %mul3A_417 : vector<16xf32>
        %swap3A_419 = arith.index_cast %add3A_372 : i32 to index
        %swap3A_420 = arith.constant 32 : index
        %swap3A_421 = tpu.vector_load %arg13[%swap3A_419, %swap3A_420] {strides = array<i32>} : memref<64x128xf32, #tpu.memory_space<vmem>>, vector<1x16xf32>,
        %swap3A_422 = vector.shape_cast %swap3A_421 : vector<1x16xf32> to vector<16xf32>
        %swap3A_423 = vector.shape_cast %max3A_418 : vector<16xf32> to vector<1x16xf32>
        tpu.vector_store %arg13[%swap3A_419, %swap3A_420], %swap3A_423 {strides = array<i32>} : memref<64x128xf32, #tpu.memory_space<vmem>>, vector<1x16xf32>,
        %get3A_424 = arith.index_cast %add3A_372 : i32 to index
        %get3A_425 = arith.constant 48 : index
        %get3A_426 = tpu.vector_load %arg13[%get3A_424, %get3A_425] {strides = array<i32>} : memref<64x128xf32, #tpu.memory_space<vmem>>, vector<1x16xf32>,
        %get3A_427 = vector.shape_cast %get3A_426 : vector<1x16xf32> to vector<16xf32>
        %get3A_428 = arith.index_cast %add3A_372 : i32 to index
        %get3A_429 = arith.constant 48 : index
        %get3A_430 = tpu.vector_load %arg14[%get3A_428, %get3A_429] {strides = array<i32>} : memref<64x128xf32, #tpu.memory_space<vmem>>, vector<1x16xf32>,
        %get3A_431 = vector.shape_cast %get3A_430 : vector<1x16xf32> to vector<16xf32>
        %add3A_432 = arith.addf %get3A_427, %get3A_431 : vector<16xf32>
        %mul3A_433 = vector.broadcast %scan3A_159 : f32 to vector<16xf32>
        %mul3A_434 = arith.mulf %add3A_432, %mul3A_433 : vector<16xf32>
        %max3A_435 = arith.maximumf %add3A_432, %mul3A_434 : vector<16xf32>
        %swap3A_436 = arith.index_cast %add3A_372 : i32 to index
        %swap3A_437 = arith.constant 48 : index
        %swap3A_438 = tpu.vector_load %arg13[%swap3A_436, %swap3A_437] {strides = array<i32>} : memref<64x128xf32, #tpu.memory_space<vmem>>, vector<1x16xf32>,
        %swap3A_439 = vector.shape_cast %swap3A_438 : vector<1x16xf32> to vector<16xf32>
        %swap3A_440 = vector.shape_cast %max3A_435 : vector<16xf32> to vector<1x16xf32>
        tpu.vector_store %arg13[%swap3A_436, %swap3A_437], %swap3A_440 {strides = array<i32>} : memref<64x128xf32, #tpu.memory_space<vmem>>, vector<1x16xf32>,
        %get3A_441 = arith.index_cast %add3A_372 : i32 to index
        %get3A_442 = arith.constant 64 : index
        %get3A_443 = tpu.vector_load %arg13[%get3A_441, %get3A_442] {strides = array<i32>} : memref<64x128xf32, #tpu.memory_space<vmem>>, vector<1x16xf32>,
        %get3A_444 = vector.shape_cast %get3A_443 : vector<1x16xf32> to vector<16xf32>
        %get3A_445 = arith.index_cast %add3A_372 : i32 to index
        %get3A_446 = arith.constant 64 : index
        %get3A_447 = tpu.vector_load %arg14[%get3A_445, %get3A_446] {strides = array<i32>} : memref<64x128xf32, #tpu.memory_space<vmem>>, vector<1x16xf32>,
        %get3A_448 = vector.shape_cast %get3A_447 : vector<1x16xf32> to vector<16xf32>
        %add3A_449 = arith.addf %get3A_444, %get3A_448 : vector<16xf32>
        %mul3A_450 = vector.broadcast %scan3A_159 : f32 to vector<16xf32>
        %mul3A_451 = arith.mulf %add3A_449, %mul3A_450 : vector<16xf32>
        %max3A_452 = arith.maximumf %add3A_449, %mul3A_451 : vector<16xf32>
        %swap3A_453 = arith.index_cast %add3A_372 : i32 to index
        %swap3A_454 = arith.constant 64 : index
        %swap3A_455 = tpu.vector_load %arg13[%swap3A_453, %swap3A_454] {strides = array<i32>} : memref<64x128xf32, #tpu.memory_space<vmem>>, vector<1x16xf32>,
        %swap3A_456 = vector.shape_cast %swap3A_455 : vector<1x16xf32> to vector<16xf32>
        %swap3A_457 = vector.shape_cast %max3A_452 : vector<16xf32> to vector<1x16xf32>
        tpu.vector_store %arg13[%swap3A_453, %swap3A_454], %swap3A_457 {strides = array<i32>} : memref<64x128xf32, #tpu.memory_space<vmem>>, vector<1x16xf32>,
        %get3A_458 = arith.index_cast %add3A_372 : i32 to index
        %get3A_459 = arith.constant 80 : index
        %get3A_460 = tpu.vector_load %arg13[%get3A_458, %get3A_459] {strides = array<i32>} : memref<64x128xf32, #tpu.memory_space<vmem>>, vector<1x16xf32>,
        %get3A_461 = vector.shape_cast %get3A_460 : vector<1x16xf32> to vector<16xf32>
        %get3A_462 = arith.index_cast %add3A_372 : i32 to index
        %get3A_463 = arith.constant 80 : index
        %get3A_464 = tpu.vector_load %arg14[%get3A_462, %get3A_463] {strides = array<i32>} : memref<64x128xf32, #tpu.memory_space<vmem>>, vector<1x16xf32>,
        %get3A_465 = vector.shape_cast %get3A_464 : vector<1x16xf32> to vector<16xf32>
        %add3A_466 = arith.addf %get3A_461, %get3A_465 : vector<16xf32>
        %mul3A_467 = vector.broadcast %scan3A_159 : f32 to vector<16xf32>
        %mul3A_468 = arith.mulf %add3A_466, %mul3A_467 : vector<16xf32>
        %max3A_469 = arith.maximumf %add3A_466, %mul3A_468 : vector<16xf32>
        %swap3A_470 = arith.index_cast %add3A_372 : i32 to index
        %swap3A_471 = arith.constant 80 : index
        %swap3A_472 = tpu.vector_load %arg13[%swap3A_470, %swap3A_471] {strides = array<i32>} : memref<64x128xf32, #tpu.memory_space<vmem>>, vector<1x16xf32>,
        %swap3A_473 = vector.shape_cast %swap3A_472 : vector<1x16xf32> to vector<16xf32>
        %swap3A_474 = vector.shape_cast %max3A_469 : vector<16xf32> to vector<1x16xf32>
        tpu.vector_store %arg13[%swap3A_470, %swap3A_471], %swap3A_474 {strides = array<i32>} : memref<64x128xf32, #tpu.memory_space<vmem>>, vector<1x16xf32>,
        %get3A_475 = arith.index_cast %add3A_372 : i32 to index
        %get3A_476 = arith.constant 96 : index
        %get3A_477 = tpu.vector_load %arg13[%get3A_475, %get3A_476] {strides = array<i32>} : memref<64x128xf32, #tpu.memory_space<vmem>>, vector<1x16xf32>,
        %get3A_478 = vector.shape_cast %get3A_477 : vector<1x16xf32> to vector<16xf32>
        %get3A_479 = arith.index_cast %add3A_372 : i32 to index
        %get3A_480 = arith.constant 96 : index
        %get3A_481 = tpu.vector_load %arg14[%get3A_479, %get3A_480] {strides = array<i32>} : memref<64x128xf32, #tpu.memory_space<vmem>>, vector<1x16xf32>,
        %get3A_482 = vector.shape_cast %get3A_481 : vector<1x16xf32> to vector<16xf32>
        %add3A_483 = arith.addf %get3A_478, %get3A_482 : vector<16xf32>
        %mul3A_484 = vector.broadcast %scan3A_159 : f32 to vector<16xf32>
        %mul3A_485 = arith.mulf %add3A_483, %mul3A_484 : vector<16xf32>
        %max3A_486 = arith.maximumf %add3A_483, %mul3A_485 : vector<16xf32>
        %swap3A_487 = arith.index_cast %add3A_372 : i32 to index
        %swap3A_488 = arith.constant 96 : index
        %swap3A_489 = tpu.vector_load %arg13[%swap3A_487, %swap3A_488] {strides = array<i32>} : memref<64x128xf32, #tpu.memory_space<vmem>>, vector<1x16xf32>,
        %swap3A_490 = vector.shape_cast %swap3A_489 : vector<1x16xf32> to vector<16xf32>
        %swap3A_491 = vector.shape_cast %max3A_486 : vector<16xf32> to vector<1x16xf32>
        tpu.vector_store %arg13[%swap3A_487, %swap3A_488], %swap3A_491 {strides = array<i32>} : memref<64x128xf32, #tpu.memory_space<vmem>>, vector<1x16xf32>,
        %get3A_492 = arith.index_cast %add3A_372 : i32 to index
        %get3A_493 = arith.constant 112 : index
        %get3A_494 = tpu.vector_load %arg13[%get3A_492, %get3A_493] {strides = array<i32>} : memref<64x128xf32, #tpu.memory_space<vmem>>, vector<1x16xf32>,
        %get3A_495 = vector.shape_cast %get3A_494 : vector<1x16xf32> to vector<16xf32>
        %get3A_496 = arith.index_cast %add3A_372 : i32 to index
        %get3A_497 = arith.constant 112 : index
        %get3A_498 = tpu.vector_load %arg14[%get3A_496, %get3A_497] {strides = array<i32>} : memref<64x128xf32, #tpu.memory_space<vmem>>, vector<1x16xf32>,
        %get3A_499 = vector.shape_cast %get3A_498 : vector<1x16xf32> to vector<16xf32>
        %add3A_500 = arith.addf %get3A_495, %get3A_499 : vector<16xf32>
        %mul3A_501 = vector.broadcast %scan3A_159 : f32 to vector<16xf32>
        %mul3A_502 = arith.mulf %add3A_500, %mul3A_501 : vector<16xf32>
        %max3A_503 = arith.maximumf %add3A_500, %mul3A_502 : vector<16xf32>
        %swap3A_504 = arith.index_cast %add3A_372 : i32 to index
        %swap3A_505 = arith.constant 112 : index
        %swap3A_506 = tpu.vector_load %arg13[%swap3A_504, %swap3A_505] {strides = array<i32>} : memref<64x128xf32, #tpu.memory_space<vmem>>, vector<1x16xf32>,
        %swap3A_507 = vector.shape_cast %swap3A_506 : vector<1x16xf32> to vector<16xf32>
        %swap3A_508 = vector.shape_cast %max3A_503 : vector<16xf32> to vector<1x16xf32>
        tpu.vector_store %arg13[%swap3A_504, %swap3A_505], %swap3A_508 {strides = array<i32>} : memref<64x128xf32, #tpu.memory_space<vmem>>, vector<1x16xf32>,
        %mul3A_509 = arith.constant 4 : i32
        %mul3A_510 = arith.muli %mul3A_509, %scan3A_231 : i32
        %add3A_511 = arith.constant 2 : i32
        %add3A_512 = arith.addi %mul3A_510, %add3A_511 : i32
        %get3A_513 = arith.index_cast %add3A_512 : i32 to index
        %get3A_514 = arith.constant 0 : index
        %get3A_515 = tpu.vector_load %arg13[%get3A_513, %get3A_514] {strides = array<i32>} : memref<64x128xf32, #tpu.memory_space<vmem>>, vector<1x16xf32>,
        %get3A_516 = vector.shape_cast %get3A_515 : vector<1x16xf32> to vector<16xf32>
        %get3A_517 = arith.index_cast %add3A_512 : i32 to index
        %get3A_518 = arith.constant 0 : index
        %get3A_519 = tpu.vector_load %arg14[%get3A_517, %get3A_518] {strides = array<i32>} : memref<64x128xf32, #tpu.memory_space<vmem>>, vector<1x16xf32>,
        %get3A_520 = vector.shape_cast %get3A_519 : vector<1x16xf32> to vector<16xf32>
        %add3A_521 = arith.addf %get3A_516, %get3A_520 : vector<16xf32>
        %mul3A_522 = vector.broadcast %scan3A_159 : f32 to vector<16xf32>
        %mul3A_523 = arith.mulf %add3A_521, %mul3A_522 : vector<16xf32>
        %max3A_524 = arith.maximumf %add3A_521, %mul3A_523 : vector<16xf32>
        %swap3A_525 = arith.index_cast %add3A_512 : i32 to index
        %swap3A_526 = arith.constant 0 : index
        %swap3A_527 = tpu.vector_load %arg13[%swap3A_525, %swap3A_526] {strides = array<i32>} : memref<64x128xf32, #tpu.memory_space<vmem>>, vector<1x16xf32>,
        %swap3A_528 = vector.shape_cast %swap3A_527 : vector<1x16xf32> to vector<16xf32>
        %swap3A_529 = vector.shape_cast %max3A_524 : vector<16xf32> to vector<1x16xf32>
        tpu.vector_store %arg13[%swap3A_525, %swap3A_526], %swap3A_529 {strides = array<i32>} : memref<64x128xf32, #tpu.memory_space<vmem>>, vector<1x16xf32>,
        %get3A_530 = arith.index_cast %add3A_512 : i32 to index
        %get3A_531 = arith.constant 16 : index
        %get3A_532 = tpu.vector_load %arg13[%get3A_530, %get3A_531] {strides = array<i32>} : memref<64x128xf32, #tpu.memory_space<vmem>>, vector<1x16xf32>,
        %get3A_533 = vector.shape_cast %get3A_532 : vector<1x16xf32> to vector<16xf32>
        %get3A_534 = arith.index_cast %add3A_512 : i32 to index
        %get3A_535 = arith.constant 16 : index
        %get3A_536 = tpu.vector_load %arg14[%get3A_534, %get3A_535] {strides = array<i32>} : memref<64x128xf32, #tpu.memory_space<vmem>>, vector<1x16xf32>,
        %get3A_537 = vector.shape_cast %get3A_536 : vector<1x16xf32> to vector<16xf32>
        %add3A_538 = arith.addf %get3A_533, %get3A_537 : vector<16xf32>
        %mul3A_539 = vector.broadcast %scan3A_159 : f32 to vector<16xf32>
        %mul3A_540 = arith.mulf %add3A_538, %mul3A_539 : vector<16xf32>
        %max3A_541 = arith.maximumf %add3A_538, %mul3A_540 : vector<16xf32>
        %swap3A_542 = arith.index_cast %add3A_512 : i32 to index
        %swap3A_543 = arith.constant 16 : index
        %swap3A_544 = tpu.vector_load %arg13[%swap3A_542, %swap3A_543] {strides = array<i32>} : memref<64x128xf32, #tpu.memory_space<vmem>>, vector<1x16xf32>,
        %swap3A_545 = vector.shape_cast %swap3A_544 : vector<1x16xf32> to vector<16xf32>
        %swap3A_546 = vector.shape_cast %max3A_541 : vector<16xf32> to vector<1x16xf32>
        tpu.vector_store %arg13[%swap3A_542, %swap3A_543], %swap3A_546 {strides = array<i32>} : memref<64x128xf32, #tpu.memory_space<vmem>>, vector<1x16xf32>,
        %get3A_547 = arith.index_cast %add3A_512 : i32 to index
        %get3A_548 = arith.constant 32 : index
        %get3A_549 = tpu.vector_load %arg13[%get3A_547, %get3A_548] {strides = array<i32>} : memref<64x128xf32, #tpu.memory_space<vmem>>, vector<1x16xf32>,
        %get3A_550 = vector.shape_cast %get3A_549 : vector<1x16xf32> to vector<16xf32>
        %get3A_551 = arith.index_cast %add3A_512 : i32 to index
        %get3A_552 = arith.constant 32 : index
        %get3A_553 = tpu.vector_load %arg14[%get3A_551, %get3A_552] {strides = array<i32>} : memref<64x128xf32, #tpu.memory_space<vmem>>, vector<1x16xf32>,
        %get3A_554 = vector.shape_cast %get3A_553 : vector<1x16xf32> to vector<16xf32>
        %add3A_555 = arith.addf %get3A_550, %get3A_554 : vector<16xf32>
        %mul3A_556 = vector.broadcast %scan3A_159 : f32 to vector<16xf32>
        %mul3A_557 = arith.mulf %add3A_555, %mul3A_556 : vector<16xf32>
        %max3A_558 = arith.maximumf %add3A_555, %mul3A_557 : vector<16xf32>
        %swap3A_559 = arith.index_cast %add3A_512 : i32 to index
        %swap3A_560 = arith.constant 32 : index
        %swap3A_561 = tpu.vector_load %arg13[%swap3A_559, %swap3A_560] {strides = array<i32>} : memref<64x128xf32, #tpu.memory_space<vmem>>, vector<1x16xf32>,
        %swap3A_562 = vector.shape_cast %swap3A_561 : vector<1x16xf32> to vector<16xf32>
        %swap3A_563 = vector.shape_cast %max3A_558 : vector<16xf32> to vector<1x16xf32>
        tpu.vector_store %arg13[%swap3A_559, %swap3A_560], %swap3A_563 {strides = array<i32>} : memref<64x128xf32, #tpu.memory_space<vmem>>, vector<1x16xf32>,
        %get3A_564 = arith.index_cast %add3A_512 : i32 to index
        %get3A_565 = arith.constant 48 : index
        %get3A_566 = tpu.vector_load %arg13[%get3A_564, %get3A_565] {strides = array<i32>} : memref<64x128xf32, #tpu.memory_space<vmem>>, vector<1x16xf32>,
        %get3A_567 = vector.shape_cast %get3A_566 : vector<1x16xf32> to vector<16xf32>
        %get3A_568 = arith.index_cast %add3A_512 : i32 to index
        %get3A_569 = arith.constant 48 : index
        %get3A_570 = tpu.vector_load %arg14[%get3A_568, %get3A_569] {strides = array<i32>} : memref<64x128xf32, #tpu.memory_space<vmem>>, vector<1x16xf32>,
        %get3A_571 = vector.shape_cast %get3A_570 : vector<1x16xf32> to vector<16xf32>
        %add3A_572 = arith.addf %get3A_567, %get3A_571 : vector<16xf32>
        %mul3A_573 = vector.broadcast %scan3A_159 : f32 to vector<16xf32>
        %mul3A_574 = arith.mulf %add3A_572, %mul3A_573 : vector<16xf32>
        %max3A_575 = arith.maximumf %add3A_572, %mul3A_574 : vector<16xf32>
        %swap3A_576 = arith.index_cast %add3A_512 : i32 to index
        %swap3A_577 = arith.constant 48 : index
        %swap3A_578 = tpu.vector_load %arg13[%swap3A_576, %swap3A_577] {strides = array<i32>} : memref<64x128xf32, #tpu.memory_space<vmem>>, vector<1x16xf32>,
        %swap3A_579 = vector.shape_cast %swap3A_578 : vector<1x16xf32> to vector<16xf32>
        %swap3A_580 = vector.shape_cast %max3A_575 : vector<16xf32> to vector<1x16xf32>
        tpu.vector_store %arg13[%swap3A_576, %swap3A_577], %swap3A_580 {strides = array<i32>} : memref<64x128xf32, #tpu.memory_space<vmem>>, vector<1x16xf32>,
        %get3A_581 = arith.index_cast %add3A_512 : i32 to index
        %get3A_582 = arith.constant 64 : index
        %get3A_583 = tpu.vector_load %arg13[%get3A_581, %get3A_582] {strides = array<i32>} : memref<64x128xf32, #tpu.memory_space<vmem>>, vector<1x16xf32>,
        %get3A_584 = vector.shape_cast %get3A_583 : vector<1x16xf32> to vector<16xf32>
        %get3A_585 = arith.index_cast %add3A_512 : i32 to index
        %get3A_586 = arith.constant 64 : index
        %get3A_587 = tpu.vector_load %arg14[%get3A_585, %get3A_586] {strides = array<i32>} : memref<64x128xf32, #tpu.memory_space<vmem>>, vector<1x16xf32>,
        %get3A_588 = vector.shape_cast %get3A_587 : vector<1x16xf32> to vector<16xf32>
        %add3A_589 = arith.addf %get3A_584, %get3A_588 : vector<16xf32>
        %mul3A_590 = vector.broadcast %scan3A_159 : f32 to vector<16xf32>
        %mul3A_591 = arith.mulf %add3A_589, %mul3A_590 : vector<16xf32>
        %max3A_592 = arith.maximumf %add3A_589, %mul3A_591 : vector<16xf32>
        %swap3A_593 = arith.index_cast %add3A_512 : i32 to index
        %swap3A_594 = arith.constant 64 : index
        %swap3A_595 = tpu.vector_load %arg13[%swap3A_593, %swap3A_594] {strides = array<i32>} : memref<64x128xf32, #tpu.memory_space<vmem>>, vector<1x16xf32>,
        %swap3A_596 = vector.shape_cast %swap3A_595 : vector<1x16xf32> to vector<16xf32>
        %swap3A_597 = vector.shape_cast %max3A_592 : vector<16xf32> to vector<1x16xf32>
        tpu.vector_store %arg13[%swap3A_593, %swap3A_594], %swap3A_597 {strides = array<i32>} : memref<64x128xf32, #tpu.memory_space<vmem>>, vector<1x16xf32>,
        %get3A_598 = arith.index_cast %add3A_512 : i32 to index
        %get3A_599 = arith.constant 80 : index
        %get3A_600 = tpu.vector_load %arg13[%get3A_598, %get3A_599] {strides = array<i32>} : memref<64x128xf32, #tpu.memory_space<vmem>>, vector<1x16xf32>,
        %get3A_601 = vector.shape_cast %get3A_600 : vector<1x16xf32> to vector<16xf32>
        %get3A_602 = arith.index_cast %add3A_512 : i32 to index
        %get3A_603 = arith.constant 80 : index
        %get3A_604 = tpu.vector_load %arg14[%get3A_602, %get3A_603] {strides = array<i32>} : memref<64x128xf32, #tpu.memory_space<vmem>>, vector<1x16xf32>,
        %get3A_605 = vector.shape_cast %get3A_604 : vector<1x16xf32> to vector<16xf32>
        %add3A_606 = arith.addf %get3A_601, %get3A_605 : vector<16xf32>
        %mul3A_607 = vector.broadcast %scan3A_159 : f32 to vector<16xf32>
        %mul3A_608 = arith.mulf %add3A_606, %mul3A_607 : vector<16xf32>
        %max3A_609 = arith.maximumf %add3A_606, %mul3A_608 : vector<16xf32>
        %swap3A_610 = arith.index_cast %add3A_512 : i32 to index
        %swap3A_611 = arith.constant 80 : index
        %swap3A_612 = tpu.vector_load %arg13[%swap3A_610, %swap3A_611] {strides = array<i32>} : memref<64x128xf32, #tpu.memory_space<vmem>>, vector<1x16xf32>,
        %swap3A_613 = vector.shape_cast %swap3A_612 : vector<1x16xf32> to vector<16xf32>
        %swap3A_614 = vector.shape_cast %max3A_609 : vector<16xf32> to vector<1x16xf32>
        tpu.vector_store %arg13[%swap3A_610, %swap3A_611], %swap3A_614 {strides = array<i32>} : memref<64x128xf32, #tpu.memory_space<vmem>>, vector<1x16xf32>,
        %get3A_615 = arith.index_cast %add3A_512 : i32 to index
        %get3A_616 = arith.constant 96 : index
        %get3A_617 = tpu.vector_load %arg13[%get3A_615, %get3A_616] {strides = array<i32>} : memref<64x128xf32, #tpu.memory_space<vmem>>, vector<1x16xf32>,
        %get3A_618 = vector.shape_cast %get3A_617 : vector<1x16xf32> to vector<16xf32>
        %get3A_619 = arith.index_cast %add3A_512 : i32 to index
        %get3A_620 = arith.constant 96 : index
        %get3A_621 = tpu.vector_load %arg14[%get3A_619, %get3A_620] {strides = array<i32>} : memref<64x128xf32, #tpu.memory_space<vmem>>, vector<1x16xf32>,
        %get3A_622 = vector.shape_cast %get3A_621 : vector<1x16xf32> to vector<16xf32>
        %add3A_623 = arith.addf %get3A_618, %get3A_622 : vector<16xf32>
        %mul3A_624 = vector.broadcast %scan3A_159 : f32 to vector<16xf32>
        %mul3A_625 = arith.mulf %add3A_623, %mul3A_624 : vector<16xf32>
        %max3A_626 = arith.maximumf %add3A_623, %mul3A_625 : vector<16xf32>
        %swap3A_627 = arith.index_cast %add3A_512 : i32 to index
        %swap3A_628 = arith.constant 96 : index
        %swap3A_629 = tpu.vector_load %arg13[%swap3A_627, %swap3A_628] {strides = array<i32>} : memref<64x128xf32, #tpu.memory_space<vmem>>, vector<1x16xf32>,
        %swap3A_630 = vector.shape_cast %swap3A_629 : vector<1x16xf32> to vector<16xf32>
        %swap3A_631 = vector.shape_cast %max3A_626 : vector<16xf32> to vector<1x16xf32>
        tpu.vector_store %arg13[%swap3A_627, %swap3A_628], %swap3A_631 {strides = array<i32>} : memref<64x128xf32, #tpu.memory_space<vmem>>, vector<1x16xf32>,
        %get3A_632 = arith.index_cast %add3A_512 : i32 to index
        %get3A_633 = arith.constant 112 : index
        %get3A_634 = tpu.vector_load %arg13[%get3A_632, %get3A_633] {strides = array<i32>} : memref<64x128xf32, #tpu.memory_space<vmem>>, vector<1x16xf32>,
        %get3A_635 = vector.shape_cast %get3A_634 : vector<1x16xf32> to vector<16xf32>
        %get3A_636 = arith.index_cast %add3A_512 : i32 to index
        %get3A_637 = arith.constant 112 : index
        %get3A_638 = tpu.vector_load %arg14[%get3A_636, %get3A_637] {strides = array<i32>} : memref<64x128xf32, #tpu.memory_space<vmem>>, vector<1x16xf32>,
        %get3A_639 = vector.shape_cast %get3A_638 : vector<1x16xf32> to vector<16xf32>
        %add3A_640 = arith.addf %get3A_635, %get3A_639 : vector<16xf32>
        %mul3A_641 = vector.broadcast %scan3A_159 : f32 to vector<16xf32>
        %mul3A_642 = arith.mulf %add3A_640, %mul3A_641 : vector<16xf32>
        %max3A_643 = arith.maximumf %add3A_640, %mul3A_642 : vector<16xf32>
        %swap3A_644 = arith.index_cast %add3A_512 : i32 to index
        %swap3A_645 = arith.constant 112 : index
        %swap3A_646 = tpu.vector_load %arg13[%swap3A_644, %swap3A_645] {strides = array<i32>} : memref<64x128xf32, #tpu.memory_space<vmem>>, vector<1x16xf32>,
        %swap3A_647 = vector.shape_cast %swap3A_646 : vector<1x16xf32> to vector<16xf32>
        %swap3A_648 = vector.shape_cast %max3A_643 : vector<16xf32> to vector<1x16xf32>
        tpu.vector_store %arg13[%swap3A_644, %swap3A_645], %swap3A_648 {strides = array<i32>} : memref<64x128xf32, #tpu.memory_space<vmem>>, vector<1x16xf32>,
        %mul3A_649 = arith.constant 4 : i32
        %mul3A_650 = arith.muli %mul3A_649, %scan3A_231 : i32
        %add3A_651 = arith.constant 3 : i32
        %add3A_652 = arith.addi %mul3A_650, %add3A_651 : i32
        %get3A_653 = arith.index_cast %add3A_652 : i32 to index
        %get3A_654 = arith.constant 0 : index
        %get3A_655 = tpu.vector_load %arg13[%get3A_653, %get3A_654] {strides = array<i32>} : memref<64x128xf32, #tpu.memory_space<vmem>>, vector<1x16xf32>,
        %get3A_656 = vector.shape_cast %get3A_655 : vector<1x16xf32> to vector<16xf32>
        %get3A_657 = arith.index_cast %add3A_652 : i32 to index
        %get3A_658 = arith.constant 0 : index
        %get3A_659 = tpu.vector_load %arg14[%get3A_657, %get3A_658] {strides = array<i32>} : memref<64x128xf32, #tpu.memory_space<vmem>>, vector<1x16xf32>,
        %get3A_660 = vector.shape_cast %get3A_659 : vector<1x16xf32> to vector<16xf32>
        %add3A_661 = arith.addf %get3A_656, %get3A_660 : vector<16xf32>
        %mul3A_662 = vector.broadcast %scan3A_159 : f32 to vector<16xf32>
        %mul3A_663 = arith.mulf %add3A_661, %mul3A_662 : vector<16xf32>
        %max3A_664 = arith.maximumf %add3A_661, %mul3A_663 : vector<16xf32>
        %swap3A_665 = arith.index_cast %add3A_652 : i32 to index
        %swap3A_666 = arith.constant 0 : index
        %swap3A_667 = tpu.vector_load %arg13[%swap3A_665, %swap3A_666] {strides = array<i32>} : memref<64x128xf32, #tpu.memory_space<vmem>>, vector<1x16xf32>,
        %swap3A_668 = vector.shape_cast %swap3A_667 : vector<1x16xf32> to vector<16xf32>
        %swap3A_669 = vector.shape_cast %max3A_664 : vector<16xf32> to vector<1x16xf32>
        tpu.vector_store %arg13[%swap3A_665, %swap3A_666], %swap3A_669 {strides = array<i32>} : memref<64x128xf32, #tpu.memory_space<vmem>>, vector<1x16xf32>,
        %get3A_670 = arith.index_cast %add3A_652 : i32 to index
        %get3A_671 = arith.constant 16 : index
        %get3A_672 = tpu.vector_load %arg13[%get3A_670, %get3A_671] {strides = array<i32>} : memref<64x128xf32, #tpu.memory_space<vmem>>, vector<1x16xf32>,
        %get3A_673 = vector.shape_cast %get3A_672 : vector<1x16xf32> to vector<16xf32>
        %get3A_674 = arith.index_cast %add3A_652 : i32 to index
        %get3A_675 = arith.constant 16 : index
        %get3A_676 = tpu.vector_load %arg14[%get3A_674, %get3A_675] {strides = array<i32>} : memref<64x128xf32, #tpu.memory_space<vmem>>, vector<1x16xf32>,
        %get3A_677 = vector.shape_cast %get3A_676 : vector<1x16xf32> to vector<16xf32>
        %add3A_678 = arith.addf %get3A_673, %get3A_677 : vector<16xf32>
        %mul3A_679 = vector.broadcast %scan3A_159 : f32 to vector<16xf32>
        %mul3A_680 = arith.mulf %add3A_678, %mul3A_679 : vector<16xf32>
        %max3A_681 = arith.maximumf %add3A_678, %mul3A_680 : vector<16xf32>
        %swap3A_682 = arith.index_cast %add3A_652 : i32 to index
        %swap3A_683 = arith.constant 16 : index
        %swap3A_684 = tpu.vector_load %arg13[%swap3A_682, %swap3A_683] {strides = array<i32>} : memref<64x128xf32, #tpu.memory_space<vmem>>, vector<1x16xf32>,
        %swap3A_685 = vector.shape_cast %swap3A_684 : vector<1x16xf32> to vector<16xf32>
        %swap3A_686 = vector.shape_cast %max3A_681 : vector<16xf32> to vector<1x16xf32>
        tpu.vector_store %arg13[%swap3A_682, %swap3A_683], %swap3A_686 {strides = array<i32>} : memref<64x128xf32, #tpu.memory_space<vmem>>, vector<1x16xf32>,
        %get3A_687 = arith.index_cast %add3A_652 : i32 to index
        %get3A_688 = arith.constant 32 : index
        %get3A_689 = tpu.vector_load %arg13[%get3A_687, %get3A_688] {strides = array<i32>} : memref<64x128xf32, #tpu.memory_space<vmem>>, vector<1x16xf32>,
        %get3A_690 = vector.shape_cast %get3A_689 : vector<1x16xf32> to vector<16xf32>
        %get3A_691 = arith.index_cast %add3A_652 : i32 to index
        %get3A_692 = arith.constant 32 : index
        %get3A_693 = tpu.vector_load %arg14[%get3A_691, %get3A_692] {strides = array<i32>} : memref<64x128xf32, #tpu.memory_space<vmem>>, vector<1x16xf32>,
        %get3A_694 = vector.shape_cast %get3A_693 : vector<1x16xf32> to vector<16xf32>
        %add3A_695 = arith.addf %get3A_690, %get3A_694 : vector<16xf32>
        %mul3A_696 = vector.broadcast %scan3A_159 : f32 to vector<16xf32>
        %mul3A_697 = arith.mulf %add3A_695, %mul3A_696 : vector<16xf32>
        %max3A_698 = arith.maximumf %add3A_695, %mul3A_697 : vector<16xf32>
        %swap3A_699 = arith.index_cast %add3A_652 : i32 to index
        %swap3A_700 = arith.constant 32 : index
        %swap3A_701 = tpu.vector_load %arg13[%swap3A_699, %swap3A_700] {strides = array<i32>} : memref<64x128xf32, #tpu.memory_space<vmem>>, vector<1x16xf32>,
        %swap3A_702 = vector.shape_cast %swap3A_701 : vector<1x16xf32> to vector<16xf32>
        %swap3A_703 = vector.shape_cast %max3A_698 : vector<16xf32> to vector<1x16xf32>
        tpu.vector_store %arg13[%swap3A_699, %swap3A_700], %swap3A_703 {strides = array<i32>} : memref<64x128xf32, #tpu.memory_space<vmem>>, vector<1x16xf32>,
        %get3A_704 = arith.index_cast %add3A_652 : i32 to index
        %get3A_705 = arith.constant 48 : index
        %get3A_706 = tpu.vector_load %arg13[%get3A_704, %get3A_705] {strides = array<i32>} : memref<64x128xf32, #tpu.memory_space<vmem>>, vector<1x16xf32>,
        %get3A_707 = vector.shape_cast %get3A_706 : vector<1x16xf32> to vector<16xf32>
        %get3A_708 = arith.index_cast %add3A_652 : i32 to index
        %get3A_709 = arith.constant 48 : index
        %get3A_710 = tpu.vector_load %arg14[%get3A_708, %get3A_709] {strides = array<i32>} : memref<64x128xf32, #tpu.memory_space<vmem>>, vector<1x16xf32>,
        %get3A_711 = vector.shape_cast %get3A_710 : vector<1x16xf32> to vector<16xf32>
        %add3A_712 = arith.addf %get3A_707, %get3A_711 : vector<16xf32>
        %mul3A_713 = vector.broadcast %scan3A_159 : f32 to vector<16xf32>
        %mul3A_714 = arith.mulf %add3A_712, %mul3A_713 : vector<16xf32>
        %max3A_715 = arith.maximumf %add3A_712, %mul3A_714 : vector<16xf32>
        %swap3A_716 = arith.index_cast %add3A_652 : i32 to index
        %swap3A_717 = arith.constant 48 : index
        %swap3A_718 = tpu.vector_load %arg13[%swap3A_716, %swap3A_717] {strides = array<i32>} : memref<64x128xf32, #tpu.memory_space<vmem>>, vector<1x16xf32>,
        %swap3A_719 = vector.shape_cast %swap3A_718 : vector<1x16xf32> to vector<16xf32>
        %swap3A_720 = vector.shape_cast %max3A_715 : vector<16xf32> to vector<1x16xf32>
        tpu.vector_store %arg13[%swap3A_716, %swap3A_717], %swap3A_720 {strides = array<i32>} : memref<64x128xf32, #tpu.memory_space<vmem>>, vector<1x16xf32>,
        %get3A_721 = arith.index_cast %add3A_652 : i32 to index
        %get3A_722 = arith.constant 64 : index
        %get3A_723 = tpu.vector_load %arg13[%get3A_721, %get3A_722] {strides = array<i32>} : memref<64x128xf32, #tpu.memory_space<vmem>>, vector<1x16xf32>,
        %get3A_724 = vector.shape_cast %get3A_723 : vector<1x16xf32> to vector<16xf32>
        %get3A_725 = arith.index_cast %add3A_652 : i32 to index
        %get3A_726 = arith.constant 64 : index
        %get3A_727 = tpu.vector_load %arg14[%get3A_725, %get3A_726] {strides = array<i32>} : memref<64x128xf32, #tpu.memory_space<vmem>>, vector<1x16xf32>,
        %get3A_728 = vector.shape_cast %get3A_727 : vector<1x16xf32> to vector<16xf32>
        %add3A_729 = arith.addf %get3A_724, %get3A_728 : vector<16xf32>
        %mul3A_730 = vector.broadcast %scan3A_159 : f32 to vector<16xf32>
        %mul3A_731 = arith.mulf %add3A_729, %mul3A_730 : vector<16xf32>
        %max3A_732 = arith.maximumf %add3A_729, %mul3A_731 : vector<16xf32>
        %swap3A_733 = arith.index_cast %add3A_652 : i32 to index
        %swap3A_734 = arith.constant 64 : index
        %swap3A_735 = tpu.vector_load %arg13[%swap3A_733, %swap3A_734] {strides = array<i32>} : memref<64x128xf32, #tpu.memory_space<vmem>>, vector<1x16xf32>,
        %swap3A_736 = vector.shape_cast %swap3A_735 : vector<1x16xf32> to vector<16xf32>
        %swap3A_737 = vector.shape_cast %max3A_732 : vector<16xf32> to vector<1x16xf32>
        tpu.vector_store %arg13[%swap3A_733, %swap3A_734], %swap3A_737 {strides = array<i32>} : memref<64x128xf32, #tpu.memory_space<vmem>>, vector<1x16xf32>,
        %get3A_738 = arith.index_cast %add3A_652 : i32 to index
        %get3A_739 = arith.constant 80 : index
        %get3A_740 = tpu.vector_load %arg13[%get3A_738, %get3A_739] {strides = array<i32>} : memref<64x128xf32, #tpu.memory_space<vmem>>, vector<1x16xf32>,
        %get3A_741 = vector.shape_cast %get3A_740 : vector<1x16xf32> to vector<16xf32>
        %get3A_742 = arith.index_cast %add3A_652 : i32 to index
        %get3A_743 = arith.constant 80 : index
        %get3A_744 = tpu.vector_load %arg14[%get3A_742, %get3A_743] {strides = array<i32>} : memref<64x128xf32, #tpu.memory_space<vmem>>, vector<1x16xf32>,
        %get3A_745 = vector.shape_cast %get3A_744 : vector<1x16xf32> to vector<16xf32>
        %add3A_746 = arith.addf %get3A_741, %get3A_745 : vector<16xf32>
        %mul3A_747 = vector.broadcast %scan3A_159 : f32 to vector<16xf32>
        %mul3A_748 = arith.mulf %add3A_746, %mul3A_747 : vector<16xf32>
        %max3A_749 = arith.maximumf %add3A_746, %mul3A_748 : vector<16xf32>
        %swap3A_750 = arith.index_cast %add3A_652 : i32 to index
        %swap3A_751 = arith.constant 80 : index
        %swap3A_752 = tpu.vector_load %arg13[%swap3A_750, %swap3A_751] {strides = array<i32>} : memref<64x128xf32, #tpu.memory_space<vmem>>, vector<1x16xf32>,
        %swap3A_753 = vector.shape_cast %swap3A_752 : vector<1x16xf32> to vector<16xf32>
        %swap3A_754 = vector.shape_cast %max3A_749 : vector<16xf32> to vector<1x16xf32>
        tpu.vector_store %arg13[%swap3A_750, %swap3A_751], %swap3A_754 {strides = array<i32>} : memref<64x128xf32, #tpu.memory_space<vmem>>, vector<1x16xf32>,
        %get3A_755 = arith.index_cast %add3A_652 : i32 to index
        %get3A_756 = arith.constant 96 : index
        %get3A_757 = tpu.vector_load %arg13[%get3A_755, %get3A_756] {strides = array<i32>} : memref<64x128xf32, #tpu.memory_space<vmem>>, vector<1x16xf32>,
        %get3A_758 = vector.shape_cast %get3A_757 : vector<1x16xf32> to vector<16xf32>
        %get3A_759 = arith.index_cast %add3A_652 : i32 to index
        %get3A_760 = arith.constant 96 : index
        %get3A_761 = tpu.vector_load %arg14[%get3A_759, %get3A_760] {strides = array<i32>} : memref<64x128xf32, #tpu.memory_space<vmem>>, vector<1x16xf32>,
        %get3A_762 = vector.shape_cast %get3A_761 : vector<1x16xf32> to vector<16xf32>
        %add3A_763 = arith.addf %get3A_758, %get3A_762 : vector<16xf32>
        %mul3A_764 = vector.broadcast %scan3A_159 : f32 to vector<16xf32>
        %mul3A_765 = arith.mulf %add3A_763, %mul3A_764 : vector<16xf32>
        %max3A_766 = arith.maximumf %add3A_763, %mul3A_765 : vector<16xf32>
        %swap3A_767 = arith.index_cast %add3A_652 : i32 to index
        %swap3A_768 = arith.constant 96 : index
        %swap3A_769 = tpu.vector_load %arg13[%swap3A_767, %swap3A_768] {strides = array<i32>} : memref<64x128xf32, #tpu.memory_space<vmem>>, vector<1x16xf32>,
        %swap3A_770 = vector.shape_cast %swap3A_769 : vector<1x16xf32> to vector<16xf32>
        %swap3A_771 = vector.shape_cast %max3A_766 : vector<16xf32> to vector<1x16xf32>
        tpu.vector_store %arg13[%swap3A_767, %swap3A_768], %swap3A_771 {strides = array<i32>} : memref<64x128xf32, #tpu.memory_space<vmem>>, vector<1x16xf32>,
        %get3A_772 = arith.index_cast %add3A_652 : i32 to index
        %get3A_773 = arith.constant 112 : index
        %get3A_774 = tpu.vector_load %arg13[%get3A_772, %get3A_773] {strides = array<i32>} : memref<64x128xf32, #tpu.memory_space<vmem>>, vector<1x16xf32>,
        %get3A_775 = vector.shape_cast %get3A_774 : vector<1x16xf32> to vector<16xf32>
        %get3A_776 = arith.index_cast %add3A_652 : i32 to index
        %get3A_777 = arith.constant 112 : index
        %get3A_778 = tpu.vector_load %arg14[%get3A_776, %get3A_777] {strides = array<i32>} : memref<64x128xf32, #tpu.memory_space<vmem>>, vector<1x16xf32>,
        %get3A_779 = vector.shape_cast %get3A_778 : vector<1x16xf32> to vector<16xf32>
        %add3A_780 = arith.addf %get3A_775, %get3A_779 : vector<16xf32>
        %mul3A_781 = vector.broadcast %scan3A_159 : f32 to vector<16xf32>
        %mul3A_782 = arith.mulf %add3A_780, %mul3A_781 : vector<16xf32>
        %max3A_783 = arith.maximumf %add3A_780, %mul3A_782 : vector<16xf32>
        %swap3A_784 = arith.index_cast %add3A_652 : i32 to index
        %swap3A_785 = arith.constant 112 : index
        %swap3A_786 = tpu.vector_load %arg13[%swap3A_784, %swap3A_785] {strides = array<i32>} : memref<64x128xf32, #tpu.memory_space<vmem>>, vector<1x16xf32>,
        %swap3A_787 = vector.shape_cast %swap3A_786 : vector<1x16xf32> to vector<16xf32>
        %swap3A_788 = vector.shape_cast %max3A_783 : vector<16xf32> to vector<1x16xf32>
        tpu.vector_store %arg13[%swap3A_784, %swap3A_785], %swap3A_788 {strides = array<i32>} : memref<64x128xf32, #tpu.memory_space<vmem>>, vector<1x16xf32>,
      }
      %scan3A_164 = arith.constant 16 : i32
      %add3A_165 = arith.addi %mul3A_2, %scan3A_52 : i32
      %dma_start3A_166 = arith.constant 128 : i32
      %dma_start3A_167 = arith.constant 0 : i32
      %dma_start3A_168 = tpu.memref_slice %arg6[%add3A_165, %dma_start3A_166, %dma_start3A_167] : memref<2048x256x128xf32, #tpu.memory_space<hbm>> -> memref<1x64x128xf32, #tpu.memory_space<hbm>>
      %dma_start3A_169 = tpu.memref_squeeze %dma_start3A_168 : memref<1x64x128xf32, #tpu.memory_space<hbm>> -> memref<64x128xf32, #tpu.memory_space<hbm>>
      %dma_start3A_170 = arith.constant 128 : i32
      %dma_start3A_171 = arith.constant 0 : i32
      %dma_start3A_172 = tpu.memref_slice %arg6[%add3A_165, %dma_start3A_170, %dma_start3A_171] : memref<2048x256x128xf32, #tpu.memory_space<hbm>> -> memref<1x64x128xf32, #tpu.memory_space<hbm>>
      %dma_start3A_173 = tpu.memref_squeeze %dma_start3A_172 : memref<1x64x128xf32, #tpu.memory_space<hbm>> -> memref<64x128xf32, #tpu.memory_space<hbm>>
      tpu.enqueue_dma source(%arg13 : memref<64x128xf32, #tpu.memory_space<vmem>>) target(%dma_start3A_173 : memref<64x128xf32, #tpu.memory_space<hbm>>) target_semaphore(%arg23 : memref<!tpu.dma_semaphore, #tpu.memory_space<semaphore_mem>>)
      %dma_wait3A_174 = arith.constant 0 : i32
      %dma_wait3A_175 = arith.constant 0 : i32
      %dma_wait3A_176 = arith.constant 0 : i32
      %dma_wait3A_177 = tpu.memref_slice %arg6[%dma_wait3A_174, %dma_wait3A_175, %dma_wait3A_176] : memref<2048x256x128xf32, #tpu.memory_space<hbm>> -> memref<1x64x128xf32, #tpu.memory_space<hbm>>
      %dma_wait3A_178 = tpu.memref_squeeze %dma_wait3A_177 : memref<1x64x128xf32, #tpu.memory_space<hbm>> -> memref<64x128xf32, #tpu.memory_space<hbm>>
      %dma_wait3A_179 = arith.constant 0 : i32
      %dma_wait3A_180 = arith.constant 0 : i32
      %dma_wait3A_181 = tpu.memref_slice %arg6[%dma_wait3A_174, %dma_wait3A_179, %dma_wait3A_180] : memref<2048x256x128xf32, #tpu.memory_space<hbm>> -> memref<1x64x128xf32, #tpu.memory_space<hbm>>
      %dma_wait3A_182 = tpu.memref_squeeze %dma_wait3A_181 : memref<1x64x128xf32, #tpu.memory_space<hbm>> -> memref<64x128xf32, #tpu.memory_space<hbm>>
      tpu.wait_dma2 semaphore(%arg21 : memref<!tpu.dma_semaphore, #tpu.memory_space<semaphore_mem>>) src(%arg9 : memref<64x128xf32, #tpu.memory_space<vmem>>) dst(%dma_wait3A_182 : memref<64x128xf32, #tpu.memory_space<hbm>>)
      %lt3A = arith.constant 63 : i32
      %lt3A_183 = arith.cmpi slt, %scan3A_52, %lt3A : i32
      %convert_element_type3A_184 = arith.extui %lt3A_183 : i1 to i32
      %cond3A_185 = arith.constant 0 : i32
      %cond3A_186 = arith.cmpi ne, %convert_element_type3A_184, %cond3A_185 : i32
      scf.if %cond3A_186 {
        %add3A_231 = arith.constant 1 : i32
        %add3A_232 = arith.addi %scan3A_52, %add3A_231 : i32
        %dma_start3A_233 = arith.constant 0 : i32
        %dma_start3A_234 = tpu.memref_slice %arg7[%add3A_232, %dma_start3A_233] : memref<64x256xi32, #tpu.memory_space<vmem>> -> memref<1x64xi32, #tpu.memory_space<vmem>>
        %dma_start3A_235 = tpu.memref_squeeze %dma_start3A_234 : memref<1x64xi32, #tpu.memory_space<vmem>> -> memref<64xi32, #tpu.memory_space<vmem>>
        %dma_start3A_236 = arith.constant 0 : i32
        %dma_start3A_237 = arith.constant 0 : i32
        %dma_start3A_238 = tpu.memref_slice %arg4[%dma_start3A_236, %dma_start3A_237] : memref<1032x128xf32, #tpu.memory_space<hbm>> -> memref<1032x128xf32, #tpu.memory_space<hbm>>
        tpu.enqueue_indirect_dma source(%dma_start3A_238 : memref<1032x128xf32, #tpu.memory_space<hbm>>) target(%arg9 : memref<64x128xf32, #tpu.memory_space<vmem>>) offsets(%dma_start3A_235 : memref<64xi32, #tpu.memory_space<vmem>>) semaphore(%arg17 : memref<!tpu.dma_semaphore, #tpu.memory_space<semaphore_mem>>)
        %dma_start3A_239 = arith.constant 0 : i32
        %dma_start3A_240 = tpu.memref_slice %arg8[%add3A_232, %dma_start3A_239] : memref<64x256xi32, #tpu.memory_space<vmem>> -> memref<1x64xi32, #tpu.memory_space<vmem>>
        %dma_start3A_241 = tpu.memref_squeeze %dma_start3A_240 : memref<1x64xi32, #tpu.memory_space<vmem>> -> memref<64xi32, #tpu.memory_space<vmem>>
        %dma_start3A_242 = arith.constant 0 : i32
        %dma_start3A_243 = arith.constant 0 : i32
        %dma_start3A_244 = tpu.memref_slice %arg5[%dma_start3A_242, %dma_start3A_243] : memref<1032x128xf32, #tpu.memory_space<hbm>> -> memref<1032x128xf32, #tpu.memory_space<hbm>>
        tpu.enqueue_indirect_dma source(%dma_start3A_244 : memref<1032x128xf32, #tpu.memory_space<hbm>>) target(%arg10 : memref<64x128xf32, #tpu.memory_space<vmem>>) offsets(%dma_start3A_241 : memref<64xi32, #tpu.memory_space<vmem>>) semaphore(%arg17 : memref<!tpu.dma_semaphore, #tpu.memory_space<semaphore_mem>>)
      } else {
      }
      %dma_wait3A_187 = arith.constant 0 : i32
      %dma_wait3A_188 = arith.constant 0 : i32
      %dma_wait3A_189 = tpu.memref_slice %arg7[%dma_wait3A_187, %dma_wait3A_188] : memref<64x256xi32, #tpu.memory_space<vmem>> -> memref<1x64xi32, #tpu.memory_space<vmem>>
      %dma_wait3A_190 = tpu.memref_squeeze %dma_wait3A_189 : memref<1x64xi32, #tpu.memory_space<vmem>> -> memref<64xi32, #tpu.memory_space<vmem>>
      %dma_wait3A_191 = arith.constant 0 : i32
      %dma_wait3A_192 = arith.constant 0 : i32
      %dma_wait3A_193 = tpu.memref_slice %arg4[%dma_wait3A_191, %dma_wait3A_192] : memref<1032x128xf32, #tpu.memory_space<hbm>> -> memref<1032x128xf32, #tpu.memory_space<hbm>>
      tpu.wait_indirect_dma semaphore(%arg20 : memref<!tpu.dma_semaphore, #tpu.memory_space<semaphore_mem>>) src(%dma_wait3A_193 : memref<1032x128xf32, #tpu.memory_space<hbm>>) dst(%arg15 : memref<64x128xf32, #tpu.memory_space<vmem>>)
      %dma_wait3A_194 = arith.constant 0 : i32
      %dma_wait3A_195 = arith.constant 0 : i32
      %dma_wait3A_196 = tpu.memref_slice %arg8[%dma_wait3A_194, %dma_wait3A_195] : memref<64x256xi32, #tpu.memory_space<vmem>> -> memref<1x64xi32, #tpu.memory_space<vmem>>
      %dma_wait3A_197 = tpu.memref_squeeze %dma_wait3A_196 : memref<1x64xi32, #tpu.memory_space<vmem>> -> memref<64xi32, #tpu.memory_space<vmem>>
      %dma_wait3A_198 = arith.constant 0 : i32
      %dma_wait3A_199 = arith.constant 0 : i32
      %dma_wait3A_200 = tpu.memref_slice %arg5[%dma_wait3A_198, %dma_wait3A_199] : memref<1032x128xf32, #tpu.memory_space<hbm>> -> memref<1032x128xf32, #tpu.memory_space<hbm>>
      tpu.wait_indirect_dma semaphore(%arg20 : memref<!tpu.dma_semaphore, #tpu.memory_space<semaphore_mem>>) src(%dma_wait3A_200 : memref<1032x128xf32, #tpu.memory_space<hbm>>) dst(%arg16 : memref<64x128xf32, #tpu.memory_space<vmem>>)
      %scan3A_201 = arith.constant 0 : i32
      %scan3A_202 = arith.constant 0.00999999977 : f32
      %scan3A_203 = arith.constant 0 : i32
      %scan3A_204 = arith.constant 16 : i32
      %scan3A_205 = arith.addi %scan3A_203, %scan3A_204 : i32
      %scan3A_206 = arith.constant 1 : i32
      scf.for %scan3A_231 = %scan3A_203 to %scan3A_205 step %scan3A_206  : i32 {
        %mul3A_232 = arith.constant 4 : i32
        %mul3A_233 = arith.muli %mul3A_232, %scan3A_231 : i32
        %add3A_234 = arith.constant 0 : i32
        %add3A_235 = arith.addi %mul3A_233, %add3A_234 : i32
        %get3A = arith.index_cast %add3A_235 : i32 to index
        %get3A_236 = arith.constant 0 : index
        %get3A_237 = tpu.vector_load %arg15[%get3A, %get3A_236] {strides = array<i32>} : memref<64x128xf32, #tpu.memory_space<vmem>>, vector<1x16xf32>,
        %get3A_238 = vector.shape_cast %get3A_237 : vector<1x16xf32> to vector<16xf32>
        %get3A_239 = arith.index_cast %add3A_235 : i32 to index
        %get3A_240 = arith.constant 0 : index
        %get3A_241 = tpu.vector_load %arg16[%get3A_239, %get3A_240] {strides = array<i32>} : memref<64x128xf32, #tpu.memory_space<vmem>>, vector<1x16xf32>,
        %get3A_242 = vector.shape_cast %get3A_241 : vector<1x16xf32> to vector<16xf32>
        %add3A_243 = arith.addf %get3A_238, %get3A_242 : vector<16xf32>
        %mul3A_244 = vector.broadcast %scan3A_202 : f32 to vector<16xf32>
        %mul3A_245 = arith.mulf %add3A_243, %mul3A_244 : vector<16xf32>
        %max3A = arith.maximumf %add3A_243, %mul3A_245 : vector<16xf32>
        %swap3A = arith.index_cast %add3A_235 : i32 to index
        %swap3A_246 = arith.constant 0 : index
        %swap3A_247 = tpu.vector_load %arg15[%swap3A, %swap3A_246] {strides = array<i32>} : memref<64x128xf32, #tpu.memory_space<vmem>>, vector<1x16xf32>,
        %swap3A_248 = vector.shape_cast %swap3A_247 : vector<1x16xf32> to vector<16xf32>
        %swap3A_249 = vector.shape_cast %max3A : vector<16xf32> to vector<1x16xf32>
        tpu.vector_store %arg15[%swap3A, %swap3A_246], %swap3A_249 {strides = array<i32>} : memref<64x128xf32, #tpu.memory_space<vmem>>, vector<1x16xf32>,
        %get3A_250 = arith.index_cast %add3A_235 : i32 to index
        %get3A_251 = arith.constant 16 : index
        %get3A_252 = tpu.vector_load %arg15[%get3A_250, %get3A_251] {strides = array<i32>} : memref<64x128xf32, #tpu.memory_space<vmem>>, vector<1x16xf32>,
        %get3A_253 = vector.shape_cast %get3A_252 : vector<1x16xf32> to vector<16xf32>
        %get3A_254 = arith.index_cast %add3A_235 : i32 to index
        %get3A_255 = arith.constant 16 : index
        %get3A_256 = tpu.vector_load %arg16[%get3A_254, %get3A_255] {strides = array<i32>} : memref<64x128xf32, #tpu.memory_space<vmem>>, vector<1x16xf32>,
        %get3A_257 = vector.shape_cast %get3A_256 : vector<1x16xf32> to vector<16xf32>
        %add3A_258 = arith.addf %get3A_253, %get3A_257 : vector<16xf32>
        %mul3A_259 = vector.broadcast %scan3A_202 : f32 to vector<16xf32>
        %mul3A_260 = arith.mulf %add3A_258, %mul3A_259 : vector<16xf32>
        %max3A_261 = arith.maximumf %add3A_258, %mul3A_260 : vector<16xf32>
        %swap3A_262 = arith.index_cast %add3A_235 : i32 to index
        %swap3A_263 = arith.constant 16 : index
        %swap3A_264 = tpu.vector_load %arg15[%swap3A_262, %swap3A_263] {strides = array<i32>} : memref<64x128xf32, #tpu.memory_space<vmem>>, vector<1x16xf32>,
        %swap3A_265 = vector.shape_cast %swap3A_264 : vector<1x16xf32> to vector<16xf32>
        %swap3A_266 = vector.shape_cast %max3A_261 : vector<16xf32> to vector<1x16xf32>
        tpu.vector_store %arg15[%swap3A_262, %swap3A_263], %swap3A_266 {strides = array<i32>} : memref<64x128xf32, #tpu.memory_space<vmem>>, vector<1x16xf32>,
        %get3A_267 = arith.index_cast %add3A_235 : i32 to index
        %get3A_268 = arith.constant 32 : index
        %get3A_269 = tpu.vector_load %arg15[%get3A_267, %get3A_268] {strides = array<i32>} : memref<64x128xf32, #tpu.memory_space<vmem>>, vector<1x16xf32>,
        %get3A_270 = vector.shape_cast %get3A_269 : vector<1x16xf32> to vector<16xf32>
        %get3A_271 = arith.index_cast %add3A_235 : i32 to index
        %get3A_272 = arith.constant 32 : index
        %get3A_273 = tpu.vector_load %arg16[%get3A_271, %get3A_272] {strides = array<i32>} : memref<64x128xf32, #tpu.memory_space<vmem>>, vector<1x16xf32>,
        %get3A_274 = vector.shape_cast %get3A_273 : vector<1x16xf32> to vector<16xf32>
        %add3A_275 = arith.addf %get3A_270, %get3A_274 : vector<16xf32>
        %mul3A_276 = vector.broadcast %scan3A_202 : f32 to vector<16xf32>
        %mul3A_277 = arith.mulf %add3A_275, %mul3A_276 : vector<16xf32>
        %max3A_278 = arith.maximumf %add3A_275, %mul3A_277 : vector<16xf32>
        %swap3A_279 = arith.index_cast %add3A_235 : i32 to index
        %swap3A_280 = arith.constant 32 : index
        %swap3A_281 = tpu.vector_load %arg15[%swap3A_279, %swap3A_280] {strides = array<i32>} : memref<64x128xf32, #tpu.memory_space<vmem>>, vector<1x16xf32>,
        %swap3A_282 = vector.shape_cast %swap3A_281 : vector<1x16xf32> to vector<16xf32>
        %swap3A_283 = vector.shape_cast %max3A_278 : vector<16xf32> to vector<1x16xf32>
        tpu.vector_store %arg15[%swap3A_279, %swap3A_280], %swap3A_283 {strides = array<i32>} : memref<64x128xf32, #tpu.memory_space<vmem>>, vector<1x16xf32>,
        %get3A_284 = arith.index_cast %add3A_235 : i32 to index
        %get3A_285 = arith.constant 48 : index
        %get3A_286 = tpu.vector_load %arg15[%get3A_284, %get3A_285] {strides = array<i32>} : memref<64x128xf32, #tpu.memory_space<vmem>>, vector<1x16xf32>,
        %get3A_287 = vector.shape_cast %get3A_286 : vector<1x16xf32> to vector<16xf32>
        %get3A_288 = arith.index_cast %add3A_235 : i32 to index
        %get3A_289 = arith.constant 48 : index
        %get3A_290 = tpu.vector_load %arg16[%get3A_288, %get3A_289] {strides = array<i32>} : memref<64x128xf32, #tpu.memory_space<vmem>>, vector<1x16xf32>,
        %get3A_291 = vector.shape_cast %get3A_290 : vector<1x16xf32> to vector<16xf32>
        %add3A_292 = arith.addf %get3A_287, %get3A_291 : vector<16xf32>
        %mul3A_293 = vector.broadcast %scan3A_202 : f32 to vector<16xf32>
        %mul3A_294 = arith.mulf %add3A_292, %mul3A_293 : vector<16xf32>
        %max3A_295 = arith.maximumf %add3A_292, %mul3A_294 : vector<16xf32>
        %swap3A_296 = arith.index_cast %add3A_235 : i32 to index
        %swap3A_297 = arith.constant 48 : index
        %swap3A_298 = tpu.vector_load %arg15[%swap3A_296, %swap3A_297] {strides = array<i32>} : memref<64x128xf32, #tpu.memory_space<vmem>>, vector<1x16xf32>,
        %swap3A_299 = vector.shape_cast %swap3A_298 : vector<1x16xf32> to vector<16xf32>
        %swap3A_300 = vector.shape_cast %max3A_295 : vector<16xf32> to vector<1x16xf32>
        tpu.vector_store %arg15[%swap3A_296, %swap3A_297], %swap3A_300 {strides = array<i32>} : memref<64x128xf32, #tpu.memory_space<vmem>>, vector<1x16xf32>,
        %get3A_301 = arith.index_cast %add3A_235 : i32 to index
        %get3A_302 = arith.constant 64 : index
        %get3A_303 = tpu.vector_load %arg15[%get3A_301, %get3A_302] {strides = array<i32>} : memref<64x128xf32, #tpu.memory_space<vmem>>, vector<1x16xf32>,
        %get3A_304 = vector.shape_cast %get3A_303 : vector<1x16xf32> to vector<16xf32>
        %get3A_305 = arith.index_cast %add3A_235 : i32 to index
        %get3A_306 = arith.constant 64 : index
        %get3A_307 = tpu.vector_load %arg16[%get3A_305, %get3A_306] {strides = array<i32>} : memref<64x128xf32, #tpu.memory_space<vmem>>, vector<1x16xf32>,
        %get3A_308 = vector.shape_cast %get3A_307 : vector<1x16xf32> to vector<16xf32>
        %add3A_309 = arith.addf %get3A_304, %get3A_308 : vector<16xf32>
        %mul3A_310 = vector.broadcast %scan3A_202 : f32 to vector<16xf32>
        %mul3A_311 = arith.mulf %add3A_309, %mul3A_310 : vector<16xf32>
        %max3A_312 = arith.maximumf %add3A_309, %mul3A_311 : vector<16xf32>
        %swap3A_313 = arith.index_cast %add3A_235 : i32 to index
        %swap3A_314 = arith.constant 64 : index
        %swap3A_315 = tpu.vector_load %arg15[%swap3A_313, %swap3A_314] {strides = array<i32>} : memref<64x128xf32, #tpu.memory_space<vmem>>, vector<1x16xf32>,
        %swap3A_316 = vector.shape_cast %swap3A_315 : vector<1x16xf32> to vector<16xf32>
        %swap3A_317 = vector.shape_cast %max3A_312 : vector<16xf32> to vector<1x16xf32>
        tpu.vector_store %arg15[%swap3A_313, %swap3A_314], %swap3A_317 {strides = array<i32>} : memref<64x128xf32, #tpu.memory_space<vmem>>, vector<1x16xf32>,
        %get3A_318 = arith.index_cast %add3A_235 : i32 to index
        %get3A_319 = arith.constant 80 : index
        %get3A_320 = tpu.vector_load %arg15[%get3A_318, %get3A_319] {strides = array<i32>} : memref<64x128xf32, #tpu.memory_space<vmem>>, vector<1x16xf32>,
        %get3A_321 = vector.shape_cast %get3A_320 : vector<1x16xf32> to vector<16xf32>
        %get3A_322 = arith.index_cast %add3A_235 : i32 to index
        %get3A_323 = arith.constant 80 : index
        %get3A_324 = tpu.vector_load %arg16[%get3A_322, %get3A_323] {strides = array<i32>} : memref<64x128xf32, #tpu.memory_space<vmem>>, vector<1x16xf32>,
        %get3A_325 = vector.shape_cast %get3A_324 : vector<1x16xf32> to vector<16xf32>
        %add3A_326 = arith.addf %get3A_321, %get3A_325 : vector<16xf32>
        %mul3A_327 = vector.broadcast %scan3A_202 : f32 to vector<16xf32>
        %mul3A_328 = arith.mulf %add3A_326, %mul3A_327 : vector<16xf32>
        %max3A_329 = arith.maximumf %add3A_326, %mul3A_328 : vector<16xf32>
        %swap3A_330 = arith.index_cast %add3A_235 : i32 to index
        %swap3A_331 = arith.constant 80 : index
        %swap3A_332 = tpu.vector_load %arg15[%swap3A_330, %swap3A_331] {strides = array<i32>} : memref<64x128xf32, #tpu.memory_space<vmem>>, vector<1x16xf32>,
        %swap3A_333 = vector.shape_cast %swap3A_332 : vector<1x16xf32> to vector<16xf32>
        %swap3A_334 = vector.shape_cast %max3A_329 : vector<16xf32> to vector<1x16xf32>
        tpu.vector_store %arg15[%swap3A_330, %swap3A_331], %swap3A_334 {strides = array<i32>} : memref<64x128xf32, #tpu.memory_space<vmem>>, vector<1x16xf32>,
        %get3A_335 = arith.index_cast %add3A_235 : i32 to index
        %get3A_336 = arith.constant 96 : index
        %get3A_337 = tpu.vector_load %arg15[%get3A_335, %get3A_336] {strides = array<i32>} : memref<64x128xf32, #tpu.memory_space<vmem>>, vector<1x16xf32>,
        %get3A_338 = vector.shape_cast %get3A_337 : vector<1x16xf32> to vector<16xf32>
        %get3A_339 = arith.index_cast %add3A_235 : i32 to index
        %get3A_340 = arith.constant 96 : index
        %get3A_341 = tpu.vector_load %arg16[%get3A_339, %get3A_340] {strides = array<i32>} : memref<64x128xf32, #tpu.memory_space<vmem>>, vector<1x16xf32>,
        %get3A_342 = vector.shape_cast %get3A_341 : vector<1x16xf32> to vector<16xf32>
        %add3A_343 = arith.addf %get3A_338, %get3A_342 : vector<16xf32>
        %mul3A_344 = vector.broadcast %scan3A_202 : f32 to vector<16xf32>
        %mul3A_345 = arith.mulf %add3A_343, %mul3A_344 : vector<16xf32>
        %max3A_346 = arith.maximumf %add3A_343, %mul3A_345 : vector<16xf32>
        %swap3A_347 = arith.index_cast %add3A_235 : i32 to index
        %swap3A_348 = arith.constant 96 : index
        %swap3A_349 = tpu.vector_load %arg15[%swap3A_347, %swap3A_348] {strides = array<i32>} : memref<64x128xf32, #tpu.memory_space<vmem>>, vector<1x16xf32>,
        %swap3A_350 = vector.shape_cast %swap3A_349 : vector<1x16xf32> to vector<16xf32>
        %swap3A_351 = vector.shape_cast %max3A_346 : vector<16xf32> to vector<1x16xf32>
        tpu.vector_store %arg15[%swap3A_347, %swap3A_348], %swap3A_351 {strides = array<i32>} : memref<64x128xf32, #tpu.memory_space<vmem>>, vector<1x16xf32>,
        %get3A_352 = arith.index_cast %add3A_235 : i32 to index
        %get3A_353 = arith.constant 112 : index
        %get3A_354 = tpu.vector_load %arg15[%get3A_352, %get3A_353] {strides = array<i32>} : memref<64x128xf32, #tpu.memory_space<vmem>>, vector<1x16xf32>,
        %get3A_355 = vector.shape_cast %get3A_354 : vector<1x16xf32> to vector<16xf32>
        %get3A_356 = arith.index_cast %add3A_235 : i32 to index
        %get3A_357 = arith.constant 112 : index
        %get3A_358 = tpu.vector_load %arg16[%get3A_356, %get3A_357] {strides = array<i32>} : memref<64x128xf32, #tpu.memory_space<vmem>>, vector<1x16xf32>,
        %get3A_359 = vector.shape_cast %get3A_358 : vector<1x16xf32> to vector<16xf32>
        %add3A_360 = arith.addf %get3A_355, %get3A_359 : vector<16xf32>
        %mul3A_361 = vector.broadcast %scan3A_202 : f32 to vector<16xf32>
        %mul3A_362 = arith.mulf %add3A_360, %mul3A_361 : vector<16xf32>
        %max3A_363 = arith.maximumf %add3A_360, %mul3A_362 : vector<16xf32>
        %swap3A_364 = arith.index_cast %add3A_235 : i32 to index
        %swap3A_365 = arith.constant 112 : index
        %swap3A_366 = tpu.vector_load %arg15[%swap3A_364, %swap3A_365] {strides = array<i32>} : memref<64x128xf32, #tpu.memory_space<vmem>>, vector<1x16xf32>,
        %swap3A_367 = vector.shape_cast %swap3A_366 : vector<1x16xf32> to vector<16xf32>
        %swap3A_368 = vector.shape_cast %max3A_363 : vector<16xf32> to vector<1x16xf32>
        tpu.vector_store %arg15[%swap3A_364, %swap3A_365], %swap3A_368 {strides = array<i32>} : memref<64x128xf32, #tpu.memory_space<vmem>>, vector<1x16xf32>,
        %mul3A_369 = arith.constant 4 : i32
        %mul3A_370 = arith.muli %mul3A_369, %scan3A_231 : i32
        %add3A_371 = arith.constant 1 : i32
        %add3A_372 = arith.addi %mul3A_370, %add3A_371 : i32
        %get3A_373 = arith.index_cast %add3A_372 : i32 to index
        %get3A_374 = arith.constant 0 : index
        %get3A_375 = tpu.vector_load %arg15[%get3A_373, %get3A_374] {strides = array<i32>} : memref<64x128xf32, #tpu.memory_space<vmem>>, vector<1x16xf32>,
        %get3A_376 = vector.shape_cast %get3A_375 : vector<1x16xf32> to vector<16xf32>
        %get3A_377 = arith.index_cast %add3A_372 : i32 to index
        %get3A_378 = arith.constant 0 : index
        %get3A_379 = tpu.vector_load %arg16[%get3A_377, %get3A_378] {strides = array<i32>} : memref<64x128xf32, #tpu.memory_space<vmem>>, vector<1x16xf32>,
        %get3A_380 = vector.shape_cast %get3A_379 : vector<1x16xf32> to vector<16xf32>
        %add3A_381 = arith.addf %get3A_376, %get3A_380 : vector<16xf32>
        %mul3A_382 = vector.broadcast %scan3A_202 : f32 to vector<16xf32>
        %mul3A_383 = arith.mulf %add3A_381, %mul3A_382 : vector<16xf32>
        %max3A_384 = arith.maximumf %add3A_381, %mul3A_383 : vector<16xf32>
        %swap3A_385 = arith.index_cast %add3A_372 : i32 to index
        %swap3A_386 = arith.constant 0 : index
        %swap3A_387 = tpu.vector_load %arg15[%swap3A_385, %swap3A_386] {strides = array<i32>} : memref<64x128xf32, #tpu.memory_space<vmem>>, vector<1x16xf32>,
        %swap3A_388 = vector.shape_cast %swap3A_387 : vector<1x16xf32> to vector<16xf32>
        %swap3A_389 = vector.shape_cast %max3A_384 : vector<16xf32> to vector<1x16xf32>
        tpu.vector_store %arg15[%swap3A_385, %swap3A_386], %swap3A_389 {strides = array<i32>} : memref<64x128xf32, #tpu.memory_space<vmem>>, vector<1x16xf32>,
        %get3A_390 = arith.index_cast %add3A_372 : i32 to index
        %get3A_391 = arith.constant 16 : index
        %get3A_392 = tpu.vector_load %arg15[%get3A_390, %get3A_391] {strides = array<i32>} : memref<64x128xf32, #tpu.memory_space<vmem>>, vector<1x16xf32>,
        %get3A_393 = vector.shape_cast %get3A_392 : vector<1x16xf32> to vector<16xf32>
        %get3A_394 = arith.index_cast %add3A_372 : i32 to index
        %get3A_395 = arith.constant 16 : index
        %get3A_396 = tpu.vector_load %arg16[%get3A_394, %get3A_395] {strides = array<i32>} : memref<64x128xf32, #tpu.memory_space<vmem>>, vector<1x16xf32>,
        %get3A_397 = vector.shape_cast %get3A_396 : vector<1x16xf32> to vector<16xf32>
        %add3A_398 = arith.addf %get3A_393, %get3A_397 : vector<16xf32>
        %mul3A_399 = vector.broadcast %scan3A_202 : f32 to vector<16xf32>
        %mul3A_400 = arith.mulf %add3A_398, %mul3A_399 : vector<16xf32>
        %max3A_401 = arith.maximumf %add3A_398, %mul3A_400 : vector<16xf32>
        %swap3A_402 = arith.index_cast %add3A_372 : i32 to index
        %swap3A_403 = arith.constant 16 : index
        %swap3A_404 = tpu.vector_load %arg15[%swap3A_402, %swap3A_403] {strides = array<i32>} : memref<64x128xf32, #tpu.memory_space<vmem>>, vector<1x16xf32>,
        %swap3A_405 = vector.shape_cast %swap3A_404 : vector<1x16xf32> to vector<16xf32>
        %swap3A_406 = vector.shape_cast %max3A_401 : vector<16xf32> to vector<1x16xf32>
        tpu.vector_store %arg15[%swap3A_402, %swap3A_403], %swap3A_406 {strides = array<i32>} : memref<64x128xf32, #tpu.memory_space<vmem>>, vector<1x16xf32>,
        %get3A_407 = arith.index_cast %add3A_372 : i32 to index
        %get3A_408 = arith.constant 32 : index
        %get3A_409 = tpu.vector_load %arg15[%get3A_407, %get3A_408] {strides = array<i32>} : memref<64x128xf32, #tpu.memory_space<vmem>>, vector<1x16xf32>,
        %get3A_410 = vector.shape_cast %get3A_409 : vector<1x16xf32> to vector<16xf32>
        %get3A_411 = arith.index_cast %add3A_372 : i32 to index
        %get3A_412 = arith.constant 32 : index
        %get3A_413 = tpu.vector_load %arg16[%get3A_411, %get3A_412] {strides = array<i32>} : memref<64x128xf32, #tpu.memory_space<vmem>>, vector<1x16xf32>,
        %get3A_414 = vector.shape_cast %get3A_413 : vector<1x16xf32> to vector<16xf32>
        %add3A_415 = arith.addf %get3A_410, %get3A_414 : vector<16xf32>
        %mul3A_416 = vector.broadcast %scan3A_202 : f32 to vector<16xf32>
        %mul3A_417 = arith.mulf %add3A_415, %mul3A_416 : vector<16xf32>
        %max3A_418 = arith.maximumf %add3A_415, %mul3A_417 : vector<16xf32>
        %swap3A_419 = arith.index_cast %add3A_372 : i32 to index
        %swap3A_420 = arith.constant 32 : index
        %swap3A_421 = tpu.vector_load %arg15[%swap3A_419, %swap3A_420] {strides = array<i32>} : memref<64x128xf32, #tpu.memory_space<vmem>>, vector<1x16xf32>,
        %swap3A_422 = vector.shape_cast %swap3A_421 : vector<1x16xf32> to vector<16xf32>
        %swap3A_423 = vector.shape_cast %max3A_418 : vector<16xf32> to vector<1x16xf32>
        tpu.vector_store %arg15[%swap3A_419, %swap3A_420], %swap3A_423 {strides = array<i32>} : memref<64x128xf32, #tpu.memory_space<vmem>>, vector<1x16xf32>,
        %get3A_424 = arith.index_cast %add3A_372 : i32 to index
        %get3A_425 = arith.constant 48 : index
        %get3A_426 = tpu.vector_load %arg15[%get3A_424, %get3A_425] {strides = array<i32>} : memref<64x128xf32, #tpu.memory_space<vmem>>, vector<1x16xf32>,
        %get3A_427 = vector.shape_cast %get3A_426 : vector<1x16xf32> to vector<16xf32>
        %get3A_428 = arith.index_cast %add3A_372 : i32 to index
        %get3A_429 = arith.constant 48 : index
        %get3A_430 = tpu.vector_load %arg16[%get3A_428, %get3A_429] {strides = array<i32>} : memref<64x128xf32, #tpu.memory_space<vmem>>, vector<1x16xf32>,
        %get3A_431 = vector.shape_cast %get3A_430 : vector<1x16xf32> to vector<16xf32>
        %add3A_432 = arith.addf %get3A_427, %get3A_431 : vector<16xf32>
        %mul3A_433 = vector.broadcast %scan3A_202 : f32 to vector<16xf32>
        %mul3A_434 = arith.mulf %add3A_432, %mul3A_433 : vector<16xf32>
        %max3A_435 = arith.maximumf %add3A_432, %mul3A_434 : vector<16xf32>
        %swap3A_436 = arith.index_cast %add3A_372 : i32 to index
        %swap3A_437 = arith.constant 48 : index
        %swap3A_438 = tpu.vector_load %arg15[%swap3A_436, %swap3A_437] {strides = array<i32>} : memref<64x128xf32, #tpu.memory_space<vmem>>, vector<1x16xf32>,
        %swap3A_439 = vector.shape_cast %swap3A_438 : vector<1x16xf32> to vector<16xf32>
        %swap3A_440 = vector.shape_cast %max3A_435 : vector<16xf32> to vector<1x16xf32>
        tpu.vector_store %arg15[%swap3A_436, %swap3A_437], %swap3A_440 {strides = array<i32>} : memref<64x128xf32, #tpu.memory_space<vmem>>, vector<1x16xf32>,
        %get3A_441 = arith.index_cast %add3A_372 : i32 to index
        %get3A_442 = arith.constant 64 : index
        %get3A_443 = tpu.vector_load %arg15[%get3A_441, %get3A_442] {strides = array<i32>} : memref<64x128xf32, #tpu.memory_space<vmem>>, vector<1x16xf32>,
        %get3A_444 = vector.shape_cast %get3A_443 : vector<1x16xf32> to vector<16xf32>
        %get3A_445 = arith.index_cast %add3A_372 : i32 to index
        %get3A_446 = arith.constant 64 : index
        %get3A_447 = tpu.vector_load %arg16[%get3A_445, %get3A_446] {strides = array<i32>} : memref<64x128xf32, #tpu.memory_space<vmem>>, vector<1x16xf32>,
        %get3A_448 = vector.shape_cast %get3A_447 : vector<1x16xf32> to vector<16xf32>
        %add3A_449 = arith.addf %get3A_444, %get3A_448 : vector<16xf32>
        %mul3A_450 = vector.broadcast %scan3A_202 : f32 to vector<16xf32>
        %mul3A_451 = arith.mulf %add3A_449, %mul3A_450 : vector<16xf32>
        %max3A_452 = arith.maximumf %add3A_449, %mul3A_451 : vector<16xf32>
        %swap3A_453 = arith.index_cast %add3A_372 : i32 to index
        %swap3A_454 = arith.constant 64 : index
        %swap3A_455 = tpu.vector_load %arg15[%swap3A_453, %swap3A_454] {strides = array<i32>} : memref<64x128xf32, #tpu.memory_space<vmem>>, vector<1x16xf32>,
        %swap3A_456 = vector.shape_cast %swap3A_455 : vector<1x16xf32> to vector<16xf32>
        %swap3A_457 = vector.shape_cast %max3A_452 : vector<16xf32> to vector<1x16xf32>
        tpu.vector_store %arg15[%swap3A_453, %swap3A_454], %swap3A_457 {strides = array<i32>} : memref<64x128xf32, #tpu.memory_space<vmem>>, vector<1x16xf32>,
        %get3A_458 = arith.index_cast %add3A_372 : i32 to index
        %get3A_459 = arith.constant 80 : index
        %get3A_460 = tpu.vector_load %arg15[%get3A_458, %get3A_459] {strides = array<i32>} : memref<64x128xf32, #tpu.memory_space<vmem>>, vector<1x16xf32>,
        %get3A_461 = vector.shape_cast %get3A_460 : vector<1x16xf32> to vector<16xf32>
        %get3A_462 = arith.index_cast %add3A_372 : i32 to index
        %get3A_463 = arith.constant 80 : index
        %get3A_464 = tpu.vector_load %arg16[%get3A_462, %get3A_463] {strides = array<i32>} : memref<64x128xf32, #tpu.memory_space<vmem>>, vector<1x16xf32>,
        %get3A_465 = vector.shape_cast %get3A_464 : vector<1x16xf32> to vector<16xf32>
        %add3A_466 = arith.addf %get3A_461, %get3A_465 : vector<16xf32>
        %mul3A_467 = vector.broadcast %scan3A_202 : f32 to vector<16xf32>
        %mul3A_468 = arith.mulf %add3A_466, %mul3A_467 : vector<16xf32>
        %max3A_469 = arith.maximumf %add3A_466, %mul3A_468 : vector<16xf32>
        %swap3A_470 = arith.index_cast %add3A_372 : i32 to index
        %swap3A_471 = arith.constant 80 : index
        %swap3A_472 = tpu.vector_load %arg15[%swap3A_470, %swap3A_471] {strides = array<i32>} : memref<64x128xf32, #tpu.memory_space<vmem>>, vector<1x16xf32>,
        %swap3A_473 = vector.shape_cast %swap3A_472 : vector<1x16xf32> to vector<16xf32>
        %swap3A_474 = vector.shape_cast %max3A_469 : vector<16xf32> to vector<1x16xf32>
        tpu.vector_store %arg15[%swap3A_470, %swap3A_471], %swap3A_474 {strides = array<i32>} : memref<64x128xf32, #tpu.memory_space<vmem>>, vector<1x16xf32>,
        %get3A_475 = arith.index_cast %add3A_372 : i32 to index
        %get3A_476 = arith.constant 96 : index
        %get3A_477 = tpu.vector_load %arg15[%get3A_475, %get3A_476] {strides = array<i32>} : memref<64x128xf32, #tpu.memory_space<vmem>>, vector<1x16xf32>,
        %get3A_478 = vector.shape_cast %get3A_477 : vector<1x16xf32> to vector<16xf32>
        %get3A_479 = arith.index_cast %add3A_372 : i32 to index
        %get3A_480 = arith.constant 96 : index
        %get3A_481 = tpu.vector_load %arg16[%get3A_479, %get3A_480] {strides = array<i32>} : memref<64x128xf32, #tpu.memory_space<vmem>>, vector<1x16xf32>,
        %get3A_482 = vector.shape_cast %get3A_481 : vector<1x16xf32> to vector<16xf32>
        %add3A_483 = arith.addf %get3A_478, %get3A_482 : vector<16xf32>
        %mul3A_484 = vector.broadcast %scan3A_202 : f32 to vector<16xf32>
        %mul3A_485 = arith.mulf %add3A_483, %mul3A_484 : vector<16xf32>
        %max3A_486 = arith.maximumf %add3A_483, %mul3A_485 : vector<16xf32>
        %swap3A_487 = arith.index_cast %add3A_372 : i32 to index
        %swap3A_488 = arith.constant 96 : index
        %swap3A_489 = tpu.vector_load %arg15[%swap3A_487, %swap3A_488] {strides = array<i32>} : memref<64x128xf32, #tpu.memory_space<vmem>>, vector<1x16xf32>,
        %swap3A_490 = vector.shape_cast %swap3A_489 : vector<1x16xf32> to vector<16xf32>
        %swap3A_491 = vector.shape_cast %max3A_486 : vector<16xf32> to vector<1x16xf32>
        tpu.vector_store %arg15[%swap3A_487, %swap3A_488], %swap3A_491 {strides = array<i32>} : memref<64x128xf32, #tpu.memory_space<vmem>>, vector<1x16xf32>,
        %get3A_492 = arith.index_cast %add3A_372 : i32 to index
        %get3A_493 = arith.constant 112 : index
        %get3A_494 = tpu.vector_load %arg15[%get3A_492, %get3A_493] {strides = array<i32>} : memref<64x128xf32, #tpu.memory_space<vmem>>, vector<1x16xf32>,
        %get3A_495 = vector.shape_cast %get3A_494 : vector<1x16xf32> to vector<16xf32>
        %get3A_496 = arith.index_cast %add3A_372 : i32 to index
        %get3A_497 = arith.constant 112 : index
        %get3A_498 = tpu.vector_load %arg16[%get3A_496, %get3A_497] {strides = array<i32>} : memref<64x128xf32, #tpu.memory_space<vmem>>, vector<1x16xf32>,
        %get3A_499 = vector.shape_cast %get3A_498 : vector<1x16xf32> to vector<16xf32>
        %add3A_500 = arith.addf %get3A_495, %get3A_499 : vector<16xf32>
        %mul3A_501 = vector.broadcast %scan3A_202 : f32 to vector<16xf32>
        %mul3A_502 = arith.mulf %add3A_500, %mul3A_501 : vector<16xf32>
        %max3A_503 = arith.maximumf %add3A_500, %mul3A_502 : vector<16xf32>
        %swap3A_504 = arith.index_cast %add3A_372 : i32 to index
        %swap3A_505 = arith.constant 112 : index
        %swap3A_506 = tpu.vector_load %arg15[%swap3A_504, %swap3A_505] {strides = array<i32>} : memref<64x128xf32, #tpu.memory_space<vmem>>, vector<1x16xf32>,
        %swap3A_507 = vector.shape_cast %swap3A_506 : vector<1x16xf32> to vector<16xf32>
        %swap3A_508 = vector.shape_cast %max3A_503 : vector<16xf32> to vector<1x16xf32>
        tpu.vector_store %arg15[%swap3A_504, %swap3A_505], %swap3A_508 {strides = array<i32>} : memref<64x128xf32, #tpu.memory_space<vmem>>, vector<1x16xf32>,
        %mul3A_509 = arith.constant 4 : i32
        %mul3A_510 = arith.muli %mul3A_509, %scan3A_231 : i32
        %add3A_511 = arith.constant 2 : i32
        %add3A_512 = arith.addi %mul3A_510, %add3A_511 : i32
        %get3A_513 = arith.index_cast %add3A_512 : i32 to index
        %get3A_514 = arith.constant 0 : index
        %get3A_515 = tpu.vector_load %arg15[%get3A_513, %get3A_514] {strides = array<i32>} : memref<64x128xf32, #tpu.memory_space<vmem>>, vector<1x16xf32>,
        %get3A_516 = vector.shape_cast %get3A_515 : vector<1x16xf32> to vector<16xf32>
        %get3A_517 = arith.index_cast %add3A_512 : i32 to index
        %get3A_518 = arith.constant 0 : index
        %get3A_519 = tpu.vector_load %arg16[%get3A_517, %get3A_518] {strides = array<i32>} : memref<64x128xf32, #tpu.memory_space<vmem>>, vector<1x16xf32>,
        %get3A_520 = vector.shape_cast %get3A_519 : vector<1x16xf32> to vector<16xf32>
        %add3A_521 = arith.addf %get3A_516, %get3A_520 : vector<16xf32>
        %mul3A_522 = vector.broadcast %scan3A_202 : f32 to vector<16xf32>
        %mul3A_523 = arith.mulf %add3A_521, %mul3A_522 : vector<16xf32>
        %max3A_524 = arith.maximumf %add3A_521, %mul3A_523 : vector<16xf32>
        %swap3A_525 = arith.index_cast %add3A_512 : i32 to index
        %swap3A_526 = arith.constant 0 : index
        %swap3A_527 = tpu.vector_load %arg15[%swap3A_525, %swap3A_526] {strides = array<i32>} : memref<64x128xf32, #tpu.memory_space<vmem>>, vector<1x16xf32>,
        %swap3A_528 = vector.shape_cast %swap3A_527 : vector<1x16xf32> to vector<16xf32>
        %swap3A_529 = vector.shape_cast %max3A_524 : vector<16xf32> to vector<1x16xf32>
        tpu.vector_store %arg15[%swap3A_525, %swap3A_526], %swap3A_529 {strides = array<i32>} : memref<64x128xf32, #tpu.memory_space<vmem>>, vector<1x16xf32>,
        %get3A_530 = arith.index_cast %add3A_512 : i32 to index
        %get3A_531 = arith.constant 16 : index
        %get3A_532 = tpu.vector_load %arg15[%get3A_530, %get3A_531] {strides = array<i32>} : memref<64x128xf32, #tpu.memory_space<vmem>>, vector<1x16xf32>,
        %get3A_533 = vector.shape_cast %get3A_532 : vector<1x16xf32> to vector<16xf32>
        %get3A_534 = arith.index_cast %add3A_512 : i32 to index
        %get3A_535 = arith.constant 16 : index
        %get3A_536 = tpu.vector_load %arg16[%get3A_534, %get3A_535] {strides = array<i32>} : memref<64x128xf32, #tpu.memory_space<vmem>>, vector<1x16xf32>,
        %get3A_537 = vector.shape_cast %get3A_536 : vector<1x16xf32> to vector<16xf32>
        %add3A_538 = arith.addf %get3A_533, %get3A_537 : vector<16xf32>
        %mul3A_539 = vector.broadcast %scan3A_202 : f32 to vector<16xf32>
        %mul3A_540 = arith.mulf %add3A_538, %mul3A_539 : vector<16xf32>
        %max3A_541 = arith.maximumf %add3A_538, %mul3A_540 : vector<16xf32>
        %swap3A_542 = arith.index_cast %add3A_512 : i32 to index
        %swap3A_543 = arith.constant 16 : index
        %swap3A_544 = tpu.vector_load %arg15[%swap3A_542, %swap3A_543] {strides = array<i32>} : memref<64x128xf32, #tpu.memory_space<vmem>>, vector<1x16xf32>,
        %swap3A_545 = vector.shape_cast %swap3A_544 : vector<1x16xf32> to vector<16xf32>
        %swap3A_546 = vector.shape_cast %max3A_541 : vector<16xf32> to vector<1x16xf32>
        tpu.vector_store %arg15[%swap3A_542, %swap3A_543], %swap3A_546 {strides = array<i32>} : memref<64x128xf32, #tpu.memory_space<vmem>>, vector<1x16xf32>,
        %get3A_547 = arith.index_cast %add3A_512 : i32 to index
        %get3A_548 = arith.constant 32 : index
        %get3A_549 = tpu.vector_load %arg15[%get3A_547, %get3A_548] {strides = array<i32>} : memref<64x128xf32, #tpu.memory_space<vmem>>, vector<1x16xf32>,
        %get3A_550 = vector.shape_cast %get3A_549 : vector<1x16xf32> to vector<16xf32>
        %get3A_551 = arith.index_cast %add3A_512 : i32 to index
        %get3A_552 = arith.constant 32 : index
        %get3A_553 = tpu.vector_load %arg16[%get3A_551, %get3A_552] {strides = array<i32>} : memref<64x128xf32, #tpu.memory_space<vmem>>, vector<1x16xf32>,
        %get3A_554 = vector.shape_cast %get3A_553 : vector<1x16xf32> to vector<16xf32>
        %add3A_555 = arith.addf %get3A_550, %get3A_554 : vector<16xf32>
        %mul3A_556 = vector.broadcast %scan3A_202 : f32 to vector<16xf32>
        %mul3A_557 = arith.mulf %add3A_555, %mul3A_556 : vector<16xf32>
        %max3A_558 = arith.maximumf %add3A_555, %mul3A_557 : vector<16xf32>
        %swap3A_559 = arith.index_cast %add3A_512 : i32 to index
        %swap3A_560 = arith.constant 32 : index
        %swap3A_561 = tpu.vector_load %arg15[%swap3A_559, %swap3A_560] {strides = array<i32>} : memref<64x128xf32, #tpu.memory_space<vmem>>, vector<1x16xf32>,
        %swap3A_562 = vector.shape_cast %swap3A_561 : vector<1x16xf32> to vector<16xf32>
        %swap3A_563 = vector.shape_cast %max3A_558 : vector<16xf32> to vector<1x16xf32>
        tpu.vector_store %arg15[%swap3A_559, %swap3A_560], %swap3A_563 {strides = array<i32>} : memref<64x128xf32, #tpu.memory_space<vmem>>, vector<1x16xf32>,
        %get3A_564 = arith.index_cast %add3A_512 : i32 to index
        %get3A_565 = arith.constant 48 : index
        %get3A_566 = tpu.vector_load %arg15[%get3A_564, %get3A_565] {strides = array<i32>} : memref<64x128xf32, #tpu.memory_space<vmem>>, vector<1x16xf32>,
        %get3A_567 = vector.shape_cast %get3A_566 : vector<1x16xf32> to vector<16xf32>
        %get3A_568 = arith.index_cast %add3A_512 : i32 to index
        %get3A_569 = arith.constant 48 : index
        %get3A_570 = tpu.vector_load %arg16[%get3A_568, %get3A_569] {strides = array<i32>} : memref<64x128xf32, #tpu.memory_space<vmem>>, vector<1x16xf32>,
        %get3A_571 = vector.shape_cast %get3A_570 : vector<1x16xf32> to vector<16xf32>
        %add3A_572 = arith.addf %get3A_567, %get3A_571 : vector<16xf32>
        %mul3A_573 = vector.broadcast %scan3A_202 : f32 to vector<16xf32>
        %mul3A_574 = arith.mulf %add3A_572, %mul3A_573 : vector<16xf32>
        %max3A_575 = arith.maximumf %add3A_572, %mul3A_574 : vector<16xf32>
        %swap3A_576 = arith.index_cast %add3A_512 : i32 to index
        %swap3A_577 = arith.constant 48 : index
        %swap3A_578 = tpu.vector_load %arg15[%swap3A_576, %swap3A_577] {strides = array<i32>} : memref<64x128xf32, #tpu.memory_space<vmem>>, vector<1x16xf32>,
        %swap3A_579 = vector.shape_cast %swap3A_578 : vector<1x16xf32> to vector<16xf32>
        %swap3A_580 = vector.shape_cast %max3A_575 : vector<16xf32> to vector<1x16xf32>
        tpu.vector_store %arg15[%swap3A_576, %swap3A_577], %swap3A_580 {strides = array<i32>} : memref<64x128xf32, #tpu.memory_space<vmem>>, vector<1x16xf32>,
        %get3A_581 = arith.index_cast %add3A_512 : i32 to index
        %get3A_582 = arith.constant 64 : index
        %get3A_583 = tpu.vector_load %arg15[%get3A_581, %get3A_582] {strides = array<i32>} : memref<64x128xf32, #tpu.memory_space<vmem>>, vector<1x16xf32>,
        %get3A_584 = vector.shape_cast %get3A_583 : vector<1x16xf32> to vector<16xf32>
        %get3A_585 = arith.index_cast %add3A_512 : i32 to index
        %get3A_586 = arith.constant 64 : index
        %get3A_587 = tpu.vector_load %arg16[%get3A_585, %get3A_586] {strides = array<i32>} : memref<64x128xf32, #tpu.memory_space<vmem>>, vector<1x16xf32>,
        %get3A_588 = vector.shape_cast %get3A_587 : vector<1x16xf32> to vector<16xf32>
        %add3A_589 = arith.addf %get3A_584, %get3A_588 : vector<16xf32>
        %mul3A_590 = vector.broadcast %scan3A_202 : f32 to vector<16xf32>
        %mul3A_591 = arith.mulf %add3A_589, %mul3A_590 : vector<16xf32>
        %max3A_592 = arith.maximumf %add3A_589, %mul3A_591 : vector<16xf32>
        %swap3A_593 = arith.index_cast %add3A_512 : i32 to index
        %swap3A_594 = arith.constant 64 : index
        %swap3A_595 = tpu.vector_load %arg15[%swap3A_593, %swap3A_594] {strides = array<i32>} : memref<64x128xf32, #tpu.memory_space<vmem>>, vector<1x16xf32>,
        %swap3A_596 = vector.shape_cast %swap3A_595 : vector<1x16xf32> to vector<16xf32>
        %swap3A_597 = vector.shape_cast %max3A_592 : vector<16xf32> to vector<1x16xf32>
        tpu.vector_store %arg15[%swap3A_593, %swap3A_594], %swap3A_597 {strides = array<i32>} : memref<64x128xf32, #tpu.memory_space<vmem>>, vector<1x16xf32>,
        %get3A_598 = arith.index_cast %add3A_512 : i32 to index
        %get3A_599 = arith.constant 80 : index
        %get3A_600 = tpu.vector_load %arg15[%get3A_598, %get3A_599] {strides = array<i32>} : memref<64x128xf32, #tpu.memory_space<vmem>>, vector<1x16xf32>,
        %get3A_601 = vector.shape_cast %get3A_600 : vector<1x16xf32> to vector<16xf32>
        %get3A_602 = arith.index_cast %add3A_512 : i32 to index
        %get3A_603 = arith.constant 80 : index
        %get3A_604 = tpu.vector_load %arg16[%get3A_602, %get3A_603] {strides = array<i32>} : memref<64x128xf32, #tpu.memory_space<vmem>>, vector<1x16xf32>,
        %get3A_605 = vector.shape_cast %get3A_604 : vector<1x16xf32> to vector<16xf32>
        %add3A_606 = arith.addf %get3A_601, %get3A_605 : vector<16xf32>
        %mul3A_607 = vector.broadcast %scan3A_202 : f32 to vector<16xf32>
        %mul3A_608 = arith.mulf %add3A_606, %mul3A_607 : vector<16xf32>
        %max3A_609 = arith.maximumf %add3A_606, %mul3A_608 : vector<16xf32>
        %swap3A_610 = arith.index_cast %add3A_512 : i32 to index
        %swap3A_611 = arith.constant 80 : index
        %swap3A_612 = tpu.vector_load %arg15[%swap3A_610, %swap3A_611] {strides = array<i32>} : memref<64x128xf32, #tpu.memory_space<vmem>>, vector<1x16xf32>,
        %swap3A_613 = vector.shape_cast %swap3A_612 : vector<1x16xf32> to vector<16xf32>
        %swap3A_614 = vector.shape_cast %max3A_609 : vector<16xf32> to vector<1x16xf32>
        tpu.vector_store %arg15[%swap3A_610, %swap3A_611], %swap3A_614 {strides = array<i32>} : memref<64x128xf32, #tpu.memory_space<vmem>>, vector<1x16xf32>,
        %get3A_615 = arith.index_cast %add3A_512 : i32 to index
        %get3A_616 = arith.constant 96 : index
        %get3A_617 = tpu.vector_load %arg15[%get3A_615, %get3A_616] {strides = array<i32>} : memref<64x128xf32, #tpu.memory_space<vmem>>, vector<1x16xf32>,
        %get3A_618 = vector.shape_cast %get3A_617 : vector<1x16xf32> to vector<16xf32>
        %get3A_619 = arith.index_cast %add3A_512 : i32 to index
        %get3A_620 = arith.constant 96 : index
        %get3A_621 = tpu.vector_load %arg16[%get3A_619, %get3A_620] {strides = array<i32>} : memref<64x128xf32, #tpu.memory_space<vmem>>, vector<1x16xf32>,
        %get3A_622 = vector.shape_cast %get3A_621 : vector<1x16xf32> to vector<16xf32>
        %add3A_623 = arith.addf %get3A_618, %get3A_622 : vector<16xf32>
        %mul3A_624 = vector.broadcast %scan3A_202 : f32 to vector<16xf32>
        %mul3A_625 = arith.mulf %add3A_623, %mul3A_624 : vector<16xf32>
        %max3A_626 = arith.maximumf %add3A_623, %mul3A_625 : vector<16xf32>
        %swap3A_627 = arith.index_cast %add3A_512 : i32 to index
        %swap3A_628 = arith.constant 96 : index
        %swap3A_629 = tpu.vector_load %arg15[%swap3A_627, %swap3A_628] {strides = array<i32>} : memref<64x128xf32, #tpu.memory_space<vmem>>, vector<1x16xf32>,
        %swap3A_630 = vector.shape_cast %swap3A_629 : vector<1x16xf32> to vector<16xf32>
        %swap3A_631 = vector.shape_cast %max3A_626 : vector<16xf32> to vector<1x16xf32>
        tpu.vector_store %arg15[%swap3A_627, %swap3A_628], %swap3A_631 {strides = array<i32>} : memref<64x128xf32, #tpu.memory_space<vmem>>, vector<1x16xf32>,
        %get3A_632 = arith.index_cast %add3A_512 : i32 to index
        %get3A_633 = arith.constant 112 : index
        %get3A_634 = tpu.vector_load %arg15[%get3A_632, %get3A_633] {strides = array<i32>} : memref<64x128xf32, #tpu.memory_space<vmem>>, vector<1x16xf32>,
        %get3A_635 = vector.shape_cast %get3A_634 : vector<1x16xf32> to vector<16xf32>
        %get3A_636 = arith.index_cast %add3A_512 : i32 to index
        %get3A_637 = arith.constant 112 : index
        %get3A_638 = tpu.vector_load %arg16[%get3A_636, %get3A_637] {strides = array<i32>} : memref<64x128xf32, #tpu.memory_space<vmem>>, vector<1x16xf32>,
        %get3A_639 = vector.shape_cast %get3A_638 : vector<1x16xf32> to vector<16xf32>
        %add3A_640 = arith.addf %get3A_635, %get3A_639 : vector<16xf32>
        %mul3A_641 = vector.broadcast %scan3A_202 : f32 to vector<16xf32>
        %mul3A_642 = arith.mulf %add3A_640, %mul3A_641 : vector<16xf32>
        %max3A_643 = arith.maximumf %add3A_640, %mul3A_642 : vector<16xf32>
        %swap3A_644 = arith.index_cast %add3A_512 : i32 to index
        %swap3A_645 = arith.constant 112 : index
        %swap3A_646 = tpu.vector_load %arg15[%swap3A_644, %swap3A_645] {strides = array<i32>} : memref<64x128xf32, #tpu.memory_space<vmem>>, vector<1x16xf32>,
        %swap3A_647 = vector.shape_cast %swap3A_646 : vector<1x16xf32> to vector<16xf32>
        %swap3A_648 = vector.shape_cast %max3A_643 : vector<16xf32> to vector<1x16xf32>
        tpu.vector_store %arg15[%swap3A_644, %swap3A_645], %swap3A_648 {strides = array<i32>} : memref<64x128xf32, #tpu.memory_space<vmem>>, vector<1x16xf32>,
        %mul3A_649 = arith.constant 4 : i32
        %mul3A_650 = arith.muli %mul3A_649, %scan3A_231 : i32
        %add3A_651 = arith.constant 3 : i32
        %add3A_652 = arith.addi %mul3A_650, %add3A_651 : i32
        %get3A_653 = arith.index_cast %add3A_652 : i32 to index
        %get3A_654 = arith.constant 0 : index
        %get3A_655 = tpu.vector_load %arg15[%get3A_653, %get3A_654] {strides = array<i32>} : memref<64x128xf32, #tpu.memory_space<vmem>>, vector<1x16xf32>,
        %get3A_656 = vector.shape_cast %get3A_655 : vector<1x16xf32> to vector<16xf32>
        %get3A_657 = arith.index_cast %add3A_652 : i32 to index
        %get3A_658 = arith.constant 0 : index
        %get3A_659 = tpu.vector_load %arg16[%get3A_657, %get3A_658] {strides = array<i32>} : memref<64x128xf32, #tpu.memory_space<vmem>>, vector<1x16xf32>,
        %get3A_660 = vector.shape_cast %get3A_659 : vector<1x16xf32> to vector<16xf32>
        %add3A_661 = arith.addf %get3A_656, %get3A_660 : vector<16xf32>
        %mul3A_662 = vector.broadcast %scan3A_202 : f32 to vector<16xf32>
        %mul3A_663 = arith.mulf %add3A_661, %mul3A_662 : vector<16xf32>
        %max3A_664 = arith.maximumf %add3A_661, %mul3A_663 : vector<16xf32>
        %swap3A_665 = arith.index_cast %add3A_652 : i32 to index
        %swap3A_666 = arith.constant 0 : index
        %swap3A_667 = tpu.vector_load %arg15[%swap3A_665, %swap3A_666] {strides = array<i32>} : memref<64x128xf32, #tpu.memory_space<vmem>>, vector<1x16xf32>,
        %swap3A_668 = vector.shape_cast %swap3A_667 : vector<1x16xf32> to vector<16xf32>
        %swap3A_669 = vector.shape_cast %max3A_664 : vector<16xf32> to vector<1x16xf32>
        tpu.vector_store %arg15[%swap3A_665, %swap3A_666], %swap3A_669 {strides = array<i32>} : memref<64x128xf32, #tpu.memory_space<vmem>>, vector<1x16xf32>,
        %get3A_670 = arith.index_cast %add3A_652 : i32 to index
        %get3A_671 = arith.constant 16 : index
        %get3A_672 = tpu.vector_load %arg15[%get3A_670, %get3A_671] {strides = array<i32>} : memref<64x128xf32, #tpu.memory_space<vmem>>, vector<1x16xf32>,
        %get3A_673 = vector.shape_cast %get3A_672 : vector<1x16xf32> to vector<16xf32>
        %get3A_674 = arith.index_cast %add3A_652 : i32 to index
        %get3A_675 = arith.constant 16 : index
        %get3A_676 = tpu.vector_load %arg16[%get3A_674, %get3A_675] {strides = array<i32>} : memref<64x128xf32, #tpu.memory_space<vmem>>, vector<1x16xf32>,
        %get3A_677 = vector.shape_cast %get3A_676 : vector<1x16xf32> to vector<16xf32>
        %add3A_678 = arith.addf %get3A_673, %get3A_677 : vector<16xf32>
        %mul3A_679 = vector.broadcast %scan3A_202 : f32 to vector<16xf32>
        %mul3A_680 = arith.mulf %add3A_678, %mul3A_679 : vector<16xf32>
        %max3A_681 = arith.maximumf %add3A_678, %mul3A_680 : vector<16xf32>
        %swap3A_682 = arith.index_cast %add3A_652 : i32 to index
        %swap3A_683 = arith.constant 16 : index
        %swap3A_684 = tpu.vector_load %arg15[%swap3A_682, %swap3A_683] {strides = array<i32>} : memref<64x128xf32, #tpu.memory_space<vmem>>, vector<1x16xf32>,
        %swap3A_685 = vector.shape_cast %swap3A_684 : vector<1x16xf32> to vector<16xf32>
        %swap3A_686 = vector.shape_cast %max3A_681 : vector<16xf32> to vector<1x16xf32>
        tpu.vector_store %arg15[%swap3A_682, %swap3A_683], %swap3A_686 {strides = array<i32>} : memref<64x128xf32, #tpu.memory_space<vmem>>, vector<1x16xf32>,
        %get3A_687 = arith.index_cast %add3A_652 : i32 to index
        %get3A_688 = arith.constant 32 : index
        %get3A_689 = tpu.vector_load %arg15[%get3A_687, %get3A_688] {strides = array<i32>} : memref<64x128xf32, #tpu.memory_space<vmem>>, vector<1x16xf32>,
        %get3A_690 = vector.shape_cast %get3A_689 : vector<1x16xf32> to vector<16xf32>
        %get3A_691 = arith.index_cast %add3A_652 : i32 to index
        %get3A_692 = arith.constant 32 : index
        %get3A_693 = tpu.vector_load %arg16[%get3A_691, %get3A_692] {strides = array<i32>} : memref<64x128xf32, #tpu.memory_space<vmem>>, vector<1x16xf32>,
        %get3A_694 = vector.shape_cast %get3A_693 : vector<1x16xf32> to vector<16xf32>
        %add3A_695 = arith.addf %get3A_690, %get3A_694 : vector<16xf32>
        %mul3A_696 = vector.broadcast %scan3A_202 : f32 to vector<16xf32>
        %mul3A_697 = arith.mulf %add3A_695, %mul3A_696 : vector<16xf32>
        %max3A_698 = arith.maximumf %add3A_695, %mul3A_697 : vector<16xf32>
        %swap3A_699 = arith.index_cast %add3A_652 : i32 to index
        %swap3A_700 = arith.constant 32 : index
        %swap3A_701 = tpu.vector_load %arg15[%swap3A_699, %swap3A_700] {strides = array<i32>} : memref<64x128xf32, #tpu.memory_space<vmem>>, vector<1x16xf32>,
        %swap3A_702 = vector.shape_cast %swap3A_701 : vector<1x16xf32> to vector<16xf32>
        %swap3A_703 = vector.shape_cast %max3A_698 : vector<16xf32> to vector<1x16xf32>
        tpu.vector_store %arg15[%swap3A_699, %swap3A_700], %swap3A_703 {strides = array<i32>} : memref<64x128xf32, #tpu.memory_space<vmem>>, vector<1x16xf32>,
        %get3A_704 = arith.index_cast %add3A_652 : i32 to index
        %get3A_705 = arith.constant 48 : index
        %get3A_706 = tpu.vector_load %arg15[%get3A_704, %get3A_705] {strides = array<i32>} : memref<64x128xf32, #tpu.memory_space<vmem>>, vector<1x16xf32>,
        %get3A_707 = vector.shape_cast %get3A_706 : vector<1x16xf32> to vector<16xf32>
        %get3A_708 = arith.index_cast %add3A_652 : i32 to index
        %get3A_709 = arith.constant 48 : index
        %get3A_710 = tpu.vector_load %arg16[%get3A_708, %get3A_709] {strides = array<i32>} : memref<64x128xf32, #tpu.memory_space<vmem>>, vector<1x16xf32>,
        %get3A_711 = vector.shape_cast %get3A_710 : vector<1x16xf32> to vector<16xf32>
        %add3A_712 = arith.addf %get3A_707, %get3A_711 : vector<16xf32>
        %mul3A_713 = vector.broadcast %scan3A_202 : f32 to vector<16xf32>
        %mul3A_714 = arith.mulf %add3A_712, %mul3A_713 : vector<16xf32>
        %max3A_715 = arith.maximumf %add3A_712, %mul3A_714 : vector<16xf32>
        %swap3A_716 = arith.index_cast %add3A_652 : i32 to index
        %swap3A_717 = arith.constant 48 : index
        %swap3A_718 = tpu.vector_load %arg15[%swap3A_716, %swap3A_717] {strides = array<i32>} : memref<64x128xf32, #tpu.memory_space<vmem>>, vector<1x16xf32>,
        %swap3A_719 = vector.shape_cast %swap3A_718 : vector<1x16xf32> to vector<16xf32>
        %swap3A_720 = vector.shape_cast %max3A_715 : vector<16xf32> to vector<1x16xf32>
        tpu.vector_store %arg15[%swap3A_716, %swap3A_717], %swap3A_720 {strides = array<i32>} : memref<64x128xf32, #tpu.memory_space<vmem>>, vector<1x16xf32>,
        %get3A_721 = arith.index_cast %add3A_652 : i32 to index
        %get3A_722 = arith.constant 64 : index
        %get3A_723 = tpu.vector_load %arg15[%get3A_721, %get3A_722] {strides = array<i32>} : memref<64x128xf32, #tpu.memory_space<vmem>>, vector<1x16xf32>,
        %get3A_724 = vector.shape_cast %get3A_723 : vector<1x16xf32> to vector<16xf32>
        %get3A_725 = arith.index_cast %add3A_652 : i32 to index
        %get3A_726 = arith.constant 64 : index
        %get3A_727 = tpu.vector_load %arg16[%get3A_725, %get3A_726] {strides = array<i32>} : memref<64x128xf32, #tpu.memory_space<vmem>>, vector<1x16xf32>,
        %get3A_728 = vector.shape_cast %get3A_727 : vector<1x16xf32> to vector<16xf32>
        %add3A_729 = arith.addf %get3A_724, %get3A_728 : vector<16xf32>
        %mul3A_730 = vector.broadcast %scan3A_202 : f32 to vector<16xf32>
        %mul3A_731 = arith.mulf %add3A_729, %mul3A_730 : vector<16xf32>
        %max3A_732 = arith.maximumf %add3A_729, %mul3A_731 : vector<16xf32>
        %swap3A_733 = arith.index_cast %add3A_652 : i32 to index
        %swap3A_734 = arith.constant 64 : index
        %swap3A_735 = tpu.vector_load %arg15[%swap3A_733, %swap3A_734] {strides = array<i32>} : memref<64x128xf32, #tpu.memory_space<vmem>>, vector<1x16xf32>,
        %swap3A_736 = vector.shape_cast %swap3A_735 : vector<1x16xf32> to vector<16xf32>
        %swap3A_737 = vector.shape_cast %max3A_732 : vector<16xf32> to vector<1x16xf32>
        tpu.vector_store %arg15[%swap3A_733, %swap3A_734], %swap3A_737 {strides = array<i32>} : memref<64x128xf32, #tpu.memory_space<vmem>>, vector<1x16xf32>,
        %get3A_738 = arith.index_cast %add3A_652 : i32 to index
        %get3A_739 = arith.constant 80 : index
        %get3A_740 = tpu.vector_load %arg15[%get3A_738, %get3A_739] {strides = array<i32>} : memref<64x128xf32, #tpu.memory_space<vmem>>, vector<1x16xf32>,
        %get3A_741 = vector.shape_cast %get3A_740 : vector<1x16xf32> to vector<16xf32>
        %get3A_742 = arith.index_cast %add3A_652 : i32 to index
        %get3A_743 = arith.constant 80 : index
        %get3A_744 = tpu.vector_load %arg16[%get3A_742, %get3A_743] {strides = array<i32>} : memref<64x128xf32, #tpu.memory_space<vmem>>, vector<1x16xf32>,
        %get3A_745 = vector.shape_cast %get3A_744 : vector<1x16xf32> to vector<16xf32>
        %add3A_746 = arith.addf %get3A_741, %get3A_745 : vector<16xf32>
        %mul3A_747 = vector.broadcast %scan3A_202 : f32 to vector<16xf32>
        %mul3A_748 = arith.mulf %add3A_746, %mul3A_747 : vector<16xf32>
        %max3A_749 = arith.maximumf %add3A_746, %mul3A_748 : vector<16xf32>
        %swap3A_750 = arith.index_cast %add3A_652 : i32 to index
        %swap3A_751 = arith.constant 80 : index
        %swap3A_752 = tpu.vector_load %arg15[%swap3A_750, %swap3A_751] {strides = array<i32>} : memref<64x128xf32, #tpu.memory_space<vmem>>, vector<1x16xf32>,
        %swap3A_753 = vector.shape_cast %swap3A_752 : vector<1x16xf32> to vector<16xf32>
        %swap3A_754 = vector.shape_cast %max3A_749 : vector<16xf32> to vector<1x16xf32>
        tpu.vector_store %arg15[%swap3A_750, %swap3A_751], %swap3A_754 {strides = array<i32>} : memref<64x128xf32, #tpu.memory_space<vmem>>, vector<1x16xf32>,
        %get3A_755 = arith.index_cast %add3A_652 : i32 to index
        %get3A_756 = arith.constant 96 : index
        %get3A_757 = tpu.vector_load %arg15[%get3A_755, %get3A_756] {strides = array<i32>} : memref<64x128xf32, #tpu.memory_space<vmem>>, vector<1x16xf32>,
        %get3A_758 = vector.shape_cast %get3A_757 : vector<1x16xf32> to vector<16xf32>
        %get3A_759 = arith.index_cast %add3A_652 : i32 to index
        %get3A_760 = arith.constant 96 : index
        %get3A_761 = tpu.vector_load %arg16[%get3A_759, %get3A_760] {strides = array<i32>} : memref<64x128xf32, #tpu.memory_space<vmem>>, vector<1x16xf32>,
        %get3A_762 = vector.shape_cast %get3A_761 : vector<1x16xf32> to vector<16xf32>
        %add3A_763 = arith.addf %get3A_758, %get3A_762 : vector<16xf32>
        %mul3A_764 = vector.broadcast %scan3A_202 : f32 to vector<16xf32>
        %mul3A_765 = arith.mulf %add3A_763, %mul3A_764 : vector<16xf32>
        %max3A_766 = arith.maximumf %add3A_763, %mul3A_765 : vector<16xf32>
        %swap3A_767 = arith.index_cast %add3A_652 : i32 to index
        %swap3A_768 = arith.constant 96 : index
        %swap3A_769 = tpu.vector_load %arg15[%swap3A_767, %swap3A_768] {strides = array<i32>} : memref<64x128xf32, #tpu.memory_space<vmem>>, vector<1x16xf32>,
        %swap3A_770 = vector.shape_cast %swap3A_769 : vector<1x16xf32> to vector<16xf32>
        %swap3A_771 = vector.shape_cast %max3A_766 : vector<16xf32> to vector<1x16xf32>
        tpu.vector_store %arg15[%swap3A_767, %swap3A_768], %swap3A_771 {strides = array<i32>} : memref<64x128xf32, #tpu.memory_space<vmem>>, vector<1x16xf32>,
        %get3A_772 = arith.index_cast %add3A_652 : i32 to index
        %get3A_773 = arith.constant 112 : index
        %get3A_774 = tpu.vector_load %arg15[%get3A_772, %get3A_773] {strides = array<i32>} : memref<64x128xf32, #tpu.memory_space<vmem>>, vector<1x16xf32>,
        %get3A_775 = vector.shape_cast %get3A_774 : vector<1x16xf32> to vector<16xf32>
        %get3A_776 = arith.index_cast %add3A_652 : i32 to index
        %get3A_777 = arith.constant 112 : index
        %get3A_778 = tpu.vector_load %arg16[%get3A_776, %get3A_777] {strides = array<i32>} : memref<64x128xf32, #tpu.memory_space<vmem>>, vector<1x16xf32>,
        %get3A_779 = vector.shape_cast %get3A_778 : vector<1x16xf32> to vector<16xf32>
        %add3A_780 = arith.addf %get3A_775, %get3A_779 : vector<16xf32>
        %mul3A_781 = vector.broadcast %scan3A_202 : f32 to vector<16xf32>
        %mul3A_782 = arith.mulf %add3A_780, %mul3A_781 : vector<16xf32>
        %max3A_783 = arith.maximumf %add3A_780, %mul3A_782 : vector<16xf32>
        %swap3A_784 = arith.index_cast %add3A_652 : i32 to index
        %swap3A_785 = arith.constant 112 : index
        %swap3A_786 = tpu.vector_load %arg15[%swap3A_784, %swap3A_785] {strides = array<i32>} : memref<64x128xf32, #tpu.memory_space<vmem>>, vector<1x16xf32>,
        %swap3A_787 = vector.shape_cast %swap3A_786 : vector<1x16xf32> to vector<16xf32>
        %swap3A_788 = vector.shape_cast %max3A_783 : vector<16xf32> to vector<1x16xf32>
        tpu.vector_store %arg15[%swap3A_784, %swap3A_785], %swap3A_788 {strides = array<i32>} : memref<64x128xf32, #tpu.memory_space<vmem>>, vector<1x16xf32>,
      }
      %scan3A_207 = arith.constant 16 : i32
      %add3A_208 = arith.addi %mul3A_2, %scan3A_52 : i32
      %dma_start3A_209 = arith.constant 192 : i32
      %dma_start3A_210 = arith.constant 0 : i32
      %dma_start3A_211 = tpu.memref_slice %arg6[%add3A_208, %dma_start3A_209, %dma_start3A_210] : memref<2048x256x128xf32, #tpu.memory_space<hbm>> -> memref<1x64x128xf32, #tpu.memory_space<hbm>>
      %dma_start3A_212 = tpu.memref_squeeze %dma_start3A_211 : memref<1x64x128xf32, #tpu.memory_space<hbm>> -> memref<64x128xf32, #tpu.memory_space<hbm>>
      %dma_start3A_213 = arith.constant 192 : i32
      %dma_start3A_214 = arith.constant 0 : i32
      %dma_start3A_215 = tpu.memref_slice %arg6[%add3A_208, %dma_start3A_213, %dma_start3A_214] : memref<2048x256x128xf32, #tpu.memory_space<hbm>> -> memref<1x64x128xf32, #tpu.memory_space<hbm>>
      %dma_start3A_216 = tpu.memref_squeeze %dma_start3A_215 : memref<1x64x128xf32, #tpu.memory_space<hbm>> -> memref<64x128xf32, #tpu.memory_space<hbm>>
      tpu.enqueue_dma source(%arg15 : memref<64x128xf32, #tpu.memory_space<vmem>>) target(%dma_start3A_216 : memref<64x128xf32, #tpu.memory_space<hbm>>) target_semaphore(%arg24 : memref<!tpu.dma_semaphore, #tpu.memory_space<semaphore_mem>>)
      %dma_wait3A_217 = arith.constant 0 : i32
      %dma_wait3A_218 = arith.constant 0 : i32
      %dma_wait3A_219 = arith.constant 0 : i32
      %dma_wait3A_220 = tpu.memref_slice %arg6[%dma_wait3A_217, %dma_wait3A_218, %dma_wait3A_219] : memref<2048x256x128xf32, #tpu.memory_space<hbm>> -> memref<1x64x128xf32, #tpu.memory_space<hbm>>
      %dma_wait3A_221 = tpu.memref_squeeze %dma_wait3A_220 : memref<1x64x128xf32, #tpu.memory_space<hbm>> -> memref<64x128xf32, #tpu.memory_space<hbm>>
      %dma_wait3A_222 = arith.constant 0 : i32
      %dma_wait3A_223 = arith.constant 0 : i32
      %dma_wait3A_224 = tpu.memref_slice %arg6[%dma_wait3A_217, %dma_wait3A_222, %dma_wait3A_223] : memref<2048x256x128xf32, #tpu.memory_space<hbm>> -> memref<1x64x128xf32, #tpu.memory_space<hbm>>
      %dma_wait3A_225 = tpu.memref_squeeze %dma_wait3A_224 : memref<1x64x128xf32, #tpu.memory_space<hbm>> -> memref<64x128xf32, #tpu.memory_space<hbm>>
      tpu.wait_dma2 semaphore(%arg22 : memref<!tpu.dma_semaphore, #tpu.memory_space<semaphore_mem>>) src(%arg11 : memref<64x128xf32, #tpu.memory_space<vmem>>) dst(%dma_wait3A_225 : memref<64x128xf32, #tpu.memory_space<hbm>>)
      %lt3A_226 = arith.constant 63 : i32
      %lt3A_227 = arith.cmpi slt, %scan3A_52, %lt3A_226 : i32
      %convert_element_type3A_228 = arith.extui %lt3A_227 : i1 to i32
      %cond3A_229 = arith.constant 0 : i32
      %cond3A_230 = arith.cmpi ne, %convert_element_type3A_228, %cond3A_229 : i32
      scf.if %cond3A_230 {
        %add3A_231 = arith.constant 1 : i32
        %add3A_232 = arith.addi %scan3A_52, %add3A_231 : i32
        %dma_start3A_233 = arith.constant 64 : i32
        %dma_start3A_234 = tpu.memref_slice %arg7[%add3A_232, %dma_start3A_233] : memref<64x256xi32, #tpu.memory_space<vmem>> -> memref<1x64xi32, #tpu.memory_space<vmem>>
        %dma_start3A_235 = tpu.memref_squeeze %dma_start3A_234 : memref<1x64xi32, #tpu.memory_space<vmem>> -> memref<64xi32, #tpu.memory_space<vmem>>
        %dma_start3A_236 = arith.constant 0 : i32
        %dma_start3A_237 = arith.constant 0 : i32
        %dma_start3A_238 = tpu.memref_slice %arg4[%dma_start3A_236, %dma_start3A_237] : memref<1032x128xf32, #tpu.memory_space<hbm>> -> memref<1032x128xf32, #tpu.memory_space<hbm>>
        tpu.enqueue_indirect_dma source(%dma_start3A_238 : memref<1032x128xf32, #tpu.memory_space<hbm>>) target(%arg11 : memref<64x128xf32, #tpu.memory_space<vmem>>) offsets(%dma_start3A_235 : memref<64xi32, #tpu.memory_space<vmem>>) semaphore(%arg18 : memref<!tpu.dma_semaphore, #tpu.memory_space<semaphore_mem>>)
        %dma_start3A_239 = arith.constant 64 : i32
        %dma_start3A_240 = tpu.memref_slice %arg8[%add3A_232, %dma_start3A_239] : memref<64x256xi32, #tpu.memory_space<vmem>> -> memref<1x64xi32, #tpu.memory_space<vmem>>
        %dma_start3A_241 = tpu.memref_squeeze %dma_start3A_240 : memref<1x64xi32, #tpu.memory_space<vmem>> -> memref<64xi32, #tpu.memory_space<vmem>>
        %dma_start3A_242 = arith.constant 0 : i32
        %dma_start3A_243 = arith.constant 0 : i32
        %dma_start3A_244 = tpu.memref_slice %arg5[%dma_start3A_242, %dma_start3A_243] : memref<1032x128xf32, #tpu.memory_space<hbm>> -> memref<1032x128xf32, #tpu.memory_space<hbm>>
        tpu.enqueue_indirect_dma source(%dma_start3A_244 : memref<1032x128xf32, #tpu.memory_space<hbm>>) target(%arg12 : memref<64x128xf32, #tpu.memory_space<vmem>>) offsets(%dma_start3A_241 : memref<64xi32, #tpu.memory_space<vmem>>) semaphore(%arg18 : memref<!tpu.dma_semaphore, #tpu.memory_space<semaphore_mem>>)
      } else {
      }
    }
    %scan3A_34 = arith.constant 64 : i32
    %dma_wait3A = arith.constant 0 : i32
    %dma_wait3A_35 = arith.constant 0 : i32
    %dma_wait3A_36 = arith.constant 0 : i32
    %dma_wait3A_37 = tpu.memref_slice %arg6[%dma_wait3A, %dma_wait3A_35, %dma_wait3A_36] : memref<2048x256x128xf32, #tpu.memory_space<hbm>> -> memref<1x64x128xf32, #tpu.memory_space<hbm>>
    %dma_wait3A_38 = tpu.memref_squeeze %dma_wait3A_37 : memref<1x64x128xf32, #tpu.memory_space<hbm>> -> memref<64x128xf32, #tpu.memory_space<hbm>>
    %dma_wait3A_39 = arith.constant 0 : i32
    %dma_wait3A_40 = arith.constant 0 : i32
    %dma_wait3A_41 = tpu.memref_slice %arg6[%dma_wait3A, %dma_wait3A_39, %dma_wait3A_40] : memref<2048x256x128xf32, #tpu.memory_space<hbm>> -> memref<1x64x128xf32, #tpu.memory_space<hbm>>
    %dma_wait3A_42 = tpu.memref_squeeze %dma_wait3A_41 : memref<1x64x128xf32, #tpu.memory_space<hbm>> -> memref<64x128xf32, #tpu.memory_space<hbm>>
    tpu.wait_dma2 semaphore(%arg23 : memref<!tpu.dma_semaphore, #tpu.memory_space<semaphore_mem>>) src(%arg13 : memref<64x128xf32, #tpu.memory_space<vmem>>) dst(%dma_wait3A_42 : memref<64x128xf32, #tpu.memory_space<hbm>>)
    %dma_wait3A_43 = arith.constant 0 : i32
    %dma_wait3A_44 = arith.constant 0 : i32
    %dma_wait3A_45 = arith.constant 0 : i32
    %dma_wait3A_46 = tpu.memref_slice %arg6[%dma_wait3A_43, %dma_wait3A_44, %dma_wait3A_45] : memref<2048x256x128xf32, #tpu.memory_space<hbm>> -> memref<1x64x128xf32, #tpu.memory_space<hbm>>
    %dma_wait3A_47 = tpu.memref_squeeze %dma_wait3A_46 : memref<1x64x128xf32, #tpu.memory_space<hbm>> -> memref<64x128xf32, #tpu.memory_space<hbm>>
    %dma_wait3A_48 = arith.constant 0 : i32
    %dma_wait3A_49 = arith.constant 0 : i32
    %dma_wait3A_50 = tpu.memref_slice %arg6[%dma_wait3A_43, %dma_wait3A_48, %dma_wait3A_49] : memref<2048x256x128xf32, #tpu.memory_space<hbm>> -> memref<1x64x128xf32, #tpu.memory_space<hbm>>
    %dma_wait3A_51 = tpu.memref_squeeze %dma_wait3A_50 : memref<1x64x128xf32, #tpu.memory_space<hbm>> -> memref<64x128xf32, #tpu.memory_space<hbm>>
    tpu.wait_dma2 semaphore(%arg24 : memref<!tpu.dma_semaphore, #tpu.memory_space<semaphore_mem>>) src(%arg15 : memref<64x128xf32, #tpu.memory_space<vmem>>) dst(%dma_wait3A_51 : memref<64x128xf32, #tpu.memory_space<hbm>>)
    return
  }
}

module attributes {stable_mosaic.version = 14 : i64} {
  func.func @_tables_body(%arg0: memref<1032x128xf32, #tpu.memory_space<vmem>>, %arg1: memref<256x128xf32, #tpu.memory_space<vmem>>, %arg2: memref<1x128xf32, #tpu.memory_space<vmem>>, %arg3: memref<1032x128xf32, #tpu.memory_space<vmem>>, %arg4: memref<1032x128xf32, #tpu.memory_space<vmem>>) attributes {dimension_semantics = [], scalar_prefetch = 0 : i64, scratch_operands = 0 : i64, tpu.core_type = #tpu.core_type<tc>} {
    %get3A = arith.constant 0 : index
    %get3A_0 = arith.constant 0 : index
    %get3A_1 = vector.load %arg0[%get3A, %get3A_0] : memref<1032x128xf32, #tpu.memory_space<vmem>>, vector<1032x128xf32>
    %get3A_2 = arith.constant 0 : index
    %get3A_3 = arith.constant 0 : index
    %get3A_4 = vector.load %arg1[%get3A_2, %get3A_3] : memref<256x128xf32, #tpu.memory_space<vmem>>, vector<256x128xf32>
    %slice3A = vector.extract_strided_slice %get3A_4 {offsets = [0, 0], sizes = [128, 128], strides = [1, 1]} : vector<256x128xf32> to vector<128x128xf32>
    %dot_general3A = arith.constant dense<0.000000e+00> : vector<1032x128xf32>
    %dot_general3A_5 = tpu.matmul %get3A_1, %slice3A, %dot_general3A {dimension_numbers = #tpu.dot_dimension_numbers<[1], [0], [0], [1], [0, 0, 1, 1], [], []>, transpose_lhs_hint = false} : vector<1032x128xf32>, vector<128x128xf32>, vector<1032x128xf32> -> vector<1032x128xf32>
    %swap3A = arith.constant 0 : index
    %swap3A_6 = arith.constant 0 : index
    %swap3A_7 = vector.load %arg3[%swap3A, %swap3A_6] : memref<1032x128xf32, #tpu.memory_space<vmem>>, vector<1032x128xf32>
    tpu.vector_store %arg3[%swap3A, %swap3A_6], %dot_general3A_5 {strides = array<i32>} : memref<1032x128xf32, #tpu.memory_space<vmem>>, vector<1032x128xf32>,
    %slice3A_8 = vector.extract_strided_slice %get3A_4 {offsets = [128, 0], sizes = [128, 128], strides = [1, 1]} : vector<256x128xf32> to vector<128x128xf32>
    %dot_general3A_9 = arith.constant dense<0.000000e+00> : vector<1032x128xf32>
    %dot_general3A_10 = tpu.matmul %get3A_1, %slice3A_8, %dot_general3A_9 {dimension_numbers = #tpu.dot_dimension_numbers<[1], [0], [0], [1], [0, 0, 1, 1], [], []>, transpose_lhs_hint = false} : vector<1032x128xf32>, vector<128x128xf32>, vector<1032x128xf32> -> vector<1032x128xf32>
    %get3A_11 = arith.constant 0 : index
    %get3A_12 = arith.constant 0 : index
    %get3A_13 = vector.load %arg2[%get3A_11, %get3A_12] : memref<1x128xf32, #tpu.memory_space<vmem>>, vector<1x128xf32>
    %add3A = vector.broadcast %get3A_13 : vector<1x128xf32> to vector<1032x128xf32>
    %add3A_14 = arith.addf %dot_general3A_10, %add3A : vector<1032x128xf32>
    %swap3A_15 = arith.constant 0 : index
    %swap3A_16 = arith.constant 0 : index
    %swap3A_17 = vector.load %arg4[%swap3A_15, %swap3A_16] : memref<1032x128xf32, #tpu.memory_space<vmem>>, vector<1032x128xf32>
    tpu.vector_store %arg4[%swap3A_15, %swap3A_16], %add3A_14 {strides = array<i32>} : memref<1032x128xf32, #tpu.memory_space<vmem>>, vector<1032x128xf32>,
    return
  }
}

module attributes {stable_mosaic.version = 14 : i64} {
  func.func @_idx_body(%arg0: i32, %arg1: memref<1x1x256xi32, #tpu.memory_space<vmem>>, %arg2: memref<1x1x256xi32, #tpu.memory_space<vmem>>, %arg3: memref<1x256x256xi32, #tpu.memory_space<vmem>>, %arg4: memref<1x256x256xi32, #tpu.memory_space<vmem>>) attributes {dimension_semantics = [#tpu.dimension_semantics<arbitrary>], iteration_bounds = array<i64: 8>, scalar_prefetch = 0 : i64, scratch_operands = 0 : i64, tpu.core_type = #tpu.core_type<tc>, window_params = [{transform_indices = @transform_0, window_bounds = array<i64: 1, 1, 256>}, {transform_indices = @transform_1, window_bounds = array<i64: 1, 1, 256>}, {transform_indices = @transform_2, window_bounds = array<i64: 1, 256, 256>}, {transform_indices = @transform_3, window_bounds = array<i64: 1, 256, 256>}]} {
    %get3A = arith.constant 0 : index
    %get3A_0 = arith.constant 0 : index
    %get3A_1 = arith.constant 0 : index
    %get3A_2 = vector.load %arg1[%get3A, %get3A_0, %get3A_1] : memref<1x1x256xi32, #tpu.memory_space<vmem>>, vector<1x1x256xi32>
    %get3A_3 = vector.shape_cast %get3A_2 : vector<1x1x256xi32> to vector<256xi32>
    %get3A_4 = arith.constant 0 : index
    %get3A_5 = arith.constant 0 : index
    %get3A_6 = arith.constant 0 : index
    %get3A_7 = vector.load %arg2[%get3A_4, %get3A_5, %get3A_6] : memref<1x1x256xi32, #tpu.memory_space<vmem>>, vector<1x1x256xi32>
    %get3A_8 = vector.shape_cast %get3A_7 : vector<1x1x256xi32> to vector<256xi32>
    %broadcast_in_dim3A = vector.shape_cast %get3A_3 : vector<256xi32> to vector<256x1xi32>
    %broadcast_in_dim3A_9 = vector.shape_cast %get3A_3 : vector<256xi32> to vector<1x256xi32>
    %sub3A = vector.broadcast %broadcast_in_dim3A : vector<256x1xi32> to vector<256x256xi32>
    %sub3A_10 = vector.broadcast %broadcast_in_dim3A_9 : vector<1x256xi32> to vector<256x256xi32>
    %sub3A_11 = arith.subi %sub3A, %sub3A_10 : vector<256x256xi32>
    %add3A = arith.constant 512 : i32
    %add3A_12 = vector.broadcast %add3A : i32 to vector<256x256xi32>
    %add3A_13 = arith.addi %sub3A_11, %add3A_12 : vector<256x256xi32>
    %swap3A = arith.constant 0 : index
    %swap3A_14 = arith.constant 0 : index
    %swap3A_15 = arith.constant 0 : index
    %swap3A_16 = vector.load %arg3[%swap3A, %swap3A_14, %swap3A_15] : memref<1x256x256xi32, #tpu.memory_space<vmem>>, vector<1x256x256xi32>
    %swap3A_17 = vector.shape_cast %swap3A_16 : vector<1x256x256xi32> to vector<256x256xi32>
    %swap3A_18 = vector.shape_cast %add3A_13 : vector<256x256xi32> to vector<1x256x256xi32>
    tpu.vector_store %arg3[%swap3A, %swap3A_14, %swap3A_15], %swap3A_18 {strides = array<i32>} : memref<1x256x256xi32, #tpu.memory_space<vmem>>, vector<1x256x256xi32>,
    %broadcast_in_dim3A_19 = vector.shape_cast %get3A_8 : vector<256xi32> to vector<256x1xi32>
    %broadcast_in_dim3A_20 = vector.shape_cast %get3A_8 : vector<256xi32> to vector<1x256xi32>
    %sub3A_21 = vector.broadcast %broadcast_in_dim3A_19 : vector<256x1xi32> to vector<256x256xi32>
    %sub3A_22 = vector.broadcast %broadcast_in_dim3A_20 : vector<1x256xi32> to vector<256x256xi32>
    %sub3A_23 = arith.subi %sub3A_21, %sub3A_22 : vector<256x256xi32>
    %add3A_24 = arith.constant 512 : i32
    %add3A_25 = vector.broadcast %add3A_24 : i32 to vector<256x256xi32>
    %add3A_26 = arith.addi %sub3A_23, %add3A_25 : vector<256x256xi32>
    %swap3A_27 = arith.constant 0 : index
    %swap3A_28 = arith.constant 0 : index
    %swap3A_29 = arith.constant 0 : index
    %swap3A_30 = vector.load %arg4[%swap3A_27, %swap3A_28, %swap3A_29] : memref<1x256x256xi32, #tpu.memory_space<vmem>>, vector<1x256x256xi32>
    %swap3A_31 = vector.shape_cast %swap3A_30 : vector<1x256x256xi32> to vector<256x256xi32>
    %swap3A_32 = vector.shape_cast %add3A_26 : vector<256x256xi32> to vector<1x256x256xi32>
    tpu.vector_store %arg4[%swap3A_27, %swap3A_28, %swap3A_29], %swap3A_32 {strides = array<i32>} : memref<1x256x256xi32, #tpu.memory_space<vmem>>, vector<1x256x256xi32>,
    return
  }
  func.func @transform_0(%arg0: i32) -> (i32, i32, i32) {
    %c0_i32 = arith.constant 0 : i32
    %c0_i32_0 = arith.constant 0 : i32
    %c0_i32_1 = arith.constant 0 : i32
    return %arg0, %c0_i32, %c0_i32_0 : i32, i32, i32
  }
  func.func @transform_1(%arg0: i32) -> (i32, i32, i32) {
    %c0_i32 = arith.constant 0 : i32
    %c0_i32_0 = arith.constant 0 : i32
    %c0_i32_1 = arith.constant 0 : i32
    return %arg0, %c0_i32, %c0_i32_0 : i32, i32, i32
  }
  func.func @transform_2(%arg0: i32) -> (i32, i32, i32) {
    %c0_i32 = arith.constant 0 : i32
    %c0_i32_0 = arith.constant 0 : i32
    %c0_i32_1 = arith.constant 0 : i32
    return %arg0, %c0_i32, %c0_i32_0 : i32, i32, i32
  }
  func.func @transform_3(%arg0: i32) -> (i32, i32, i32) {
    %c0_i32 = arith.constant 0 : i32
    %c0_i32_0 = arith.constant 0 : i32
    %c0_i32_1 = arith.constant 0 : i32
    return %arg0, %c0_i32, %c0_i32_0 : i32, i32, i32
  }
}

</mosaic_0001>

<sc_bundles>
// kernel: kernel.5.cloned.1.call-start
scs
__scs_entry_jumppad:
0x0: {  	(pc) =	sbr.rel $0x88, $3  }
0x1: {  	(tag) =	ssettag $0x0;
	lr =	simm.s32 $0x1  }
0x2: {  	[smem:$0x3F9C] =	sst lr;
	_ =	strace $0xD0000000  }
0x3: {  	_ = 	snop  }
0x4: {  	_ = 	snop  }
0x5: {  	_ = 	snop  }
0x6: {  	_ = 	snop  }
0x7: {  	_ = 	snop  }
__scs_overlays_trampoline_lowered:
0x8: {  	[smem:$0x3FAB] =	sst s0  }
0x9: {  	[smem:$0x3FAC] =	sst s1  }
0xa: {  	[smem:$0x3FAD] =	sst s2  }
0xb: {  	[smem:$0x3FAE] =	sst s3  }
0xc: {  	[smem:$0x3FAF] =	sst s4  }
0xd: {  	[smem:$0x3FB0] =	sst s5  }
0xe: {  	[smem:$0x3FB1] =	sst s6  }
0xf: {  	[smem:$0x3FB2] =	sst s7  }
0x10: {  	[smem:$0x3FB3] =	sst s8  }
0x11: {  	[smem:$0x3FB4] =	sst s9;
	s0 =	simm.s32 @!p0 $0x0  }
0x12: {  	s1 =	sld [smem:$0x3F9A];
	s0 =	simm.s32 @p0 $0x1  }
0x13: {  	[smem:$0x3FB5] =	sst s0;
	s0 =	simm.s32 @!p1 $0x0  }
0x14: {  	s2 =	sld [smem:$0x3F99];
	s0 =	simm.s32 @p1 $0x1  }
0x15: {  	[smem:$0x3FB6] =	sst s0;
	s0 =	simm.s32 @!p2 $0x0  }
0x16: {  	s3 =	sld [smem:$0x3FDB];
	s0 =	simm.s32 @p2 $0x1  }
0x17: {  	s4 =	simm.s32 $0x1BF5;
	[smem:$0x3FB8] =	sst s0  }
0x18: {  	s0 =	sld [smem:$0x3F9B];
	_ =	swait.ge [sflag:s4], $0x0  }
0x19: {  	s7 =	sld [smem:$0x3F9C]  }
0x1a: {  	s8 =	sadd.s32 $0xFFFFE003, lr  }
0x1b: {  	s9 =	sadd.s32 $0xFFFFFEF7, lr;
	s5 =	simm.s32 $0xFFFFFFFF;
	p2 =	slt.u32 s8, $0xFFFFF086  }
0x1c: {  	p1 =	slt.u32 s9, $0xF7A;
	s5 =	simm.s32 @!p2 $0x0  }
0x1d: {  	s5 =	simm.s32 @p1 $0x1;
	p0 =	seq.s32 s7, s2  }
0x1e: {  	s7 =	smul.u32 @!p0 $0xF7A, s2;
	p2 =	seq.s32 @!p0 s5, $0x0  }
0x1f: {  	s9 =	smul.u32 $0xF7A, s1;
	s8 =	simm.s32 @!p0 $0x1BF5;
	p2 =	por !p2, p0  }
0x20: {  	[sflag:s8] =	ssyncset.s32 @!p0 $0xFFFFF086;
	s6 =	sadd.s32 @!p0 s3, s7;
	s7 =	simm.s32 @!p0 $0x108  }
0x21: {  	s3 =	sadd.s32 s3, s9;
	s6 =	sadd.s32 @!p0 $0x88, s6;
	s7 =	simm.s32 @p2 $0x1082  }
0x22: {  	[simem:s7], [sflag:s8] =	dma.local @!p0 [hbm:s6], $0xF7A  }
0x23: {  	s9 =	sor.u32 $0xD0000000, s2;
	s6 =	simm.s32 $0x108;
	_ =	swait.ge @!p0 [sflag:s8], $0x0  }
0x24: {  	s3 =	sadd.s32 $0x88, s3;
	s6 =	simm.s32 @!p1 $0x1082;
	[sflag:s4] =	ssyncset.s32 $0xFFFFF086  }
0x25: {  	[simem:s6], [sflag:s4] =	dma.local [hbm:s3], $0xF7A  }
0x26: {  	[smem:$0x3F9C] =	sst s1;
	(tag) =	ssettag s2;
	_ =	strace s9  }
0x27: {  	s1 =	sld [smem:$0x3FAC]  }
0x28: {  	s2 =	sld [smem:$0x3FAD]  }
0x29: {  	s4 =	sld [smem:$0x3FAF]  }
0x2a: {  	p0 =	seq.s32 s5, $0x0;
	s5 =	sld [smem:$0x3FB0]  }
0x2b: {  	s6 =	sld [smem:$0x3FB1]  }
0x2c: {  	s7 =	sld [smem:$0x3FB2]  }
0x2d: {  	s3 =	simm.s32 $0x108;
	s8 =	sld [smem:$0x3FB3]  }
0x2e: {  	s3 =	simm.s32 @!p0 $0x1082;
	s9 =	sld [smem:$0x3FB4]  }
0x2f: {  	lr =	sadd.s32 s0, s3;
	s0 =	sld [smem:$0x3FAB]  }
0x30: {  	s3 =	sld [smem:$0x3FAE]  }
0x31: {  	[smem:$0x3FB7] =	sst s10  }
0x32: {  	s10 =	sld [smem:$0x3FB5];
	_ =	sdelay $0x3  }
0x33: {  	p0 =	seq.s32 s10, $0x1;
	s10 =	sld [smem:$0x3FB7];
	_ =	sdelay $0x3  }
0x34: {  	[smem:$0x3FB7] =	sst s10  }
0x35: {  	s10 =	sld [smem:$0x3FB6];
	_ =	sdelay $0x3  }
0x36: {  	p1 =	seq.s32 s10, $0x1;
	s10 =	sld [smem:$0x3FB7];
	_ =	sdelay $0x3  }
0x37: {  	[smem:$0x3FB7] =	sst s10  }
0x38: {  	s10 =	sld [smem:$0x3FB8]  }
0x39: {  	_ = 	snop;
	(pc) =	sbr.ind lr, $3  }
0x3a: {  	_ = 	snop  }
0x3b: {  	_ = 	snop  }
0x3c: {  	p2 =	seq.s32 s10, $0x1;
	s10 =	sld [smem:$0x3FB7]  }
0x3d: {  	_ =	shalt  }
0x3e: {  	_ =	shalt  }
0x3f: {  	_ =	shalt  }
0x40: {  	_ =	shalt  }
0x41: {  	_ =	shalt  }
0x42: {  	_ =	shalt  }
0x43: {  	_ =	shalt  }
0x44: {  	_ =	shalt  }
0x45: {  	_ =	shalt  }
0x46: {  	_ =	shalt  }
0x47: {  	_ =	shalt  }
0x48: {  	_ =	shalt  }
0x49: {  	_ =	shalt  }
0x4a: {  	_ =	shalt  }
0x4b: {  	_ =	shalt  }
0x4c: {  	_ =	shalt  }
0x4d: {  	_ =	shalt  }
0x4e: {  	_ =	shalt  }
0x4f: {  	_ =	shalt  }
0x50: {  	_ =	shalt  }
0x51: {  	_ =	shalt  }
0x52: {  	_ =	shalt  }
0x53: {  	_ =	shalt  }
0x54: {  	_ =	shalt  }
0x55: {  	_ =	shalt  }
0x56: {  	_ =	shalt  }
0x57: {  	_ =	shalt  }
0x58: {  	_ =	shalt  }
0x59: {  	_ =	shalt  }
0x5a: {  	_ =	shalt  }
0x5b: {  	_ =	shalt  }
0x5c: {  	_ =	shalt  }
0x5d: {  	_ =	shalt  }
0x5e: {  	_ =	shalt  }
0x5f: {  	_ =	shalt  }
0x60: {  	_ =	shalt  }
0x61: {  	_ =	shalt  }
0x62: {  	_ =	shalt  }
0x63: {  	_ =	shalt  }
0x64: {  	_ =	shalt  }
0x65: {  	_ =	shalt  }
0x66: {  	_ =	shalt  }
0x67: {  	_ =	shalt  }
0x68: {  	_ =	shalt  }
0x69: {  	_ =	shalt  }
0x6a: {  	_ =	shalt  }
0x6b: {  	_ =	shalt  }
0x6c: {  	_ =	shalt  }
0x6d: {  	_ =	shalt  }
0x6e: {  	_ =	shalt  }
0x6f: {  	_ =	shalt  }
0x70: {  	_ =	shalt  }
0x71: {  	_ =	shalt  }
0x72: {  	_ =	shalt  }
0x73: {  	_ =	shalt  }
0x74: {  	_ =	shalt  }
0x75: {  	_ =	shalt  }
0x76: {  	_ =	shalt  }
0x77: {  	_ =	shalt  }
0x78: {  	_ =	shalt  }
0x79: {  	_ =	shalt  }
0x7a: {  	_ =	shalt  }
0x7b: {  	_ =	shalt  }
0x7c: {  	_ =	shalt  }
0x7d: {  	_ =	shalt  }
0x7e: {  	_ =	shalt  }
0x7f: {  	_ =	shalt  }
0x80: {  	_ =	shalt  }
0x81: {  	_ =	shalt  }
0x82: {  	_ =	shalt  }
0x83: {  	_ =	shalt  }
0x84: {  	_ =	shalt  }
0x85: {  	_ =	shalt  }
0x86: {  	_ =	shalt  }
0x87: {  	_ =	shalt  }
.Lfunc_end0:
.L_simem_size_0:
called_computation_lowered:
.L_overlay_start_0:
0x88: {  	s2 =	sld [smem:$0x3FD9]  }
0x89: {  	s3 =	sld [smem:$0x3FFE];
	_ =	sdelay $0x1  }
0x8a: {  	s1 =	srdreg.scid  }
0x8b: {  	s0 =	sand.u32 $0x1, s1  }
0x8c: {  	s17 =	sshll.u32 s0, $0xA;
	s2 =	sadd.s32 s3, s2  }
0x8d: {  	s2 =	sadd.s32 s2, s17  }
0x8e: {  	[smem:$0x3FC3] =	sst s2  }
0x8f: {  	_ = 	snop  }
0x90: {  	s2 =	sld [smem:$0x3FD0];
	(tm) =	ssettm $0x1  }
0x91: {  	s18 =	sld [smem:$0x3FFB];
	_ =	sdelay $0x3  }
0x92: {  	_ =	strace s18  }
0x93: {  	s3 =	sld [smem:$0x3FFC];
	_ =	sdelay $0x3  }
0x94: {  	_ =	strace s3  }
0x95: {  	s3 =	sld [smem:$0x3FFD];
	_ =	sdelay $0x3  }
0x96: {  	_ =	strace s3  }
0x97: {  	_ =	strace $0x8FFFFFFF  }
0x98: {  	s19 =	sld [smem:$0x3FDB];
	_ =	sdelay $0x1  }
0x99: {  	s4 =	simm.s32 $_scs_section_size  }
0x9a: {  	s5 =	simm.s32 $_size__tile_overlayer_lowered;
	s6 =	simm.s32 $_tile_overlayer_lowered  }
0x9b: {  	s22 =	simm.s32 $0x1BFF;
	s21 =	sshll.u32 s6, $0x1;
	s3 =	sadd.s32 s4, s19  }
0x9c: {  	s7 =	simm.s32 $0x0;
	s20 =	sshll.u32 s5, $0x1;
	s5 =	sadd.s32 s21, s3  }
0x9d: {  	[timem:s7], [sflag:s22] =	dma.local [hbm:s5], s20  }
0x9e: {  	_ =	swait.ge [sflag:s22], s20  }
0x9f: {  	s4 =	ssub.s32 $0x0, s20;
	[sflag:s22] =	ssyncset.done $0x0  }
0xa0: {  	[sflag:s22] =	ssyncadd.s32 s4;
	_ =	sdelay $0x1  }
0xa1: {  	s23 =	simm.s32 $0x1B8B  }
0xa2: {  	_ =	swait.ge [sflag:s23], $0x1  }
0xa3: {  	[sflag:s23] =	ssyncset.done $0x0  }
0xa4: {  	s25 =	simm.s32 $0x1B8E;
	s24 =	sld [smem:$0x3FFE];
	[sflag:s23] =	ssyncadd.s32 $0xFFFFFFFF  }
0xa5: {  	s26 =	simm.s32 $execute0_lowered;
	[smem:$0x3FD2] =	sst s25  }
0xa6: {  	s5 =	sshll.u32 s26, $0x1;
	_ =	strace $0x80000046;
	[dreg:$0x1] =	wrdreg $0xFFFFFFFF  }
0xa7: {  	s28 =	simm.s32 $_size_execute0_lowered;
	s3 =	sadd.s32 s3, s5;
	[dreg:$0x0] =	wrdreg $0x0  }
0xa8: {  	s5 =	sshll.u32 s28, $0x1;
	[dreg:$0x2] =	wrdreg s3  }
0xa9: {  	[dreg:$0x3] =	wrdreg s5  }
0xaa: {  	[dreg:$0x4] =	wrdreg $0xC0  }
0xab: {  	_ =	task [dreg:s7], $0x5FFFF  }
0xac: {  	[dreg:$0x1] =	wrdreg $0xFFFFFFFF  }
0xad: {  	[dreg:$0x0] =	wrdreg $0x60  }
0xae: {  	[dreg:$0x2] =	wrdreg s24  }
0xaf: {  	[dreg:$0x3] =	wrdreg s2  }
0xb0: {  	[dreg:$0x4] =	wrdreg $0x9  }
0xb1: {  	_ =	task.clear_ibuf [dreg:s7], $0x5FFFF;
	_ =	strace $0x90000046  }
0xb2: {  	s29 =	simm.s32 $0x9;
	_ =	strace $0x80000048  }
0xb3: {  	_ =	swait.ge [sflag:s29], $0x1  }
0xb4: {  	[sflag:s29] =	ssyncadd.s32 $0xFFFFFFFF  }
0xb5: {  	_ =	strace $0x90000048  }
0xb6: {  	_ =	sfence  }
0xb7: {  	s30 =	sld [smem:$0x0];
	_ =	sdelay $0x2  }
0xb8: {  	s31 =	sshll.u32 s1, $0xD;
	s1 =	sshrl.u32 s1, $0x2  }
0xb9: {  	s3 =	sand.u32 $0x4000, s31;
	s1 =	sadd.s32 s1, s30  }
0xba: {  	s0 =	sor.u32 s3, s0;
	s1 =	sshll.u32 s1, $0x11  }
0xbb: {  	s0 =	sor.u32 s1, s0  }
0xbc: {  	s0 =	sadd.s32 $0x8F2B, s0  }
0xbd: {  	[sflag:s0] =	ssyncadd.remote.s32 $0x1  }
0xbe: {  	_ =	sfence.sel $0xFFFF  }
0xbf: {  	[dreg:$0x0] =	wrdreg $0xFFFFFFFF;
	(pc) =	sbr.abs _section_cstart, $3  }
0xc0: {  	[dreg:$0x1] =	wrdreg $0xFFFFFFFF  }
0xc1: {  	_ =	task.clear_ibuf [dreg:s7], $0x2FFFF;
	_ =	strace $0x9FFFFFFF  }
0xc2: {  	(tm) =	ssettm $0x7FFFFFFF  }
0xc3: {  	_ =	shalt  }
tec
execute0_lowered:
.L_overlay_start_1:
0x0: {  	(tag) =	ssettag $0x1  }
0x1: {  	s0 =	srdreg.scid  }
0x2: {  	s1 =	rddreg [dreg:$0x0];
	s3 =	stileid.u32  }
0x3: {  	s2 =	rddreg [dreg:$0x1];
	s13 =	simm.s32 $0x9;
	s15 =	simm.s32 $0x40  }
0x4: {  	s16 =	simm.s32 $0x8000;
	s18 =	simm.s32 $0xC000;
	s19 =	simm.s32 $0xE000  }
0x5: {  	s20 =	simm.s32 $0x1;
	s21 =	simm.s32 $0x10000;
	s22 =	simm.s32 $0x12000  }
0x6: {  	s23 =	simm.s32 $0x2;
	s24 =	simm.s32 $0x14000;
	s28 =	simm.s32 $0x5  }
0x7: {  	s29 =	simm.s32 $0x4;
	s30 =	simm.s32 $0x6;
	s0 =	sand.u32 $0x1, s0  }
0x8: {  	s4 =	sshll.u32 s3, $0x7;
	s3 =	simm.s32 $0x0;
	s6 =	sadd.s32 $0x25600, s1  }
0x9: {  	s9 =	sadd.s32 $0x400, s2;
	s10 =	sadd.s32 $0x800, s2;
	s11 =	sadd.s32 $0xC00, s2  }
0xa: {  	s5 =	sshll.u32 s0, $0x6;
	[smem:$0x7FF] =	sst s3;
	s0 =	ssub.s32 $0x2, s0  }
0xb: {  	s4 =	sor.u32 s5, s4;
	_ =	strace $0x80000047;
	s25 =	sshrl.u32 s0, $0x1  }
.Ltmp0:
0xc: {  	s5 =	sshll.u32 s4, $0x5;
	s0 =	ssub.s32 s0, s25;
	(pc) =	sbr.rel .LBB2_1-.Ltmp0, $4  }
0xd: {  	s25 =	simm.s32 $0x16000;
	s7 =	sadd.s32 s5, s1;
	s0 =	smax.u32 s0, $0x1  }
0xe: {  	s5 =	sadd.s32 $0x21400, s1;
	s26 =	sadd.s32 $0x1400, s7;
	[dreg:$0x5] =	wrdreg s0  }
0xf: {  	s1 =	simm.s32 $0x8;
	s31 =	sadd.s32 $0x11400, s7;
	[dreg:$0x3] =	wrdreg s26  }
0x10: {  	s0 =	simm.s32 $0x0;
	[dreg:$0x4] =	wrdreg s31;
	s26 =	simm.s32 $0x3  }
.LBB2_12:
0x11: {  	s7 =	simm.s32 $0x7  }
0x12: {  	_ =	swait.ge [sflag:s7], $0x2000  }
0x13: {  	[sflag:s7] =	ssyncset.done $0x0  }
0x14: {  	[sflag:s7] =	ssyncadd.s32 $0xFFFFE000  }
0x15: {  	_ =	swait.ge [sflag:s1], $0x2000  }
0x16: {  	s0 =	sadd.s32 $0x1, s0;
	s31 =	rddreg [dreg:$0x5]  }
0x17: {  	p0 =	sne.s32 s0, s31  }
.Ltmp1:
0x18: {  	_ = 	snop;
	(pc) =	sbr.rel @!p0 .LBB2_13-.Ltmp1, $3  }
0x19: {  	_ =	sdelay $0x1  }
0x1a: {  	[sflag:s1] =	ssyncset.done $0x0  }
0x1b: {  	[sflag:s1] =	ssyncadd.s32 $0xFFFFE000  }
.LBB2_1:
0x1c: {  	s7 =	rddreg [dreg:$0x3]  }
0x1d: {  	[tilespmem:s3], [sflag:$0x9] =	stream.linear.gather [hbm4b:s7+s3], $0x4000, $0x38;
	[tilespmem:$0x18000] =	vst v63  }
0x1e: {  	_ =	swait.ge [sflag:s13], $0x4000  }
0x1f: {  	[sflag:s13] =	ssyncset.done $0x0  }
0x20: {  	s8 =	simm.s32 $0x4000;
	s17 =	rddreg [dreg:$0x4];
	[sflag:s13] =	ssyncadd.s32 $0xFFFFC000  }
0x21: {  	[tilespmem:s8], [sflag:$0x9] =	stream.linear.gather [hbm4b:s17+s3], $0x4000, $0x38;
	[tilespmem:$0x18000] =	vst v63  }
0x22: {  	_ =	swait.ge [sflag:s13], $0x4000  }
0x23: {  	[sflag:s13] =	ssyncset.done $0x0  }
0x24: {  	[sflag:s13] =	ssyncadd.s32 $0xFFFFC000  }
0x25: {  	[tilespmem:s16], [sflag:$0x1] =	stream.indirect.gather [hbm4b:s5+s15], $0x80, s3, s15, $0xb8;
	[tilespmem:$0x18000] =	vst v63  }
0x26: {  	s31 =	simm.s32 $0xA000  }
0x27: {  	[tilespmem:s31], [sflag:$0x1] =	stream.indirect.gather [hbm4b:s6+s15], $0x80, s8, s15, $0xb8;
	[tilespmem:$0x18000] =	vst v63  }
0x28: {  	s7 =	simm.s32 $0x4040;
	s17 =	simm.s32 $0x0  }
0x29: {  	[tilespmem:s18], [sflag:$0x2] =	stream.indirect.gather [hbm4b:s5+s15], $0x80, s15, s15, $0xb8;
	[tilespmem:$0x18000] =	vst v63  }
.LBB2_2:
0x2a: {  	[tilespmem:s19], [sflag:$0x2] =	stream.indirect.gather [hbm4b:s6+s15], $0x80, s7, s15, $0xb8;
	[tilespmem:$0x18000] =	vst v63  }
0x2b: {  	_ =	swait.ge [sflag:s20], $0x2000  }
0x2c: {  	[sflag:s20] =	ssyncset.done $0x0  }
0x2d: {  	[sflag:s20] =	ssyncadd.s32 $0xFFFFE000  }
0x2e: {  	_ =	swait.ge [sflag:s20], $0x2000  }
0x2f: {  	[sflag:s20] =	ssyncset.done $0x0  }
0x30: {  	s7 =	simm.s32 $0x0;
	[sflag:s20] =	ssyncadd.s32 $0xFFFFE000  }
0x31: {  	v7 =	vld [tilespmem:s7+$0xA000]  }
0x32: {  	v8 =	vld [tilespmem:s7+$0xA010]  }
0x33: {  	v9 =	vld [tilespmem:s7+$0xA020]  }
0x34: {  	v10 =	vld [tilespmem:s7+$0xA030]  }
0x35: {  	v11 =	vld [tilespmem:s7+$0xA040]  }
0x36: {  	v12 =	vld [tilespmem:s7+$0xA050]  }
0x37: {  	v13 =	vld [tilespmem:s7+$0xA060]  }
0x38: {  	v14 =	vld [tilespmem:s7+$0xA070]  }
0x39: {  	v15 =	vld [tilespmem:s7+$0xA080]  }
0x3a: {  	v16 =	vld [tilespmem:s7+$0xA090]  }
0x3b: {  	v17 =	vld [tilespmem:s7+$0xA0A0]  }
0x3c: {  	v18 =	vld [tilespmem:s7+$0xA0B0]  }
0x3d: {  	v19 =	vld [tilespmem:s7+$0xA0C0]  }
0x3e: {  	v20 =	vld [tilespmem:s7+$0xA0D0]  }
0x3f: {  	v21 =	vld [tilespmem:s7+$0xA0E0]  }
0x40: {  	v22 =	vld [tilespmem:s7+$0xA0F0]  }
0x41: {  	v23 =	vld [tilespmem:s7+$0xA100]  }
0x42: {  	v24 =	vld [tilespmem:s7+$0xA110]  }
0x43: {  	v25 =	vld [tilespmem:s7+$0xA120]  }
0x44: {  	v32 =	vld [tilespmem:s7+$0x8000]  }
0x45: {  	v33 =	vld [tilespmem:s7+$0x8010]  }
0x46: {  	v26 =	vld [tilespmem:s7+$0xA130]  }
0x47: {  	v34 =	vld [tilespmem:s7+$0x8020]  }
0x48: {  	v27 =	vld [tilespmem:s7+$0xA140]  }
0x49: {  	v35 =	vld [tilespmem:s7+$0x8030];
	v7 =	vadd.f32 v7, v32  }
0x4a: {  	v36 =	vld [tilespmem:s7+$0x8040];
	v8 =	vadd.f32 v8, v33  }
0x4b: {  	v28 =	vld [tilespmem:s7+$0xA150];
	v60 =	vmul.f32 $9.999999770e-03, v7  }
0x4c: {  	v59 =	vld [tilespmem:s7+$0x8050];
	v9 =	vadd.f32 v9, v34;
	v61 =	vmul.f32 $9.999999770e-03, v8  }
0x4d: {  	v29 =	vld [tilespmem:s7+$0xA160];
	v7 =	vmax.f32 v7, v60  }
0x4e: {  	v37 =	vld [tilespmem:s7+$0x8060];
	v8 =	vmax.f32 v8, v61;
	[tilespmem:s7+$0x8000] =	vst v7;
	v7 =	vadd.f32 v10, v35;
	v10 =	vmul.f32 $9.999999770e-03, v9  }
0x4f: {  	v38 =	vld [tilespmem:s7+$0x8070];
	[tilespmem:s7+$0x8010] =	vst v8;
	v8 =	vadd.f32 v11, v36  }
0x50: {  	v30 =	vld [tilespmem:s7+$0xA170];
	v11 =	vmul.f32 $9.999999770e-03, v7;
	v9 =	vmax.f32 v9, v10  }
0x51: {  	v39 =	vld [tilespmem:s7+$0x8080];
	[tilespmem:s7+$0x8020] =	vst v9;
	v9 =	vadd.f32 v12, v59;
	v12 =	vmul.f32 $9.999999770e-03, v8  }
0x52: {  	v31 =	vld [tilespmem:s7+$0xA180];
	v7 =	vmax.f32 v7, v11  }
0x53: {  	v62 =	vld [tilespmem:s7+$0x8090];
	[tilespmem:s7+$0x8030] =	vst v7;
	v7 =	vadd.f32 v13, v37;
	v13 =	vmul.f32 $9.999999770e-03, v9;
	v8 =	vmax.f32 v8, v12  }
0x54: {  	v63 =	vld [tilespmem:s7+$0x80A0];
	[tilespmem:s7+$0x8040] =	vst v8;
	v8 =	vadd.f32 v14, v38  }
0x55: {  	v6 =	vld [tilespmem:s7+$0xA190];
	v14 =	vmul.f32 $9.999999770e-03, v7;
	v9 =	vmax.f32 v9, v13  }
0x56: {  	v10 =	vld [tilespmem:s7+$0x80B0];
	[tilespmem:s7+$0x8050] =	vst v9;
	v9 =	vadd.f32 v15, v39;
	v15 =	vmul.f32 $9.999999770e-03, v8  }
0x57: {  	v5 =	vld [tilespmem:s7+$0xA1A0];
	v7 =	vmax.f32 v7, v14  }
0x58: {  	v11 =	vld [tilespmem:s7+$0x80C0];
	[tilespmem:s7+$0x8060] =	vst v7;
	v7 =	vadd.f32 v16, v62;
	v16 =	vmul.f32 $9.999999770e-03, v9;
	v8 =	vmax.f32 v8, v15  }
0x59: {  	v12 =	vld [tilespmem:s7+$0x80D0];
	[tilespmem:s7+$0x8070] =	vst v8;
	v8 =	vadd.f32 v17, v63  }
0x5a: {  	v4 =	vld [tilespmem:s7+$0xA1B0];
	v17 =	vmul.f32 $9.999999770e-03, v7;
	v9 =	vmax.f32 v9, v16  }
0x5b: {  	v13 =	vld [tilespmem:s7+$0x80E0];
	[tilespmem:s7+$0x8080] =	vst v9;
	v9 =	vadd.f32 v18, v10;
	v10 =	vmul.f32 $9.999999770e-03, v8  }
0x5c: {  	v3 =	vld [tilespmem:s7+$0xA1C0];
	v7 =	vmax.f32 v7, v17  }
0x5d: {  	v14 =	vld [tilespmem:s7+$0x80F0];
	[tilespmem:s7+$0x8090] =	vst v7;
	v7 =	vadd.f32 v19, v11;
	v11 =	vmul.f32 $9.999999770e-03, v9;
	v8 =	vmax.f32 v8, v10  }
0x5e: {  	v15 =	vld [tilespmem:s7+$0x8100];
	[tilespmem:s7+$0x80A0] =	vst v8;
	v8 =	vadd.f32 v20, v12  }
0x5f: {  	v2 =	vld [tilespmem:s7+$0xA1D0];
	v12 =	vmul.f32 $9.999999770e-03, v7;
	v9 =	vmax.f32 v9, v11  }
0x60: {  	v1 =	vld [tilespmem:s7+$0xA1E0];
	[tilespmem:s7+$0x80B0] =	vst v9;
	v9 =	vadd.f32 v21, v13;
	v13 =	vmul.f32 $9.999999770e-03, v8  }
0x61: {  	v16 =	vld [tilespmem:s7+$0x8110];
	v7 =	vmax.f32 v7, v12  }
0x62: {  	v17 =	vld [tilespmem:s7+$0x8120];
	[tilespmem:s7+$0x80C0] =	vst v7;
	v7 =	vadd.f32 v22, v14;
	v8 =	vmax.f32 v8, v13  }
0x63: {  	v10 =	vld [tilespmem:s7+$0x8130];
	v14 =	vmul.f32 $9.999999770e-03, v9;
	[tilespmem:s7+$0x80D0] =	vst v8;
	v8 =	vadd.f32 v23, v15  }
0x64: {  	v0 =	vld [tilespmem:s7+$0xA1F0];
	v15 =	vmul.f32 $9.999999770e-03, v7  }
0x65: {  	v11 =	vld [tilespmem:s7+$0x8140];
	v9 =	vmax.f32 v9, v14;
	v14 =	vmul.f32 $9.999999770e-03, v8  }
0x66: {  	v12 =	vld [tilespmem:s7+$0x8150];
	[tilespmem:s7+$0x80E0] =	vst v9;
	v9 =	vadd.f32 v24, v16;
	v7 =	vmax.f32 v7, v15  }
0x67: {  	v13 =	vld [tilespmem:s7+$0x8160];
	[tilespmem:s7+$0x80F0] =	vst v7;
	v7 =	vadd.f32 v25, v17;
	v8 =	vmax.f32 v8, v14  }
0x68: {  	v18 =	vld [tilespmem:s7+$0x8170];
	v16 =	vmul.f32 $9.999999770e-03, v9;
	[tilespmem:s7+$0x8100] =	vst v8;
	v8 =	vadd.f32 v26, v10  }
0x69: {  	v15 =	vld [tilespmem:s7+$0x8180];
	v14 =	vmul.f32 $9.999999770e-03, v7  }
0x6a: {  	v19 =	vld [tilespmem:s7+$0x8190];
	v11 =	vadd.f32 v27, v11;
	v9 =	vmax.f32 v9, v16;
	v16 =	vmul.f32 $9.999999770e-03, v8  }
0x6b: {  	v17 =	vadd.f32 v28, v12;
	v10 =	vld [tilespmem:s7+$0x81A0];
	[tilespmem:s7+$0x8110] =	vst v9;
	v7 =	vmax.f32 v7, v14  }
0x6c: {  	v9 =	vld [tilespmem:s7+$0x81B0];
	v14 =	vadd.f32 v29, v13;
	[tilespmem:s7+$0x8120] =	vst v7;
	v7 =	vmul.f32 $9.999999770e-03, v11;
	v12 =	vmax.f32 v8, v16  }
0x6d: {  	v13 =	vmul.f32 $9.999999770e-03, v17;
	v8 =	vld [tilespmem:s7+$0x81C0];
	[tilespmem:s7+$0x8130] =	vst v12;
	v12 =	vadd.f32 v30, v18  }
0x6e: {  	v16 =	vmul.f32 $9.999999770e-03, v14;
	v18 =	vmax.f32 v11, v7;
	v7 =	vld [tilespmem:s7+$0x81D0];
	v11 =	vadd.f32 v31, v15  }
0x6f: {  	s8 =	simm.s32 $0x800;
	v17 =	vmax.f32 v17, v13;
	v13 =	vadd.f32 v6, v19;
	v6 =	vld [tilespmem:s7+$0x81E0];
	[tilespmem:s7+$0x8140] =	vst v18;
	v15 =	vmul.f32 $9.999999770e-03, v12  }
.LBB2_3:
0x70: {  	s12 =	sshra.s32 s8, $0x2;
	p0 =	sne.s32 s8, $0x7800;
	[tilespmem:s7+$0x8150] =	vst v17;
	v14 =	vmax.f32 v14, v16;
	v16 =	vmul.f32 $9.999999770e-03, v11;
	v5 =	vadd.f32 v5, v10;
	v10 =	vld [tilespmem:s7+$0x81F0]  }
0x71: {  	v17 =	vld [tilespmem:s12+$0xA000];
	[tilespmem:s7+$0x8160] =	vst v14;
	v12 =	vmax.f32 v12, v15;
	v14 =	vmul.f32 $9.999999770e-03, v13;
	v4 =	vadd.f32 v4, v9  }
0x72: {  	v18 =	vld [tilespmem:s12+$0xA010];
	[tilespmem:s7+$0x8170] =	vst v12;
	v9 =	vmax.f32 v11, v16;
	v11 =	vmul.f32 $9.999999770e-03, v5;
	v3 =	vadd.f32 v3, v8  }
0x73: {  	v16 =	vld [tilespmem:s12+$0xA020];
	[tilespmem:s7+$0x8180] =	vst v9;
	v8 =	vmax.f32 v13, v14;
	v9 =	vmul.f32 $9.999999770e-03, v4;
	v2 =	vadd.f32 v2, v7  }
0x74: {  	v19 =	vld [tilespmem:s12+$0xA030];
	[tilespmem:s7+$0x8190] =	vst v8;
	v5 =	vmax.f32 v5, v11;
	v7 =	vmul.f32 $9.999999770e-03, v3;
	v1 =	vadd.f32 v1, v6  }
0x75: {  	v20 =	vld [tilespmem:s12+$0xA040];
	[tilespmem:s7+$0x81A0] =	vst v5;
	v4 =	vmax.f32 v4, v9;
	v5 =	vmul.f32 $9.999999770e-03, v2;
	v0 =	vadd.f32 v0, v10  }
0x76: {  	v21 =	vld [tilespmem:s12+$0xA050];
	[tilespmem:s7+$0x81B0] =	vst v4;
	v3 =	vmax.f32 v3, v7;
	v4 =	vmul.f32 $9.999999770e-03, v1  }
0x77: {  	v22 =	vld [tilespmem:s12+$0xA060];
	[tilespmem:s7+$0x81C0] =	vst v3;
	v2 =	vmax.f32 v2, v5;
	v3 =	vmul.f32 $9.999999770e-03, v0  }
0x78: {  	v23 =	vld [tilespmem:s12+$0xA070];
	[tilespmem:s7+$0x81D0] =	vst v2;
	v1 =	vmax.f32 v1, v4  }
0x79: {  	v24 =	vld [tilespmem:s12+$0xA080];
	[tilespmem:s7+$0x81E0] =	vst v1;
	v0 =	vmax.f32 v0, v3  }
0x7a: {  	v25 =	vld [tilespmem:s12+$0xA090];
	[tilespmem:s7+$0x81F0] =	vst v0;
	s7 =	smov.u32 s12  }
0x7b: {  	v26 =	vld [tilespmem:s7+$0xA0A0]  }
0x7c: {  	v27 =	vld [tilespmem:s7+$0xA0B0]  }
0x7d: {  	v28 =	vld [tilespmem:s7+$0xA0C0]  }
0x7e: {  	v29 =	vld [tilespmem:s7+$0xA0D0]  }
0x7f: {  	v30 =	vld [tilespmem:s7+$0xA0E0]  }
0x80: {  	v31 =	vld [tilespmem:s7+$0xA0F0]  }
0x81: {  	v15 =	vld [tilespmem:s7+$0xA100]  }
0x82: {  	v14 =	vld [tilespmem:s7+$0xA110]  }
0x83: {  	v13 =	vld [tilespmem:s7+$0xA120]  }
0x84: {  	v12 =	vld [tilespmem:s7+$0xA130]  }
0x85: {  	v11 =	vld [tilespmem:s7+$0xA140]  }
0x86: {  	v10 =	vld [tilespmem:s7+$0xA150]  }
0x87: {  	v9 =	vld [tilespmem:s7+$0xA160]  }
0x88: {  	v8 =	vld [tilespmem:s7+$0xA170]  }
0x89: {  	v7 =	vld [tilespmem:s7+$0xA180]  }
0x8a: {  	v6 =	vld [tilespmem:s7+$0xA190]  }
0x8b: {  	v5 =	vld [tilespmem:s7+$0xA1A0]  }
0x8c: {  	v4 =	vld [tilespmem:s7+$0xA1B0]  }
0x8d: {  	v3 =	vld [tilespmem:s7+$0xA1C0]  }
0x8e: {  	v2 =	vld [tilespmem:s7+$0xA1D0]  }
0x8f: {  	v1 =	vld [tilespmem:s7+$0xA1E0]  }
0x90: {  	v0 =	vld [tilespmem:s7+$0xA1F0]  }
0x91: {  	v32 =	vld [tilespmem:s7+$0x8000]  }
0x92: {  	v33 =	vld [tilespmem:s7+$0x8010]  }
0x93: {  	v34 =	vld [tilespmem:s7+$0x8020]  }
0x94: {  	v35 =	vld [tilespmem:s7+$0x8030]  }
0x95: {  	v36 =	vld [tilespmem:s7+$0x8040]  }
0x96: {  	v17 =	vadd.f32 v17, v32;
	v32 =	vld [tilespmem:s7+$0x8050]  }
0x97: {  	v18 =	vadd.f32 v18, v33;
	v33 =	vld [tilespmem:s7+$0x8060]  }
0x98: {  	v37 =	vmul.f32 $9.999999770e-03, v17;
	v16 =	vadd.f32 v16, v34;
	v34 =	vld [tilespmem:s7+$0x8070]  }
0x99: {  	v38 =	vmul.f32 $9.999999770e-03, v18;
	v19 =	vadd.f32 v19, v35;
	v35 =	vld [tilespmem:s7+$0x8080]  }
0x9a: {  	v17 =	vmax.f32 v17, v37;
	v37 =	vmul.f32 $9.999999770e-03, v16;
	v20 =	vadd.f32 v20, v36;
	v36 =	vld [tilespmem:s7+$0x8090]  }
0x9b: {  	[tilespmem:s7+$0x8000] =	vst v17;
	v17 =	vmax.f32 v18, v38;
	v18 =	vmul.f32 $9.999999770e-03, v19;
	v21 =	vadd.f32 v21, v32;
	v32 =	vld [tilespmem:s7+$0x80A0]  }
0x9c: {  	[tilespmem:s7+$0x8010] =	vst v17;
	v16 =	vmax.f32 v16, v37;
	v17 =	vmul.f32 $9.999999770e-03, v20;
	v22 =	vadd.f32 v22, v33;
	v33 =	vld [tilespmem:s7+$0x80B0]  }
0x9d: {  	[tilespmem:s7+$0x8020] =	vst v16;
	v16 =	vmax.f32 v19, v18;
	v18 =	vmul.f32 $9.999999770e-03, v21;
	v19 =	vadd.f32 v23, v34;
	v23 =	vld [tilespmem:s7+$0x80C0]  }
0x9e: {  	[tilespmem:s7+$0x8030] =	vst v16;
	v16 =	vmax.f32 v20, v17;
	v17 =	vmul.f32 $9.999999770e-03, v22;
	v20 =	vadd.f32 v24, v35;
	v24 =	vld [tilespmem:s7+$0x80D0]  }
0x9f: {  	[tilespmem:s7+$0x8040] =	vst v16;
	v16 =	vmax.f32 v21, v18;
	v18 =	vmul.f32 $9.999999770e-03, v19;
	v21 =	vadd.f32 v25, v36;
	v25 =	vld [tilespmem:s7+$0x80E0]  }
0xa0: {  	[tilespmem:s7+$0x8050] =	vst v16;
	v16 =	vmax.f32 v22, v17;
	v17 =	vmul.f32 $9.999999770e-03, v20;
	v22 =	vadd.f32 v26, v32;
	v26 =	vld [tilespmem:s7+$0x80F0]  }
0xa1: {  	[tilespmem:s7+$0x8060] =	vst v16;
	v16 =	vmax.f32 v19, v18;
	v18 =	vmul.f32 $9.999999770e-03, v21;
	v19 =	vadd.f32 v27, v33;
	v27 =	vld [tilespmem:s7+$0x8100]  }
0xa2: {  	[tilespmem:s7+$0x8070] =	vst v16;
	v16 =	vmax.f32 v20, v17;
	v17 =	vmul.f32 $9.999999770e-03, v22;
	v20 =	vadd.f32 v28, v23;
	v23 =	vld [tilespmem:s7+$0x8110]  }
0xa3: {  	[tilespmem:s7+$0x8080] =	vst v16;
	v16 =	vmax.f32 v21, v18;
	v18 =	vmul.f32 $9.999999770e-03, v19;
	v21 =	vadd.f32 v29, v24;
	v24 =	vld [tilespmem:s7+$0x8120]  }
0xa4: {  	[tilespmem:s7+$0x8090] =	vst v16;
	v16 =	vmax.f32 v22, v17;
	v17 =	vmul.f32 $9.999999770e-03, v20;
	v22 =	vadd.f32 v30, v25;
	v25 =	vld [tilespmem:s7+$0x8130]  }
0xa5: {  	[tilespmem:s7+$0x80A0] =	vst v16;
	v16 =	vmax.f32 v19, v18;
	v18 =	vmul.f32 $9.999999770e-03, v21;
	v19 =	vadd.f32 v31, v26;
	v26 =	vld [tilespmem:s7+$0x8140]  }
0xa6: {  	[tilespmem:s7+$0x80B0] =	vst v16;
	v16 =	vmax.f32 v20, v17;
	v17 =	vmul.f32 $9.999999770e-03, v22;
	v15 =	vadd.f32 v15, v27;
	v20 =	vld [tilespmem:s7+$0x8150]  }
0xa7: {  	[tilespmem:s7+$0x80C0] =	vst v16;
	v16 =	vmax.f32 v21, v18;
	v18 =	vmul.f32 $9.999999770e-03, v19;
	v14 =	vadd.f32 v14, v23;
	v21 =	vld [tilespmem:s7+$0x8160]  }
0xa8: {  	[tilespmem:s7+$0x80D0] =	vst v16;
	v16 =	vmax.f32 v22, v17;
	v17 =	vmul.f32 $9.999999770e-03, v15;
	v13 =	vadd.f32 v13, v24;
	v22 =	vld [tilespmem:s7+$0x8170]  }
0xa9: {  	[tilespmem:s7+$0x80E0] =	vst v16;
	v16 =	vmax.f32 v19, v18;
	v18 =	vmul.f32 $9.999999770e-03, v14;
	v12 =	vadd.f32 v12, v25;
	v19 =	vld [tilespmem:s7+$0x8180]  }
0xaa: {  	[tilespmem:s7+$0x80F0] =	vst v16;
	v15 =	vmax.f32 v15, v17;
	v16 =	vmul.f32 $9.999999770e-03, v13;
	v11 =	vadd.f32 v11, v26;
	v23 =	vld [tilespmem:s7+$0x8190]  }
.Ltmp2:
0xab: {  	[tilespmem:s7+$0x8100] =	vst v15;
	v14 =	vmax.f32 v14, v18;
	v15 =	vmul.f32 $9.999999770e-03, v12;
	v17 =	vadd.f32 v10, v20;
	v10 =	vld [tilespmem:s7+$0x81A0];
	(pc) =	sbr.rel @p0 .LBB2_3-.Ltmp2, $4  }
0xac: {  	[tilespmem:s7+$0x8110] =	vst v14;
	v13 =	vmax.f32 v13, v16;
	v16 =	vmul.f32 $9.999999770e-03, v11;
	v14 =	vadd.f32 v9, v21;
	v9 =	vld [tilespmem:s7+$0x81B0]  }
0xad: {  	[tilespmem:s7+$0x8120] =	vst v13;
	v13 =	vmax.f32 v12, v15;
	v15 =	vmul.f32 $9.999999770e-03, v17;
	v12 =	vadd.f32 v8, v22;
	v8 =	vld [tilespmem:s7+$0x81C0]  }
0xae: {  	[tilespmem:s7+$0x8130] =	vst v13;
	v13 =	vmax.f32 v11, v16;
	v16 =	vmul.f32 $9.999999770e-03, v14;
	v11 =	vadd.f32 v7, v19;
	v7 =	vld [tilespmem:s7+$0x81D0]  }
0xaf: {  	s8 =	sadd.s32 $0x800, s8;
	[tilespmem:s7+$0x8140] =	vst v13;
	v17 =	vmax.f32 v17, v15;
	v15 =	vmul.f32 $9.999999770e-03, v12;
	v13 =	vadd.f32 v6, v23;
	v6 =	vld [tilespmem:s7+$0x81E0]  }
0xb0: {  	[tilespmem:s7+$0x8150] =	vst v17;
	v14 =	vmax.f32 v14, v16;
	v16 =	vmul.f32 $9.999999770e-03, v11;
	v5 =	vadd.f32 v5, v10;
	v10 =	vld [tilespmem:s7+$0x81F0]  }
0xb1: {  	[tilespmem:s7+$0x8160] =	vst v14;
	v12 =	vmax.f32 v12, v15;
	v14 =	vmul.f32 $9.999999770e-03, v13;
	v4 =	vadd.f32 v4, v9  }
0xb2: {  	[tilespmem:s7+$0x8170] =	vst v12;
	v9 =	vmax.f32 v11, v16;
	v11 =	vmul.f32 $9.999999770e-03, v5;
	v3 =	vadd.f32 v3, v8  }
0xb3: {  	[tilespmem:s7+$0x8180] =	vst v9;
	v8 =	vmax.f32 v13, v14;
	v9 =	vmul.f32 $9.999999770e-03, v4;
	v2 =	vadd.f32 v2, v7  }
0xb4: {  	[tilespmem:s7+$0x8190] =	vst v8;
	v5 =	vmax.f32 v5, v11;
	v7 =	vmul.f32 $9.999999770e-03, v3;
	v1 =	vadd.f32 v1, v6  }
0xb5: {  	[tilespmem:s7+$0x81A0] =	vst v5;
	v4 =	vmax.f32 v4, v9;
	v5 =	vmul.f32 $9.999999770e-03, v2;
	v0 =	vadd.f32 v0, v10  }
0xb6: {  	[tilespmem:s7+$0x81B0] =	vst v4;
	v3 =	vmax.f32 v3, v7;
	v4 =	vmul.f32 $9.999999770e-03, v1  }
0xb7: {  	[tilespmem:s7+$0x81C0] =	vst v3;
	v2 =	vmax.f32 v2, v5;
	v3 =	vmul.f32 $9.999999770e-03, v0  }
0xb8: {  	s8 =	sor.u32 s4, s17;
	[tilespmem:s7+$0x81D0] =	vst v2;
	v1 =	vmax.f32 v1, v4  }
0xb9: {  	s14 =	sshll.u32 s8, $0xC;
	[tilespmem:s7+$0x81E0] =	vst v1;
	v0 =	vmax.f32 v0, v3  }
0xba: {  	p0 =	seq.s32 s17, $0x0;
	s12 =	sadd.s32 s2, s14;
	[tilespmem:s7+$0x81F0] =	vst v0  }
0xbb: {  	[hbm4b:s12+s3] =	stream.linear.scatter [tilespmem:s16], [sflag:$0x5], $0x2000, $0x38;
	[tilespmem:$0x18000] =	vst v63  }
0xbc: {  	s31 =	sshll.u32 s17, $0x8;
	s8 =	simm.s32 @!p0 $0x7;
	s12 =	sshll.u32 s17, $0x7  }
0xbd: {  	s7 =	sand.u32 $0x3800, s31;
	_ =	swait.ge @!p0 [sflag:s8], $0x2000;
	s12 =	sand.u32 $0x380, s12  }
0xbe: {  	[sflag:s8] =	ssyncset.done @!p0 $0x0;
	s7 =	sor.u32 s12, s7  }
0xbf: {  	[sflag:s8] =	ssyncadd.s32 @!p0 $0xFFFFE000;
	s12 =	sor.u32 $0x400, s7  }
0xc0: {  	[tilespmem:s21], [sflag:$0x3] =	stream.indirect.gather [hbm4b:s5+s15], $0x80, s12, s15, $0xb8;
	[tilespmem:$0x18000] =	vst v63  }
0xc1: {  	s31 =	sor.u32 $0x4400, s7  }
0xc2: {  	[tilespmem:s22], [sflag:$0x3] =	stream.indirect.gather [hbm4b:s6+s15], $0x80, s31, s15, $0xb8;
	[tilespmem:$0x18000] =	vst v63  }
0xc3: {  	_ =	swait.ge [sflag:s23], $0x2000  }
0xc4: {  	[sflag:s23] =	ssyncset.done $0x0  }
0xc5: {  	[sflag:s23] =	ssyncadd.s32 $0xFFFFE000  }
0xc6: {  	_ =	swait.ge [sflag:s23], $0x2000  }
0xc7: {  	[sflag:s23] =	ssyncset.done $0x0  }
0xc8: {  	s8 =	simm.s32 $0x0;
	[sflag:s23] =	ssyncadd.s32 $0xFFFFE000  }
0xc9: {  	v7 =	vld [tilespmem:s8+$0xE000]  }
0xca: {  	v8 =	vld [tilespmem:s8+$0xE010]  }
0xcb: {  	v9 =	vld [tilespmem:s8+$0xE020]  }
0xcc: {  	v10 =	vld [tilespmem:s8+$0xE030]  }
0xcd: {  	v11 =	vld [tilespmem:s8+$0xE040]  }
0xce: {  	v12 =	vld [tilespmem:s8+$0xE050]  }
0xcf: {  	v13 =	vld [tilespmem:s8+$0xE060]  }
0xd0: {  	v14 =	vld [tilespmem:s8+$0xE070]  }
0xd1: {  	v15 =	vld [tilespmem:s8+$0xE080]  }
0xd2: {  	v16 =	vld [tilespmem:s8+$0xE090]  }
0xd3: {  	v17 =	vld [tilespmem:s8+$0xE0A0]  }
0xd4: {  	v18 =	vld [tilespmem:s8+$0xE0B0]  }
0xd5: {  	v19 =	vld [tilespmem:s8+$0xE0C0]  }
0xd6: {  	v20 =	vld [tilespmem:s8+$0xE0D0]  }
0xd7: {  	v21 =	vld [tilespmem:s8+$0xE0E0]  }
0xd8: {  	v22 =	vld [tilespmem:s8+$0xE0F0]  }
0xd9: {  	v23 =	vld [tilespmem:s8+$0xE100]  }
0xda: {  	v24 =	vld [tilespmem:s8+$0xE110]  }
0xdb: {  	v25 =	vld [tilespmem:s8+$0xE120]  }
0xdc: {  	v32 =	vld [tilespmem:s8+$0xC000]  }
0xdd: {  	v33 =	vld [tilespmem:s8+$0xC010]  }
0xde: {  	v26 =	vld [tilespmem:s8+$0xE130]  }
0xdf: {  	v34 =	vld [tilespmem:s8+$0xC020]  }
0xe0: {  	v27 =	vld [tilespmem:s8+$0xE140]  }
0xe1: {  	v35 =	vld [tilespmem:s8+$0xC030];
	v7 =	vadd.f32 v7, v32  }
0xe2: {  	v36 =	vld [tilespmem:s8+$0xC040];
	v8 =	vadd.f32 v8, v33  }
0xe3: {  	v28 =	vld [tilespmem:s8+$0xE150];
	v60 =	vmul.f32 $9.999999770e-03, v7  }
0xe4: {  	v59 =	vld [tilespmem:s8+$0xC050];
	v9 =	vadd.f32 v9, v34;
	v61 =	vmul.f32 $9.999999770e-03, v8  }
0xe5: {  	v29 =	vld [tilespmem:s8+$0xE160];
	v7 =	vmax.f32 v7, v60  }
0xe6: {  	v37 =	vld [tilespmem:s8+$0xC060];
	v8 =	vmax.f32 v8, v61;
	[tilespmem:s8+$0xC000] =	vst v7;
	v7 =	vadd.f32 v10, v35;
	v10 =	vmul.f32 $9.999999770e-03, v9  }
0xe7: {  	v38 =	vld [tilespmem:s8+$0xC070];
	[tilespmem:s8+$0xC010] =	vst v8;
	v8 =	vadd.f32 v11, v36  }
0xe8: {  	v30 =	vld [tilespmem:s8+$0xE170];
	v11 =	vmul.f32 $9.999999770e-03, v7;
	v9 =	vmax.f32 v9, v10  }
0xe9: {  	v39 =	vld [tilespmem:s8+$0xC080];
	[tilespmem:s8+$0xC020] =	vst v9;
	v9 =	vadd.f32 v12, v59;
	v12 =	vmul.f32 $9.999999770e-03, v8  }
0xea: {  	v31 =	vld [tilespmem:s8+$0xE180];
	v7 =	vmax.f32 v7, v11  }
0xeb: {  	v62 =	vld [tilespmem:s8+$0xC090];
	[tilespmem:s8+$0xC030] =	vst v7;
	v7 =	vadd.f32 v13, v37;
	v13 =	vmul.f32 $9.999999770e-03, v9;
	v8 =	vmax.f32 v8, v12  }
0xec: {  	v63 =	vld [tilespmem:s8+$0xC0A0];
	[tilespmem:s8+$0xC040] =	vst v8;
	v8 =	vadd.f32 v14, v38  }
0xed: {  	v6 =	vld [tilespmem:s8+$0xE190];
	v14 =	vmul.f32 $9.999999770e-03, v7;
	v9 =	vmax.f32 v9, v13  }
0xee: {  	v10 =	vld [tilespmem:s8+$0xC0B0];
	[tilespmem:s8+$0xC050] =	vst v9;
	v9 =	vadd.f32 v15, v39;
	v15 =	vmul.f32 $9.999999770e-03, v8  }
0xef: {  	v5 =	vld [tilespmem:s8+$0xE1A0];
	v7 =	vmax.f32 v7, v14  }
0xf0: {  	v11 =	vld [tilespmem:s8+$0xC0C0];
	[tilespmem:s8+$0xC060] =	vst v7;
	v7 =	vadd.f32 v16, v62;
	v16 =	vmul.f32 $9.999999770e-03, v9;
	v8 =	vmax.f32 v8, v15  }
0xf1: {  	v12 =	vld [tilespmem:s8+$0xC0D0];
	[tilespmem:s8+$0xC070] =	vst v8;
	v8 =	vadd.f32 v17, v63  }
0xf2: {  	v4 =	vld [tilespmem:s8+$0xE1B0];
	v17 =	vmul.f32 $9.999999770e-03, v7;
	v9 =	vmax.f32 v9, v16  }
0xf3: {  	v13 =	vld [tilespmem:s8+$0xC0E0];
	[tilespmem:s8+$0xC080] =	vst v9;
	v9 =	vadd.f32 v18, v10;
	v10 =	vmul.f32 $9.999999770e-03, v8  }
0xf4: {  	v3 =	vld [tilespmem:s8+$0xE1C0];
	v7 =	vmax.f32 v7, v17  }
0xf5: {  	v14 =	vld [tilespmem:s8+$0xC0F0];
	[tilespmem:s8+$0xC090] =	vst v7;
	v7 =	vadd.f32 v19, v11;
	v11 =	vmul.f32 $9.999999770e-03, v9;
	v8 =	vmax.f32 v8, v10  }
0xf6: {  	v15 =	vld [tilespmem:s8+$0xC100];
	[tilespmem:s8+$0xC0A0] =	vst v8;
	v8 =	vadd.f32 v20, v12  }
0xf7: {  	v2 =	vld [tilespmem:s8+$0xE1D0];
	v12 =	vmul.f32 $9.999999770e-03, v7;
	v9 =	vmax.f32 v9, v11  }
0xf8: {  	v1 =	vld [tilespmem:s8+$0xE1E0];
	[tilespmem:s8+$0xC0B0] =	vst v9;
	v9 =	vadd.f32 v21, v13;
	v13 =	vmul.f32 $9.999999770e-03, v8  }
0xf9: {  	v16 =	vld [tilespmem:s8+$0xC110];
	v7 =	vmax.f32 v7, v12  }
0xfa: {  	v17 =	vld [tilespmem:s8+$0xC120];
	[tilespmem:s8+$0xC0C0] =	vst v7;
	v7 =	vadd.f32 v22, v14;
	v8 =	vmax.f32 v8, v13  }
0xfb: {  	v10 =	vld [tilespmem:s8+$0xC130];
	v14 =	vmul.f32 $9.999999770e-03, v9;
	[tilespmem:s8+$0xC0D0] =	vst v8;
	v8 =	vadd.f32 v23, v15  }
0xfc: {  	v0 =	vld [tilespmem:s8+$0xE1F0];
	v15 =	vmul.f32 $9.999999770e-03, v7  }
0xfd: {  	v11 =	vld [tilespmem:s8+$0xC140];
	v9 =	vmax.f32 v9, v14;
	v14 =	vmul.f32 $9.999999770e-03, v8  }
0xfe: {  	v12 =	vld [tilespmem:s8+$0xC150];
	[tilespmem:s8+$0xC0E0] =	vst v9;
	v9 =	vadd.f32 v24, v16;
	v7 =	vmax.f32 v7, v15  }
0xff: {  	v13 =	vld [tilespmem:s8+$0xC160];
	[tilespmem:s8+$0xC0F0] =	vst v7;
	v7 =	vadd.f32 v25, v17;
	v8 =	vmax.f32 v8, v14  }
0x100: {  	v18 =	vld [tilespmem:s8+$0xC170];
	v16 =	vmul.f32 $9.999999770e-03, v9;
	[tilespmem:s8+$0xC100] =	vst v8;
	v8 =	vadd.f32 v26, v10  }
0x101: {  	v15 =	vld [tilespmem:s8+$0xC180];
	v14 =	vmul.f32 $9.999999770e-03, v7  }
0x102: {  	v19 =	vld [tilespmem:s8+$0xC190];
	v11 =	vadd.f32 v27, v11;
	v9 =	vmax.f32 v9, v16;
	v16 =	vmul.f32 $9.999999770e-03, v8  }
0x103: {  	v17 =	vadd.f32 v28, v12;
	v10 =	vld [tilespmem:s8+$0xC1A0];
	[tilespmem:s8+$0xC110] =	vst v9;
	v7 =	vmax.f32 v7, v14  }
0x104: {  	v9 =	vld [tilespmem:s8+$0xC1B0];
	v14 =	vadd.f32 v29, v13;
	[tilespmem:s8+$0xC120] =	vst v7;
	v7 =	vmul.f32 $9.999999770e-03, v11;
	v12 =	vmax.f32 v8, v16  }
0x105: {  	v13 =	vmul.f32 $9.999999770e-03, v17;
	v8 =	vld [tilespmem:s8+$0xC1C0];
	[tilespmem:s8+$0xC130] =	vst v12;
	v12 =	vadd.f32 v30, v18  }
0x106: {  	v16 =	vmul.f32 $9.999999770e-03, v14;
	v18 =	vmax.f32 v11, v7;
	v7 =	vld [tilespmem:s8+$0xC1D0];
	v11 =	vadd.f32 v31, v15  }
0x107: {  	s12 =	simm.s32 $0x800;
	v17 =	vmax.f32 v17, v13;
	v13 =	vadd.f32 v6, v19;
	v6 =	vld [tilespmem:s8+$0xC1E0];
	[tilespmem:s8+$0xC140] =	vst v18;
	v15 =	vmul.f32 $9.999999770e-03, v12  }
.LBB2_5:
0x108: {  	s31 =	sshra.s32 s12, $0x2;
	p1 =	sne.s32 s12, $0x7800;
	[tilespmem:s8+$0xC150] =	vst v17;
	v14 =	vmax.f32 v14, v16;
	v16 =	vmul.f32 $9.999999770e-03, v11;
	v5 =	vadd.f32 v5, v10;
	v10 =	vld [tilespmem:s8+$0xC1F0]  }
0x109: {  	v17 =	vld [tilespmem:s31+$0xE000];
	[tilespmem:s8+$0xC160] =	vst v14;
	v12 =	vmax.f32 v12, v15;
	v14 =	vmul.f32 $9.999999770e-03, v13;
	v4 =	vadd.f32 v4, v9  }
0x10a: {  	v18 =	vld [tilespmem:s31+$0xE010];
	[tilespmem:s8+$0xC170] =	vst v12;
	v9 =	vmax.f32 v11, v16;
	v11 =	vmul.f32 $9.999999770e-03, v5;
	v3 =	vadd.f32 v3, v8  }
0x10b: {  	v16 =	vld [tilespmem:s31+$0xE020];
	[tilespmem:s8+$0xC180] =	vst v9;
	v8 =	vmax.f32 v13, v14;
	v9 =	vmul.f32 $9.999999770e-03, v4;
	v2 =	vadd.f32 v2, v7  }
0x10c: {  	v19 =	vld [tilespmem:s31+$0xE030];
	[tilespmem:s8+$0xC190] =	vst v8;
	v5 =	vmax.f32 v5, v11;
	v7 =	vmul.f32 $9.999999770e-03, v3;
	v1 =	vadd.f32 v1, v6  }
0x10d: {  	v20 =	vld [tilespmem:s31+$0xE040];
	[tilespmem:s8+$0xC1A0] =	vst v5;
	v4 =	vmax.f32 v4, v9;
	v5 =	vmul.f32 $9.999999770e-03, v2;
	v0 =	vadd.f32 v0, v10  }
0x10e: {  	v21 =	vld [tilespmem:s31+$0xE050];
	[tilespmem:s8+$0xC1B0] =	vst v4;
	v3 =	vmax.f32 v3, v7;
	v4 =	vmul.f32 $9.999999770e-03, v1  }
0x10f: {  	v22 =	vld [tilespmem:s31+$0xE060];
	[tilespmem:s8+$0xC1C0] =	vst v3;
	v2 =	vmax.f32 v2, v5;
	v3 =	vmul.f32 $9.999999770e-03, v0  }
0x110: {  	v23 =	vld [tilespmem:s31+$0xE070];
	[tilespmem:s8+$0xC1D0] =	vst v2;
	v1 =	vmax.f32 v1, v4  }
0x111: {  	v24 =	vld [tilespmem:s31+$0xE080];
	[tilespmem:s8+$0xC1E0] =	vst v1;
	v0 =	vmax.f32 v0, v3  }
0x112: {  	v25 =	vld [tilespmem:s31+$0xE090];
	[tilespmem:s8+$0xC1F0] =	vst v0;
	s8 =	smov.u32 s31  }
0x113: {  	v26 =	vld [tilespmem:s8+$0xE0A0]  }
0x114: {  	v27 =	vld [tilespmem:s8+$0xE0B0]  }
0x115: {  	v28 =	vld [tilespmem:s8+$0xE0C0]  }
0x116: {  	v29 =	vld [tilespmem:s8+$0xE0D0]  }
0x117: {  	v30 =	vld [tilespmem:s8+$0xE0E0]  }
0x118: {  	v31 =	vld [tilespmem:s8+$0xE0F0]  }
0x119: {  	v15 =	vld [tilespmem:s8+$0xE100]  }
0x11a: {  	v14 =	vld [tilespmem:s8+$0xE110]  }
0x11b: {  	v13 =	vld [tilespmem:s8+$0xE120]  }
0x11c: {  	v12 =	vld [tilespmem:s8+$0xE130]  }
0x11d: {  	v11 =	vld [tilespmem:s8+$0xE140]  }
0x11e: {  	v10 =	vld [tilespmem:s8+$0xE150]  }
0x11f: {  	v9 =	vld [tilespmem:s8+$0xE160]  }
0x120: {  	v8 =	vld [tilespmem:s8+$0xE170]  }
0x121: {  	v7 =	vld [tilespmem:s8+$0xE180]  }
0x122: {  	v6 =	vld [tilespmem:s8+$0xE190]  }
0x123: {  	v5 =	vld [tilespmem:s8+$0xE1A0]  }
0x124: {  	v4 =	vld [tilespmem:s8+$0xE1B0]  }
0x125: {  	v3 =	vld [tilespmem:s8+$0xE1C0]  }
0x126: {  	v2 =	vld [tilespmem:s8+$0xE1D0]  }
0x127: {  	v1 =	vld [tilespmem:s8+$0xE1E0]  }
0x128: {  	v0 =	vld [tilespmem:s8+$0xE1F0]  }
0x129: {  	v32 =	vld [tilespmem:s8+$0xC000]  }
0x12a: {  	v33 =	vld [tilespmem:s8+$0xC010]  }
0x12b: {  	v34 =	vld [tilespmem:s8+$0xC020]  }
0x12c: {  	v35 =	vld [tilespmem:s8+$0xC030]  }
0x12d: {  	v36 =	vld [tilespmem:s8+$0xC040]  }
0x12e: {  	v17 =	vadd.f32 v17, v32;
	v32 =	vld [tilespmem:s8+$0xC050]  }
0x12f: {  	v18 =	vadd.f32 v18, v33;
	v33 =	vld [tilespmem:s8+$0xC060]  }
0x130: {  	v37 =	vmul.f32 $9.999999770e-03, v17;
	v16 =	vadd.f32 v16, v34;
	v34 =	vld [tilespmem:s8+$0xC070]  }
0x131: {  	v38 =	vmul.f32 $9.999999770e-03, v18;
	v19 =	vadd.f32 v19, v35;
	v35 =	vld [tilespmem:s8+$0xC080]  }
0x132: {  	v17 =	vmax.f32 v17, v37;
	v37 =	vmul.f32 $9.999999770e-03, v16;
	v20 =	vadd.f32 v20, v36;
	v36 =	vld [tilespmem:s8+$0xC090]  }
0x133: {  	[tilespmem:s8+$0xC000] =	vst v17;
	v17 =	vmax.f32 v18, v38;
	v18 =	vmul.f32 $9.999999770e-03, v19;
	v21 =	vadd.f32 v21, v32;
	v32 =	vld [tilespmem:s8+$0xC0A0]  }
0x134: {  	[tilespmem:s8+$0xC010] =	vst v17;
	v16 =	vmax.f32 v16, v37;
	v17 =	vmul.f32 $9.999999770e-03, v20;
	v22 =	vadd.f32 v22, v33;
	v33 =	vld [tilespmem:s8+$0xC0B0]  }
0x135: {  	[tilespmem:s8+$0xC020] =	vst v16;
	v16 =	vmax.f32 v19, v18;
	v18 =	vmul.f32 $9.999999770e-03, v21;
	v19 =	vadd.f32 v23, v34;
	v23 =	vld [tilespmem:s8+$0xC0C0]  }
0x136: {  	[tilespmem:s8+$0xC030] =	vst v16;
	v16 =	vmax.f32 v20, v17;
	v17 =	vmul.f32 $9.999999770e-03, v22;
	v20 =	vadd.f32 v24, v35;
	v24 =	vld [tilespmem:s8+$0xC0D0]  }
0x137: {  	[tilespmem:s8+$0xC040] =	vst v16;
	v16 =	vmax.f32 v21, v18;
	v18 =	vmul.f32 $9.999999770e-03, v19;
	v21 =	vadd.f32 v25, v36;
	v25 =	vld [tilespmem:s8+$0xC0E0]  }
0x138: {  	[tilespmem:s8+$0xC050] =	vst v16;
	v16 =	vmax.f32 v22, v17;
	v17 =	vmul.f32 $9.999999770e-03, v20;
	v22 =	vadd.f32 v26, v32;
	v26 =	vld [tilespmem:s8+$0xC0F0]  }
0x139: {  	[tilespmem:s8+$0xC060] =	vst v16;
	v16 =	vmax.f32 v19, v18;
	v18 =	vmul.f32 $9.999999770e-03, v21;
	v19 =	vadd.f32 v27, v33;
	v27 =	vld [tilespmem:s8+$0xC100]  }
0x13a: {  	[tilespmem:s8+$0xC070] =	vst v16;
	v16 =	vmax.f32 v20, v17;
	v17 =	vmul.f32 $9.999999770e-03, v22;
	v20 =	vadd.f32 v28, v23;
	v23 =	vld [tilespmem:s8+$0xC110]  }
0x13b: {  	[tilespmem:s8+$0xC080] =	vst v16;
	v16 =	vmax.f32 v21, v18;
	v18 =	vmul.f32 $9.999999770e-03, v19;
	v21 =	vadd.f32 v29, v24;
	v24 =	vld [tilespmem:s8+$0xC120]  }
0x13c: {  	[tilespmem:s8+$0xC090] =	vst v16;
	v16 =	vmax.f32 v22, v17;
	v17 =	vmul.f32 $9.999999770e-03, v20;
	v22 =	vadd.f32 v30, v25;
	v25 =	vld [tilespmem:s8+$0xC130]  }
0x13d: {  	[tilespmem:s8+$0xC0A0] =	vst v16;
	v16 =	vmax.f32 v19, v18;
	v18 =	vmul.f32 $9.999999770e-03, v21;
	v19 =	vadd.f32 v31, v26;
	v26 =	vld [tilespmem:s8+$0xC140]  }
0x13e: {  	[tilespmem:s8+$0xC0B0] =	vst v16;
	v16 =	vmax.f32 v20, v17;
	v17 =	vmul.f32 $9.999999770e-03, v22;
	v15 =	vadd.f32 v15, v27;
	v20 =	vld [tilespmem:s8+$0xC150]  }
0x13f: {  	[tilespmem:s8+$0xC0C0] =	vst v16;
	v16 =	vmax.f32 v21, v18;
	v18 =	vmul.f32 $9.999999770e-03, v19;
	v14 =	vadd.f32 v14, v23;
	v21 =	vld [tilespmem:s8+$0xC160]  }
0x140: {  	[tilespmem:s8+$0xC0D0] =	vst v16;
	v16 =	vmax.f32 v22, v17;
	v17 =	vmul.f32 $9.999999770e-03, v15;
	v13 =	vadd.f32 v13, v24;
	v22 =	vld [tilespmem:s8+$0xC170]  }
0x141: {  	[tilespmem:s8+$0xC0E0] =	vst v16;
	v16 =	vmax.f32 v19, v18;
	v18 =	vmul.f32 $9.999999770e-03, v14;
	v12 =	vadd.f32 v12, v25;
	v19 =	vld [tilespmem:s8+$0xC180]  }
0x142: {  	[tilespmem:s8+$0xC0F0] =	vst v16;
	v15 =	vmax.f32 v15, v17;
	v16 =	vmul.f32 $9.999999770e-03, v13;
	v11 =	vadd.f32 v11, v26;
	v23 =	vld [tilespmem:s8+$0xC190]  }
.Ltmp3:
0x143: {  	[tilespmem:s8+$0xC100] =	vst v15;
	v14 =	vmax.f32 v14, v18;
	v15 =	vmul.f32 $9.999999770e-03, v12;
	v17 =	vadd.f32 v10, v20;
	v10 =	vld [tilespmem:s8+$0xC1A0];
	(pc) =	sbr.rel @p1 .LBB2_5-.Ltmp3, $4  }
0x144: {  	[tilespmem:s8+$0xC110] =	vst v14;
	v13 =	vmax.f32 v13, v16;
	v16 =	vmul.f32 $9.999999770e-03, v11;
	v14 =	vadd.f32 v9, v21;
	v9 =	vld [tilespmem:s8+$0xC1B0]  }
0x145: {  	[tilespmem:s8+$0xC120] =	vst v13;
	v13 =	vmax.f32 v12, v15;
	v15 =	vmul.f32 $9.999999770e-03, v17;
	v12 =	vadd.f32 v8, v22;
	v8 =	vld [tilespmem:s8+$0xC1C0]  }
0x146: {  	[tilespmem:s8+$0xC130] =	vst v13;
	v13 =	vmax.f32 v11, v16;
	v16 =	vmul.f32 $9.999999770e-03, v14;
	v11 =	vadd.f32 v7, v19;
	v7 =	vld [tilespmem:s8+$0xC1D0]  }
0x147: {  	s12 =	sadd.s32 $0x800, s12;
	[tilespmem:s8+$0xC140] =	vst v13;
	v17 =	vmax.f32 v17, v15;
	v15 =	vmul.f32 $9.999999770e-03, v12;
	v13 =	vadd.f32 v6, v23;
	v6 =	vld [tilespmem:s8+$0xC1E0]  }
0x148: {  	[tilespmem:s8+$0xC150] =	vst v17;
	v14 =	vmax.f32 v14, v16;
	v16 =	vmul.f32 $9.999999770e-03, v11;
	v5 =	vadd.f32 v5, v10;
	v10 =	vld [tilespmem:s8+$0xC1F0]  }
0x149: {  	[tilespmem:s8+$0xC160] =	vst v14;
	v12 =	vmax.f32 v12, v15;
	v14 =	vmul.f32 $9.999999770e-03, v13;
	v4 =	vadd.f32 v4, v9  }
0x14a: {  	[tilespmem:s8+$0xC170] =	vst v12;
	v9 =	vmax.f32 v11, v16;
	v11 =	vmul.f32 $9.999999770e-03, v5;
	v3 =	vadd.f32 v3, v8  }
0x14b: {  	[tilespmem:s8+$0xC180] =	vst v9;
	v8 =	vmax.f32 v13, v14;
	v9 =	vmul.f32 $9.999999770e-03, v4;
	v2 =	vadd.f32 v2, v7  }
0x14c: {  	[tilespmem:s8+$0xC190] =	vst v8;
	v5 =	vmax.f32 v5, v11;
	v7 =	vmul.f32 $9.999999770e-03, v3;
	v1 =	vadd.f32 v1, v6  }
0x14d: {  	[tilespmem:s8+$0xC1A0] =	vst v5;
	v4 =	vmax.f32 v4, v9;
	v5 =	vmul.f32 $9.999999770e-03, v2;
	v0 =	vadd.f32 v0, v10  }
0x14e: {  	[tilespmem:s8+$0xC1B0] =	vst v4;
	v3 =	vmax.f32 v3, v7;
	v4 =	vmul.f32 $9.999999770e-03, v1  }
0x14f: {  	[tilespmem:s8+$0xC1C0] =	vst v3;
	v2 =	vmax.f32 v2, v5;
	v3 =	vmul.f32 $9.999999770e-03, v0  }
0x150: {  	[tilespmem:s8+$0xC1D0] =	vst v2;
	v1 =	vmax.f32 v1, v4  }
0x151: {  	[tilespmem:s8+$0xC1E0] =	vst v1;
	v0 =	vmax.f32 v0, v3  }
0x152: {  	s31 =	sadd.s32 s14, s9;
	[tilespmem:s8+$0xC1F0] =	vst v0;
	s8 =	simm.s32 @!p0 $0x8  }
0x153: {  	[hbm4b:s31+s3] =	stream.linear.scatter [tilespmem:s18], [sflag:$0x6], $0x2000, $0x38;
	[tilespmem:$0x18000] =	vst v63  }
0x154: {  	_ =	swait.ge @!p0 [sflag:s8], $0x2000  }
0x155: {  	[sflag:s8] =	ssyncset.done @!p0 $0x0  }
0x156: {  	s12 =	sor.u32 $0x440, s7;
	[sflag:s8] =	ssyncadd.s32 @!p0 $0xFFFFE000  }
0x157: {  	[tilespmem:s24], [sflag:$0x4] =	stream.indirect.gather [hbm4b:s5+s15], $0x80, s12, s15, $0xb8;
	[tilespmem:$0x18000] =	vst v63  }
0x158: {  	s31 =	sor.u32 $0x4440, s7  }
0x159: {  	[tilespmem:s25], [sflag:$0x4] =	stream.indirect.gather [hbm4b:s6+s15], $0x80, s31, s15, $0xb8;
	[tilespmem:$0x18000] =	vst v63  }
0x15a: {  	_ =	swait.ge [sflag:s26], $0x2000  }
0x15b: {  	[sflag:s26] =	ssyncset.done $0x0  }
0x15c: {  	[sflag:s26] =	ssyncadd.s32 $0xFFFFE000  }
0x15d: {  	_ =	swait.ge [sflag:s26], $0x2000  }
0x15e: {  	[sflag:s26] =	ssyncset.done $0x0  }
0x15f: {  	s7 =	simm.s32 $0x0;
	[sflag:s26] =	ssyncadd.s32 $0xFFFFE000  }
0x160: {  	v7 =	vld [tilespmem:s7+$0x12000]  }
0x161: {  	v8 =	vld [tilespmem:s7+$0x12010]  }
0x162: {  	v9 =	vld [tilespmem:s7+$0x12020]  }
0x163: {  	v10 =	vld [tilespmem:s7+$0x12030]  }
0x164: {  	v11 =	vld [tilespmem:s7+$0x12040]  }
0x165: {  	v12 =	vld [tilespmem:s7+$0x12050]  }
0x166: {  	v13 =	vld [tilespmem:s7+$0x12060]  }
0x167: {  	v14 =	vld [tilespmem:s7+$0x12070]  }
0x168: {  	v15 =	vld [tilespmem:s7+$0x12080]  }
0x169: {  	v16 =	vld [tilespmem:s7+$0x12090]  }
0x16a: {  	v17 =	vld [tilespmem:s7+$0x120A0]  }
0x16b: {  	v18 =	vld [tilespmem:s7+$0x120B0]  }
0x16c: {  	v19 =	vld [tilespmem:s7+$0x120C0]  }
0x16d: {  	v20 =	vld [tilespmem:s7+$0x120D0]  }
0x16e: {  	v21 =	vld [tilespmem:s7+$0x120E0]  }
0x16f: {  	v22 =	vld [tilespmem:s7+$0x120F0]  }
0x170: {  	v23 =	vld [tilespmem:s7+$0x12100]  }
0x171: {  	v24 =	vld [tilespmem:s7+$0x12110]  }
0x172: {  	v25 =	vld [tilespmem:s7+$0x12120]  }
0x173: {  	v32 =	vld [tilespmem:s7+$0x10000]  }
0x174: {  	v33 =	vld [tilespmem:s7+$0x10010]  }
0x175: {  	v26 =	vld [tilespmem:s7+$0x12130]  }
0x176: {  	v34 =	vld [tilespmem:s7+$0x10020]  }
0x177: {  	v27 =	vld [tilespmem:s7+$0x12140]  }
0x178: {  	v35 =	vld [tilespmem:s7+$0x10030];
	v7 =	vadd.f32 v7, v32  }
0x179: {  	v36 =	vld [tilespmem:s7+$0x10040];
	v8 =	vadd.f32 v8, v33  }
0x17a: {  	v28 =	vld [tilespmem:s7+$0x12150];
	v60 =	vmul.f32 $9.999999770e-03, v7  }
0x17b: {  	v59 =	vld [tilespmem:s7+$0x10050];
	v9 =	vadd.f32 v9, v34;
	v61 =	vmul.f32 $9.999999770e-03, v8  }
0x17c: {  	v29 =	vld [tilespmem:s7+$0x12160];
	v7 =	vmax.f32 v7, v60  }
0x17d: {  	v37 =	vld [tilespmem:s7+$0x10060];
	v8 =	vmax.f32 v8, v61;
	[tilespmem:s7+$0x10000] =	vst v7;
	v7 =	vadd.f32 v10, v35;
	v10 =	vmul.f32 $9.999999770e-03, v9  }
0x17e: {  	v38 =	vld [tilespmem:s7+$0x10070];
	[tilespmem:s7+$0x10010] =	vst v8;
	v8 =	vadd.f32 v11, v36  }
0x17f: {  	v30 =	vld [tilespmem:s7+$0x12170];
	v11 =	vmul.f32 $9.999999770e-03, v7;
	v9 =	vmax.f32 v9, v10  }
0x180: {  	v39 =	vld [tilespmem:s7+$0x10080];
	[tilespmem:s7+$0x10020] =	vst v9;
	v9 =	vadd.f32 v12, v59;
	v12 =	vmul.f32 $9.999999770e-03, v8  }
0x181: {  	v31 =	vld [tilespmem:s7+$0x12180];
	v7 =	vmax.f32 v7, v11  }
0x182: {  	v62 =	vld [tilespmem:s7+$0x10090];
	[tilespmem:s7+$0x10030] =	vst v7;
	v7 =	vadd.f32 v13, v37;
	v13 =	vmul.f32 $9.999999770e-03, v9;
	v8 =	vmax.f32 v8, v12  }
0x183: {  	v63 =	vld [tilespmem:s7+$0x100A0];
	[tilespmem:s7+$0x10040] =	vst v8;
	v8 =	vadd.f32 v14, v38  }
0x184: {  	v6 =	vld [tilespmem:s7+$0x12190];
	v14 =	vmul.f32 $9.999999770e-03, v7;
	v9 =	vmax.f32 v9, v13  }
0x185: {  	v10 =	vld [tilespmem:s7+$0x100B0];
	[tilespmem:s7+$0x10050] =	vst v9;
	v9 =	vadd.f32 v15, v39;
	v15 =	vmul.f32 $9.999999770e-03, v8  }
0x186: {  	v5 =	vld [tilespmem:s7+$0x121A0];
	v7 =	vmax.f32 v7, v14  }
0x187: {  	v11 =	vld [tilespmem:s7+$0x100C0];
	[tilespmem:s7+$0x10060] =	vst v7;
	v7 =	vadd.f32 v16, v62;
	v16 =	vmul.f32 $9.999999770e-03, v9;
	v8 =	vmax.f32 v8, v15  }
0x188: {  	v12 =	vld [tilespmem:s7+$0x100D0];
	[tilespmem:s7+$0x10070] =	vst v8;
	v8 =	vadd.f32 v17, v63  }
0x189: {  	v4 =	vld [tilespmem:s7+$0x121B0];
	v17 =	vmul.f32 $9.999999770e-03, v7;
	v9 =	vmax.f32 v9, v16  }
0x18a: {  	v13 =	vld [tilespmem:s7+$0x100E0];
	[tilespmem:s7+$0x10080] =	vst v9;
	v9 =	vadd.f32 v18, v10;
	v10 =	vmul.f32 $9.999999770e-03, v8  }
0x18b: {  	v3 =	vld [tilespmem:s7+$0x121C0];
	v7 =	vmax.f32 v7, v17  }
0x18c: {  	v14 =	vld [tilespmem:s7+$0x100F0];
	[tilespmem:s7+$0x10090] =	vst v7;
	v7 =	vadd.f32 v19, v11;
	v11 =	vmul.f32 $9.999999770e-03, v9;
	v8 =	vmax.f32 v8, v10  }
0x18d: {  	v15 =	vld [tilespmem:s7+$0x10100];
	[tilespmem:s7+$0x100A0] =	vst v8;
	v8 =	vadd.f32 v20, v12  }
0x18e: {  	v2 =	vld [tilespmem:s7+$0x121D0];
	v12 =	vmul.f32 $9.999999770e-03, v7;
	v9 =	vmax.f32 v9, v11  }
0x18f: {  	v1 =	vld [tilespmem:s7+$0x121E0];
	[tilespmem:s7+$0x100B0] =	vst v9;
	v9 =	vadd.f32 v21, v13;
	v13 =	vmul.f32 $9.999999770e-03, v8  }
0x190: {  	v16 =	vld [tilespmem:s7+$0x10110];
	v7 =	vmax.f32 v7, v12  }
0x191: {  	v17 =	vld [tilespmem:s7+$0x10120];
	[tilespmem:s7+$0x100C0] =	vst v7;
	v7 =	vadd.f32 v22, v14;
	v8 =	vmax.f32 v8, v13  }
0x192: {  	v10 =	vld [tilespmem:s7+$0x10130];
	v14 =	vmul.f32 $9.999999770e-03, v9;
	[tilespmem:s7+$0x100D0] =	vst v8;
	v8 =	vadd.f32 v23, v15  }
0x193: {  	v0 =	vld [tilespmem:s7+$0x121F0];
	v15 =	vmul.f32 $9.999999770e-03, v7  }
0x194: {  	v11 =	vld [tilespmem:s7+$0x10140];
	v9 =	vmax.f32 v9, v14;
	v14 =	vmul.f32 $9.999999770e-03, v8  }
0x195: {  	v12 =	vld [tilespmem:s7+$0x10150];
	[tilespmem:s7+$0x100E0] =	vst v9;
	v9 =	vadd.f32 v24, v16;
	v7 =	vmax.f32 v7, v15  }
0x196: {  	v13 =	vld [tilespmem:s7+$0x10160];
	[tilespmem:s7+$0x100F0] =	vst v7;
	v7 =	vadd.f32 v25, v17;
	v8 =	vmax.f32 v8, v14  }
0x197: {  	v18 =	vld [tilespmem:s7+$0x10170];
	v16 =	vmul.f32 $9.999999770e-03, v9;
	[tilespmem:s7+$0x10100] =	vst v8;
	v8 =	vadd.f32 v26, v10  }
0x198: {  	v15 =	vld [tilespmem:s7+$0x10180];
	v14 =	vmul.f32 $9.999999770e-03, v7  }
0x199: {  	v19 =	vld [tilespmem:s7+$0x10190];
	v11 =	vadd.f32 v27, v11;
	v9 =	vmax.f32 v9, v16;
	v16 =	vmul.f32 $9.999999770e-03, v8  }
0x19a: {  	v17 =	vadd.f32 v28, v12;
	v10 =	vld [tilespmem:s7+$0x101A0];
	[tilespmem:s7+$0x10110] =	vst v9;
	v7 =	vmax.f32 v7, v14  }
0x19b: {  	v9 =	vld [tilespmem:s7+$0x101B0];
	v14 =	vadd.f32 v29, v13;
	[tilespmem:s7+$0x10120] =	vst v7;
	v7 =	vmul.f32 $9.999999770e-03, v11;
	v12 =	vmax.f32 v8, v16  }
0x19c: {  	v13 =	vmul.f32 $9.999999770e-03, v17;
	v8 =	vld [tilespmem:s7+$0x101C0];
	[tilespmem:s7+$0x10130] =	vst v12;
	v12 =	vadd.f32 v30, v18  }
0x19d: {  	v16 =	vmul.f32 $9.999999770e-03, v14;
	v18 =	vmax.f32 v11, v7;
	v7 =	vld [tilespmem:s7+$0x101D0];
	v11 =	vadd.f32 v31, v15  }
0x19e: {  	s8 =	simm.s32 $0x800;
	v17 =	vmax.f32 v17, v13;
	v13 =	vadd.f32 v6, v19;
	v6 =	vld [tilespmem:s7+$0x101E0];
	[tilespmem:s7+$0x10140] =	vst v18;
	v15 =	vmul.f32 $9.999999770e-03, v12  }
.LBB2_7:
0x19f: {  	s12 =	sshra.s32 s8, $0x2;
	p0 =	sne.s32 s8, $0x7800;
	[tilespmem:s7+$0x10150] =	vst v17;
	v14 =	vmax.f32 v14, v16;
	v16 =	vmul.f32 $9.999999770e-03, v11;
	v5 =	vadd.f32 v5, v10;
	v10 =	vld [tilespmem:s7+$0x101F0]  }
0x1a0: {  	v17 =	vld [tilespmem:s12+$0x12000];
	[tilespmem:s7+$0x10160] =	vst v14;
	v12 =	vmax.f32 v12, v15;
	v14 =	vmul.f32 $9.999999770e-03, v13;
	v4 =	vadd.f32 v4, v9  }
0x1a1: {  	v18 =	vld [tilespmem:s12+$0x12010];
	[tilespmem:s7+$0x10170] =	vst v12;
	v9 =	vmax.f32 v11, v16;
	v11 =	vmul.f32 $9.999999770e-03, v5;
	v3 =	vadd.f32 v3, v8  }
0x1a2: {  	v16 =	vld [tilespmem:s12+$0x12020];
	[tilespmem:s7+$0x10180] =	vst v9;
	v8 =	vmax.f32 v13, v14;
	v9 =	vmul.f32 $9.999999770e-03, v4;
	v2 =	vadd.f32 v2, v7  }
0x1a3: {  	v19 =	vld [tilespmem:s12+$0x12030];
	[tilespmem:s7+$0x10190] =	vst v8;
	v5 =	vmax.f32 v5, v11;
	v7 =	vmul.f32 $9.999999770e-03, v3;
	v1 =	vadd.f32 v1, v6  }
0x1a4: {  	v20 =	vld [tilespmem:s12+$0x12040];
	[tilespmem:s7+$0x101A0] =	vst v5;
	v4 =	vmax.f32 v4, v9;
	v5 =	vmul.f32 $9.999999770e-03, v2;
	v0 =	vadd.f32 v0, v10  }
0x1a5: {  	v21 =	vld [tilespmem:s12+$0x12050];
	[tilespmem:s7+$0x101B0] =	vst v4;
	v3 =	vmax.f32 v3, v7;
	v4 =	vmul.f32 $9.999999770e-03, v1  }
0x1a6: {  	v22 =	vld [tilespmem:s12+$0x12060];
	[tilespmem:s7+$0x101C0] =	vst v3;
	v2 =	vmax.f32 v2, v5;
	v3 =	vmul.f32 $9.999999770e-03, v0  }
0x1a7: {  	v23 =	vld [tilespmem:s12+$0x12070];
	[tilespmem:s7+$0x101D0] =	vst v2;
	v1 =	vmax.f32 v1, v4  }
0x1a8: {  	v24 =	vld [tilespmem:s12+$0x12080];
	[tilespmem:s7+$0x101E0] =	vst v1;
	v0 =	vmax.f32 v0, v3  }
0x1a9: {  	v25 =	vld [tilespmem:s12+$0x12090];
	[tilespmem:s7+$0x101F0] =	vst v0;
	s7 =	smov.u32 s12  }
0x1aa: {  	v26 =	vld [tilespmem:s7+$0x120A0]  }
0x1ab: {  	v27 =	vld [tilespmem:s7+$0x120B0]  }
0x1ac: {  	v28 =	vld [tilespmem:s7+$0x120C0]  }
0x1ad: {  	v29 =	vld [tilespmem:s7+$0x120D0]  }
0x1ae: {  	v30 =	vld [tilespmem:s7+$0x120E0]  }
0x1af: {  	v31 =	vld [tilespmem:s7+$0x120F0]  }
0x1b0: {  	v15 =	vld [tilespmem:s7+$0x12100]  }
0x1b1: {  	v14 =	vld [tilespmem:s7+$0x12110]  }
0x1b2: {  	v13 =	vld [tilespmem:s7+$0x12120]  }
0x1b3: {  	v12 =	vld [tilespmem:s7+$0x12130]  }
0x1b4: {  	v11 =	vld [tilespmem:s7+$0x12140]  }
0x1b5: {  	v10 =	vld [tilespmem:s7+$0x12150]  }
0x1b6: {  	v9 =	vld [tilespmem:s7+$0x12160]  }
0x1b7: {  	v8 =	vld [tilespmem:s7+$0x12170]  }
0x1b8: {  	v7 =	vld [tilespmem:s7+$0x12180]  }
0x1b9: {  	v6 =	vld [tilespmem:s7+$0x12190]  }
0x1ba: {  	v5 =	vld [tilespmem:s7+$0x121A0]  }
0x1bb: {  	v4 =	vld [tilespmem:s7+$0x121B0]  }
0x1bc: {  	v3 =	vld [tilespmem:s7+$0x121C0]  }
0x1bd: {  	v2 =	vld [tilespmem:s7+$0x121D0]  }
0x1be: {  	v1 =	vld [tilespmem:s7+$0x121E0]  }
0x1bf: {  	v0 =	vld [tilespmem:s7+$0x121F0]  }
0x1c0: {  	v32 =	vld [tilespmem:s7+$0x10000]  }
0x1c1: {  	v33 =	vld [tilespmem:s7+$0x10010]  }
0x1c2: {  	v34 =	vld [tilespmem:s7+$0x10020]  }
0x1c3: {  	v35 =	vld [tilespmem:s7+$0x10030]  }
0x1c4: {  	v36 =	vld [tilespmem:s7+$0x10040]  }
0x1c5: {  	v17 =	vadd.f32 v17, v32;
	v32 =	vld [tilespmem:s7+$0x10050]  }
0x1c6: {  	v18 =	vadd.f32 v18, v33;
	v33 =	vld [tilespmem:s7+$0x10060]  }
0x1c7: {  	v37 =	vmul.f32 $9.999999770e-03, v17;
	v16 =	vadd.f32 v16, v34;
	v34 =	vld [tilespmem:s7+$0x10070]  }
0x1c8: {  	v38 =	vmul.f32 $9.999999770e-03, v18;
	v19 =	vadd.f32 v19, v35;
	v35 =	vld [tilespmem:s7+$0x10080]  }
0x1c9: {  	v17 =	vmax.f32 v17, v37;
	v37 =	vmul.f32 $9.999999770e-03, v16;
	v20 =	vadd.f32 v20, v36;
	v36 =	vld [tilespmem:s7+$0x10090]  }
0x1ca: {  	[tilespmem:s7+$0x10000] =	vst v17;
	v17 =	vmax.f32 v18, v38;
	v18 =	vmul.f32 $9.999999770e-03, v19;
	v21 =	vadd.f32 v21, v32;
	v32 =	vld [tilespmem:s7+$0x100A0]  }
0x1cb: {  	[tilespmem:s7+$0x10010] =	vst v17;
	v16 =	vmax.f32 v16, v37;
	v17 =	vmul.f32 $9.999999770e-03, v20;
	v22 =	vadd.f32 v22, v33;
	v33 =	vld [tilespmem:s7+$0x100B0]  }
0x1cc: {  	[tilespmem:s7+$0x10020] =	vst v16;
	v16 =	vmax.f32 v19, v18;
	v18 =	vmul.f32 $9.999999770e-03, v21;
	v19 =	vadd.f32 v23, v34;
	v23 =	vld [tilespmem:s7+$0x100C0]  }
0x1cd: {  	[tilespmem:s7+$0x10030] =	vst v16;
	v16 =	vmax.f32 v20, v17;
	v17 =	vmul.f32 $9.999999770e-03, v22;
	v20 =	vadd.f32 v24, v35;
	v24 =	vld [tilespmem:s7+$0x100D0]  }
0x1ce: {  	[tilespmem:s7+$0x10040] =	vst v16;
	v16 =	vmax.f32 v21, v18;
	v18 =	vmul.f32 $9.999999770e-03, v19;
	v21 =	vadd.f32 v25, v36;
	v25 =	vld [tilespmem:s7+$0x100E0]  }
0x1cf: {  	[tilespmem:s7+$0x10050] =	vst v16;
	v16 =	vmax.f32 v22, v17;
	v17 =	vmul.f32 $9.999999770e-03, v20;
	v22 =	vadd.f32 v26, v32;
	v26 =	vld [tilespmem:s7+$0x100F0]  }
0x1d0: {  	[tilespmem:s7+$0x10060] =	vst v16;
	v16 =	vmax.f32 v19, v18;
	v18 =	vmul.f32 $9.999999770e-03, v21;
	v19 =	vadd.f32 v27, v33;
	v27 =	vld [tilespmem:s7+$0x10100]  }
0x1d1: {  	[tilespmem:s7+$0x10070] =	vst v16;
	v16 =	vmax.f32 v20, v17;
	v17 =	vmul.f32 $9.999999770e-03, v22;
	v20 =	vadd.f32 v28, v23;
	v23 =	vld [tilespmem:s7+$0x10110]  }
0x1d2: {  	[tilespmem:s7+$0x10080] =	vst v16;
	v16 =	vmax.f32 v21, v18;
	v18 =	vmul.f32 $9.999999770e-03, v19;
	v21 =	vadd.f32 v29, v24;
	v24 =	vld [tilespmem:s7+$0x10120]  }
0x1d3: {  	[tilespmem:s7+$0x10090] =	vst v16;
	v16 =	vmax.f32 v22, v17;
	v17 =	vmul.f32 $9.999999770e-03, v20;
	v22 =	vadd.f32 v30, v25;
	v25 =	vld [tilespmem:s7+$0x10130]  }
0x1d4: {  	[tilespmem:s7+$0x100A0] =	vst v16;
	v16 =	vmax.f32 v19, v18;
	v18 =	vmul.f32 $9.999999770e-03, v21;
	v19 =	vadd.f32 v31, v26;
	v26 =	vld [tilespmem:s7+$0x10140]  }
0x1d5: {  	[tilespmem:s7+$0x100B0] =	vst v16;
	v16 =	vmax.f32 v20, v17;
	v17 =	vmul.f32 $9.999999770e-03, v22;
	v15 =	vadd.f32 v15, v27;
	v20 =	vld [tilespmem:s7+$0x10150]  }
0x1d6: {  	[tilespmem:s7+$0x100C0] =	vst v16;
	v16 =	vmax.f32 v21, v18;
	v18 =	vmul.f32 $9.999999770e-03, v19;
	v14 =	vadd.f32 v14, v23;
	v21 =	vld [tilespmem:s7+$0x10160]  }
0x1d7: {  	[tilespmem:s7+$0x100D0] =	vst v16;
	v16 =	vmax.f32 v22, v17;
	v17 =	vmul.f32 $9.999999770e-03, v15;
	v13 =	vadd.f32 v13, v24;
	v22 =	vld [tilespmem:s7+$0x10170]  }
0x1d8: {  	[tilespmem:s7+$0x100E0] =	vst v16;
	v16 =	vmax.f32 v19, v18;
	v18 =	vmul.f32 $9.999999770e-03, v14;
	v12 =	vadd.f32 v12, v25;
	v19 =	vld [tilespmem:s7+$0x10180]  }
0x1d9: {  	[tilespmem:s7+$0x100F0] =	vst v16;
	v15 =	vmax.f32 v15, v17;
	v16 =	vmul.f32 $9.999999770e-03, v13;
	v11 =	vadd.f32 v11, v26;
	v23 =	vld [tilespmem:s7+$0x10190]  }
.Ltmp4:
0x1da: {  	[tilespmem:s7+$0x10100] =	vst v15;
	v14 =	vmax.f32 v14, v18;
	v15 =	vmul.f32 $9.999999770e-03, v12;
	v17 =	vadd.f32 v10, v20;
	v10 =	vld [tilespmem:s7+$0x101A0];
	(pc) =	sbr.rel @p0 .LBB2_7-.Ltmp4, $4  }
0x1db: {  	[tilespmem:s7+$0x10110] =	vst v14;
	v13 =	vmax.f32 v13, v16;
	v16 =	vmul.f32 $9.999999770e-03, v11;
	v14 =	vadd.f32 v9, v21;
	v9 =	vld [tilespmem:s7+$0x101B0]  }
0x1dc: {  	[tilespmem:s7+$0x10120] =	vst v13;
	v13 =	vmax.f32 v12, v15;
	v15 =	vmul.f32 $9.999999770e-03, v17;
	v12 =	vadd.f32 v8, v22;
	v8 =	vld [tilespmem:s7+$0x101C0]  }
0x1dd: {  	[tilespmem:s7+$0x10130] =	vst v13;
	v13 =	vmax.f32 v11, v16;
	v16 =	vmul.f32 $9.999999770e-03, v14;
	v11 =	vadd.f32 v7, v19;
	v7 =	vld [tilespmem:s7+$0x101D0]  }
0x1de: {  	s8 =	sadd.s32 $0x800, s8;
	[tilespmem:s7+$0x10140] =	vst v13;
	v17 =	vmax.f32 v17, v15;
	v15 =	vmul.f32 $9.999999770e-03, v12;
	v13 =	vadd.f32 v6, v23;
	v6 =	vld [tilespmem:s7+$0x101E0]  }
0x1df: {  	[tilespmem:s7+$0x10150] =	vst v17;
	v14 =	vmax.f32 v14, v16;
	v16 =	vmul.f32 $9.999999770e-03, v11;
	v5 =	vadd.f32 v5, v10;
	v10 =	vld [tilespmem:s7+$0x101F0]  }
0x1e0: {  	[tilespmem:s7+$0x10160] =	vst v14;
	v12 =	vmax.f32 v12, v15;
	v14 =	vmul.f32 $9.999999770e-03, v13;
	v4 =	vadd.f32 v4, v9  }
0x1e1: {  	[tilespmem:s7+$0x10170] =	vst v12;
	v9 =	vmax.f32 v11, v16;
	v11 =	vmul.f32 $9.999999770e-03, v5;
	v3 =	vadd.f32 v3, v8  }
0x1e2: {  	[tilespmem:s7+$0x10180] =	vst v9;
	v8 =	vmax.f32 v13, v14;
	v9 =	vmul.f32 $9.999999770e-03, v4;
	v2 =	vadd.f32 v2, v7  }
0x1e3: {  	[tilespmem:s7+$0x10190] =	vst v8;
	v5 =	vmax.f32 v5, v11;
	v7 =	vmul.f32 $9.999999770e-03, v3;
	v1 =	vadd.f32 v1, v6  }
0x1e4: {  	[tilespmem:s7+$0x101A0] =	vst v5;
	v4 =	vmax.f32 v4, v9;
	v5 =	vmul.f32 $9.999999770e-03, v2;
	v0 =	vadd.f32 v0, v10  }
0x1e5: {  	[tilespmem:s7+$0x101B0] =	vst v4;
	v3 =	vmax.f32 v3, v7;
	v4 =	vmul.f32 $9.999999770e-03, v1  }
0x1e6: {  	[tilespmem:s7+$0x101C0] =	vst v3;
	v2 =	vmax.f32 v2, v5;
	v3 =	vmul.f32 $9.999999770e-03, v0  }
0x1e7: {  	[tilespmem:s7+$0x101D0] =	vst v2;
	v1 =	vmax.f32 v1, v4  }
0x1e8: {  	p0 =	seq.s32 s17, $0x3F;
	[tilespmem:s7+$0x101E0] =	vst v1;
	v0 =	vmax.f32 v0, v3  }
0x1e9: {  	s31 =	sadd.s32 s14, s10;
	s12 =	simm.s32 @!p0 $0x8000;
	[tilespmem:s7+$0x101F0] =	vst v0;
	s7 =	sadd.s32 @!p0 $0x1, s17  }
0x1ea: {  	[hbm4b:s31+s3] =	stream.linear.scatter [tilespmem:s21], [sflag:$0x7], $0x2000, $0x38;
	[tilespmem:$0x18000] =	vst v63  }
0x1eb: {  	s8 =	sshll.u32 @!p0 s7, $0x8;
	s7 =	sshll.u32 @!p0 s7, $0x7;
	_ =	swait.ge [sflag:s28], $0x2000  }
0x1ec: {  	s8 =	sand.u32 @!p0 $0x7800, s8;
	s7 =	sand.u32 @!p0 $0x380, s7;
	[sflag:s28] =	ssyncset.done $0x0  }
0x1ed: {  	s7 =	sor.u32 @!p0 s7, s8;
	s8 =	simm.s32 @!p0 $0x40;
	[sflag:s28] =	ssyncadd.s32 $0xFFFFE000  }
0x1ee: {  	[tilespmem:s12], [sflag:$0x1] =	stream.indirect.gather @!p0 [hbm4b:s5+s8], $0x80, s7, s8, $0xb8;
	[tilespmem:$0x18000] =	vst v63  }
0x1ef: {  	s7 =	sadd.s32 @!p0 $0x4000, s7;
	s12 =	simm.s32 @!p0 $0xA000  }
0x1f0: {  	[tilespmem:s12], [sflag:$0x1] =	stream.indirect.gather @!p0 [hbm4b:s6+s8], $0x80, s7, s8, $0xb8;
	[tilespmem:$0x18000] =	vst v63  }
0x1f1: {  	_ =	swait.ge [sflag:s29], $0x2000  }
0x1f2: {  	[sflag:s29] =	ssyncset.done $0x0  }
0x1f3: {  	[sflag:s29] =	ssyncadd.s32 $0xFFFFE000  }
0x1f4: {  	_ =	swait.ge [sflag:s29], $0x2000  }
0x1f5: {  	[sflag:s29] =	ssyncset.done $0x0  }
0x1f6: {  	s7 =	simm.s32 $0x0;
	[sflag:s29] =	ssyncadd.s32 $0xFFFFE000  }
0x1f7: {  	v7 =	vld [tilespmem:s7+$0x16000]  }
0x1f8: {  	v8 =	vld [tilespmem:s7+$0x16010]  }
0x1f9: {  	v9 =	vld [tilespmem:s7+$0x16020]  }
0x1fa: {  	v10 =	vld [tilespmem:s7+$0x16030]  }
0x1fb: {  	v11 =	vld [tilespmem:s7+$0x16040]  }
0x1fc: {  	v12 =	vld [tilespmem:s7+$0x16050]  }
0x1fd: {  	v13 =	vld [tilespmem:s7+$0x16060]  }
0x1fe: {  	v14 =	vld [tilespmem:s7+$0x16070]  }
0x1ff: {  	v15 =	vld [tilespmem:s7+$0x16080]  }
0x200: {  	v16 =	vld [tilespmem:s7+$0x16090]  }
0x201: {  	v17 =	vld [tilespmem:s7+$0x160A0]  }
0x202: {  	v18 =	vld [tilespmem:s7+$0x160B0]  }
0x203: {  	v19 =	vld [tilespmem:s7+$0x160C0]  }
0x204: {  	v20 =	vld [tilespmem:s7+$0x160D0]  }
0x205: {  	v21 =	vld [tilespmem:s7+$0x160E0]  }
0x206: {  	v22 =	vld [tilespmem:s7+$0x160F0]  }
0x207: {  	v23 =	vld [tilespmem:s7+$0x16100]  }
0x208: {  	v24 =	vld [tilespmem:s7+$0x16110]  }
0x209: {  	v25 =	vld [tilespmem:s7+$0x16120]  }
0x20a: {  	v32 =	vld [tilespmem:s7+$0x14000]  }
0x20b: {  	v33 =	vld [tilespmem:s7+$0x14010]  }
0x20c: {  	v26 =	vld [tilespmem:s7+$0x16130]  }
0x20d: {  	v34 =	vld [tilespmem:s7+$0x14020]  }
0x20e: {  	v27 =	vld [tilespmem:s7+$0x16140]  }
0x20f: {  	v35 =	vld [tilespmem:s7+$0x14030];
	v7 =	vadd.f32 v7, v32  }
0x210: {  	v36 =	vld [tilespmem:s7+$0x14040];
	v8 =	vadd.f32 v8, v33  }
0x211: {  	v28 =	vld [tilespmem:s7+$0x16150];
	v60 =	vmul.f32 $9.999999770e-03, v7  }
0x212: {  	v59 =	vld [tilespmem:s7+$0x14050];
	v9 =	vadd.f32 v9, v34;
	v61 =	vmul.f32 $9.999999770e-03, v8  }
0x213: {  	v29 =	vld [tilespmem:s7+$0x16160];
	v7 =	vmax.f32 v7, v60  }
0x214: {  	v37 =	vld [tilespmem:s7+$0x14060];
	v8 =	vmax.f32 v8, v61;
	[tilespmem:s7+$0x14000] =	vst v7;
	v7 =	vadd.f32 v10, v35;
	v10 =	vmul.f32 $9.999999770e-03, v9  }
0x215: {  	v38 =	vld [tilespmem:s7+$0x14070];
	[tilespmem:s7+$0x14010] =	vst v8;
	v8 =	vadd.f32 v11, v36  }
0x216: {  	v30 =	vld [tilespmem:s7+$0x16170];
	v11 =	vmul.f32 $9.999999770e-03, v7;
	v9 =	vmax.f32 v9, v10  }
0x217: {  	v39 =	vld [tilespmem:s7+$0x14080];
	[tilespmem:s7+$0x14020] =	vst v9;
	v9 =	vadd.f32 v12, v59;
	v12 =	vmul.f32 $9.999999770e-03, v8  }
0x218: {  	v31 =	vld [tilespmem:s7+$0x16180];
	v7 =	vmax.f32 v7, v11  }
0x219: {  	v62 =	vld [tilespmem:s7+$0x14090];
	[tilespmem:s7+$0x14030] =	vst v7;
	v7 =	vadd.f32 v13, v37;
	v13 =	vmul.f32 $9.999999770e-03, v9;
	v8 =	vmax.f32 v8, v12  }
0x21a: {  	v63 =	vld [tilespmem:s7+$0x140A0];
	[tilespmem:s7+$0x14040] =	vst v8;
	v8 =	vadd.f32 v14, v38  }
0x21b: {  	v6 =	vld [tilespmem:s7+$0x16190];
	v14 =	vmul.f32 $9.999999770e-03, v7;
	v9 =	vmax.f32 v9, v13  }
0x21c: {  	v10 =	vld [tilespmem:s7+$0x140B0];
	[tilespmem:s7+$0x14050] =	vst v9;
	v9 =	vadd.f32 v15, v39;
	v15 =	vmul.f32 $9.999999770e-03, v8  }
0x21d: {  	v5 =	vld [tilespmem:s7+$0x161A0];
	v7 =	vmax.f32 v7, v14  }
0x21e: {  	v11 =	vld [tilespmem:s7+$0x140C0];
	[tilespmem:s7+$0x14060] =	vst v7;
	v7 =	vadd.f32 v16, v62;
	v16 =	vmul.f32 $9.999999770e-03, v9;
	v8 =	vmax.f32 v8, v15  }
0x21f: {  	v12 =	vld [tilespmem:s7+$0x140D0];
	[tilespmem:s7+$0x14070] =	vst v8;
	v8 =	vadd.f32 v17, v63  }
0x220: {  	v4 =	vld [tilespmem:s7+$0x161B0];
	v17 =	vmul.f32 $9.999999770e-03, v7;
	v9 =	vmax.f32 v9, v16  }
0x221: {  	v13 =	vld [tilespmem:s7+$0x140E0];
	[tilespmem:s7+$0x14080] =	vst v9;
	v9 =	vadd.f32 v18, v10;
	v10 =	vmul.f32 $9.999999770e-03, v8  }
0x222: {  	v3 =	vld [tilespmem:s7+$0x161C0];
	v7 =	vmax.f32 v7, v17  }
0x223: {  	v14 =	vld [tilespmem:s7+$0x140F0];
	[tilespmem:s7+$0x14090] =	vst v7;
	v7 =	vadd.f32 v19, v11;
	v11 =	vmul.f32 $9.999999770e-03, v9;
	v8 =	vmax.f32 v8, v10  }
0x224: {  	v15 =	vld [tilespmem:s7+$0x14100];
	[tilespmem:s7+$0x140A0] =	vst v8;
	v8 =	vadd.f32 v20, v12  }
0x225: {  	v2 =	vld [tilespmem:s7+$0x161D0];
	v12 =	vmul.f32 $9.999999770e-03, v7;
	v9 =	vmax.f32 v9, v11  }
0x226: {  	v1 =	vld [tilespmem:s7+$0x161E0];
	[tilespmem:s7+$0x140B0] =	vst v9;
	v9 =	vadd.f32 v21, v13;
	v13 =	vmul.f32 $9.999999770e-03, v8  }
0x227: {  	v16 =	vld [tilespmem:s7+$0x14110];
	v7 =	vmax.f32 v7, v12  }
0x228: {  	v17 =	vld [tilespmem:s7+$0x14120];
	[tilespmem:s7+$0x140C0] =	vst v7;
	v7 =	vadd.f32 v22, v14;
	v8 =	vmax.f32 v8, v13  }
0x229: {  	v10 =	vld [tilespmem:s7+$0x14130];
	v14 =	vmul.f32 $9.999999770e-03, v9;
	[tilespmem:s7+$0x140D0] =	vst v8;
	v8 =	vadd.f32 v23, v15  }
0x22a: {  	v0 =	vld [tilespmem:s7+$0x161F0];
	v15 =	vmul.f32 $9.999999770e-03, v7  }
0x22b: {  	v11 =	vld [tilespmem:s7+$0x14140];
	v9 =	vmax.f32 v9, v14;
	v14 =	vmul.f32 $9.999999770e-03, v8  }
0x22c: {  	v12 =	vld [tilespmem:s7+$0x14150];
	[tilespmem:s7+$0x140E0] =	vst v9;
	v9 =	vadd.f32 v24, v16;
	v7 =	vmax.f32 v7, v15  }
0x22d: {  	v13 =	vld [tilespmem:s7+$0x14160];
	[tilespmem:s7+$0x140F0] =	vst v7;
	v7 =	vadd.f32 v25, v17;
	v8 =	vmax.f32 v8, v14  }
0x22e: {  	v18 =	vld [tilespmem:s7+$0x14170];
	v16 =	vmul.f32 $9.999999770e-03, v9;
	[tilespmem:s7+$0x14100] =	vst v8;
	v8 =	vadd.f32 v26, v10  }
0x22f: {  	v15 =	vld [tilespmem:s7+$0x14180];
	v14 =	vmul.f32 $9.999999770e-03, v7  }
0x230: {  	v19 =	vld [tilespmem:s7+$0x14190];
	v11 =	vadd.f32 v27, v11;
	v9 =	vmax.f32 v9, v16;
	v16 =	vmul.f32 $9.999999770e-03, v8  }
0x231: {  	v17 =	vadd.f32 v28, v12;
	v10 =	vld [tilespmem:s7+$0x141A0];
	[tilespmem:s7+$0x14110] =	vst v9;
	v7 =	vmax.f32 v7, v14  }
0x232: {  	v9 =	vld [tilespmem:s7+$0x141B0];
	v14 =	vadd.f32 v29, v13;
	[tilespmem:s7+$0x14120] =	vst v7;
	v7 =	vmul.f32 $9.999999770e-03, v11;
	v12 =	vmax.f32 v8, v16  }
0x233: {  	v13 =	vmul.f32 $9.999999770e-03, v17;
	v8 =	vld [tilespmem:s7+$0x141C0];
	[tilespmem:s7+$0x14130] =	vst v12;
	v12 =	vadd.f32 v30, v18  }
0x234: {  	v16 =	vmul.f32 $9.999999770e-03, v14;
	v18 =	vmax.f32 v11, v7;
	v7 =	vld [tilespmem:s7+$0x141D0];
	v11 =	vadd.f32 v31, v15  }
0x235: {  	s8 =	simm.s32 $0x800;
	v17 =	vmax.f32 v17, v13;
	v13 =	vadd.f32 v6, v19;
	v6 =	vld [tilespmem:s7+$0x141E0];
	[tilespmem:s7+$0x14140] =	vst v18;
	v15 =	vmul.f32 $9.999999770e-03, v12  }
.LBB2_9:
0x236: {  	s12 =	sshra.s32 s8, $0x2;
	p1 =	sne.s32 s8, $0x7800;
	[tilespmem:s7+$0x14150] =	vst v17;
	v14 =	vmax.f32 v14, v16;
	v16 =	vmul.f32 $9.999999770e-03, v11;
	v5 =	vadd.f32 v5, v10;
	v10 =	vld [tilespmem:s7+$0x141F0]  }
0x237: {  	v17 =	vld [tilespmem:s12+$0x16000];
	[tilespmem:s7+$0x14160] =	vst v14;
	v12 =	vmax.f32 v12, v15;
	v14 =	vmul.f32 $9.999999770e-03, v13;
	v4 =	vadd.f32 v4, v9  }
0x238: {  	v18 =	vld [tilespmem:s12+$0x16010];
	[tilespmem:s7+$0x14170] =	vst v12;
	v9 =	vmax.f32 v11, v16;
	v11 =	vmul.f32 $9.999999770e-03, v5;
	v3 =	vadd.f32 v3, v8  }
0x239: {  	v16 =	vld [tilespmem:s12+$0x16020];
	[tilespmem:s7+$0x14180] =	vst v9;
	v8 =	vmax.f32 v13, v14;
	v9 =	vmul.f32 $9.999999770e-03, v4;
	v2 =	vadd.f32 v2, v7  }
0x23a: {  	v19 =	vld [tilespmem:s12+$0x16030];
	[tilespmem:s7+$0x14190] =	vst v8;
	v5 =	vmax.f32 v5, v11;
	v7 =	vmul.f32 $9.999999770e-03, v3;
	v1 =	vadd.f32 v1, v6  }
0x23b: {  	v20 =	vld [tilespmem:s12+$0x16040];
	[tilespmem:s7+$0x141A0] =	vst v5;
	v4 =	vmax.f32 v4, v9;
	v5 =	vmul.f32 $9.999999770e-03, v2;
	v0 =	vadd.f32 v0, v10  }
0x23c: {  	v21 =	vld [tilespmem:s12+$0x16050];
	[tilespmem:s7+$0x141B0] =	vst v4;
	v3 =	vmax.f32 v3, v7;
	v4 =	vmul.f32 $9.999999770e-03, v1  }
0x23d: {  	v22 =	vld [tilespmem:s12+$0x16060];
	[tilespmem:s7+$0x141C0] =	vst v3;
	v2 =	vmax.f32 v2, v5;
	v3 =	vmul.f32 $9.999999770e-03, v0  }
0x23e: {  	v23 =	vld [tilespmem:s12+$0x16070];
	[tilespmem:s7+$0x141D0] =	vst v2;
	v1 =	vmax.f32 v1, v4  }
0x23f: {  	v24 =	vld [tilespmem:s12+$0x16080];
	[tilespmem:s7+$0x141E0] =	vst v1;
	v0 =	vmax.f32 v0, v3  }
0x240: {  	v25 =	vld [tilespmem:s12+$0x16090];
	[tilespmem:s7+$0x141F0] =	vst v0;
	s7 =	smov.u32 s12  }
0x241: {  	v26 =	vld [tilespmem:s7+$0x160A0]  }
0x242: {  	v27 =	vld [tilespmem:s7+$0x160B0]  }
0x243: {  	v28 =	vld [tilespmem:s7+$0x160C0]  }
0x244: {  	v29 =	vld [tilespmem:s7+$0x160D0]  }
0x245: {  	v30 =	vld [tilespmem:s7+$0x160E0]  }
0x246: {  	v31 =	vld [tilespmem:s7+$0x160F0]  }
0x247: {  	v15 =	vld [tilespmem:s7+$0x16100]  }
0x248: {  	v14 =	vld [tilespmem:s7+$0x16110]  }
0x249: {  	v13 =	vld [tilespmem:s7+$0x16120]  }
0x24a: {  	v12 =	vld [tilespmem:s7+$0x16130]  }
0x24b: {  	v11 =	vld [tilespmem:s7+$0x16140]  }
0x24c: {  	v10 =	vld [tilespmem:s7+$0x16150]  }
0x24d: {  	v9 =	vld [tilespmem:s7+$0x16160]  }
0x24e: {  	v8 =	vld [tilespmem:s7+$0x16170]  }
0x24f: {  	v7 =	vld [tilespmem:s7+$0x16180]  }
0x250: {  	v6 =	vld [tilespmem:s7+$0x16190]  }
0x251: {  	v5 =	vld [tilespmem:s7+$0x161A0]  }
0x252: {  	v4 =	vld [tilespmem:s7+$0x161B0]  }
0x253: {  	v3 =	vld [tilespmem:s7+$0x161C0]  }
0x254: {  	v2 =	vld [tilespmem:s7+$0x161D0]  }
0x255: {  	v1 =	vld [tilespmem:s7+$0x161E0]  }
0x256: {  	v0 =	vld [tilespmem:s7+$0x161F0]  }
0x257: {  	v32 =	vld [tilespmem:s7+$0x14000]  }
0x258: {  	v33 =	vld [tilespmem:s7+$0x14010]  }
0x259: {  	v34 =	vld [tilespmem:s7+$0x14020]  }
0x25a: {  	v35 =	vld [tilespmem:s7+$0x14030]  }
0x25b: {  	v36 =	vld [tilespmem:s7+$0x14040]  }
0x25c: {  	v17 =	vadd.f32 v17, v32;
	v32 =	vld [tilespmem:s7+$0x14050]  }
0x25d: {  	v18 =	vadd.f32 v18, v33;
	v33 =	vld [tilespmem:s7+$0x14060]  }
0x25e: {  	v37 =	vmul.f32 $9.999999770e-03, v17;
	v16 =	vadd.f32 v16, v34;
	v34 =	vld [tilespmem:s7+$0x14070]  }
0x25f: {  	v38 =	vmul.f32 $9.999999770e-03, v18;
	v19 =	vadd.f32 v19, v35;
	v35 =	vld [tilespmem:s7+$0x14080]  }
0x260: {  	v17 =	vmax.f32 v17, v37;
	v37 =	vmul.f32 $9.999999770e-03, v16;
	v20 =	vadd.f32 v20, v36;
	v36 =	vld [tilespmem:s7+$0x14090]  }
0x261: {  	[tilespmem:s7+$0x14000] =	vst v17;
	v17 =	vmax.f32 v18, v38;
	v18 =	vmul.f32 $9.999999770e-03, v19;
	v21 =	vadd.f32 v21, v32;
	v32 =	vld [tilespmem:s7+$0x140A0]  }
0x262: {  	[tilespmem:s7+$0x14010] =	vst v17;
	v16 =	vmax.f32 v16, v37;
	v17 =	vmul.f32 $9.999999770e-03, v20;
	v22 =	vadd.f32 v22, v33;
	v33 =	vld [tilespmem:s7+$0x140B0]  }
0x263: {  	[tilespmem:s7+$0x14020] =	vst v16;
	v16 =	vmax.f32 v19, v18;
	v18 =	vmul.f32 $9.999999770e-03, v21;
	v19 =	vadd.f32 v23, v34;
	v23 =	vld [tilespmem:s7+$0x140C0]  }
0x264: {  	[tilespmem:s7+$0x14030] =	vst v16;
	v16 =	vmax.f32 v20, v17;
	v17 =	vmul.f32 $9.999999770e-03, v22;
	v20 =	vadd.f32 v24, v35;
	v24 =	vld [tilespmem:s7+$0x140D0]  }
0x265: {  	[tilespmem:s7+$0x14040] =	vst v16;
	v16 =	vmax.f32 v21, v18;
	v18 =	vmul.f32 $9.999999770e-03, v19;
	v21 =	vadd.f32 v25, v36;
	v25 =	vld [tilespmem:s7+$0x140E0]  }
0x266: {  	[tilespmem:s7+$0x14050] =	vst v16;
	v16 =	vmax.f32 v22, v17;
	v17 =	vmul.f32 $9.999999770e-03, v20;
	v22 =	vadd.f32 v26, v32;
	v26 =	vld [tilespmem:s7+$0x140F0]  }
0x267: {  	[tilespmem:s7+$0x14060] =	vst v16;
	v16 =	vmax.f32 v19, v18;
	v18 =	vmul.f32 $9.999999770e-03, v21;
	v19 =	vadd.f32 v27, v33;
	v27 =	vld [tilespmem:s7+$0x14100]  }
0x268: {  	[tilespmem:s7+$0x14070] =	vst v16;
	v16 =	vmax.f32 v20, v17;
	v17 =	vmul.f32 $9.999999770e-03, v22;
	v20 =	vadd.f32 v28, v23;
	v23 =	vld [tilespmem:s7+$0x14110]  }
0x269: {  	[tilespmem:s7+$0x14080] =	vst v16;
	v16 =	vmax.f32 v21, v18;
	v18 =	vmul.f32 $9.999999770e-03, v19;
	v21 =	vadd.f32 v29, v24;
	v24 =	vld [tilespmem:s7+$0x14120]  }
0x26a: {  	[tilespmem:s7+$0x14090] =	vst v16;
	v16 =	vmax.f32 v22, v17;
	v17 =	vmul.f32 $9.999999770e-03, v20;
	v22 =	vadd.f32 v30, v25;
	v25 =	vld [tilespmem:s7+$0x14130]  }
0x26b: {  	[tilespmem:s7+$0x140A0] =	vst v16;
	v16 =	vmax.f32 v19, v18;
	v18 =	vmul.f32 $9.999999770e-03, v21;
	v19 =	vadd.f32 v31, v26;
	v26 =	vld [tilespmem:s7+$0x14140]  }
0x26c: {  	[tilespmem:s7+$0x140B0] =	vst v16;
	v16 =	vmax.f32 v20, v17;
	v17 =	vmul.f32 $9.999999770e-03, v22;
	v15 =	vadd.f32 v15, v27;
	v20 =	vld [tilespmem:s7+$0x14150]  }
0x26d: {  	[tilespmem:s7+$0x140C0] =	vst v16;
	v16 =	vmax.f32 v21, v18;
	v18 =	vmul.f32 $9.999999770e-03, v19;
	v14 =	vadd.f32 v14, v23;
	v21 =	vld [tilespmem:s7+$0x14160]  }
0x26e: {  	[tilespmem:s7+$0x140D0] =	vst v16;
	v16 =	vmax.f32 v22, v17;
	v17 =	vmul.f32 $9.999999770e-03, v15;
	v13 =	vadd.f32 v13, v24;
	v22 =	vld [tilespmem:s7+$0x14170]  }
0x26f: {  	[tilespmem:s7+$0x140E0] =	vst v16;
	v16 =	vmax.f32 v19, v18;
	v18 =	vmul.f32 $9.999999770e-03, v14;
	v12 =	vadd.f32 v12, v25;
	v19 =	vld [tilespmem:s7+$0x14180]  }
0x270: {  	[tilespmem:s7+$0x140F0] =	vst v16;
	v15 =	vmax.f32 v15, v17;
	v16 =	vmul.f32 $9.999999770e-03, v13;
	v11 =	vadd.f32 v11, v26;
	v23 =	vld [tilespmem:s7+$0x14190]  }
.Ltmp5:
0x271: {  	[tilespmem:s7+$0x14100] =	vst v15;
	v14 =	vmax.f32 v14, v18;
	v15 =	vmul.f32 $9.999999770e-03, v12;
	v17 =	vadd.f32 v10, v20;
	v10 =	vld [tilespmem:s7+$0x141A0];
	(pc) =	sbr.rel @p1 .LBB2_9-.Ltmp5, $4  }
0x272: {  	[tilespmem:s7+$0x14110] =	vst v14;
	v13 =	vmax.f32 v13, v16;
	v16 =	vmul.f32 $9.999999770e-03, v11;
	v14 =	vadd.f32 v9, v21;
	v9 =	vld [tilespmem:s7+$0x141B0]  }
0x273: {  	[tilespmem:s7+$0x14120] =	vst v13;
	v13 =	vmax.f32 v12, v15;
	v15 =	vmul.f32 $9.999999770e-03, v17;
	v12 =	vadd.f32 v8, v22;
	v8 =	vld [tilespmem:s7+$0x141C0]  }
0x274: {  	[tilespmem:s7+$0x14130] =	vst v13;
	v13 =	vmax.f32 v11, v16;
	v16 =	vmul.f32 $9.999999770e-03, v14;
	v11 =	vadd.f32 v7, v19;
	v7 =	vld [tilespmem:s7+$0x141D0]  }
0x275: {  	s8 =	sadd.s32 $0x800, s8;
	[tilespmem:s7+$0x14140] =	vst v13;
	v17 =	vmax.f32 v17, v15;
	v15 =	vmul.f32 $9.999999770e-03, v12;
	v13 =	vadd.f32 v6, v23;
	v6 =	vld [tilespmem:s7+$0x141E0]  }
0x276: {  	[tilespmem:s7+$0x14150] =	vst v17;
	v14 =	vmax.f32 v14, v16;
	v53 =	vmul.f32 $9.999999770e-03, v11;
	v5 =	vadd.f32 v5, v10;
	v54 =	vld [tilespmem:s7+$0x141F0]  }
0x277: {  	[tilespmem:s7+$0x14160] =	vst v14;
	v12 =	vmax.f32 v12, v15;
	v55 =	vmul.f32 $9.999999770e-03, v13;
	v4 =	vadd.f32 v4, v9  }
0x278: {  	[tilespmem:s7+$0x14170] =	vst v12;
	v56 =	vmax.f32 v11, v53;
	v57 =	vmul.f32 $9.999999770e-03, v5;
	v3 =	vadd.f32 v3, v8  }
0x279: {  	[tilespmem:s7+$0x14180] =	vst v56;
	v58 =	vmax.f32 v13, v55;
	v59 =	vmul.f32 $9.999999770e-03, v4;
	v2 =	vadd.f32 v2, v7  }
0x27a: {  	[tilespmem:s7+$0x14190] =	vst v58;
	v5 =	vmax.f32 v5, v57;
	v60 =	vmul.f32 $9.999999770e-03, v3;
	v1 =	vadd.f32 v1, v6  }
0x27b: {  	[tilespmem:s7+$0x141A0] =	vst v5;
	v4 =	vmax.f32 v4, v59;
	v61 =	vmul.f32 $9.999999770e-03, v2;
	v0 =	vadd.f32 v0, v54  }
0x27c: {  	[tilespmem:s7+$0x141B0] =	vst v4;
	v3 =	vmax.f32 v3, v60;
	v62 =	vmul.f32 $9.999999770e-03, v1  }
0x27d: {  	[tilespmem:s7+$0x141C0] =	vst v3;
	v2 =	vmax.f32 v2, v61;
	v63 =	vmul.f32 $9.999999770e-03, v0  }
0x27e: {  	[tilespmem:s7+$0x141D0] =	vst v2;
	v1 =	vmax.f32 v1, v62  }
0x27f: {  	[tilespmem:s7+$0x141E0] =	vst v1;
	v0 =	vmax.f32 v0, v63  }
.Ltmp6:
0x280: {  	s31 =	sadd.s32 s14, s11;
	[tilespmem:s7+$0x141F0] =	vst v0;
	(pc) =	sbr.rel @p0 .LBB2_12-.Ltmp6, $4  }
0x281: {  	[hbm4b:s31+s3] =	stream.linear.scatter [tilespmem:s24], [sflag:$0x8], $0x2000, $0x38;
	[tilespmem:$0x18000] =	vst v63  }
0x282: {  	_ =	swait.ge [sflag:s30], $0x2000  }
0x283: {  	[sflag:s30] =	ssyncset.done $0x0  }
0x284: {  	[sflag:s30] =	ssyncadd.s32 $0xFFFFE000  }
0x285: {  	s17 =	sadd.s32 $0x1, s17  }
.Ltmp7:
0x286: {  	s7 =	sshll.u32 s17, $0x8;
	s8 =	sshll.u32 s17, $0x7;
	(pc) =	sbr.rel .LBB2_2-.Ltmp7, $4  }
0x287: {  	s7 =	sand.u32 $0x7800, s7;
	s8 =	sand.u32 $0x380, s8  }
0x288: {  	s7 =	sor.u32 s7, s8  }
0x289: {  	s8 =	sor.u32 $0x40, s7;
	s7 =	sadd.s32 $0x4040, s7  }
0x28a: {  	[tilespmem:s18], [sflag:$0x2] =	stream.indirect.gather [hbm4b:s5+s15], $0x80, s8, s15, $0xb8;
	[tilespmem:$0x18000] =	vst v63  }
.LBB2_13:
0x28b: {  	_ =	sfence.sel $0x180000  }
0x28c: {  	[bflag:$0x0] =	sbarrier.arrive $0xFFFF  }
0x28d: {  	_ =	strace $0x90000047  }
0x28e: {  	s0 =	stileid.u32;
	[bflag:$0x2] =	sbarrier.arrive $0xFFFF  }
0x28f: {  	p0 =	sne.s32 s0, $0x0;
	s0 =	rddreg [dreg:$0x2]  }
0x290: {  	s0 =	sadd.s32 @!p0 $0x100000, s0  }
0x291: {  	[sflag:s0] =	ssyncadd.tile.s32 @!p0 $0x1;
	_ =	shalt  }
.Lfunc_end2:
_tile_overlayer_lowered:
.L_overlay_start_2:
0x292: {  	(tag) =	ssettag $0x2  }
0x293: {  	s0 =	rddreg [dreg:$0x0];
	s2 =	stileid.u32  }
0x294: {  	s1 =	rddreg [dreg:$0x1];
	p0 =	sne.s32 s2, $0x0  }
0x295: {  	s3 =	rddreg [dreg:$0x2];
	[bflag:$0x3] =	sbarrier.arrive $0xFFFF;
	s2 =	simm.s32 @!p0 $0x1C09  }
0x296: {  	[timem:s3], [sflag:s2] =	dma.local @!p0 [hbm:s0], s1  }
0x297: {  	s0 =	simm.s32 @!p0 $0x9  }
0x298: {  	_ =	swait.ge @!p0 [sflag:s0], s1  }
0x299: {  	s1 =	ssub.s32 @!p0 $0x0, s1;
	[sflag:s0] =	ssyncset.done @!p0 $0x0  }
0x29a: {  	[sflag:s0] =	ssyncadd.s32 @!p0 s1  }
0x29b: {  	[bflag:$0x3] =	sbarrier.arrive $0xFFFF  }
0x29c: {  	_ =	shalt  }

</sc_bundles>
